<compile_context>
chip_gen: v7x
topology: tpu7x:2x2x1
jax: 0.10.2.dev20260603
libtpu: 0.0.44.dev20260713+nightly
codegen_flags: <defaults>
</compile_context>

<pallas_src>
import functools

import jax
import jax.numpy as jnp
from jax import lax
from jax.experimental import pallas as pl
from jax.experimental.pallas import tpu as pltpu
from jax.experimental.pallas import tpu_sc as plsc

B = 4096
N_DENSE = 13
N_SPARSE = 26
VOCAB = 100000
D = 16

NUM_CORES = 2
NUM_SUBCORES = 16
NUM_WORKERS = NUM_CORES * NUM_SUBCORES
N_HALF = 2
F_PER_W = N_SPARSE // N_HALF

SPLIT = 49920
TPAD = 1024
TAILN = 256
TAIL0 = VOCAB - TAILN
H2LEN = VOCAB - SPLIT
TAILDST = TAIL0 - SPLIT
H1LEN = TAILDST + TPAD


def _sc_gather(vt_flat, table_t, table_tail):
    mesh = plsc.VectorSubcoreMesh(core_axis_name="c", subcore_axis_name="s")

    @functools.partial(
        pl.kernel,
        mesh=mesh,
        out_type=jax.ShapeDtypeStruct((2 * D * N_HALF * B,), jnp.float32),
        compiler_params=pltpu.CompilerParams(needs_layout_passes=False),
        scratch_types=[
            pltpu.VMEM((SPLIT,), jnp.float32),
            pltpu.VMEM((H1LEN,), jnp.float32),
            pltpu.VMEM((B,), jnp.int32),
            pltpu.VMEM((B,), jnp.int32),
            pltpu.VMEM((B,), jnp.float32),
            pltpu.VMEM((B,), jnp.float32),
            pltpu.SemaphoreType.DMA,
            pltpu.SemaphoreType.DMA,
            pltpu.SemaphoreType.DMA,
            pltpu.SemaphoreType.DMA,
        ],
    )
    def body(vt_hbm, table_hbm, tail_hbm, p_hbm,
             h0_v, h1_v, idx0_v, idx1_v, s_v, q_v,
             sema, semb, semt, semi):
        cid = lax.axis_index("c")
        sid = lax.axis_index("s")
        wid = sid * NUM_CORES + cid
        d = wid // N_HALF
        half = wid % N_HALF

        def row_of(k):
            return (half * F_PER_W + k) * D + d

        def cp_a(k):
            return pltpu.make_async_copy(
                table_hbm.at[row_of(k)].at[pl.ds(0, SPLIT)], h0_v, sema)

        def cp_b(k):
            return pltpu.make_async_copy(
                table_hbm.at[row_of(k)].at[pl.ds(SPLIT, SPLIT)],
                h1_v.at[pl.ds(0, SPLIT)], semb)

        def cp_t(k):
            return pltpu.make_async_copy(
                tail_hbm.at[pl.ds(row_of(k) * TPAD, TPAD)],
                h1_v.at[pl.ds(TAILDST, TPAD)], semt)

        def cp_i(k, ib):
            f = half * F_PER_W + k
            return pltpu.make_async_copy(vt_hbm.at[pl.ds(f * B, B)], ib, semi)

        def masked_pass(buf, ib, base, length, first):
            def step(i, carry):
                sl = pl.ds(i * 16, 16)
                idx = ib[sl]
                local = idx - base
                valid = (local >= 0) & (local < length)
                safe = jnp.where(valid, local, 0)
                v = plsc.load_gather(buf, [safe])
                vm = jnp.where(valid, v, jnp.zeros((16,), jnp.float32))
                if first:
                    s_v[sl] = vm
                    q_v[sl] = vm * vm
                else:
                    s_v[sl] = s_v[sl] + vm
                    q_v[sl] = q_v[sl] + vm * vm
                return carry
            lax.fori_loop(0, B // 16, step, 0)

        ibufs = (idx0_v, idx1_v)
        cp_a(0).start()
        cp_i(0, ibufs[0]).start()
        for k in range(F_PER_W):
            ib = ibufs[k % 2]
            cp_i(k, ib).wait()
            cp_a(k).wait()
            cp_b(k).start()
            cp_t(k).start()
            masked_pass(h0_v, ib, 0, SPLIT, first=(k == 0))
            cp_b(k).wait()
            cp_t(k).wait()
            if k + 1 < F_PER_W:
                cp_a(k + 1).start()
                cp_i(k + 1, ibufs[(k + 1) % 2]).start()
            masked_pass(h1_v, ib, SPLIT, H2LEN, first=False)

        off = (d * N_HALF + half) * B
        pltpu.sync_copy(s_v, p_hbm.at[pl.ds(off, B)])
        pltpu.sync_copy(q_v, p_hbm.at[pl.ds(D * N_HALF * B + off, B)])

    return body(vt_flat, table_t, table_tail)


def _tc_head(p, wo_col, bo):
    def body(p_ref, wo_ref, bo_ref, out_ref):
        pb = p_ref[...]
        s = pb[0, :, 0, :] + pb[0, :, 1, :]
        q = pb[1, :, 0, :] + pb[1, :, 1, :]
        att = 0.5 * (s * s - q)
        logit = jnp.sum(att * wo_ref[...], axis=0, keepdims=True)
        out_ref[...] = jax.nn.sigmoid(logit + bo_ref[...])

    return pl.pallas_call(
        body,
        out_shape=jax.ShapeDtypeStruct((1, B), jnp.float32),
    )(p, wo_col, bo)


def kernel(inputs, emb_tables, W1, b1, W2, b2, Wo, bo):
    del W1, b1, W2, b2
    vt_flat = inputs[:, N_DENSE:].T.reshape(-1)
    table_t = jnp.transpose(emb_tables, (0, 2, 1)).reshape(N_SPARSE * D, VOCAB)
    table_tail = jnp.pad(table_t[:, TAIL0:],
                         ((0, 0), (0, TPAD - TAILN))).reshape(-1)
    p = _sc_gather(vt_flat, table_t, table_tail).reshape(2, D, N_HALF, B)
    out = _tc_head(p, Wo.reshape(D, 1), bo.reshape(1, 1))
    return out.reshape(B, 1)

# --- scband reference (transcript-rebuilt; emitter-appended) ---
"""Pipeline reference for scband-afmlayer-68186900791340 (READ-ONLY COPY).

The authoritative reference and input builder live on the scoring server;
editing this copy changes nothing except your own understanding.
"""

import jax, jax.numpy as jnp
import numpy as np

B = 4096
N_DENSE = 13
N_SPARSE = 26
VOCAB = 100000
D = 16
N_PAIRS = N_SPARSE * (N_SPARSE - 1) // 2  # 325


def setup_inputs(seed: int = 0) -> dict:
    key = jax.random.key(seed)
    ks = jax.random.split(key, 8)
    inputs = jax.random.randint(ks[0], (B, N_DENSE + N_SPARSE), 0, VOCAB, dtype=jnp.int32)
    emb_tables = jax.random.normal(ks[1], (N_SPARSE, VOCAB, D), dtype=jnp.float32) * 0.05
    W1 = jax.random.normal(ks[2], (D, N_PAIRS), dtype=jnp.float32) * (1.0 / np.sqrt(D))
    b1 = jnp.zeros((N_PAIRS,), dtype=jnp.float32)
    W2 = jax.random.normal(ks[3], (N_PAIRS, 1), dtype=jnp.float32) * (1.0 / np.sqrt(N_PAIRS))
    b2 = jnp.zeros((1,), dtype=jnp.float32)
    Wo = jax.random.normal(ks[4], (D, 1), dtype=jnp.float32) * (1.0 / np.sqrt(D))
    bo = jnp.zeros((1,), dtype=jnp.float32)
    return {"inputs": inputs, "emb_tables": emb_tables, "W1": W1, "b1": b1,
            "W2": W2, "b2": b2, "Wo": Wo, "bo": bo}


def reference(inputs, emb_tables, W1, b1, W2, b2, Wo, bo):
    # dense_inputs = inputs[:, :13] is sliced in the original but never used
    sparse_inputs = inputs[:, N_DENSE:]
    # per-field embedding lookup (gather), stacked to [B, n_sparse, D]
    embed = jnp.stack([jnp.take(emb_tables[i], sparse_inputs[:, i], axis=0)
                       for i in range(N_SPARSE)], axis=1)
    # InteractionLayer: all pairwise element-wise products -> [B, 325, D]
    ii, jj = np.triu_indices(N_SPARSE, 1)
    element_wise_product = embed[:, ii, :] * embed[:, jj, :]
    # AttentionLayer
    h = jax.nn.relu(jnp.matmul(element_wise_product, W1) + b1)  # [B, 325, 325]
    s = jnp.matmul(h, W2) + b2                                   # [B, 325, 1]
    a_score = jax.nn.softmax(s, axis=-1)  # tf.nn.softmax default axis=-1 (faithful)
    a_score = jnp.transpose(a_score, (0, 2, 1))                  # [B, 1, 325]
    att_out = jnp.matmul(a_score, element_wise_product).reshape(-1, D)  # [B, D]
    logits = jnp.matmul(att_out, Wo) + bo
    return jax.nn.sigmoid(logits)

if __name__ == "__main__":
    import jax
    _d = setup_inputs()
    print(jax.jit(kernel)(*tuple(_d.values())))

</pallas_src>

<mosaic_0001>
#map = affine_map<(d0, d1) -> (0)>
#map1 = affine_map<(d0, d1) -> (0, 0)>
module attributes {stable_mosaic.version = 14 : i64} {
  func.func @body(%arg0: i32, %arg1: i32, %arg2: memref<106496xi32, #tpu.memory_space<hbm>>, %arg3: memref<416x100000xf32, #tpu.memory_space<hbm>>, %arg4: memref<425984xf32, #tpu.memory_space<hbm>>, %arg5: memref<262144xf32, #tpu.memory_space<hbm>>, %arg6: memref<49920xf32, #tpu.memory_space<vmem>>, %arg7: memref<50848xf32, #tpu.memory_space<vmem>>, %arg8: memref<4096xi32, #tpu.memory_space<vmem>>, %arg9: memref<4096xi32, #tpu.memory_space<vmem>>, %arg10: memref<4096xf32, #tpu.memory_space<vmem>>, %arg11: memref<4096xf32, #tpu.memory_space<vmem>>, %arg12: memref<!tpu.dma_semaphore, #tpu.memory_space<semaphore_mem>>, %arg13: memref<!tpu.dma_semaphore, #tpu.memory_space<semaphore_mem>>, %arg14: memref<!tpu.dma_semaphore, #tpu.memory_space<semaphore_mem>>, %arg15: memref<!tpu.dma_semaphore, #tpu.memory_space<semaphore_mem>>) attributes {dimension_semantics = [#tpu.dimension_semantics<core_parallel>, #tpu.dimension_semantics<subcore_parallel>], iteration_bounds = array<i64: 2, 16>, scalar_prefetch = 0 : i64, scratch_operands = 10 : i64, tpu.core_type = #tpu.core_type<sc_vector_subcore>, window_params = [{transform_indices = #map}, {transform_indices = #map1}, {transform_indices = #map}, {transform_indices = #map}]} {
    %mul3A = arith.constant 2 : i32
    %mul3A_0 = arith.muli %arg1, %mul3A : i32
    %add3A = arith.addi %mul3A_0, %arg0 : i32
    %jit3A = arith.constant 2 : i32
    %div3A = arith.divsi %add3A, %jit3A : i32
    %sign3A = arith.constant 0 : i32
    %sign3A_1 = arith.cmpi sgt, %add3A, %sign3A : i32
    %sign3A_2 = arith.extui %sign3A_1 : i1 to i32
    %sign3A_3 = arith.constant 0 : i32
    %sign3A_4 = arith.cmpi slt, %add3A, %sign3A_3 : i32
    %sign3A_5 = arith.extui %sign3A_4 : i1 to i32
    %sign3A_6 = arith.subi %sign3A_2, %sign3A_5 : i32
    %sign3A_7 = arith.constant 0 : i32
    %sign3A_8 = arith.cmpi sgt, %jit3A, %sign3A_7 : i32
    %sign3A_9 = arith.extui %sign3A_8 : i1 to i32
    %sign3A_10 = arith.constant 0 : i32
    %sign3A_11 = arith.cmpi slt, %jit3A, %sign3A_10 : i32
    %sign3A_12 = arith.extui %sign3A_11 : i1 to i32
    %sign3A_13 = arith.subi %sign3A_9, %sign3A_12 : i32
    %ne3A = arith.cmpi ne, %sign3A_6, %sign3A_13 : i32
    %rem3A = arith.remsi %add3A, %jit3A : i32
    %ne3A_14 = arith.constant 0 : i32
    %ne3A_15 = arith.cmpi ne, %rem3A, %ne3A_14 : i32
    %and3A = arith.andi %ne3A, %ne3A_15 : i1
    %sub3A = arith.constant 1 : i32
    %sub3A_16 = arith.subi %div3A, %sub3A : i32
    %select_n3A = arith.select %and3A, %sub3A_16, %div3A : i32
    %jit3A_17 = arith.constant 2 : i32
    %eq3A = arith.constant 0 : i32
    %eq3A_18 = arith.cmpi eq, %jit3A_17, %eq3A : i32
    %jit3A_19 = arith.constant 1 : i32
    %select_n3A_20 = arith.select %eq3A_18, %jit3A_19, %jit3A_17 : i32
    %rem3A_21 = arith.remsi %add3A, %select_n3A_20 : i32
    %ne3A_22 = arith.constant 0 : i32
    %ne3A_23 = arith.cmpi ne, %rem3A_21, %ne3A_22 : i32
    %lt3A = arith.constant 0 : i32
    %lt3A_24 = arith.cmpi slt, %rem3A_21, %lt3A : i32
    %lt3A_25 = arith.constant 0 : i32
    %lt3A_26 = arith.cmpi slt, %select_n3A_20, %lt3A_25 : i32
    %ne3A_27 = arith.xori %lt3A_24, %lt3A_26 : i1
    %and3A_28 = arith.andi %ne3A_27, %ne3A_23 : i1
    %add3A_29 = arith.addi %rem3A_21, %select_n3A_20 : i32
    %select_n3A_30 = arith.select %and3A_28, %add3A_29, %rem3A_21 : i32
    %mul3A_31 = arith.constant 13 : i32
    %mul3A_32 = arith.muli %select_n3A_30, %mul3A_31 : i32
    %add3A_33 = arith.constant 0 : i32
    %add3A_34 = arith.addi %mul3A_32, %add3A_33 : i32
    %mul3A_35 = arith.constant 16 : i32
    %mul3A_36 = arith.muli %add3A_34, %mul3A_35 : i32
    %add3A_37 = arith.addi %mul3A_36, %select_n3A : i32
    %dma_start3A = arith.constant 0 : i32
    %dma_start3A_38 = tpu.memref_slice %arg3[%add3A_37, %dma_start3A] : memref<416x100000xf32, #tpu.memory_space<hbm>> -> memref<1x100000xf32, #tpu.memory_space<hbm>>
    %dma_start3A_39 = tpu.memref_squeeze %dma_start3A_38 : memref<1x100000xf32, #tpu.memory_space<hbm>> -> memref<100000xf32, #tpu.memory_space<hbm>>
    %dma_start3A_40 = arith.constant 0 : i32
    %dma_start3A_41 = tpu.memref_slice %dma_start3A_39[%dma_start3A_40] : memref<100000xf32, #tpu.memory_space<hbm>> -> memref<49920xf32, #tpu.memory_space<hbm>>
    %dma_start3A_42 = arith.constant 0 : i32
    %dma_start3A_43 = tpu.memref_slice %arg3[%add3A_37, %dma_start3A_42] : memref<416x100000xf32, #tpu.memory_space<hbm>> -> memref<1x100000xf32, #tpu.memory_space<hbm>>
    %dma_start3A_44 = tpu.memref_squeeze %dma_start3A_43 : memref<1x100000xf32, #tpu.memory_space<hbm>> -> memref<100000xf32, #tpu.memory_space<hbm>>
    %dma_start3A_45 = arith.constant 0 : i32
    %dma_start3A_46 = tpu.memref_slice %dma_start3A_44[%dma_start3A_45] : memref<100000xf32, #tpu.memory_space<hbm>> -> memref<49920xf32, #tpu.memory_space<hbm>>
    tpu.enqueue_dma source(%dma_start3A_46 : memref<49920xf32, #tpu.memory_space<hbm>>) target(%arg6 : memref<49920xf32, #tpu.memory_space<vmem>>) target_semaphore(%arg12 : memref<!tpu.dma_semaphore, #tpu.memory_space<semaphore_mem>>)
    %mul3A_47 = arith.constant 13 : i32
    %mul3A_48 = arith.muli %select_n3A_30, %mul3A_47 : i32
    %add3A_49 = arith.constant 0 : i32
    %add3A_50 = arith.addi %mul3A_48, %add3A_49 : i32
    %mul3A_51 = arith.constant 4096 : i32
    %mul3A_52 = arith.muli %add3A_50, %mul3A_51 : i32
    %dma_start3A_53 = tpu.memref_slice %arg2[%mul3A_52] : memref<106496xi32, #tpu.memory_space<hbm>> -> memref<4096xi32, #tpu.memory_space<hbm>>
    %dma_start3A_54 = tpu.memref_slice %arg2[%mul3A_52] : memref<106496xi32, #tpu.memory_space<hbm>> -> memref<4096xi32, #tpu.memory_space<hbm>>
    tpu.enqueue_dma source(%dma_start3A_54 : memref<4096xi32, #tpu.memory_space<hbm>>) target(%arg8 : memref<4096xi32, #tpu.memory_space<vmem>>) target_semaphore(%arg15 : memref<!tpu.dma_semaphore, #tpu.memory_space<semaphore_mem>>)
    %mul3A_55 = arith.constant 13 : i32
    %mul3A_56 = arith.muli %select_n3A_30, %mul3A_55 : i32
    %add3A_57 = arith.constant 0 : i32
    %add3A_58 = arith.addi %mul3A_56, %add3A_57 : i32
    %mul3A_59 = arith.constant 4096 : i32
    %mul3A_60 = arith.muli %add3A_58, %mul3A_59 : i32
    %dma_wait3A = tpu.memref_slice %arg2[%mul3A_60] : memref<106496xi32, #tpu.memory_space<hbm>> -> memref<4096xi32, #tpu.memory_space<hbm>>
    %dma_wait3A_61 = tpu.memref_slice %arg2[%mul3A_60] : memref<106496xi32, #tpu.memory_space<hbm>> -> memref<4096xi32, #tpu.memory_space<hbm>>
    tpu.wait_dma2 semaphore(%arg15 : memref<!tpu.dma_semaphore, #tpu.memory_space<semaphore_mem>>) src(%dma_wait3A_61 : memref<4096xi32, #tpu.memory_space<hbm>>) dst(%arg8 : memref<4096xi32, #tpu.memory_space<vmem>>)
    %mul3A_62 = arith.constant 13 : i32
    %mul3A_63 = arith.muli %select_n3A_30, %mul3A_62 : i32
    %add3A_64 = arith.constant 0 : i32
    %add3A_65 = arith.addi %mul3A_63, %add3A_64 : i32
    %mul3A_66 = arith.constant 16 : i32
    %mul3A_67 = arith.muli %add3A_65, %mul3A_66 : i32
    %add3A_68 = arith.addi %mul3A_67, %select_n3A : i32
    %dma_wait3A_69 = arith.constant 0 : i32
    %dma_wait3A_70 = tpu.memref_slice %arg3[%add3A_68, %dma_wait3A_69] : memref<416x100000xf32, #tpu.memory_space<hbm>> -> memref<1x100000xf32, #tpu.memory_space<hbm>>
    %dma_wait3A_71 = tpu.memref_squeeze %dma_wait3A_70 : memref<1x100000xf32, #tpu.memory_space<hbm>> -> memref<100000xf32, #tpu.memory_space<hbm>>
    %dma_wait3A_72 = arith.constant 0 : i32
    %dma_wait3A_73 = tpu.memref_slice %dma_wait3A_71[%dma_wait3A_72] : memref<100000xf32, #tpu.memory_space<hbm>> -> memref<49920xf32, #tpu.memory_space<hbm>>
    %dma_wait3A_74 = arith.constant 0 : i32
    %dma_wait3A_75 = tpu.memref_slice %arg3[%add3A_68, %dma_wait3A_74] : memref<416x100000xf32, #tpu.memory_space<hbm>> -> memref<1x100000xf32, #tpu.memory_space<hbm>>
    %dma_wait3A_76 = tpu.memref_squeeze %dma_wait3A_75 : memref<1x100000xf32, #tpu.memory_space<hbm>> -> memref<100000xf32, #tpu.memory_space<hbm>>
    %dma_wait3A_77 = arith.constant 0 : i32
    %dma_wait3A_78 = tpu.memref_slice %dma_wait3A_76[%dma_wait3A_77] : memref<100000xf32, #tpu.memory_space<hbm>> -> memref<49920xf32, #tpu.memory_space<hbm>>
    tpu.wait_dma2 semaphore(%arg12 : memref<!tpu.dma_semaphore, #tpu.memory_space<semaphore_mem>>) src(%dma_wait3A_78 : memref<49920xf32, #tpu.memory_space<hbm>>) dst(%arg6 : memref<49920xf32, #tpu.memory_space<vmem>>)
    %mul3A_79 = arith.constant 13 : i32
    %mul3A_80 = arith.muli %select_n3A_30, %mul3A_79 : i32
    %add3A_81 = arith.constant 0 : i32
    %add3A_82 = arith.addi %mul3A_80, %add3A_81 : i32
    %mul3A_83 = arith.constant 16 : i32
    %mul3A_84 = arith.muli %add3A_82, %mul3A_83 : i32
    %add3A_85 = arith.addi %mul3A_84, %select_n3A : i32
    %dma_start3A_86 = arith.constant 0 : i32
    %dma_start3A_87 = tpu.memref_slice %arg7[%dma_start3A_86] : memref<50848xf32, #tpu.memory_space<vmem>> -> memref<49920xf32, #tpu.memory_space<vmem>>
    %dma_start3A_88 = arith.constant 0 : i32
    %dma_start3A_89 = tpu.memref_slice %arg3[%add3A_85, %dma_start3A_88] : memref<416x100000xf32, #tpu.memory_space<hbm>> -> memref<1x100000xf32, #tpu.memory_space<hbm>>
    %dma_start3A_90 = tpu.memref_squeeze %dma_start3A_89 : memref<1x100000xf32, #tpu.memory_space<hbm>> -> memref<100000xf32, #tpu.memory_space<hbm>>
    %dma_start3A_91 = arith.constant 49920 : i32
    %dma_start3A_92 = tpu.memref_slice %dma_start3A_90[%dma_start3A_91] : memref<100000xf32, #tpu.memory_space<hbm>> -> memref<49920xf32, #tpu.memory_space<hbm>>
    %dma_start3A_93 = arith.constant 0 : i32
    %dma_start3A_94 = tpu.memref_slice %arg7[%dma_start3A_93] : memref<50848xf32, #tpu.memory_space<vmem>> -> memref<49920xf32, #tpu.memory_space<vmem>>
    %dma_start3A_95 = arith.constant 0 : i32
    %dma_start3A_96 = tpu.memref_slice %arg3[%add3A_85, %dma_start3A_95] : memref<416x100000xf32, #tpu.memory_space<hbm>> -> memref<1x100000xf32, #tpu.memory_space<hbm>>
    %dma_start3A_97 = tpu.memref_squeeze %dma_start3A_96 : memref<1x100000xf32, #tpu.memory_space<hbm>> -> memref<100000xf32, #tpu.memory_space<hbm>>
    %dma_start3A_98 = arith.constant 49920 : i32
    %dma_start3A_99 = tpu.memref_slice %dma_start3A_97[%dma_start3A_98] : memref<100000xf32, #tpu.memory_space<hbm>> -> memref<49920xf32, #tpu.memory_space<hbm>>
    tpu.enqueue_dma source(%dma_start3A_99 : memref<49920xf32, #tpu.memory_space<hbm>>) target(%dma_start3A_94 : memref<49920xf32, #tpu.memory_space<vmem>>) target_semaphore(%arg13 : memref<!tpu.dma_semaphore, #tpu.memory_space<semaphore_mem>>)
    %mul3A_100 = arith.constant 13 : i32
    %mul3A_101 = arith.muli %select_n3A_30, %mul3A_100 : i32
    %add3A_102 = arith.constant 0 : i32
    %add3A_103 = arith.addi %mul3A_101, %add3A_102 : i32
    %mul3A_104 = arith.constant 16 : i32
    %mul3A_105 = arith.muli %add3A_103, %mul3A_104 : i32
    %add3A_106 = arith.addi %mul3A_105, %select_n3A : i32
    %mul3A_107 = arith.constant 1024 : i32
    %mul3A_108 = arith.muli %add3A_106, %mul3A_107 : i32
    %dma_start3A_109 = arith.constant 49824 : i32
    %dma_start3A_110 = tpu.memref_slice %arg7[%dma_start3A_109] : memref<50848xf32, #tpu.memory_space<vmem>> -> memref<1024xf32, #tpu.memory_space<vmem>>
    %dma_start3A_111 = tpu.memref_slice %arg4[%mul3A_108] : memref<425984xf32, #tpu.memory_space<hbm>> -> memref<1024xf32, #tpu.memory_space<hbm>>
    %dma_start3A_112 = arith.constant 49824 : i32
    %dma_start3A_113 = tpu.memref_slice %arg7[%dma_start3A_112] : memref<50848xf32, #tpu.memory_space<vmem>> -> memref<1024xf32, #tpu.memory_space<vmem>>
    %dma_start3A_114 = tpu.memref_slice %arg4[%mul3A_108] : memref<425984xf32, #tpu.memory_space<hbm>> -> memref<1024xf32, #tpu.memory_space<hbm>>
    tpu.enqueue_dma source(%dma_start3A_114 : memref<1024xf32, #tpu.memory_space<hbm>>) target(%dma_start3A_113 : memref<1024xf32, #tpu.memory_space<vmem>>) target_semaphore(%arg14 : memref<!tpu.dma_semaphore, #tpu.memory_space<semaphore_mem>>)
    %scan3A = arith.constant 0 : i32
    %scan3A_115 = arith.constant 0 : i32
    %scan3A_116 = arith.constant 256 : i32
    %scan3A_117 = arith.addi %scan3A_115, %scan3A_116 : i32
    %scan3A_118 = arith.constant 1 : i32
    scf.for %scan3A_1777 = %scan3A_115 to %scan3A_117 step %scan3A_118  : i32 {
      %mul3A_1778 = arith.constant 16 : i32
      %mul3A_1779 = arith.muli %scan3A_1777, %mul3A_1778 : i32
      %get3A = arith.index_cast %mul3A_1779 : i32 to index
      %get3A_1780 = tpu.vector_load %arg8[%get3A] {strides = array<i32>} : memref<4096xi32, #tpu.memory_space<vmem>>, vector<16xi32>,
      %sub3A_1781 = arith.constant 0 : i32
      %sub3A_1782 = vector.broadcast %sub3A_1781 : i32 to vector<16xi32>
      %sub3A_1783 = arith.subi %get3A_1780, %sub3A_1782 : vector<16xi32>
      %ge3A = arith.constant 0 : i32
      %ge3A_1784 = vector.broadcast %ge3A : i32 to vector<16xi32>
      %ge3A_1785 = arith.cmpi sge, %sub3A_1783, %ge3A_1784 : vector<16xi32>
      %lt3A_1786 = arith.constant 49920 : i32
      %lt3A_1787 = vector.broadcast %lt3A_1786 : i32 to vector<16xi32>
      %lt3A_1788 = arith.cmpi slt, %sub3A_1783, %lt3A_1787 : vector<16xi32>
      %and3A_1789 = arith.andi %ge3A_1785, %lt3A_1788 : vector<16xi1>
      %jit3A_1790 = arith.constant 0 : i32
      %broadcast_in_dim3A = vector.broadcast %jit3A_1790 : i32 to vector<16xi32>
      %select_n3A_1791 = arith.select %and3A_1789, %sub3A_1783, %broadcast_in_dim3A : vector<16xi1>, vector<16xi32>
      %gather3A = tpu.vector_load_idx %arg6[%select_n3A_1791] : memref<49920xf32, #tpu.memory_space<vmem>>[vector<16xi32>], vector<16xf32>,
      %broadcast_in_dim3A_1792 = arith.constant 0.000000e+00 : f32
      %broadcast_in_dim3A_1793 = vector.broadcast %broadcast_in_dim3A_1792 : f32 to vector<16xf32>
      %select_n3A_1794 = arith.select %and3A_1789, %gather3A, %broadcast_in_dim3A_1793 : vector<16xi1>, vector<16xf32>
      %swap3A = arith.index_cast %mul3A_1779 : i32 to index
      %swap3A_1795 = tpu.vector_load %arg10[%swap3A] {strides = array<i32>} : memref<4096xf32, #tpu.memory_space<vmem>>, vector<16xf32>,
      tpu.vector_store %arg10[%swap3A], %select_n3A_1794 {strides = array<i32>} : memref<4096xf32, #tpu.memory_space<vmem>>, vector<16xf32>,
      %mul3A_1796 = arith.mulf %select_n3A_1794, %select_n3A_1794 : vector<16xf32>
      %swap3A_1797 = arith.index_cast %mul3A_1779 : i32 to index
      %swap3A_1798 = tpu.vector_load %arg11[%swap3A_1797] {strides = array<i32>} : memref<4096xf32, #tpu.memory_space<vmem>>, vector<16xf32>,
      tpu.vector_store %arg11[%swap3A_1797], %mul3A_1796 {strides = array<i32>} : memref<4096xf32, #tpu.memory_space<vmem>>, vector<16xf32>,
    }
    %scan3A_119 = arith.constant 256 : i32
    %mul3A_120 = arith.constant 13 : i32
    %mul3A_121 = arith.muli %select_n3A_30, %mul3A_120 : i32
    %add3A_122 = arith.constant 0 : i32
    %add3A_123 = arith.addi %mul3A_121, %add3A_122 : i32
    %mul3A_124 = arith.constant 16 : i32
    %mul3A_125 = arith.muli %add3A_123, %mul3A_124 : i32
    %add3A_126 = arith.addi %mul3A_125, %select_n3A : i32
    %dma_wait3A_127 = arith.constant 0 : i32
    %dma_wait3A_128 = tpu.memref_slice %arg7[%dma_wait3A_127] : memref<50848xf32, #tpu.memory_space<vmem>> -> memref<49920xf32, #tpu.memory_space<vmem>>
    %dma_wait3A_129 = arith.constant 0 : i32
    %dma_wait3A_130 = tpu.memref_slice %arg3[%add3A_126, %dma_wait3A_129] : memref<416x100000xf32, #tpu.memory_space<hbm>> -> memref<1x100000xf32, #tpu.memory_space<hbm>>
    %dma_wait3A_131 = tpu.memref_squeeze %dma_wait3A_130 : memref<1x100000xf32, #tpu.memory_space<hbm>> -> memref<100000xf32, #tpu.memory_space<hbm>>
    %dma_wait3A_132 = arith.constant 49920 : i32
    %dma_wait3A_133 = tpu.memref_slice %dma_wait3A_131[%dma_wait3A_132] : memref<100000xf32, #tpu.memory_space<hbm>> -> memref<49920xf32, #tpu.memory_space<hbm>>
    %dma_wait3A_134 = arith.constant 0 : i32
    %dma_wait3A_135 = tpu.memref_slice %arg7[%dma_wait3A_134] : memref<50848xf32, #tpu.memory_space<vmem>> -> memref<49920xf32, #tpu.memory_space<vmem>>
    %dma_wait3A_136 = arith.constant 0 : i32
    %dma_wait3A_137 = tpu.memref_slice %arg3[%add3A_126, %dma_wait3A_136] : memref<416x100000xf32, #tpu.memory_space<hbm>> -> memref<1x100000xf32, #tpu.memory_space<hbm>>
    %dma_wait3A_138 = tpu.memref_squeeze %dma_wait3A_137 : memref<1x100000xf32, #tpu.memory_space<hbm>> -> memref<100000xf32, #tpu.memory_space<hbm>>
    %dma_wait3A_139 = arith.constant 49920 : i32
    %dma_wait3A_140 = tpu.memref_slice %dma_wait3A_138[%dma_wait3A_139] : memref<100000xf32, #tpu.memory_space<hbm>> -> memref<49920xf32, #tpu.memory_space<hbm>>
    tpu.wait_dma2 semaphore(%arg13 : memref<!tpu.dma_semaphore, #tpu.memory_space<semaphore_mem>>) src(%dma_wait3A_140 : memref<49920xf32, #tpu.memory_space<hbm>>) dst(%dma_wait3A_135 : memref<49920xf32, #tpu.memory_space<vmem>>)
    %mul3A_141 = arith.constant 13 : i32
    %mul3A_142 = arith.muli %select_n3A_30, %mul3A_141 : i32
    %add3A_143 = arith.constant 0 : i32
    %add3A_144 = arith.addi %mul3A_142, %add3A_143 : i32
    %mul3A_145 = arith.constant 16 : i32
    %mul3A_146 = arith.muli %add3A_144, %mul3A_145 : i32
    %add3A_147 = arith.addi %mul3A_146, %select_n3A : i32
    %mul3A_148 = arith.constant 1024 : i32
    %mul3A_149 = arith.muli %add3A_147, %mul3A_148 : i32
    %dma_wait3A_150 = arith.constant 49824 : i32
    %dma_wait3A_151 = tpu.memref_slice %arg7[%dma_wait3A_150] : memref<50848xf32, #tpu.memory_space<vmem>> -> memref<1024xf32, #tpu.memory_space<vmem>>
    %dma_wait3A_152 = tpu.memref_slice %arg4[%mul3A_149] : memref<425984xf32, #tpu.memory_space<hbm>> -> memref<1024xf32, #tpu.memory_space<hbm>>
    %dma_wait3A_153 = arith.constant 49824 : i32
    %dma_wait3A_154 = tpu.memref_slice %arg7[%dma_wait3A_153] : memref<50848xf32, #tpu.memory_space<vmem>> -> memref<1024xf32, #tpu.memory_space<vmem>>
    %dma_wait3A_155 = tpu.memref_slice %arg4[%mul3A_149] : memref<425984xf32, #tpu.memory_space<hbm>> -> memref<1024xf32, #tpu.memory_space<hbm>>
    tpu.wait_dma2 semaphore(%arg14 : memref<!tpu.dma_semaphore, #tpu.memory_space<semaphore_mem>>) src(%dma_wait3A_155 : memref<1024xf32, #tpu.memory_space<hbm>>) dst(%dma_wait3A_154 : memref<1024xf32, #tpu.memory_space<vmem>>)
    %mul3A_156 = arith.constant 13 : i32
    %mul3A_157 = arith.muli %select_n3A_30, %mul3A_156 : i32
    %add3A_158 = arith.constant 1 : i32
    %add3A_159 = arith.addi %mul3A_157, %add3A_158 : i32
    %mul3A_160 = arith.constant 16 : i32
    %mul3A_161 = arith.muli %add3A_159, %mul3A_160 : i32
    %add3A_162 = arith.addi %mul3A_161, %select_n3A : i32
    %dma_start3A_163 = arith.constant 0 : i32
    %dma_start3A_164 = tpu.memref_slice %arg3[%add3A_162, %dma_start3A_163] : memref<416x100000xf32, #tpu.memory_space<hbm>> -> memref<1x100000xf32, #tpu.memory_space<hbm>>
    %dma_start3A_165 = tpu.memref_squeeze %dma_start3A_164 : memref<1x100000xf32, #tpu.memory_space<hbm>> -> memref<100000xf32, #tpu.memory_space<hbm>>
    %dma_start3A_166 = arith.constant 0 : i32
    %dma_start3A_167 = tpu.memref_slice %dma_start3A_165[%dma_start3A_166] : memref<100000xf32, #tpu.memory_space<hbm>> -> memref<49920xf32, #tpu.memory_space<hbm>>
    %dma_start3A_168 = arith.constant 0 : i32
    %dma_start3A_169 = tpu.memref_slice %arg3[%add3A_162, %dma_start3A_168] : memref<416x100000xf32, #tpu.memory_space<hbm>> -> memref<1x100000xf32, #tpu.memory_space<hbm>>
    %dma_start3A_170 = tpu.memref_squeeze %dma_start3A_169 : memref<1x100000xf32, #tpu.memory_space<hbm>> -> memref<100000xf32, #tpu.memory_space<hbm>>
    %dma_start3A_171 = arith.constant 0 : i32
    %dma_start3A_172 = tpu.memref_slice %dma_start3A_170[%dma_start3A_171] : memref<100000xf32, #tpu.memory_space<hbm>> -> memref<49920xf32, #tpu.memory_space<hbm>>
    tpu.enqueue_dma source(%dma_start3A_172 : memref<49920xf32, #tpu.memory_space<hbm>>) target(%arg6 : memref<49920xf32, #tpu.memory_space<vmem>>) target_semaphore(%arg12 : memref<!tpu.dma_semaphore, #tpu.memory_space<semaphore_mem>>)
    %mul3A_173 = arith.constant 13 : i32
    %mul3A_174 = arith.muli %select_n3A_30, %mul3A_173 : i32
    %add3A_175 = arith.constant 1 : i32
    %add3A_176 = arith.addi %mul3A_174, %add3A_175 : i32
    %mul3A_177 = arith.constant 4096 : i32
    %mul3A_178 = arith.muli %add3A_176, %mul3A_177 : i32
    %dma_start3A_179 = tpu.memref_slice %arg2[%mul3A_178] : memref<106496xi32, #tpu.memory_space<hbm>> -> memref<4096xi32, #tpu.memory_space<hbm>>
    %dma_start3A_180 = tpu.memref_slice %arg2[%mul3A_178] : memref<106496xi32, #tpu.memory_space<hbm>> -> memref<4096xi32, #tpu.memory_space<hbm>>
    tpu.enqueue_dma source(%dma_start3A_180 : memref<4096xi32, #tpu.memory_space<hbm>>) target(%arg9 : memref<4096xi32, #tpu.memory_space<vmem>>) target_semaphore(%arg15 : memref<!tpu.dma_semaphore, #tpu.memory_space<semaphore_mem>>)
    %scan3A_181 = arith.constant 0 : i32
    %scan3A_182 = arith.constant 0 : i32
    %scan3A_183 = arith.constant 256 : i32
    %scan3A_184 = arith.addi %scan3A_182, %scan3A_183 : i32
    %scan3A_185 = arith.constant 1 : i32
    scf.for %scan3A_1777 = %scan3A_182 to %scan3A_184 step %scan3A_185  : i32 {
      %mul3A_1778 = arith.constant 16 : i32
      %mul3A_1779 = arith.muli %scan3A_1777, %mul3A_1778 : i32
      %get3A = arith.index_cast %mul3A_1779 : i32 to index
      %get3A_1780 = tpu.vector_load %arg8[%get3A] {strides = array<i32>} : memref<4096xi32, #tpu.memory_space<vmem>>, vector<16xi32>,
      %sub3A_1781 = arith.constant 49920 : i32
      %sub3A_1782 = vector.broadcast %sub3A_1781 : i32 to vector<16xi32>
      %sub3A_1783 = arith.subi %get3A_1780, %sub3A_1782 : vector<16xi32>
      %ge3A = arith.constant 0 : i32
      %ge3A_1784 = vector.broadcast %ge3A : i32 to vector<16xi32>
      %ge3A_1785 = arith.cmpi sge, %sub3A_1783, %ge3A_1784 : vector<16xi32>
      %lt3A_1786 = arith.constant 50080 : i32
      %lt3A_1787 = vector.broadcast %lt3A_1786 : i32 to vector<16xi32>
      %lt3A_1788 = arith.cmpi slt, %sub3A_1783, %lt3A_1787 : vector<16xi32>
      %and3A_1789 = arith.andi %ge3A_1785, %lt3A_1788 : vector<16xi1>
      %jit3A_1790 = arith.constant 0 : i32
      %broadcast_in_dim3A = vector.broadcast %jit3A_1790 : i32 to vector<16xi32>
      %select_n3A_1791 = arith.select %and3A_1789, %sub3A_1783, %broadcast_in_dim3A : vector<16xi1>, vector<16xi32>
      %gather3A = tpu.vector_load_idx %arg7[%select_n3A_1791] : memref<50848xf32, #tpu.memory_space<vmem>>[vector<16xi32>], vector<16xf32>,
      %broadcast_in_dim3A_1792 = arith.constant 0.000000e+00 : f32
      %broadcast_in_dim3A_1793 = vector.broadcast %broadcast_in_dim3A_1792 : f32 to vector<16xf32>
      %select_n3A_1794 = arith.select %and3A_1789, %gather3A, %broadcast_in_dim3A_1793 : vector<16xi1>, vector<16xf32>
      %get3A_1795 = arith.index_cast %mul3A_1779 : i32 to index
      %get3A_1796 = tpu.vector_load %arg10[%get3A_1795] {strides = array<i32>} : memref<4096xf32, #tpu.memory_space<vmem>>, vector<16xf32>,
      %add3A_1797 = arith.addf %get3A_1796, %select_n3A_1794 : vector<16xf32>
      %swap3A = arith.index_cast %mul3A_1779 : i32 to index
      %swap3A_1798 = tpu.vector_load %arg10[%swap3A] {strides = array<i32>} : memref<4096xf32, #tpu.memory_space<vmem>>, vector<16xf32>,
      tpu.vector_store %arg10[%swap3A], %add3A_1797 {strides = array<i32>} : memref<4096xf32, #tpu.memory_space<vmem>>, vector<16xf32>,
      %get3A_1799 = arith.index_cast %mul3A_1779 : i32 to index
      %get3A_1800 = tpu.vector_load %arg11[%get3A_1799] {strides = array<i32>} : memref<4096xf32, #tpu.memory_space<vmem>>, vector<16xf32>,
      %mul3A_1801 = arith.mulf %select_n3A_1794, %select_n3A_1794 : vector<16xf32>
      %add3A_1802 = arith.addf %get3A_1800, %mul3A_1801 : vector<16xf32>
      %swap3A_1803 = arith.index_cast %mul3A_1779 : i32 to index
      %swap3A_1804 = tpu.vector_load %arg11[%swap3A_1803] {strides = array<i32>} : memref<4096xf32, #tpu.memory_space<vmem>>, vector<16xf32>,
      tpu.vector_store %arg11[%swap3A_1803], %add3A_1802 {strides = array<i32>} : memref<4096xf32, #tpu.memory_space<vmem>>, vector<16xf32>,
    }
    %scan3A_186 = arith.constant 256 : i32
    %mul3A_187 = arith.constant 13 : i32
    %mul3A_188 = arith.muli %select_n3A_30, %mul3A_187 : i32
    %add3A_189 = arith.constant 1 : i32
    %add3A_190 = arith.addi %mul3A_188, %add3A_189 : i32
    %mul3A_191 = arith.constant 4096 : i32
    %mul3A_192 = arith.muli %add3A_190, %mul3A_191 : i32
    %dma_wait3A_193 = tpu.memref_slice %arg2[%mul3A_192] : memref<106496xi32, #tpu.memory_space<hbm>> -> memref<4096xi32, #tpu.memory_space<hbm>>
    %dma_wait3A_194 = tpu.memref_slice %arg2[%mul3A_192] : memref<106496xi32, #tpu.memory_space<hbm>> -> memref<4096xi32, #tpu.memory_space<hbm>>
    tpu.wait_dma2 semaphore(%arg15 : memref<!tpu.dma_semaphore, #tpu.memory_space<semaphore_mem>>) src(%dma_wait3A_194 : memref<4096xi32, #tpu.memory_space<hbm>>) dst(%arg9 : memref<4096xi32, #tpu.memory_space<vmem>>)
    %mul3A_195 = arith.constant 13 : i32
    %mul3A_196 = arith.muli %select_n3A_30, %mul3A_195 : i32
    %add3A_197 = arith.constant 1 : i32
    %add3A_198 = arith.addi %mul3A_196, %add3A_197 : i32
    %mul3A_199 = arith.constant 16 : i32
    %mul3A_200 = arith.muli %add3A_198, %mul3A_199 : i32
    %add3A_201 = arith.addi %mul3A_200, %select_n3A : i32
    %dma_wait3A_202 = arith.constant 0 : i32
    %dma_wait3A_203 = tpu.memref_slice %arg3[%add3A_201, %dma_wait3A_202] : memref<416x100000xf32, #tpu.memory_space<hbm>> -> memref<1x100000xf32, #tpu.memory_space<hbm>>
    %dma_wait3A_204 = tpu.memref_squeeze %dma_wait3A_203 : memref<1x100000xf32, #tpu.memory_space<hbm>> -> memref<100000xf32, #tpu.memory_space<hbm>>
    %dma_wait3A_205 = arith.constant 0 : i32
    %dma_wait3A_206 = tpu.memref_slice %dma_wait3A_204[%dma_wait3A_205] : memref<100000xf32, #tpu.memory_space<hbm>> -> memref<49920xf32, #tpu.memory_space<hbm>>
    %dma_wait3A_207 = arith.constant 0 : i32
    %dma_wait3A_208 = tpu.memref_slice %arg3[%add3A_201, %dma_wait3A_207] : memref<416x100000xf32, #tpu.memory_space<hbm>> -> memref<1x100000xf32, #tpu.memory_space<hbm>>
    %dma_wait3A_209 = tpu.memref_squeeze %dma_wait3A_208 : memref<1x100000xf32, #tpu.memory_space<hbm>> -> memref<100000xf32, #tpu.memory_space<hbm>>
    %dma_wait3A_210 = arith.constant 0 : i32
    %dma_wait3A_211 = tpu.memref_slice %dma_wait3A_209[%dma_wait3A_210] : memref<100000xf32, #tpu.memory_space<hbm>> -> memref<49920xf32, #tpu.memory_space<hbm>>
    tpu.wait_dma2 semaphore(%arg12 : memref<!tpu.dma_semaphore, #tpu.memory_space<semaphore_mem>>) src(%dma_wait3A_211 : memref<49920xf32, #tpu.memory_space<hbm>>) dst(%arg6 : memref<49920xf32, #tpu.memory_space<vmem>>)
    %mul3A_212 = arith.constant 13 : i32
    %mul3A_213 = arith.muli %select_n3A_30, %mul3A_212 : i32
    %add3A_214 = arith.constant 1 : i32
    %add3A_215 = arith.addi %mul3A_213, %add3A_214 : i32
    %mul3A_216 = arith.constant 16 : i32
    %mul3A_217 = arith.muli %add3A_215, %mul3A_216 : i32
    %add3A_218 = arith.addi %mul3A_217, %select_n3A : i32
    %dma_start3A_219 = arith.constant 0 : i32
    %dma_start3A_220 = tpu.memref_slice %arg7[%dma_start3A_219] : memref<50848xf32, #tpu.memory_space<vmem>> -> memref<49920xf32, #tpu.memory_space<vmem>>
    %dma_start3A_221 = arith.constant 0 : i32
    %dma_start3A_222 = tpu.memref_slice %arg3[%add3A_218, %dma_start3A_221] : memref<416x100000xf32, #tpu.memory_space<hbm>> -> memref<1x100000xf32, #tpu.memory_space<hbm>>
    %dma_start3A_223 = tpu.memref_squeeze %dma_start3A_222 : memref<1x100000xf32, #tpu.memory_space<hbm>> -> memref<100000xf32, #tpu.memory_space<hbm>>
    %dma_start3A_224 = arith.constant 49920 : i32
    %dma_start3A_225 = tpu.memref_slice %dma_start3A_223[%dma_start3A_224] : memref<100000xf32, #tpu.memory_space<hbm>> -> memref<49920xf32, #tpu.memory_space<hbm>>
    %dma_start3A_226 = arith.constant 0 : i32
    %dma_start3A_227 = tpu.memref_slice %arg7[%dma_start3A_226] : memref<50848xf32, #tpu.memory_space<vmem>> -> memref<49920xf32, #tpu.memory_space<vmem>>
    %dma_start3A_228 = arith.constant 0 : i32
    %dma_start3A_229 = tpu.memref_slice %arg3[%add3A_218, %dma_start3A_228] : memref<416x100000xf32, #tpu.memory_space<hbm>> -> memref<1x100000xf32, #tpu.memory_space<hbm>>
    %dma_start3A_230 = tpu.memref_squeeze %dma_start3A_229 : memref<1x100000xf32, #tpu.memory_space<hbm>> -> memref<100000xf32, #tpu.memory_space<hbm>>
    %dma_start3A_231 = arith.constant 49920 : i32
    %dma_start3A_232 = tpu.memref_slice %dma_start3A_230[%dma_start3A_231] : memref<100000xf32, #tpu.memory_space<hbm>> -> memref<49920xf32, #tpu.memory_space<hbm>>
    tpu.enqueue_dma source(%dma_start3A_232 : memref<49920xf32, #tpu.memory_space<hbm>>) target(%dma_start3A_227 : memref<49920xf32, #tpu.memory_space<vmem>>) target_semaphore(%arg13 : memref<!tpu.dma_semaphore, #tpu.memory_space<semaphore_mem>>)
    %mul3A_233 = arith.constant 13 : i32
    %mul3A_234 = arith.muli %select_n3A_30, %mul3A_233 : i32
    %add3A_235 = arith.constant 1 : i32
    %add3A_236 = arith.addi %mul3A_234, %add3A_235 : i32
    %mul3A_237 = arith.constant 16 : i32
    %mul3A_238 = arith.muli %add3A_236, %mul3A_237 : i32
    %add3A_239 = arith.addi %mul3A_238, %select_n3A : i32
    %mul3A_240 = arith.constant 1024 : i32
    %mul3A_241 = arith.muli %add3A_239, %mul3A_240 : i32
    %dma_start3A_242 = arith.constant 49824 : i32
    %dma_start3A_243 = tpu.memref_slice %arg7[%dma_start3A_242] : memref<50848xf32, #tpu.memory_space<vmem>> -> memref<1024xf32, #tpu.memory_space<vmem>>
    %dma_start3A_244 = tpu.memref_slice %arg4[%mul3A_241] : memref<425984xf32, #tpu.memory_space<hbm>> -> memref<1024xf32, #tpu.memory_space<hbm>>
    %dma_start3A_245 = arith.constant 49824 : i32
    %dma_start3A_246 = tpu.memref_slice %arg7[%dma_start3A_245] : memref<50848xf32, #tpu.memory_space<vmem>> -> memref<1024xf32, #tpu.memory_space<vmem>>
    %dma_start3A_247 = tpu.memref_slice %arg4[%mul3A_241] : memref<425984xf32, #tpu.memory_space<hbm>> -> memref<1024xf32, #tpu.memory_space<hbm>>
    tpu.enqueue_dma source(%dma_start3A_247 : memref<1024xf32, #tpu.memory_space<hbm>>) target(%dma_start3A_246 : memref<1024xf32, #tpu.memory_space<vmem>>) target_semaphore(%arg14 : memref<!tpu.dma_semaphore, #tpu.memory_space<semaphore_mem>>)
    %scan3A_248 = arith.constant 0 : i32
    %scan3A_249 = arith.constant 0 : i32
    %scan3A_250 = arith.constant 256 : i32
    %scan3A_251 = arith.addi %scan3A_249, %scan3A_250 : i32
    %scan3A_252 = arith.constant 1 : i32
    scf.for %scan3A_1777 = %scan3A_249 to %scan3A_251 step %scan3A_252  : i32 {
      %mul3A_1778 = arith.constant 16 : i32
      %mul3A_1779 = arith.muli %scan3A_1777, %mul3A_1778 : i32
      %get3A = arith.index_cast %mul3A_1779 : i32 to index
      %get3A_1780 = tpu.vector_load %arg9[%get3A] {strides = array<i32>} : memref<4096xi32, #tpu.memory_space<vmem>>, vector<16xi32>,
      %sub3A_1781 = arith.constant 0 : i32
      %sub3A_1782 = vector.broadcast %sub3A_1781 : i32 to vector<16xi32>
      %sub3A_1783 = arith.subi %get3A_1780, %sub3A_1782 : vector<16xi32>
      %ge3A = arith.constant 0 : i32
      %ge3A_1784 = vector.broadcast %ge3A : i32 to vector<16xi32>
      %ge3A_1785 = arith.cmpi sge, %sub3A_1783, %ge3A_1784 : vector<16xi32>
      %lt3A_1786 = arith.constant 49920 : i32
      %lt3A_1787 = vector.broadcast %lt3A_1786 : i32 to vector<16xi32>
      %lt3A_1788 = arith.cmpi slt, %sub3A_1783, %lt3A_1787 : vector<16xi32>
      %and3A_1789 = arith.andi %ge3A_1785, %lt3A_1788 : vector<16xi1>
      %jit3A_1790 = arith.constant 0 : i32
      %broadcast_in_dim3A = vector.broadcast %jit3A_1790 : i32 to vector<16xi32>
      %select_n3A_1791 = arith.select %and3A_1789, %sub3A_1783, %broadcast_in_dim3A : vector<16xi1>, vector<16xi32>
      %gather3A = tpu.vector_load_idx %arg6[%select_n3A_1791] : memref<49920xf32, #tpu.memory_space<vmem>>[vector<16xi32>], vector<16xf32>,
      %broadcast_in_dim3A_1792 = arith.constant 0.000000e+00 : f32
      %broadcast_in_dim3A_1793 = vector.broadcast %broadcast_in_dim3A_1792 : f32 to vector<16xf32>
      %select_n3A_1794 = arith.select %and3A_1789, %gather3A, %broadcast_in_dim3A_1793 : vector<16xi1>, vector<16xf32>
      %get3A_1795 = arith.index_cast %mul3A_1779 : i32 to index
      %get3A_1796 = tpu.vector_load %arg10[%get3A_1795] {strides = array<i32>} : memref<4096xf32, #tpu.memory_space<vmem>>, vector<16xf32>,
      %add3A_1797 = arith.addf %get3A_1796, %select_n3A_1794 : vector<16xf32>
      %swap3A = arith.index_cast %mul3A_1779 : i32 to index
      %swap3A_1798 = tpu.vector_load %arg10[%swap3A] {strides = array<i32>} : memref<4096xf32, #tpu.memory_space<vmem>>, vector<16xf32>,
      tpu.vector_store %arg10[%swap3A], %add3A_1797 {strides = array<i32>} : memref<4096xf32, #tpu.memory_space<vmem>>, vector<16xf32>,
      %get3A_1799 = arith.index_cast %mul3A_1779 : i32 to index
      %get3A_1800 = tpu.vector_load %arg11[%get3A_1799] {strides = array<i32>} : memref<4096xf32, #tpu.memory_space<vmem>>, vector<16xf32>,
      %mul3A_1801 = arith.mulf %select_n3A_1794, %select_n3A_1794 : vector<16xf32>
      %add3A_1802 = arith.addf %get3A_1800, %mul3A_1801 : vector<16xf32>
      %swap3A_1803 = arith.index_cast %mul3A_1779 : i32 to index
      %swap3A_1804 = tpu.vector_load %arg11[%swap3A_1803] {strides = array<i32>} : memref<4096xf32, #tpu.memory_space<vmem>>, vector<16xf32>,
      tpu.vector_store %arg11[%swap3A_1803], %add3A_1802 {strides = array<i32>} : memref<4096xf32, #tpu.memory_space<vmem>>, vector<16xf32>,
    }
    %scan3A_253 = arith.constant 256 : i32
    %mul3A_254 = arith.constant 13 : i32
    %mul3A_255 = arith.muli %select_n3A_30, %mul3A_254 : i32
    %add3A_256 = arith.constant 1 : i32
    %add3A_257 = arith.addi %mul3A_255, %add3A_256 : i32
    %mul3A_258 = arith.constant 16 : i32
    %mul3A_259 = arith.muli %add3A_257, %mul3A_258 : i32
    %add3A_260 = arith.addi %mul3A_259, %select_n3A : i32
    %dma_wait3A_261 = arith.constant 0 : i32
    %dma_wait3A_262 = tpu.memref_slice %arg7[%dma_wait3A_261] : memref<50848xf32, #tpu.memory_space<vmem>> -> memref<49920xf32, #tpu.memory_space<vmem>>
    %dma_wait3A_263 = arith.constant 0 : i32
    %dma_wait3A_264 = tpu.memref_slice %arg3[%add3A_260, %dma_wait3A_263] : memref<416x100000xf32, #tpu.memory_space<hbm>> -> memref<1x100000xf32, #tpu.memory_space<hbm>>
    %dma_wait3A_265 = tpu.memref_squeeze %dma_wait3A_264 : memref<1x100000xf32, #tpu.memory_space<hbm>> -> memref<100000xf32, #tpu.memory_space<hbm>>
    %dma_wait3A_266 = arith.constant 49920 : i32
    %dma_wait3A_267 = tpu.memref_slice %dma_wait3A_265[%dma_wait3A_266] : memref<100000xf32, #tpu.memory_space<hbm>> -> memref<49920xf32, #tpu.memory_space<hbm>>
    %dma_wait3A_268 = arith.constant 0 : i32
    %dma_wait3A_269 = tpu.memref_slice %arg7[%dma_wait3A_268] : memref<50848xf32, #tpu.memory_space<vmem>> -> memref<49920xf32, #tpu.memory_space<vmem>>
    %dma_wait3A_270 = arith.constant 0 : i32
    %dma_wait3A_271 = tpu.memref_slice %arg3[%add3A_260, %dma_wait3A_270] : memref<416x100000xf32, #tpu.memory_space<hbm>> -> memref<1x100000xf32, #tpu.memory_space<hbm>>
    %dma_wait3A_272 = tpu.memref_squeeze %dma_wait3A_271 : memref<1x100000xf32, #tpu.memory_space<hbm>> -> memref<100000xf32, #tpu.memory_space<hbm>>
    %dma_wait3A_273 = arith.constant 49920 : i32
    %dma_wait3A_274 = tpu.memref_slice %dma_wait3A_272[%dma_wait3A_273] : memref<100000xf32, #tpu.memory_space<hbm>> -> memref<49920xf32, #tpu.memory_space<hbm>>
    tpu.wait_dma2 semaphore(%arg13 : memref<!tpu.dma_semaphore, #tpu.memory_space<semaphore_mem>>) src(%dma_wait3A_274 : memref<49920xf32, #tpu.memory_space<hbm>>) dst(%dma_wait3A_269 : memref<49920xf32, #tpu.memory_space<vmem>>)
    %mul3A_275 = arith.constant 13 : i32
    %mul3A_276 = arith.muli %select_n3A_30, %mul3A_275 : i32
    %add3A_277 = arith.constant 1 : i32
    %add3A_278 = arith.addi %mul3A_276, %add3A_277 : i32
    %mul3A_279 = arith.constant 16 : i32
    %mul3A_280 = arith.muli %add3A_278, %mul3A_279 : i32
    %add3A_281 = arith.addi %mul3A_280, %select_n3A : i32
    %mul3A_282 = arith.constant 1024 : i32
    %mul3A_283 = arith.muli %add3A_281, %mul3A_282 : i32
    %dma_wait3A_284 = arith.constant 49824 : i32
    %dma_wait3A_285 = tpu.memref_slice %arg7[%dma_wait3A_284] : memref<50848xf32, #tpu.memory_space<vmem>> -> memref<1024xf32, #tpu.memory_space<vmem>>
    %dma_wait3A_286 = tpu.memref_slice %arg4[%mul3A_283] : memref<425984xf32, #tpu.memory_space<hbm>> -> memref<1024xf32, #tpu.memory_space<hbm>>
    %dma_wait3A_287 = arith.constant 49824 : i32
    %dma_wait3A_288 = tpu.memref_slice %arg7[%dma_wait3A_287] : memref<50848xf32, #tpu.memory_space<vmem>> -> memref<1024xf32, #tpu.memory_space<vmem>>
    %dma_wait3A_289 = tpu.memref_slice %arg4[%mul3A_283] : memref<425984xf32, #tpu.memory_space<hbm>> -> memref<1024xf32, #tpu.memory_space<hbm>>
    tpu.wait_dma2 semaphore(%arg14 : memref<!tpu.dma_semaphore, #tpu.memory_space<semaphore_mem>>) src(%dma_wait3A_289 : memref<1024xf32, #tpu.memory_space<hbm>>) dst(%dma_wait3A_288 : memref<1024xf32, #tpu.memory_space<vmem>>)
    %mul3A_290 = arith.constant 13 : i32
    %mul3A_291 = arith.muli %select_n3A_30, %mul3A_290 : i32
    %add3A_292 = arith.constant 2 : i32
    %add3A_293 = arith.addi %mul3A_291, %add3A_292 : i32
    %mul3A_294 = arith.constant 16 : i32
    %mul3A_295 = arith.muli %add3A_293, %mul3A_294 : i32
    %add3A_296 = arith.addi %mul3A_295, %select_n3A : i32
    %dma_start3A_297 = arith.constant 0 : i32
    %dma_start3A_298 = tpu.memref_slice %arg3[%add3A_296, %dma_start3A_297] : memref<416x100000xf32, #tpu.memory_space<hbm>> -> memref<1x100000xf32, #tpu.memory_space<hbm>>
    %dma_start3A_299 = tpu.memref_squeeze %dma_start3A_298 : memref<1x100000xf32, #tpu.memory_space<hbm>> -> memref<100000xf32, #tpu.memory_space<hbm>>
    %dma_start3A_300 = arith.constant 0 : i32
    %dma_start3A_301 = tpu.memref_slice %dma_start3A_299[%dma_start3A_300] : memref<100000xf32, #tpu.memory_space<hbm>> -> memref<49920xf32, #tpu.memory_space<hbm>>
    %dma_start3A_302 = arith.constant 0 : i32
    %dma_start3A_303 = tpu.memref_slice %arg3[%add3A_296, %dma_start3A_302] : memref<416x100000xf32, #tpu.memory_space<hbm>> -> memref<1x100000xf32, #tpu.memory_space<hbm>>
    %dma_start3A_304 = tpu.memref_squeeze %dma_start3A_303 : memref<1x100000xf32, #tpu.memory_space<hbm>> -> memref<100000xf32, #tpu.memory_space<hbm>>
    %dma_start3A_305 = arith.constant 0 : i32
    %dma_start3A_306 = tpu.memref_slice %dma_start3A_304[%dma_start3A_305] : memref<100000xf32, #tpu.memory_space<hbm>> -> memref<49920xf32, #tpu.memory_space<hbm>>
    tpu.enqueue_dma source(%dma_start3A_306 : memref<49920xf32, #tpu.memory_space<hbm>>) target(%arg6 : memref<49920xf32, #tpu.memory_space<vmem>>) target_semaphore(%arg12 : memref<!tpu.dma_semaphore, #tpu.memory_space<semaphore_mem>>)
    %mul3A_307 = arith.constant 13 : i32
    %mul3A_308 = arith.muli %select_n3A_30, %mul3A_307 : i32
    %add3A_309 = arith.constant 2 : i32
    %add3A_310 = arith.addi %mul3A_308, %add3A_309 : i32
    %mul3A_311 = arith.constant 4096 : i32
    %mul3A_312 = arith.muli %add3A_310, %mul3A_311 : i32
    %dma_start3A_313 = tpu.memref_slice %arg2[%mul3A_312] : memref<106496xi32, #tpu.memory_space<hbm>> -> memref<4096xi32, #tpu.memory_space<hbm>>
    %dma_start3A_314 = tpu.memref_slice %arg2[%mul3A_312] : memref<106496xi32, #tpu.memory_space<hbm>> -> memref<4096xi32, #tpu.memory_space<hbm>>
    tpu.enqueue_dma source(%dma_start3A_314 : memref<4096xi32, #tpu.memory_space<hbm>>) target(%arg8 : memref<4096xi32, #tpu.memory_space<vmem>>) target_semaphore(%arg15 : memref<!tpu.dma_semaphore, #tpu.memory_space<semaphore_mem>>)
    %scan3A_315 = arith.constant 0 : i32
    %scan3A_316 = arith.constant 0 : i32
    %scan3A_317 = arith.constant 256 : i32
    %scan3A_318 = arith.addi %scan3A_316, %scan3A_317 : i32
    %scan3A_319 = arith.constant 1 : i32
    scf.for %scan3A_1777 = %scan3A_316 to %scan3A_318 step %scan3A_319  : i32 {
      %mul3A_1778 = arith.constant 16 : i32
      %mul3A_1779 = arith.muli %scan3A_1777, %mul3A_1778 : i32
      %get3A = arith.index_cast %mul3A_1779 : i32 to index
      %get3A_1780 = tpu.vector_load %arg9[%get3A] {strides = array<i32>} : memref<4096xi32, #tpu.memory_space<vmem>>, vector<16xi32>,
      %sub3A_1781 = arith.constant 49920 : i32
      %sub3A_1782 = vector.broadcast %sub3A_1781 : i32 to vector<16xi32>
      %sub3A_1783 = arith.subi %get3A_1780, %sub3A_1782 : vector<16xi32>
      %ge3A = arith.constant 0 : i32
      %ge3A_1784 = vector.broadcast %ge3A : i32 to vector<16xi32>
      %ge3A_1785 = arith.cmpi sge, %sub3A_1783, %ge3A_1784 : vector<16xi32>
      %lt3A_1786 = arith.constant 50080 : i32
      %lt3A_1787 = vector.broadcast %lt3A_1786 : i32 to vector<16xi32>
      %lt3A_1788 = arith.cmpi slt, %sub3A_1783, %lt3A_1787 : vector<16xi32>
      %and3A_1789 = arith.andi %ge3A_1785, %lt3A_1788 : vector<16xi1>
      %jit3A_1790 = arith.constant 0 : i32
      %broadcast_in_dim3A = vector.broadcast %jit3A_1790 : i32 to vector<16xi32>
      %select_n3A_1791 = arith.select %and3A_1789, %sub3A_1783, %broadcast_in_dim3A : vector<16xi1>, vector<16xi32>
      %gather3A = tpu.vector_load_idx %arg7[%select_n3A_1791] : memref<50848xf32, #tpu.memory_space<vmem>>[vector<16xi32>], vector<16xf32>,
      %broadcast_in_dim3A_1792 = arith.constant 0.000000e+00 : f32
      %broadcast_in_dim3A_1793 = vector.broadcast %broadcast_in_dim3A_1792 : f32 to vector<16xf32>
      %select_n3A_1794 = arith.select %and3A_1789, %gather3A, %broadcast_in_dim3A_1793 : vector<16xi1>, vector<16xf32>
      %get3A_1795 = arith.index_cast %mul3A_1779 : i32 to index
      %get3A_1796 = tpu.vector_load %arg10[%get3A_1795] {strides = array<i32>} : memref<4096xf32, #tpu.memory_space<vmem>>, vector<16xf32>,
      %add3A_1797 = arith.addf %get3A_1796, %select_n3A_1794 : vector<16xf32>
      %swap3A = arith.index_cast %mul3A_1779 : i32 to index
      %swap3A_1798 = tpu.vector_load %arg10[%swap3A] {strides = array<i32>} : memref<4096xf32, #tpu.memory_space<vmem>>, vector<16xf32>,
      tpu.vector_store %arg10[%swap3A], %add3A_1797 {strides = array<i32>} : memref<4096xf32, #tpu.memory_space<vmem>>, vector<16xf32>,
      %get3A_1799 = arith.index_cast %mul3A_1779 : i32 to index
      %get3A_1800 = tpu.vector_load %arg11[%get3A_1799] {strides = array<i32>} : memref<4096xf32, #tpu.memory_space<vmem>>, vector<16xf32>,
      %mul3A_1801 = arith.mulf %select_n3A_1794, %select_n3A_1794 : vector<16xf32>
      %add3A_1802 = arith.addf %get3A_1800, %mul3A_1801 : vector<16xf32>
      %swap3A_1803 = arith.index_cast %mul3A_1779 : i32 to index
      %swap3A_1804 = tpu.vector_load %arg11[%swap3A_1803] {strides = array<i32>} : memref<4096xf32, #tpu.memory_space<vmem>>, vector<16xf32>,
      tpu.vector_store %arg11[%swap3A_1803], %add3A_1802 {strides = array<i32>} : memref<4096xf32, #tpu.memory_space<vmem>>, vector<16xf32>,
    }
    %scan3A_320 = arith.constant 256 : i32
    %mul3A_321 = arith.constant 13 : i32
    %mul3A_322 = arith.muli %select_n3A_30, %mul3A_321 : i32
    %add3A_323 = arith.constant 2 : i32
    %add3A_324 = arith.addi %mul3A_322, %add3A_323 : i32
    %mul3A_325 = arith.constant 4096 : i32
    %mul3A_326 = arith.muli %add3A_324, %mul3A_325 : i32
    %dma_wait3A_327 = tpu.memref_slice %arg2[%mul3A_326] : memref<106496xi32, #tpu.memory_space<hbm>> -> memref<4096xi32, #tpu.memory_space<hbm>>
    %dma_wait3A_328 = tpu.memref_slice %arg2[%mul3A_326] : memref<106496xi32, #tpu.memory_space<hbm>> -> memref<4096xi32, #tpu.memory_space<hbm>>
    tpu.wait_dma2 semaphore(%arg15 : memref<!tpu.dma_semaphore, #tpu.memory_space<semaphore_mem>>) src(%dma_wait3A_328 : memref<4096xi32, #tpu.memory_space<hbm>>) dst(%arg8 : memref<4096xi32, #tpu.memory_space<vmem>>)
    %mul3A_329 = arith.constant 13 : i32
    %mul3A_330 = arith.muli %select_n3A_30, %mul3A_329 : i32
    %add3A_331 = arith.constant 2 : i32
    %add3A_332 = arith.addi %mul3A_330, %add3A_331 : i32
    %mul3A_333 = arith.constant 16 : i32
    %mul3A_334 = arith.muli %add3A_332, %mul3A_333 : i32
    %add3A_335 = arith.addi %mul3A_334, %select_n3A : i32
    %dma_wait3A_336 = arith.constant 0 : i32
    %dma_wait3A_337 = tpu.memref_slice %arg3[%add3A_335, %dma_wait3A_336] : memref<416x100000xf32, #tpu.memory_space<hbm>> -> memref<1x100000xf32, #tpu.memory_space<hbm>>
    %dma_wait3A_338 = tpu.memref_squeeze %dma_wait3A_337 : memref<1x100000xf32, #tpu.memory_space<hbm>> -> memref<100000xf32, #tpu.memory_space<hbm>>
    %dma_wait3A_339 = arith.constant 0 : i32
    %dma_wait3A_340 = tpu.memref_slice %dma_wait3A_338[%dma_wait3A_339] : memref<100000xf32, #tpu.memory_space<hbm>> -> memref<49920xf32, #tpu.memory_space<hbm>>
    %dma_wait3A_341 = arith.constant 0 : i32
    %dma_wait3A_342 = tpu.memref_slice %arg3[%add3A_335, %dma_wait3A_341] : memref<416x100000xf32, #tpu.memory_space<hbm>> -> memref<1x100000xf32, #tpu.memory_space<hbm>>
    %dma_wait3A_343 = tpu.memref_squeeze %dma_wait3A_342 : memref<1x100000xf32, #tpu.memory_space<hbm>> -> memref<100000xf32, #tpu.memory_space<hbm>>
    %dma_wait3A_344 = arith.constant 0 : i32
    %dma_wait3A_345 = tpu.memref_slice %dma_wait3A_343[%dma_wait3A_344] : memref<100000xf32, #tpu.memory_space<hbm>> -> memref<49920xf32, #tpu.memory_space<hbm>>
    tpu.wait_dma2 semaphore(%arg12 : memref<!tpu.dma_semaphore, #tpu.memory_space<semaphore_mem>>) src(%dma_wait3A_345 : memref<49920xf32, #tpu.memory_space<hbm>>) dst(%arg6 : memref<49920xf32, #tpu.memory_space<vmem>>)
    %mul3A_346 = arith.constant 13 : i32
    %mul3A_347 = arith.muli %select_n3A_30, %mul3A_346 : i32
    %add3A_348 = arith.constant 2 : i32
    %add3A_349 = arith.addi %mul3A_347, %add3A_348 : i32
    %mul3A_350 = arith.constant 16 : i32
    %mul3A_351 = arith.muli %add3A_349, %mul3A_350 : i32
    %add3A_352 = arith.addi %mul3A_351, %select_n3A : i32
    %dma_start3A_353 = arith.constant 0 : i32
    %dma_start3A_354 = tpu.memref_slice %arg7[%dma_start3A_353] : memref<50848xf32, #tpu.memory_space<vmem>> -> memref<49920xf32, #tpu.memory_space<vmem>>
    %dma_start3A_355 = arith.constant 0 : i32
    %dma_start3A_356 = tpu.memref_slice %arg3[%add3A_352, %dma_start3A_355] : memref<416x100000xf32, #tpu.memory_space<hbm>> -> memref<1x100000xf32, #tpu.memory_space<hbm>>
    %dma_start3A_357 = tpu.memref_squeeze %dma_start3A_356 : memref<1x100000xf32, #tpu.memory_space<hbm>> -> memref<100000xf32, #tpu.memory_space<hbm>>
    %dma_start3A_358 = arith.constant 49920 : i32
    %dma_start3A_359 = tpu.memref_slice %dma_start3A_357[%dma_start3A_358] : memref<100000xf32, #tpu.memory_space<hbm>> -> memref<49920xf32, #tpu.memory_space<hbm>>
    %dma_start3A_360 = arith.constant 0 : i32
    %dma_start3A_361 = tpu.memref_slice %arg7[%dma_start3A_360] : memref<50848xf32, #tpu.memory_space<vmem>> -> memref<49920xf32, #tpu.memory_space<vmem>>
    %dma_start3A_362 = arith.constant 0 : i32
    %dma_start3A_363 = tpu.memref_slice %arg3[%add3A_352, %dma_start3A_362] : memref<416x100000xf32, #tpu.memory_space<hbm>> -> memref<1x100000xf32, #tpu.memory_space<hbm>>
    %dma_start3A_364 = tpu.memref_squeeze %dma_start3A_363 : memref<1x100000xf32, #tpu.memory_space<hbm>> -> memref<100000xf32, #tpu.memory_space<hbm>>
    %dma_start3A_365 = arith.constant 49920 : i32
    %dma_start3A_366 = tpu.memref_slice %dma_start3A_364[%dma_start3A_365] : memref<100000xf32, #tpu.memory_space<hbm>> -> memref<49920xf32, #tpu.memory_space<hbm>>
    tpu.enqueue_dma source(%dma_start3A_366 : memref<49920xf32, #tpu.memory_space<hbm>>) target(%dma_start3A_361 : memref<49920xf32, #tpu.memory_space<vmem>>) target_semaphore(%arg13 : memref<!tpu.dma_semaphore, #tpu.memory_space<semaphore_mem>>)
    %mul3A_367 = arith.constant 13 : i32
    %mul3A_368 = arith.muli %select_n3A_30, %mul3A_367 : i32
    %add3A_369 = arith.constant 2 : i32
    %add3A_370 = arith.addi %mul3A_368, %add3A_369 : i32
    %mul3A_371 = arith.constant 16 : i32
    %mul3A_372 = arith.muli %add3A_370, %mul3A_371 : i32
    %add3A_373 = arith.addi %mul3A_372, %select_n3A : i32
    %mul3A_374 = arith.constant 1024 : i32
    %mul3A_375 = arith.muli %add3A_373, %mul3A_374 : i32
    %dma_start3A_376 = arith.constant 49824 : i32
    %dma_start3A_377 = tpu.memref_slice %arg7[%dma_start3A_376] : memref<50848xf32, #tpu.memory_space<vmem>> -> memref<1024xf32, #tpu.memory_space<vmem>>
    %dma_start3A_378 = tpu.memref_slice %arg4[%mul3A_375] : memref<425984xf32, #tpu.memory_space<hbm>> -> memref<1024xf32, #tpu.memory_space<hbm>>
    %dma_start3A_379 = arith.constant 49824 : i32
    %dma_start3A_380 = tpu.memref_slice %arg7[%dma_start3A_379] : memref<50848xf32, #tpu.memory_space<vmem>> -> memref<1024xf32, #tpu.memory_space<vmem>>
    %dma_start3A_381 = tpu.memref_slice %arg4[%mul3A_375] : memref<425984xf32, #tpu.memory_space<hbm>> -> memref<1024xf32, #tpu.memory_space<hbm>>
    tpu.enqueue_dma source(%dma_start3A_381 : memref<1024xf32, #tpu.memory_space<hbm>>) target(%dma_start3A_380 : memref<1024xf32, #tpu.memory_space<vmem>>) target_semaphore(%arg14 : memref<!tpu.dma_semaphore, #tpu.memory_space<semaphore_mem>>)
    %scan3A_382 = arith.constant 0 : i32
    %scan3A_383 = arith.constant 0 : i32
    %scan3A_384 = arith.constant 256 : i32
    %scan3A_385 = arith.addi %scan3A_383, %scan3A_384 : i32
    %scan3A_386 = arith.constant 1 : i32
    scf.for %scan3A_1777 = %scan3A_383 to %scan3A_385 step %scan3A_386  : i32 {
      %mul3A_1778 = arith.constant 16 : i32
      %mul3A_1779 = arith.muli %scan3A_1777, %mul3A_1778 : i32
      %get3A = arith.index_cast %mul3A_1779 : i32 to index
      %get3A_1780 = tpu.vector_load %arg8[%get3A] {strides = array<i32>} : memref<4096xi32, #tpu.memory_space<vmem>>, vector<16xi32>,
      %sub3A_1781 = arith.constant 0 : i32
      %sub3A_1782 = vector.broadcast %sub3A_1781 : i32 to vector<16xi32>
      %sub3A_1783 = arith.subi %get3A_1780, %sub3A_1782 : vector<16xi32>
      %ge3A = arith.constant 0 : i32
      %ge3A_1784 = vector.broadcast %ge3A : i32 to vector<16xi32>
      %ge3A_1785 = arith.cmpi sge, %sub3A_1783, %ge3A_1784 : vector<16xi32>
      %lt3A_1786 = arith.constant 49920 : i32
      %lt3A_1787 = vector.broadcast %lt3A_1786 : i32 to vector<16xi32>
      %lt3A_1788 = arith.cmpi slt, %sub3A_1783, %lt3A_1787 : vector<16xi32>
      %and3A_1789 = arith.andi %ge3A_1785, %lt3A_1788 : vector<16xi1>
      %jit3A_1790 = arith.constant 0 : i32
      %broadcast_in_dim3A = vector.broadcast %jit3A_1790 : i32 to vector<16xi32>
      %select_n3A_1791 = arith.select %and3A_1789, %sub3A_1783, %broadcast_in_dim3A : vector<16xi1>, vector<16xi32>
      %gather3A = tpu.vector_load_idx %arg6[%select_n3A_1791] : memref<49920xf32, #tpu.memory_space<vmem>>[vector<16xi32>], vector<16xf32>,
      %broadcast_in_dim3A_1792 = arith.constant 0.000000e+00 : f32
      %broadcast_in_dim3A_1793 = vector.broadcast %broadcast_in_dim3A_1792 : f32 to vector<16xf32>
      %select_n3A_1794 = arith.select %and3A_1789, %gather3A, %broadcast_in_dim3A_1793 : vector<16xi1>, vector<16xf32>
      %get3A_1795 = arith.index_cast %mul3A_1779 : i32 to index
      %get3A_1796 = tpu.vector_load %arg10[%get3A_1795] {strides = array<i32>} : memref<4096xf32, #tpu.memory_space<vmem>>, vector<16xf32>,
      %add3A_1797 = arith.addf %get3A_1796, %select_n3A_1794 : vector<16xf32>
      %swap3A = arith.index_cast %mul3A_1779 : i32 to index
      %swap3A_1798 = tpu.vector_load %arg10[%swap3A] {strides = array<i32>} : memref<4096xf32, #tpu.memory_space<vmem>>, vector<16xf32>,
      tpu.vector_store %arg10[%swap3A], %add3A_1797 {strides = array<i32>} : memref<4096xf32, #tpu.memory_space<vmem>>, vector<16xf32>,
      %get3A_1799 = arith.index_cast %mul3A_1779 : i32 to index
      %get3A_1800 = tpu.vector_load %arg11[%get3A_1799] {strides = array<i32>} : memref<4096xf32, #tpu.memory_space<vmem>>, vector<16xf32>,
      %mul3A_1801 = arith.mulf %select_n3A_1794, %select_n3A_1794 : vector<16xf32>
      %add3A_1802 = arith.addf %get3A_1800, %mul3A_1801 : vector<16xf32>
      %swap3A_1803 = arith.index_cast %mul3A_1779 : i32 to index
      %swap3A_1804 = tpu.vector_load %arg11[%swap3A_1803] {strides = array<i32>} : memref<4096xf32, #tpu.memory_space<vmem>>, vector<16xf32>,
      tpu.vector_store %arg11[%swap3A_1803], %add3A_1802 {strides = array<i32>} : memref<4096xf32, #tpu.memory_space<vmem>>, vector<16xf32>,
    }
    %scan3A_387 = arith.constant 256 : i32
    %mul3A_388 = arith.constant 13 : i32
    %mul3A_389 = arith.muli %select_n3A_30, %mul3A_388 : i32
    %add3A_390 = arith.constant 2 : i32
    %add3A_391 = arith.addi %mul3A_389, %add3A_390 : i32
    %mul3A_392 = arith.constant 16 : i32
    %mul3A_393 = arith.muli %add3A_391, %mul3A_392 : i32
    %add3A_394 = arith.addi %mul3A_393, %select_n3A : i32
    %dma_wait3A_395 = arith.constant 0 : i32
    %dma_wait3A_396 = tpu.memref_slice %arg7[%dma_wait3A_395] : memref<50848xf32, #tpu.memory_space<vmem>> -> memref<49920xf32, #tpu.memory_space<vmem>>
    %dma_wait3A_397 = arith.constant 0 : i32
    %dma_wait3A_398 = tpu.memref_slice %arg3[%add3A_394, %dma_wait3A_397] : memref<416x100000xf32, #tpu.memory_space<hbm>> -> memref<1x100000xf32, #tpu.memory_space<hbm>>
    %dma_wait3A_399 = tpu.memref_squeeze %dma_wait3A_398 : memref<1x100000xf32, #tpu.memory_space<hbm>> -> memref<100000xf32, #tpu.memory_space<hbm>>
    %dma_wait3A_400 = arith.constant 49920 : i32
    %dma_wait3A_401 = tpu.memref_slice %dma_wait3A_399[%dma_wait3A_400] : memref<100000xf32, #tpu.memory_space<hbm>> -> memref<49920xf32, #tpu.memory_space<hbm>>
    %dma_wait3A_402 = arith.constant 0 : i32
    %dma_wait3A_403 = tpu.memref_slice %arg7[%dma_wait3A_402] : memref<50848xf32, #tpu.memory_space<vmem>> -> memref<49920xf32, #tpu.memory_space<vmem>>
    %dma_wait3A_404 = arith.constant 0 : i32
    %dma_wait3A_405 = tpu.memref_slice %arg3[%add3A_394, %dma_wait3A_404] : memref<416x100000xf32, #tpu.memory_space<hbm>> -> memref<1x100000xf32, #tpu.memory_space<hbm>>
    %dma_wait3A_406 = tpu.memref_squeeze %dma_wait3A_405 : memref<1x100000xf32, #tpu.memory_space<hbm>> -> memref<100000xf32, #tpu.memory_space<hbm>>
    %dma_wait3A_407 = arith.constant 49920 : i32
    %dma_wait3A_408 = tpu.memref_slice %dma_wait3A_406[%dma_wait3A_407] : memref<100000xf32, #tpu.memory_space<hbm>> -> memref<49920xf32, #tpu.memory_space<hbm>>
    tpu.wait_dma2 semaphore(%arg13 : memref<!tpu.dma_semaphore, #tpu.memory_space<semaphore_mem>>) src(%dma_wait3A_408 : memref<49920xf32, #tpu.memory_space<hbm>>) dst(%dma_wait3A_403 : memref<49920xf32, #tpu.memory_space<vmem>>)
    %mul3A_409 = arith.constant 13 : i32
    %mul3A_410 = arith.muli %select_n3A_30, %mul3A_409 : i32
    %add3A_411 = arith.constant 2 : i32
    %add3A_412 = arith.addi %mul3A_410, %add3A_411 : i32
    %mul3A_413 = arith.constant 16 : i32
    %mul3A_414 = arith.muli %add3A_412, %mul3A_413 : i32
    %add3A_415 = arith.addi %mul3A_414, %select_n3A : i32
    %mul3A_416 = arith.constant 1024 : i32
    %mul3A_417 = arith.muli %add3A_415, %mul3A_416 : i32
    %dma_wait3A_418 = arith.constant 49824 : i32
    %dma_wait3A_419 = tpu.memref_slice %arg7[%dma_wait3A_418] : memref<50848xf32, #tpu.memory_space<vmem>> -> memref<1024xf32, #tpu.memory_space<vmem>>
    %dma_wait3A_420 = tpu.memref_slice %arg4[%mul3A_417] : memref<425984xf32, #tpu.memory_space<hbm>> -> memref<1024xf32, #tpu.memory_space<hbm>>
    %dma_wait3A_421 = arith.constant 49824 : i32
    %dma_wait3A_422 = tpu.memref_slice %arg7[%dma_wait3A_421] : memref<50848xf32, #tpu.memory_space<vmem>> -> memref<1024xf32, #tpu.memory_space<vmem>>
    %dma_wait3A_423 = tpu.memref_slice %arg4[%mul3A_417] : memref<425984xf32, #tpu.memory_space<hbm>> -> memref<1024xf32, #tpu.memory_space<hbm>>
    tpu.wait_dma2 semaphore(%arg14 : memref<!tpu.dma_semaphore, #tpu.memory_space<semaphore_mem>>) src(%dma_wait3A_423 : memref<1024xf32, #tpu.memory_space<hbm>>) dst(%dma_wait3A_422 : memref<1024xf32, #tpu.memory_space<vmem>>)
    %mul3A_424 = arith.constant 13 : i32
    %mul3A_425 = arith.muli %select_n3A_30, %mul3A_424 : i32
    %add3A_426 = arith.constant 3 : i32
    %add3A_427 = arith.addi %mul3A_425, %add3A_426 : i32
    %mul3A_428 = arith.constant 16 : i32
    %mul3A_429 = arith.muli %add3A_427, %mul3A_428 : i32
    %add3A_430 = arith.addi %mul3A_429, %select_n3A : i32
    %dma_start3A_431 = arith.constant 0 : i32
    %dma_start3A_432 = tpu.memref_slice %arg3[%add3A_430, %dma_start3A_431] : memref<416x100000xf32, #tpu.memory_space<hbm>> -> memref<1x100000xf32, #tpu.memory_space<hbm>>
    %dma_start3A_433 = tpu.memref_squeeze %dma_start3A_432 : memref<1x100000xf32, #tpu.memory_space<hbm>> -> memref<100000xf32, #tpu.memory_space<hbm>>
    %dma_start3A_434 = arith.constant 0 : i32
    %dma_start3A_435 = tpu.memref_slice %dma_start3A_433[%dma_start3A_434] : memref<100000xf32, #tpu.memory_space<hbm>> -> memref<49920xf32, #tpu.memory_space<hbm>>
    %dma_start3A_436 = arith.constant 0 : i32
    %dma_start3A_437 = tpu.memref_slice %arg3[%add3A_430, %dma_start3A_436] : memref<416x100000xf32, #tpu.memory_space<hbm>> -> memref<1x100000xf32, #tpu.memory_space<hbm>>
    %dma_start3A_438 = tpu.memref_squeeze %dma_start3A_437 : memref<1x100000xf32, #tpu.memory_space<hbm>> -> memref<100000xf32, #tpu.memory_space<hbm>>
    %dma_start3A_439 = arith.constant 0 : i32
    %dma_start3A_440 = tpu.memref_slice %dma_start3A_438[%dma_start3A_439] : memref<100000xf32, #tpu.memory_space<hbm>> -> memref<49920xf32, #tpu.memory_space<hbm>>
    tpu.enqueue_dma source(%dma_start3A_440 : memref<49920xf32, #tpu.memory_space<hbm>>) target(%arg6 : memref<49920xf32, #tpu.memory_space<vmem>>) target_semaphore(%arg12 : memref<!tpu.dma_semaphore, #tpu.memory_space<semaphore_mem>>)
    %mul3A_441 = arith.constant 13 : i32
    %mul3A_442 = arith.muli %select_n3A_30, %mul3A_441 : i32
    %add3A_443 = arith.constant 3 : i32
    %add3A_444 = arith.addi %mul3A_442, %add3A_443 : i32
    %mul3A_445 = arith.constant 4096 : i32
    %mul3A_446 = arith.muli %add3A_444, %mul3A_445 : i32
    %dma_start3A_447 = tpu.memref_slice %arg2[%mul3A_446] : memref<106496xi32, #tpu.memory_space<hbm>> -> memref<4096xi32, #tpu.memory_space<hbm>>
    %dma_start3A_448 = tpu.memref_slice %arg2[%mul3A_446] : memref<106496xi32, #tpu.memory_space<hbm>> -> memref<4096xi32, #tpu.memory_space<hbm>>
    tpu.enqueue_dma source(%dma_start3A_448 : memref<4096xi32, #tpu.memory_space<hbm>>) target(%arg9 : memref<4096xi32, #tpu.memory_space<vmem>>) target_semaphore(%arg15 : memref<!tpu.dma_semaphore, #tpu.memory_space<semaphore_mem>>)
    %scan3A_449 = arith.constant 0 : i32
    %scan3A_450 = arith.constant 0 : i32
    %scan3A_451 = arith.constant 256 : i32
    %scan3A_452 = arith.addi %scan3A_450, %scan3A_451 : i32
    %scan3A_453 = arith.constant 1 : i32
    scf.for %scan3A_1777 = %scan3A_450 to %scan3A_452 step %scan3A_453  : i32 {
      %mul3A_1778 = arith.constant 16 : i32
      %mul3A_1779 = arith.muli %scan3A_1777, %mul3A_1778 : i32
      %get3A = arith.index_cast %mul3A_1779 : i32 to index
      %get3A_1780 = tpu.vector_load %arg8[%get3A] {strides = array<i32>} : memref<4096xi32, #tpu.memory_space<vmem>>, vector<16xi32>,
      %sub3A_1781 = arith.constant 49920 : i32
      %sub3A_1782 = vector.broadcast %sub3A_1781 : i32 to vector<16xi32>
      %sub3A_1783 = arith.subi %get3A_1780, %sub3A_1782 : vector<16xi32>
      %ge3A = arith.constant 0 : i32
      %ge3A_1784 = vector.broadcast %ge3A : i32 to vector<16xi32>
      %ge3A_1785 = arith.cmpi sge, %sub3A_1783, %ge3A_1784 : vector<16xi32>
      %lt3A_1786 = arith.constant 50080 : i32
      %lt3A_1787 = vector.broadcast %lt3A_1786 : i32 to vector<16xi32>
      %lt3A_1788 = arith.cmpi slt, %sub3A_1783, %lt3A_1787 : vector<16xi32>
      %and3A_1789 = arith.andi %ge3A_1785, %lt3A_1788 : vector<16xi1>
      %jit3A_1790 = arith.constant 0 : i32
      %broadcast_in_dim3A = vector.broadcast %jit3A_1790 : i32 to vector<16xi32>
      %select_n3A_1791 = arith.select %and3A_1789, %sub3A_1783, %broadcast_in_dim3A : vector<16xi1>, vector<16xi32>
      %gather3A = tpu.vector_load_idx %arg7[%select_n3A_1791] : memref<50848xf32, #tpu.memory_space<vmem>>[vector<16xi32>], vector<16xf32>,
      %broadcast_in_dim3A_1792 = arith.constant 0.000000e+00 : f32
      %broadcast_in_dim3A_1793 = vector.broadcast %broadcast_in_dim3A_1792 : f32 to vector<16xf32>
      %select_n3A_1794 = arith.select %and3A_1789, %gather3A, %broadcast_in_dim3A_1793 : vector<16xi1>, vector<16xf32>
      %get3A_1795 = arith.index_cast %mul3A_1779 : i32 to index
      %get3A_1796 = tpu.vector_load %arg10[%get3A_1795] {strides = array<i32>} : memref<4096xf32, #tpu.memory_space<vmem>>, vector<16xf32>,
      %add3A_1797 = arith.addf %get3A_1796, %select_n3A_1794 : vector<16xf32>
      %swap3A = arith.index_cast %mul3A_1779 : i32 to index
      %swap3A_1798 = tpu.vector_load %arg10[%swap3A] {strides = array<i32>} : memref<4096xf32, #tpu.memory_space<vmem>>, vector<16xf32>,
      tpu.vector_store %arg10[%swap3A], %add3A_1797 {strides = array<i32>} : memref<4096xf32, #tpu.memory_space<vmem>>, vector<16xf32>,
      %get3A_1799 = arith.index_cast %mul3A_1779 : i32 to index
      %get3A_1800 = tpu.vector_load %arg11[%get3A_1799] {strides = array<i32>} : memref<4096xf32, #tpu.memory_space<vmem>>, vector<16xf32>,
      %mul3A_1801 = arith.mulf %select_n3A_1794, %select_n3A_1794 : vector<16xf32>
      %add3A_1802 = arith.addf %get3A_1800, %mul3A_1801 : vector<16xf32>
      %swap3A_1803 = arith.index_cast %mul3A_1779 : i32 to index
      %swap3A_1804 = tpu.vector_load %arg11[%swap3A_1803] {strides = array<i32>} : memref<4096xf32, #tpu.memory_space<vmem>>, vector<16xf32>,
      tpu.vector_store %arg11[%swap3A_1803], %add3A_1802 {strides = array<i32>} : memref<4096xf32, #tpu.memory_space<vmem>>, vector<16xf32>,
    }
    %scan3A_454 = arith.constant 256 : i32
    %mul3A_455 = arith.constant 13 : i32
    %mul3A_456 = arith.muli %select_n3A_30, %mul3A_455 : i32
    %add3A_457 = arith.constant 3 : i32
    %add3A_458 = arith.addi %mul3A_456, %add3A_457 : i32
    %mul3A_459 = arith.constant 4096 : i32
    %mul3A_460 = arith.muli %add3A_458, %mul3A_459 : i32
    %dma_wait3A_461 = tpu.memref_slice %arg2[%mul3A_460] : memref<106496xi32, #tpu.memory_space<hbm>> -> memref<4096xi32, #tpu.memory_space<hbm>>
    %dma_wait3A_462 = tpu.memref_slice %arg2[%mul3A_460] : memref<106496xi32, #tpu.memory_space<hbm>> -> memref<4096xi32, #tpu.memory_space<hbm>>
    tpu.wait_dma2 semaphore(%arg15 : memref<!tpu.dma_semaphore, #tpu.memory_space<semaphore_mem>>) src(%dma_wait3A_462 : memref<4096xi32, #tpu.memory_space<hbm>>) dst(%arg9 : memref<4096xi32, #tpu.memory_space<vmem>>)
    %mul3A_463 = arith.constant 13 : i32
    %mul3A_464 = arith.muli %select_n3A_30, %mul3A_463 : i32
    %add3A_465 = arith.constant 3 : i32
    %add3A_466 = arith.addi %mul3A_464, %add3A_465 : i32
    %mul3A_467 = arith.constant 16 : i32
    %mul3A_468 = arith.muli %add3A_466, %mul3A_467 : i32
    %add3A_469 = arith.addi %mul3A_468, %select_n3A : i32
    %dma_wait3A_470 = arith.constant 0 : i32
    %dma_wait3A_471 = tpu.memref_slice %arg3[%add3A_469, %dma_wait3A_470] : memref<416x100000xf32, #tpu.memory_space<hbm>> -> memref<1x100000xf32, #tpu.memory_space<hbm>>
    %dma_wait3A_472 = tpu.memref_squeeze %dma_wait3A_471 : memref<1x100000xf32, #tpu.memory_space<hbm>> -> memref<100000xf32, #tpu.memory_space<hbm>>
    %dma_wait3A_473 = arith.constant 0 : i32
    %dma_wait3A_474 = tpu.memref_slice %dma_wait3A_472[%dma_wait3A_473] : memref<100000xf32, #tpu.memory_space<hbm>> -> memref<49920xf32, #tpu.memory_space<hbm>>
    %dma_wait3A_475 = arith.constant 0 : i32
    %dma_wait3A_476 = tpu.memref_slice %arg3[%add3A_469, %dma_wait3A_475] : memref<416x100000xf32, #tpu.memory_space<hbm>> -> memref<1x100000xf32, #tpu.memory_space<hbm>>
    %dma_wait3A_477 = tpu.memref_squeeze %dma_wait3A_476 : memref<1x100000xf32, #tpu.memory_space<hbm>> -> memref<100000xf32, #tpu.memory_space<hbm>>
    %dma_wait3A_478 = arith.constant 0 : i32
    %dma_wait3A_479 = tpu.memref_slice %dma_wait3A_477[%dma_wait3A_478] : memref<100000xf32, #tpu.memory_space<hbm>> -> memref<49920xf32, #tpu.memory_space<hbm>>
    tpu.wait_dma2 semaphore(%arg12 : memref<!tpu.dma_semaphore, #tpu.memory_space<semaphore_mem>>) src(%dma_wait3A_479 : memref<49920xf32, #tpu.memory_space<hbm>>) dst(%arg6 : memref<49920xf32, #tpu.memory_space<vmem>>)
    %mul3A_480 = arith.constant 13 : i32
    %mul3A_481 = arith.muli %select_n3A_30, %mul3A_480 : i32
    %add3A_482 = arith.constant 3 : i32
    %add3A_483 = arith.addi %mul3A_481, %add3A_482 : i32
    %mul3A_484 = arith.constant 16 : i32
    %mul3A_485 = arith.muli %add3A_483, %mul3A_484 : i32
    %add3A_486 = arith.addi %mul3A_485, %select_n3A : i32
    %dma_start3A_487 = arith.constant 0 : i32
    %dma_start3A_488 = tpu.memref_slice %arg7[%dma_start3A_487] : memref<50848xf32, #tpu.memory_space<vmem>> -> memref<49920xf32, #tpu.memory_space<vmem>>
    %dma_start3A_489 = arith.constant 0 : i32
    %dma_start3A_490 = tpu.memref_slice %arg3[%add3A_486, %dma_start3A_489] : memref<416x100000xf32, #tpu.memory_space<hbm>> -> memref<1x100000xf32, #tpu.memory_space<hbm>>
    %dma_start3A_491 = tpu.memref_squeeze %dma_start3A_490 : memref<1x100000xf32, #tpu.memory_space<hbm>> -> memref<100000xf32, #tpu.memory_space<hbm>>
    %dma_start3A_492 = arith.constant 49920 : i32
    %dma_start3A_493 = tpu.memref_slice %dma_start3A_491[%dma_start3A_492] : memref<100000xf32, #tpu.memory_space<hbm>> -> memref<49920xf32, #tpu.memory_space<hbm>>
    %dma_start3A_494 = arith.constant 0 : i32
    %dma_start3A_495 = tpu.memref_slice %arg7[%dma_start3A_494] : memref<50848xf32, #tpu.memory_space<vmem>> -> memref<49920xf32, #tpu.memory_space<vmem>>
    %dma_start3A_496 = arith.constant 0 : i32
    %dma_start3A_497 = tpu.memref_slice %arg3[%add3A_486, %dma_start3A_496] : memref<416x100000xf32, #tpu.memory_space<hbm>> -> memref<1x100000xf32, #tpu.memory_space<hbm>>
    %dma_start3A_498 = tpu.memref_squeeze %dma_start3A_497 : memref<1x100000xf32, #tpu.memory_space<hbm>> -> memref<100000xf32, #tpu.memory_space<hbm>>
    %dma_start3A_499 = arith.constant 49920 : i32
    %dma_start3A_500 = tpu.memref_slice %dma_start3A_498[%dma_start3A_499] : memref<100000xf32, #tpu.memory_space<hbm>> -> memref<49920xf32, #tpu.memory_space<hbm>>
    tpu.enqueue_dma source(%dma_start3A_500 : memref<49920xf32, #tpu.memory_space<hbm>>) target(%dma_start3A_495 : memref<49920xf32, #tpu.memory_space<vmem>>) target_semaphore(%arg13 : memref<!tpu.dma_semaphore, #tpu.memory_space<semaphore_mem>>)
    %mul3A_501 = arith.constant 13 : i32
    %mul3A_502 = arith.muli %select_n3A_30, %mul3A_501 : i32
    %add3A_503 = arith.constant 3 : i32
    %add3A_504 = arith.addi %mul3A_502, %add3A_503 : i32
    %mul3A_505 = arith.constant 16 : i32
    %mul3A_506 = arith.muli %add3A_504, %mul3A_505 : i32
    %add3A_507 = arith.addi %mul3A_506, %select_n3A : i32
    %mul3A_508 = arith.constant 1024 : i32
    %mul3A_509 = arith.muli %add3A_507, %mul3A_508 : i32
    %dma_start3A_510 = arith.constant 49824 : i32
    %dma_start3A_511 = tpu.memref_slice %arg7[%dma_start3A_510] : memref<50848xf32, #tpu.memory_space<vmem>> -> memref<1024xf32, #tpu.memory_space<vmem>>
    %dma_start3A_512 = tpu.memref_slice %arg4[%mul3A_509] : memref<425984xf32, #tpu.memory_space<hbm>> -> memref<1024xf32, #tpu.memory_space<hbm>>
    %dma_start3A_513 = arith.constant 49824 : i32
    %dma_start3A_514 = tpu.memref_slice %arg7[%dma_start3A_513] : memref<50848xf32, #tpu.memory_space<vmem>> -> memref<1024xf32, #tpu.memory_space<vmem>>
    %dma_start3A_515 = tpu.memref_slice %arg4[%mul3A_509] : memref<425984xf32, #tpu.memory_space<hbm>> -> memref<1024xf32, #tpu.memory_space<hbm>>
    tpu.enqueue_dma source(%dma_start3A_515 : memref<1024xf32, #tpu.memory_space<hbm>>) target(%dma_start3A_514 : memref<1024xf32, #tpu.memory_space<vmem>>) target_semaphore(%arg14 : memref<!tpu.dma_semaphore, #tpu.memory_space<semaphore_mem>>)
    %scan3A_516 = arith.constant 0 : i32
    %scan3A_517 = arith.constant 0 : i32
    %scan3A_518 = arith.constant 256 : i32
    %scan3A_519 = arith.addi %scan3A_517, %scan3A_518 : i32
    %scan3A_520 = arith.constant 1 : i32
    scf.for %scan3A_1777 = %scan3A_517 to %scan3A_519 step %scan3A_520  : i32 {
      %mul3A_1778 = arith.constant 16 : i32
      %mul3A_1779 = arith.muli %scan3A_1777, %mul3A_1778 : i32
      %get3A = arith.index_cast %mul3A_1779 : i32 to index
      %get3A_1780 = tpu.vector_load %arg9[%get3A] {strides = array<i32>} : memref<4096xi32, #tpu.memory_space<vmem>>, vector<16xi32>,
      %sub3A_1781 = arith.constant 0 : i32
      %sub3A_1782 = vector.broadcast %sub3A_1781 : i32 to vector<16xi32>
      %sub3A_1783 = arith.subi %get3A_1780, %sub3A_1782 : vector<16xi32>
      %ge3A = arith.constant 0 : i32
      %ge3A_1784 = vector.broadcast %ge3A : i32 to vector<16xi32>
      %ge3A_1785 = arith.cmpi sge, %sub3A_1783, %ge3A_1784 : vector<16xi32>
      %lt3A_1786 = arith.constant 49920 : i32
      %lt3A_1787 = vector.broadcast %lt3A_1786 : i32 to vector<16xi32>
      %lt3A_1788 = arith.cmpi slt, %sub3A_1783, %lt3A_1787 : vector<16xi32>
      %and3A_1789 = arith.andi %ge3A_1785, %lt3A_1788 : vector<16xi1>
      %jit3A_1790 = arith.constant 0 : i32
      %broadcast_in_dim3A = vector.broadcast %jit3A_1790 : i32 to vector<16xi32>
      %select_n3A_1791 = arith.select %and3A_1789, %sub3A_1783, %broadcast_in_dim3A : vector<16xi1>, vector<16xi32>
      %gather3A = tpu.vector_load_idx %arg6[%select_n3A_1791] : memref<49920xf32, #tpu.memory_space<vmem>>[vector<16xi32>], vector<16xf32>,
      %broadcast_in_dim3A_1792 = arith.constant 0.000000e+00 : f32
      %broadcast_in_dim3A_1793 = vector.broadcast %broadcast_in_dim3A_1792 : f32 to vector<16xf32>
      %select_n3A_1794 = arith.select %and3A_1789, %gather3A, %broadcast_in_dim3A_1793 : vector<16xi1>, vector<16xf32>
      %get3A_1795 = arith.index_cast %mul3A_1779 : i32 to index
      %get3A_1796 = tpu.vector_load %arg10[%get3A_1795] {strides = array<i32>} : memref<4096xf32, #tpu.memory_space<vmem>>, vector<16xf32>,
      %add3A_1797 = arith.addf %get3A_1796, %select_n3A_1794 : vector<16xf32>
      %swap3A = arith.index_cast %mul3A_1779 : i32 to index
      %swap3A_1798 = tpu.vector_load %arg10[%swap3A] {strides = array<i32>} : memref<4096xf32, #tpu.memory_space<vmem>>, vector<16xf32>,
      tpu.vector_store %arg10[%swap3A], %add3A_1797 {strides = array<i32>} : memref<4096xf32, #tpu.memory_space<vmem>>, vector<16xf32>,
      %get3A_1799 = arith.index_cast %mul3A_1779 : i32 to index
      %get3A_1800 = tpu.vector_load %arg11[%get3A_1799] {strides = array<i32>} : memref<4096xf32, #tpu.memory_space<vmem>>, vector<16xf32>,
      %mul3A_1801 = arith.mulf %select_n3A_1794, %select_n3A_1794 : vector<16xf32>
      %add3A_1802 = arith.addf %get3A_1800, %mul3A_1801 : vector<16xf32>
      %swap3A_1803 = arith.index_cast %mul3A_1779 : i32 to index
      %swap3A_1804 = tpu.vector_load %arg11[%swap3A_1803] {strides = array<i32>} : memref<4096xf32, #tpu.memory_space<vmem>>, vector<16xf32>,
      tpu.vector_store %arg11[%swap3A_1803], %add3A_1802 {strides = array<i32>} : memref<4096xf32, #tpu.memory_space<vmem>>, vector<16xf32>,
    }
    %scan3A_521 = arith.constant 256 : i32
    %mul3A_522 = arith.constant 13 : i32
    %mul3A_523 = arith.muli %select_n3A_30, %mul3A_522 : i32
    %add3A_524 = arith.constant 3 : i32
    %add3A_525 = arith.addi %mul3A_523, %add3A_524 : i32
    %mul3A_526 = arith.constant 16 : i32
    %mul3A_527 = arith.muli %add3A_525, %mul3A_526 : i32
    %add3A_528 = arith.addi %mul3A_527, %select_n3A : i32
    %dma_wait3A_529 = arith.constant 0 : i32
    %dma_wait3A_530 = tpu.memref_slice %arg7[%dma_wait3A_529] : memref<50848xf32, #tpu.memory_space<vmem>> -> memref<49920xf32, #tpu.memory_space<vmem>>
    %dma_wait3A_531 = arith.constant 0 : i32
    %dma_wait3A_532 = tpu.memref_slice %arg3[%add3A_528, %dma_wait3A_531] : memref<416x100000xf32, #tpu.memory_space<hbm>> -> memref<1x100000xf32, #tpu.memory_space<hbm>>
    %dma_wait3A_533 = tpu.memref_squeeze %dma_wait3A_532 : memref<1x100000xf32, #tpu.memory_space<hbm>> -> memref<100000xf32, #tpu.memory_space<hbm>>
    %dma_wait3A_534 = arith.constant 49920 : i32
    %dma_wait3A_535 = tpu.memref_slice %dma_wait3A_533[%dma_wait3A_534] : memref<100000xf32, #tpu.memory_space<hbm>> -> memref<49920xf32, #tpu.memory_space<hbm>>
    %dma_wait3A_536 = arith.constant 0 : i32
    %dma_wait3A_537 = tpu.memref_slice %arg7[%dma_wait3A_536] : memref<50848xf32, #tpu.memory_space<vmem>> -> memref<49920xf32, #tpu.memory_space<vmem>>
    %dma_wait3A_538 = arith.constant 0 : i32
    %dma_wait3A_539 = tpu.memref_slice %arg3[%add3A_528, %dma_wait3A_538] : memref<416x100000xf32, #tpu.memory_space<hbm>> -> memref<1x100000xf32, #tpu.memory_space<hbm>>
    %dma_wait3A_540 = tpu.memref_squeeze %dma_wait3A_539 : memref<1x100000xf32, #tpu.memory_space<hbm>> -> memref<100000xf32, #tpu.memory_space<hbm>>
    %dma_wait3A_541 = arith.constant 49920 : i32
    %dma_wait3A_542 = tpu.memref_slice %dma_wait3A_540[%dma_wait3A_541] : memref<100000xf32, #tpu.memory_space<hbm>> -> memref<49920xf32, #tpu.memory_space<hbm>>
    tpu.wait_dma2 semaphore(%arg13 : memref<!tpu.dma_semaphore, #tpu.memory_space<semaphore_mem>>) src(%dma_wait3A_542 : memref<49920xf32, #tpu.memory_space<hbm>>) dst(%dma_wait3A_537 : memref<49920xf32, #tpu.memory_space<vmem>>)
    %mul3A_543 = arith.constant 13 : i32
    %mul3A_544 = arith.muli %select_n3A_30, %mul3A_543 : i32
    %add3A_545 = arith.constant 3 : i32
    %add3A_546 = arith.addi %mul3A_544, %add3A_545 : i32
    %mul3A_547 = arith.constant 16 : i32
    %mul3A_548 = arith.muli %add3A_546, %mul3A_547 : i32
    %add3A_549 = arith.addi %mul3A_548, %select_n3A : i32
    %mul3A_550 = arith.constant 1024 : i32
    %mul3A_551 = arith.muli %add3A_549, %mul3A_550 : i32
    %dma_wait3A_552 = arith.constant 49824 : i32
    %dma_wait3A_553 = tpu.memref_slice %arg7[%dma_wait3A_552] : memref<50848xf32, #tpu.memory_space<vmem>> -> memref<1024xf32, #tpu.memory_space<vmem>>
    %dma_wait3A_554 = tpu.memref_slice %arg4[%mul3A_551] : memref<425984xf32, #tpu.memory_space<hbm>> -> memref<1024xf32, #tpu.memory_space<hbm>>
    %dma_wait3A_555 = arith.constant 49824 : i32
    %dma_wait3A_556 = tpu.memref_slice %arg7[%dma_wait3A_555] : memref<50848xf32, #tpu.memory_space<vmem>> -> memref<1024xf32, #tpu.memory_space<vmem>>
    %dma_wait3A_557 = tpu.memref_slice %arg4[%mul3A_551] : memref<425984xf32, #tpu.memory_space<hbm>> -> memref<1024xf32, #tpu.memory_space<hbm>>
    tpu.wait_dma2 semaphore(%arg14 : memref<!tpu.dma_semaphore, #tpu.memory_space<semaphore_mem>>) src(%dma_wait3A_557 : memref<1024xf32, #tpu.memory_space<hbm>>) dst(%dma_wait3A_556 : memref<1024xf32, #tpu.memory_space<vmem>>)
    %mul3A_558 = arith.constant 13 : i32
    %mul3A_559 = arith.muli %select_n3A_30, %mul3A_558 : i32
    %add3A_560 = arith.constant 4 : i32
    %add3A_561 = arith.addi %mul3A_559, %add3A_560 : i32
    %mul3A_562 = arith.constant 16 : i32
    %mul3A_563 = arith.muli %add3A_561, %mul3A_562 : i32
    %add3A_564 = arith.addi %mul3A_563, %select_n3A : i32
    %dma_start3A_565 = arith.constant 0 : i32
    %dma_start3A_566 = tpu.memref_slice %arg3[%add3A_564, %dma_start3A_565] : memref<416x100000xf32, #tpu.memory_space<hbm>> -> memref<1x100000xf32, #tpu.memory_space<hbm>>
    %dma_start3A_567 = tpu.memref_squeeze %dma_start3A_566 : memref<1x100000xf32, #tpu.memory_space<hbm>> -> memref<100000xf32, #tpu.memory_space<hbm>>
    %dma_start3A_568 = arith.constant 0 : i32
    %dma_start3A_569 = tpu.memref_slice %dma_start3A_567[%dma_start3A_568] : memref<100000xf32, #tpu.memory_space<hbm>> -> memref<49920xf32, #tpu.memory_space<hbm>>
    %dma_start3A_570 = arith.constant 0 : i32
    %dma_start3A_571 = tpu.memref_slice %arg3[%add3A_564, %dma_start3A_570] : memref<416x100000xf32, #tpu.memory_space<hbm>> -> memref<1x100000xf32, #tpu.memory_space<hbm>>
    %dma_start3A_572 = tpu.memref_squeeze %dma_start3A_571 : memref<1x100000xf32, #tpu.memory_space<hbm>> -> memref<100000xf32, #tpu.memory_space<hbm>>
    %dma_start3A_573 = arith.constant 0 : i32
    %dma_start3A_574 = tpu.memref_slice %dma_start3A_572[%dma_start3A_573] : memref<100000xf32, #tpu.memory_space<hbm>> -> memref<49920xf32, #tpu.memory_space<hbm>>
    tpu.enqueue_dma source(%dma_start3A_574 : memref<49920xf32, #tpu.memory_space<hbm>>) target(%arg6 : memref<49920xf32, #tpu.memory_space<vmem>>) target_semaphore(%arg12 : memref<!tpu.dma_semaphore, #tpu.memory_space<semaphore_mem>>)
    %mul3A_575 = arith.constant 13 : i32
    %mul3A_576 = arith.muli %select_n3A_30, %mul3A_575 : i32
    %add3A_577 = arith.constant 4 : i32
    %add3A_578 = arith.addi %mul3A_576, %add3A_577 : i32
    %mul3A_579 = arith.constant 4096 : i32
    %mul3A_580 = arith.muli %add3A_578, %mul3A_579 : i32
    %dma_start3A_581 = tpu.memref_slice %arg2[%mul3A_580] : memref<106496xi32, #tpu.memory_space<hbm>> -> memref<4096xi32, #tpu.memory_space<hbm>>
    %dma_start3A_582 = tpu.memref_slice %arg2[%mul3A_580] : memref<106496xi32, #tpu.memory_space<hbm>> -> memref<4096xi32, #tpu.memory_space<hbm>>
    tpu.enqueue_dma source(%dma_start3A_582 : memref<4096xi32, #tpu.memory_space<hbm>>) target(%arg8 : memref<4096xi32, #tpu.memory_space<vmem>>) target_semaphore(%arg15 : memref<!tpu.dma_semaphore, #tpu.memory_space<semaphore_mem>>)
    %scan3A_583 = arith.constant 0 : i32
    %scan3A_584 = arith.constant 0 : i32
    %scan3A_585 = arith.constant 256 : i32
    %scan3A_586 = arith.addi %scan3A_584, %scan3A_585 : i32
    %scan3A_587 = arith.constant 1 : i32
    scf.for %scan3A_1777 = %scan3A_584 to %scan3A_586 step %scan3A_587  : i32 {
      %mul3A_1778 = arith.constant 16 : i32
      %mul3A_1779 = arith.muli %scan3A_1777, %mul3A_1778 : i32
      %get3A = arith.index_cast %mul3A_1779 : i32 to index
      %get3A_1780 = tpu.vector_load %arg9[%get3A] {strides = array<i32>} : memref<4096xi32, #tpu.memory_space<vmem>>, vector<16xi32>,
      %sub3A_1781 = arith.constant 49920 : i32
      %sub3A_1782 = vector.broadcast %sub3A_1781 : i32 to vector<16xi32>
      %sub3A_1783 = arith.subi %get3A_1780, %sub3A_1782 : vector<16xi32>
      %ge3A = arith.constant 0 : i32
      %ge3A_1784 = vector.broadcast %ge3A : i32 to vector<16xi32>
      %ge3A_1785 = arith.cmpi sge, %sub3A_1783, %ge3A_1784 : vector<16xi32>
      %lt3A_1786 = arith.constant 50080 : i32
      %lt3A_1787 = vector.broadcast %lt3A_1786 : i32 to vector<16xi32>
      %lt3A_1788 = arith.cmpi slt, %sub3A_1783, %lt3A_1787 : vector<16xi32>
      %and3A_1789 = arith.andi %ge3A_1785, %lt3A_1788 : vector<16xi1>
      %jit3A_1790 = arith.constant 0 : i32
      %broadcast_in_dim3A = vector.broadcast %jit3A_1790 : i32 to vector<16xi32>
      %select_n3A_1791 = arith.select %and3A_1789, %sub3A_1783, %broadcast_in_dim3A : vector<16xi1>, vector<16xi32>
      %gather3A = tpu.vector_load_idx %arg7[%select_n3A_1791] : memref<50848xf32, #tpu.memory_space<vmem>>[vector<16xi32>], vector<16xf32>,
      %broadcast_in_dim3A_1792 = arith.constant 0.000000e+00 : f32
      %broadcast_in_dim3A_1793 = vector.broadcast %broadcast_in_dim3A_1792 : f32 to vector<16xf32>
      %select_n3A_1794 = arith.select %and3A_1789, %gather3A, %broadcast_in_dim3A_1793 : vector<16xi1>, vector<16xf32>
      %get3A_1795 = arith.index_cast %mul3A_1779 : i32 to index
      %get3A_1796 = tpu.vector_load %arg10[%get3A_1795] {strides = array<i32>} : memref<4096xf32, #tpu.memory_space<vmem>>, vector<16xf32>,
      %add3A_1797 = arith.addf %get3A_1796, %select_n3A_1794 : vector<16xf32>
      %swap3A = arith.index_cast %mul3A_1779 : i32 to index
      %swap3A_1798 = tpu.vector_load %arg10[%swap3A] {strides = array<i32>} : memref<4096xf32, #tpu.memory_space<vmem>>, vector<16xf32>,
      tpu.vector_store %arg10[%swap3A], %add3A_1797 {strides = array<i32>} : memref<4096xf32, #tpu.memory_space<vmem>>, vector<16xf32>,
      %get3A_1799 = arith.index_cast %mul3A_1779 : i32 to index
      %get3A_1800 = tpu.vector_load %arg11[%get3A_1799] {strides = array<i32>} : memref<4096xf32, #tpu.memory_space<vmem>>, vector<16xf32>,
      %mul3A_1801 = arith.mulf %select_n3A_1794, %select_n3A_1794 : vector<16xf32>
      %add3A_1802 = arith.addf %get3A_1800, %mul3A_1801 : vector<16xf32>
      %swap3A_1803 = arith.index_cast %mul3A_1779 : i32 to index
      %swap3A_1804 = tpu.vector_load %arg11[%swap3A_1803] {strides = array<i32>} : memref<4096xf32, #tpu.memory_space<vmem>>, vector<16xf32>,
      tpu.vector_store %arg11[%swap3A_1803], %add3A_1802 {strides = array<i32>} : memref<4096xf32, #tpu.memory_space<vmem>>, vector<16xf32>,
    }
    %scan3A_588 = arith.constant 256 : i32
    %mul3A_589 = arith.constant 13 : i32
    %mul3A_590 = arith.muli %select_n3A_30, %mul3A_589 : i32
    %add3A_591 = arith.constant 4 : i32
    %add3A_592 = arith.addi %mul3A_590, %add3A_591 : i32
    %mul3A_593 = arith.constant 4096 : i32
    %mul3A_594 = arith.muli %add3A_592, %mul3A_593 : i32
    %dma_wait3A_595 = tpu.memref_slice %arg2[%mul3A_594] : memref<106496xi32, #tpu.memory_space<hbm>> -> memref<4096xi32, #tpu.memory_space<hbm>>
    %dma_wait3A_596 = tpu.memref_slice %arg2[%mul3A_594] : memref<106496xi32, #tpu.memory_space<hbm>> -> memref<4096xi32, #tpu.memory_space<hbm>>
    tpu.wait_dma2 semaphore(%arg15 : memref<!tpu.dma_semaphore, #tpu.memory_space<semaphore_mem>>) src(%dma_wait3A_596 : memref<4096xi32, #tpu.memory_space<hbm>>) dst(%arg8 : memref<4096xi32, #tpu.memory_space<vmem>>)
    %mul3A_597 = arith.constant 13 : i32
    %mul3A_598 = arith.muli %select_n3A_30, %mul3A_597 : i32
    %add3A_599 = arith.constant 4 : i32
    %add3A_600 = arith.addi %mul3A_598, %add3A_599 : i32
    %mul3A_601 = arith.constant 16 : i32
    %mul3A_602 = arith.muli %add3A_600, %mul3A_601 : i32
    %add3A_603 = arith.addi %mul3A_602, %select_n3A : i32
    %dma_wait3A_604 = arith.constant 0 : i32
    %dma_wait3A_605 = tpu.memref_slice %arg3[%add3A_603, %dma_wait3A_604] : memref<416x100000xf32, #tpu.memory_space<hbm>> -> memref<1x100000xf32, #tpu.memory_space<hbm>>
    %dma_wait3A_606 = tpu.memref_squeeze %dma_wait3A_605 : memref<1x100000xf32, #tpu.memory_space<hbm>> -> memref<100000xf32, #tpu.memory_space<hbm>>
    %dma_wait3A_607 = arith.constant 0 : i32
    %dma_wait3A_608 = tpu.memref_slice %dma_wait3A_606[%dma_wait3A_607] : memref<100000xf32, #tpu.memory_space<hbm>> -> memref<49920xf32, #tpu.memory_space<hbm>>
    %dma_wait3A_609 = arith.constant 0 : i32
    %dma_wait3A_610 = tpu.memref_slice %arg3[%add3A_603, %dma_wait3A_609] : memref<416x100000xf32, #tpu.memory_space<hbm>> -> memref<1x100000xf32, #tpu.memory_space<hbm>>
    %dma_wait3A_611 = tpu.memref_squeeze %dma_wait3A_610 : memref<1x100000xf32, #tpu.memory_space<hbm>> -> memref<100000xf32, #tpu.memory_space<hbm>>
    %dma_wait3A_612 = arith.constant 0 : i32
    %dma_wait3A_613 = tpu.memref_slice %dma_wait3A_611[%dma_wait3A_612] : memref<100000xf32, #tpu.memory_space<hbm>> -> memref<49920xf32, #tpu.memory_space<hbm>>
    tpu.wait_dma2 semaphore(%arg12 : memref<!tpu.dma_semaphore, #tpu.memory_space<semaphore_mem>>) src(%dma_wait3A_613 : memref<49920xf32, #tpu.memory_space<hbm>>) dst(%arg6 : memref<49920xf32, #tpu.memory_space<vmem>>)
    %mul3A_614 = arith.constant 13 : i32
    %mul3A_615 = arith.muli %select_n3A_30, %mul3A_614 : i32
    %add3A_616 = arith.constant 4 : i32
    %add3A_617 = arith.addi %mul3A_615, %add3A_616 : i32
    %mul3A_618 = arith.constant 16 : i32
    %mul3A_619 = arith.muli %add3A_617, %mul3A_618 : i32
    %add3A_620 = arith.addi %mul3A_619, %select_n3A : i32
    %dma_start3A_621 = arith.constant 0 : i32
    %dma_start3A_622 = tpu.memref_slice %arg7[%dma_start3A_621] : memref<50848xf32, #tpu.memory_space<vmem>> -> memref<49920xf32, #tpu.memory_space<vmem>>
    %dma_start3A_623 = arith.constant 0 : i32
    %dma_start3A_624 = tpu.memref_slice %arg3[%add3A_620, %dma_start3A_623] : memref<416x100000xf32, #tpu.memory_space<hbm>> -> memref<1x100000xf32, #tpu.memory_space<hbm>>
    %dma_start3A_625 = tpu.memref_squeeze %dma_start3A_624 : memref<1x100000xf32, #tpu.memory_space<hbm>> -> memref<100000xf32, #tpu.memory_space<hbm>>
    %dma_start3A_626 = arith.constant 49920 : i32
    %dma_start3A_627 = tpu.memref_slice %dma_start3A_625[%dma_start3A_626] : memref<100000xf32, #tpu.memory_space<hbm>> -> memref<49920xf32, #tpu.memory_space<hbm>>
    %dma_start3A_628 = arith.constant 0 : i32
    %dma_start3A_629 = tpu.memref_slice %arg7[%dma_start3A_628] : memref<50848xf32, #tpu.memory_space<vmem>> -> memref<49920xf32, #tpu.memory_space<vmem>>
    %dma_start3A_630 = arith.constant 0 : i32
    %dma_start3A_631 = tpu.memref_slice %arg3[%add3A_620, %dma_start3A_630] : memref<416x100000xf32, #tpu.memory_space<hbm>> -> memref<1x100000xf32, #tpu.memory_space<hbm>>
    %dma_start3A_632 = tpu.memref_squeeze %dma_start3A_631 : memref<1x100000xf32, #tpu.memory_space<hbm>> -> memref<100000xf32, #tpu.memory_space<hbm>>
    %dma_start3A_633 = arith.constant 49920 : i32
    %dma_start3A_634 = tpu.memref_slice %dma_start3A_632[%dma_start3A_633] : memref<100000xf32, #tpu.memory_space<hbm>> -> memref<49920xf32, #tpu.memory_space<hbm>>
    tpu.enqueue_dma source(%dma_start3A_634 : memref<49920xf32, #tpu.memory_space<hbm>>) target(%dma_start3A_629 : memref<49920xf32, #tpu.memory_space<vmem>>) target_semaphore(%arg13 : memref<!tpu.dma_semaphore, #tpu.memory_space<semaphore_mem>>)
    %mul3A_635 = arith.constant 13 : i32
    %mul3A_636 = arith.muli %select_n3A_30, %mul3A_635 : i32
    %add3A_637 = arith.constant 4 : i32
    %add3A_638 = arith.addi %mul3A_636, %add3A_637 : i32
    %mul3A_639 = arith.constant 16 : i32
    %mul3A_640 = arith.muli %add3A_638, %mul3A_639 : i32
    %add3A_641 = arith.addi %mul3A_640, %select_n3A : i32
    %mul3A_642 = arith.constant 1024 : i32
    %mul3A_643 = arith.muli %add3A_641, %mul3A_642 : i32
    %dma_start3A_644 = arith.constant 49824 : i32
    %dma_start3A_645 = tpu.memref_slice %arg7[%dma_start3A_644] : memref<50848xf32, #tpu.memory_space<vmem>> -> memref<1024xf32, #tpu.memory_space<vmem>>
    %dma_start3A_646 = tpu.memref_slice %arg4[%mul3A_643] : memref<425984xf32, #tpu.memory_space<hbm>> -> memref<1024xf32, #tpu.memory_space<hbm>>
    %dma_start3A_647 = arith.constant 49824 : i32
    %dma_start3A_648 = tpu.memref_slice %arg7[%dma_start3A_647] : memref<50848xf32, #tpu.memory_space<vmem>> -> memref<1024xf32, #tpu.memory_space<vmem>>
    %dma_start3A_649 = tpu.memref_slice %arg4[%mul3A_643] : memref<425984xf32, #tpu.memory_space<hbm>> -> memref<1024xf32, #tpu.memory_space<hbm>>
    tpu.enqueue_dma source(%dma_start3A_649 : memref<1024xf32, #tpu.memory_space<hbm>>) target(%dma_start3A_648 : memref<1024xf32, #tpu.memory_space<vmem>>) target_semaphore(%arg14 : memref<!tpu.dma_semaphore, #tpu.memory_space<semaphore_mem>>)
    %scan3A_650 = arith.constant 0 : i32
    %scan3A_651 = arith.constant 0 : i32
    %scan3A_652 = arith.constant 256 : i32
    %scan3A_653 = arith.addi %scan3A_651, %scan3A_652 : i32
    %scan3A_654 = arith.constant 1 : i32
    scf.for %scan3A_1777 = %scan3A_651 to %scan3A_653 step %scan3A_654  : i32 {
      %mul3A_1778 = arith.constant 16 : i32
      %mul3A_1779 = arith.muli %scan3A_1777, %mul3A_1778 : i32
      %get3A = arith.index_cast %mul3A_1779 : i32 to index
      %get3A_1780 = tpu.vector_load %arg8[%get3A] {strides = array<i32>} : memref<4096xi32, #tpu.memory_space<vmem>>, vector<16xi32>,
      %sub3A_1781 = arith.constant 0 : i32
      %sub3A_1782 = vector.broadcast %sub3A_1781 : i32 to vector<16xi32>
      %sub3A_1783 = arith.subi %get3A_1780, %sub3A_1782 : vector<16xi32>
      %ge3A = arith.constant 0 : i32
      %ge3A_1784 = vector.broadcast %ge3A : i32 to vector<16xi32>
      %ge3A_1785 = arith.cmpi sge, %sub3A_1783, %ge3A_1784 : vector<16xi32>
      %lt3A_1786 = arith.constant 49920 : i32
      %lt3A_1787 = vector.broadcast %lt3A_1786 : i32 to vector<16xi32>
      %lt3A_1788 = arith.cmpi slt, %sub3A_1783, %lt3A_1787 : vector<16xi32>
      %and3A_1789 = arith.andi %ge3A_1785, %lt3A_1788 : vector<16xi1>
      %jit3A_1790 = arith.constant 0 : i32
      %broadcast_in_dim3A = vector.broadcast %jit3A_1790 : i32 to vector<16xi32>
      %select_n3A_1791 = arith.select %and3A_1789, %sub3A_1783, %broadcast_in_dim3A : vector<16xi1>, vector<16xi32>
      %gather3A = tpu.vector_load_idx %arg6[%select_n3A_1791] : memref<49920xf32, #tpu.memory_space<vmem>>[vector<16xi32>], vector<16xf32>,
      %broadcast_in_dim3A_1792 = arith.constant 0.000000e+00 : f32
      %broadcast_in_dim3A_1793 = vector.broadcast %broadcast_in_dim3A_1792 : f32 to vector<16xf32>
      %select_n3A_1794 = arith.select %and3A_1789, %gather3A, %broadcast_in_dim3A_1793 : vector<16xi1>, vector<16xf32>
      %get3A_1795 = arith.index_cast %mul3A_1779 : i32 to index
      %get3A_1796 = tpu.vector_load %arg10[%get3A_1795] {strides = array<i32>} : memref<4096xf32, #tpu.memory_space<vmem>>, vector<16xf32>,
      %add3A_1797 = arith.addf %get3A_1796, %select_n3A_1794 : vector<16xf32>
      %swap3A = arith.index_cast %mul3A_1779 : i32 to index
      %swap3A_1798 = tpu.vector_load %arg10[%swap3A] {strides = array<i32>} : memref<4096xf32, #tpu.memory_space<vmem>>, vector<16xf32>,
      tpu.vector_store %arg10[%swap3A], %add3A_1797 {strides = array<i32>} : memref<4096xf32, #tpu.memory_space<vmem>>, vector<16xf32>,
      %get3A_1799 = arith.index_cast %mul3A_1779 : i32 to index
      %get3A_1800 = tpu.vector_load %arg11[%get3A_1799] {strides = array<i32>} : memref<4096xf32, #tpu.memory_space<vmem>>, vector<16xf32>,
      %mul3A_1801 = arith.mulf %select_n3A_1794, %select_n3A_1794 : vector<16xf32>
      %add3A_1802 = arith.addf %get3A_1800, %mul3A_1801 : vector<16xf32>
      %swap3A_1803 = arith.index_cast %mul3A_1779 : i32 to index
      %swap3A_1804 = tpu.vector_load %arg11[%swap3A_1803] {strides = array<i32>} : memref<4096xf32, #tpu.memory_space<vmem>>, vector<16xf32>,
      tpu.vector_store %arg11[%swap3A_1803], %add3A_1802 {strides = array<i32>} : memref<4096xf32, #tpu.memory_space<vmem>>, vector<16xf32>,
    }
    %scan3A_655 = arith.constant 256 : i32
    %mul3A_656 = arith.constant 13 : i32
    %mul3A_657 = arith.muli %select_n3A_30, %mul3A_656 : i32
    %add3A_658 = arith.constant 4 : i32
    %add3A_659 = arith.addi %mul3A_657, %add3A_658 : i32
    %mul3A_660 = arith.constant 16 : i32
    %mul3A_661 = arith.muli %add3A_659, %mul3A_660 : i32
    %add3A_662 = arith.addi %mul3A_661, %select_n3A : i32
    %dma_wait3A_663 = arith.constant 0 : i32
    %dma_wait3A_664 = tpu.memref_slice %arg7[%dma_wait3A_663] : memref<50848xf32, #tpu.memory_space<vmem>> -> memref<49920xf32, #tpu.memory_space<vmem>>
    %dma_wait3A_665 = arith.constant 0 : i32
    %dma_wait3A_666 = tpu.memref_slice %arg3[%add3A_662, %dma_wait3A_665] : memref<416x100000xf32, #tpu.memory_space<hbm>> -> memref<1x100000xf32, #tpu.memory_space<hbm>>
    %dma_wait3A_667 = tpu.memref_squeeze %dma_wait3A_666 : memref<1x100000xf32, #tpu.memory_space<hbm>> -> memref<100000xf32, #tpu.memory_space<hbm>>
    %dma_wait3A_668 = arith.constant 49920 : i32
    %dma_wait3A_669 = tpu.memref_slice %dma_wait3A_667[%dma_wait3A_668] : memref<100000xf32, #tpu.memory_space<hbm>> -> memref<49920xf32, #tpu.memory_space<hbm>>
    %dma_wait3A_670 = arith.constant 0 : i32
    %dma_wait3A_671 = tpu.memref_slice %arg7[%dma_wait3A_670] : memref<50848xf32, #tpu.memory_space<vmem>> -> memref<49920xf32, #tpu.memory_space<vmem>>
    %dma_wait3A_672 = arith.constant 0 : i32
    %dma_wait3A_673 = tpu.memref_slice %arg3[%add3A_662, %dma_wait3A_672] : memref<416x100000xf32, #tpu.memory_space<hbm>> -> memref<1x100000xf32, #tpu.memory_space<hbm>>
    %dma_wait3A_674 = tpu.memref_squeeze %dma_wait3A_673 : memref<1x100000xf32, #tpu.memory_space<hbm>> -> memref<100000xf32, #tpu.memory_space<hbm>>
    %dma_wait3A_675 = arith.constant 49920 : i32
    %dma_wait3A_676 = tpu.memref_slice %dma_wait3A_674[%dma_wait3A_675] : memref<100000xf32, #tpu.memory_space<hbm>> -> memref<49920xf32, #tpu.memory_space<hbm>>
    tpu.wait_dma2 semaphore(%arg13 : memref<!tpu.dma_semaphore, #tpu.memory_space<semaphore_mem>>) src(%dma_wait3A_676 : memref<49920xf32, #tpu.memory_space<hbm>>) dst(%dma_wait3A_671 : memref<49920xf32, #tpu.memory_space<vmem>>)
    %mul3A_677 = arith.constant 13 : i32
    %mul3A_678 = arith.muli %select_n3A_30, %mul3A_677 : i32
    %add3A_679 = arith.constant 4 : i32
    %add3A_680 = arith.addi %mul3A_678, %add3A_679 : i32
    %mul3A_681 = arith.constant 16 : i32
    %mul3A_682 = arith.muli %add3A_680, %mul3A_681 : i32
    %add3A_683 = arith.addi %mul3A_682, %select_n3A : i32
    %mul3A_684 = arith.constant 1024 : i32
    %mul3A_685 = arith.muli %add3A_683, %mul3A_684 : i32
    %dma_wait3A_686 = arith.constant 49824 : i32
    %dma_wait3A_687 = tpu.memref_slice %arg7[%dma_wait3A_686] : memref<50848xf32, #tpu.memory_space<vmem>> -> memref<1024xf32, #tpu.memory_space<vmem>>
    %dma_wait3A_688 = tpu.memref_slice %arg4[%mul3A_685] : memref<425984xf32, #tpu.memory_space<hbm>> -> memref<1024xf32, #tpu.memory_space<hbm>>
    %dma_wait3A_689 = arith.constant 49824 : i32
    %dma_wait3A_690 = tpu.memref_slice %arg7[%dma_wait3A_689] : memref<50848xf32, #tpu.memory_space<vmem>> -> memref<1024xf32, #tpu.memory_space<vmem>>
    %dma_wait3A_691 = tpu.memref_slice %arg4[%mul3A_685] : memref<425984xf32, #tpu.memory_space<hbm>> -> memref<1024xf32, #tpu.memory_space<hbm>>
    tpu.wait_dma2 semaphore(%arg14 : memref<!tpu.dma_semaphore, #tpu.memory_space<semaphore_mem>>) src(%dma_wait3A_691 : memref<1024xf32, #tpu.memory_space<hbm>>) dst(%dma_wait3A_690 : memref<1024xf32, #tpu.memory_space<vmem>>)
    %mul3A_692 = arith.constant 13 : i32
    %mul3A_693 = arith.muli %select_n3A_30, %mul3A_692 : i32
    %add3A_694 = arith.constant 5 : i32
    %add3A_695 = arith.addi %mul3A_693, %add3A_694 : i32
    %mul3A_696 = arith.constant 16 : i32
    %mul3A_697 = arith.muli %add3A_695, %mul3A_696 : i32
    %add3A_698 = arith.addi %mul3A_697, %select_n3A : i32
    %dma_start3A_699 = arith.constant 0 : i32
    %dma_start3A_700 = tpu.memref_slice %arg3[%add3A_698, %dma_start3A_699] : memref<416x100000xf32, #tpu.memory_space<hbm>> -> memref<1x100000xf32, #tpu.memory_space<hbm>>
    %dma_start3A_701 = tpu.memref_squeeze %dma_start3A_700 : memref<1x100000xf32, #tpu.memory_space<hbm>> -> memref<100000xf32, #tpu.memory_space<hbm>>
    %dma_start3A_702 = arith.constant 0 : i32
    %dma_start3A_703 = tpu.memref_slice %dma_start3A_701[%dma_start3A_702] : memref<100000xf32, #tpu.memory_space<hbm>> -> memref<49920xf32, #tpu.memory_space<hbm>>
    %dma_start3A_704 = arith.constant 0 : i32
    %dma_start3A_705 = tpu.memref_slice %arg3[%add3A_698, %dma_start3A_704] : memref<416x100000xf32, #tpu.memory_space<hbm>> -> memref<1x100000xf32, #tpu.memory_space<hbm>>
    %dma_start3A_706 = tpu.memref_squeeze %dma_start3A_705 : memref<1x100000xf32, #tpu.memory_space<hbm>> -> memref<100000xf32, #tpu.memory_space<hbm>>
    %dma_start3A_707 = arith.constant 0 : i32
    %dma_start3A_708 = tpu.memref_slice %dma_start3A_706[%dma_start3A_707] : memref<100000xf32, #tpu.memory_space<hbm>> -> memref<49920xf32, #tpu.memory_space<hbm>>
    tpu.enqueue_dma source(%dma_start3A_708 : memref<49920xf32, #tpu.memory_space<hbm>>) target(%arg6 : memref<49920xf32, #tpu.memory_space<vmem>>) target_semaphore(%arg12 : memref<!tpu.dma_semaphore, #tpu.memory_space<semaphore_mem>>)
    %mul3A_709 = arith.constant 13 : i32
    %mul3A_710 = arith.muli %select_n3A_30, %mul3A_709 : i32
    %add3A_711 = arith.constant 5 : i32
    %add3A_712 = arith.addi %mul3A_710, %add3A_711 : i32
    %mul3A_713 = arith.constant 4096 : i32
    %mul3A_714 = arith.muli %add3A_712, %mul3A_713 : i32
    %dma_start3A_715 = tpu.memref_slice %arg2[%mul3A_714] : memref<106496xi32, #tpu.memory_space<hbm>> -> memref<4096xi32, #tpu.memory_space<hbm>>
    %dma_start3A_716 = tpu.memref_slice %arg2[%mul3A_714] : memref<106496xi32, #tpu.memory_space<hbm>> -> memref<4096xi32, #tpu.memory_space<hbm>>
    tpu.enqueue_dma source(%dma_start3A_716 : memref<4096xi32, #tpu.memory_space<hbm>>) target(%arg9 : memref<4096xi32, #tpu.memory_space<vmem>>) target_semaphore(%arg15 : memref<!tpu.dma_semaphore, #tpu.memory_space<semaphore_mem>>)
    %scan3A_717 = arith.constant 0 : i32
    %scan3A_718 = arith.constant 0 : i32
    %scan3A_719 = arith.constant 256 : i32
    %scan3A_720 = arith.addi %scan3A_718, %scan3A_719 : i32
    %scan3A_721 = arith.constant 1 : i32
    scf.for %scan3A_1777 = %scan3A_718 to %scan3A_720 step %scan3A_721  : i32 {
      %mul3A_1778 = arith.constant 16 : i32
      %mul3A_1779 = arith.muli %scan3A_1777, %mul3A_1778 : i32
      %get3A = arith.index_cast %mul3A_1779 : i32 to index
      %get3A_1780 = tpu.vector_load %arg8[%get3A] {strides = array<i32>} : memref<4096xi32, #tpu.memory_space<vmem>>, vector<16xi32>,
      %sub3A_1781 = arith.constant 49920 : i32
      %sub3A_1782 = vector.broadcast %sub3A_1781 : i32 to vector<16xi32>
      %sub3A_1783 = arith.subi %get3A_1780, %sub3A_1782 : vector<16xi32>
      %ge3A = arith.constant 0 : i32
      %ge3A_1784 = vector.broadcast %ge3A : i32 to vector<16xi32>
      %ge3A_1785 = arith.cmpi sge, %sub3A_1783, %ge3A_1784 : vector<16xi32>
      %lt3A_1786 = arith.constant 50080 : i32
      %lt3A_1787 = vector.broadcast %lt3A_1786 : i32 to vector<16xi32>
      %lt3A_1788 = arith.cmpi slt, %sub3A_1783, %lt3A_1787 : vector<16xi32>
      %and3A_1789 = arith.andi %ge3A_1785, %lt3A_1788 : vector<16xi1>
      %jit3A_1790 = arith.constant 0 : i32
      %broadcast_in_dim3A = vector.broadcast %jit3A_1790 : i32 to vector<16xi32>
      %select_n3A_1791 = arith.select %and3A_1789, %sub3A_1783, %broadcast_in_dim3A : vector<16xi1>, vector<16xi32>
      %gather3A = tpu.vector_load_idx %arg7[%select_n3A_1791] : memref<50848xf32, #tpu.memory_space<vmem>>[vector<16xi32>], vector<16xf32>,
      %broadcast_in_dim3A_1792 = arith.constant 0.000000e+00 : f32
      %broadcast_in_dim3A_1793 = vector.broadcast %broadcast_in_dim3A_1792 : f32 to vector<16xf32>
      %select_n3A_1794 = arith.select %and3A_1789, %gather3A, %broadcast_in_dim3A_1793 : vector<16xi1>, vector<16xf32>
      %get3A_1795 = arith.index_cast %mul3A_1779 : i32 to index
      %get3A_1796 = tpu.vector_load %arg10[%get3A_1795] {strides = array<i32>} : memref<4096xf32, #tpu.memory_space<vmem>>, vector<16xf32>,
      %add3A_1797 = arith.addf %get3A_1796, %select_n3A_1794 : vector<16xf32>
      %swap3A = arith.index_cast %mul3A_1779 : i32 to index
      %swap3A_1798 = tpu.vector_load %arg10[%swap3A] {strides = array<i32>} : memref<4096xf32, #tpu.memory_space<vmem>>, vector<16xf32>,
      tpu.vector_store %arg10[%swap3A], %add3A_1797 {strides = array<i32>} : memref<4096xf32, #tpu.memory_space<vmem>>, vector<16xf32>,
      %get3A_1799 = arith.index_cast %mul3A_1779 : i32 to index
      %get3A_1800 = tpu.vector_load %arg11[%get3A_1799] {strides = array<i32>} : memref<4096xf32, #tpu.memory_space<vmem>>, vector<16xf32>,
      %mul3A_1801 = arith.mulf %select_n3A_1794, %select_n3A_1794 : vector<16xf32>
      %add3A_1802 = arith.addf %get3A_1800, %mul3A_1801 : vector<16xf32>
      %swap3A_1803 = arith.index_cast %mul3A_1779 : i32 to index
      %swap3A_1804 = tpu.vector_load %arg11[%swap3A_1803] {strides = array<i32>} : memref<4096xf32, #tpu.memory_space<vmem>>, vector<16xf32>,
      tpu.vector_store %arg11[%swap3A_1803], %add3A_1802 {strides = array<i32>} : memref<4096xf32, #tpu.memory_space<vmem>>, vector<16xf32>,
    }
    %scan3A_722 = arith.constant 256 : i32
    %mul3A_723 = arith.constant 13 : i32
    %mul3A_724 = arith.muli %select_n3A_30, %mul3A_723 : i32
    %add3A_725 = arith.constant 5 : i32
    %add3A_726 = arith.addi %mul3A_724, %add3A_725 : i32
    %mul3A_727 = arith.constant 4096 : i32
    %mul3A_728 = arith.muli %add3A_726, %mul3A_727 : i32
    %dma_wait3A_729 = tpu.memref_slice %arg2[%mul3A_728] : memref<106496xi32, #tpu.memory_space<hbm>> -> memref<4096xi32, #tpu.memory_space<hbm>>
    %dma_wait3A_730 = tpu.memref_slice %arg2[%mul3A_728] : memref<106496xi32, #tpu.memory_space<hbm>> -> memref<4096xi32, #tpu.memory_space<hbm>>
    tpu.wait_dma2 semaphore(%arg15 : memref<!tpu.dma_semaphore, #tpu.memory_space<semaphore_mem>>) src(%dma_wait3A_730 : memref<4096xi32, #tpu.memory_space<hbm>>) dst(%arg9 : memref<4096xi32, #tpu.memory_space<vmem>>)
    %mul3A_731 = arith.constant 13 : i32
    %mul3A_732 = arith.muli %select_n3A_30, %mul3A_731 : i32
    %add3A_733 = arith.constant 5 : i32
    %add3A_734 = arith.addi %mul3A_732, %add3A_733 : i32
    %mul3A_735 = arith.constant 16 : i32
    %mul3A_736 = arith.muli %add3A_734, %mul3A_735 : i32
    %add3A_737 = arith.addi %mul3A_736, %select_n3A : i32
    %dma_wait3A_738 = arith.constant 0 : i32
    %dma_wait3A_739 = tpu.memref_slice %arg3[%add3A_737, %dma_wait3A_738] : memref<416x100000xf32, #tpu.memory_space<hbm>> -> memref<1x100000xf32, #tpu.memory_space<hbm>>
    %dma_wait3A_740 = tpu.memref_squeeze %dma_wait3A_739 : memref<1x100000xf32, #tpu.memory_space<hbm>> -> memref<100000xf32, #tpu.memory_space<hbm>>
    %dma_wait3A_741 = arith.constant 0 : i32
    %dma_wait3A_742 = tpu.memref_slice %dma_wait3A_740[%dma_wait3A_741] : memref<100000xf32, #tpu.memory_space<hbm>> -> memref<49920xf32, #tpu.memory_space<hbm>>
    %dma_wait3A_743 = arith.constant 0 : i32
    %dma_wait3A_744 = tpu.memref_slice %arg3[%add3A_737, %dma_wait3A_743] : memref<416x100000xf32, #tpu.memory_space<hbm>> -> memref<1x100000xf32, #tpu.memory_space<hbm>>
    %dma_wait3A_745 = tpu.memref_squeeze %dma_wait3A_744 : memref<1x100000xf32, #tpu.memory_space<hbm>> -> memref<100000xf32, #tpu.memory_space<hbm>>
    %dma_wait3A_746 = arith.constant 0 : i32
    %dma_wait3A_747 = tpu.memref_slice %dma_wait3A_745[%dma_wait3A_746] : memref<100000xf32, #tpu.memory_space<hbm>> -> memref<49920xf32, #tpu.memory_space<hbm>>
    tpu.wait_dma2 semaphore(%arg12 : memref<!tpu.dma_semaphore, #tpu.memory_space<semaphore_mem>>) src(%dma_wait3A_747 : memref<49920xf32, #tpu.memory_space<hbm>>) dst(%arg6 : memref<49920xf32, #tpu.memory_space<vmem>>)
    %mul3A_748 = arith.constant 13 : i32
    %mul3A_749 = arith.muli %select_n3A_30, %mul3A_748 : i32
    %add3A_750 = arith.constant 5 : i32
    %add3A_751 = arith.addi %mul3A_749, %add3A_750 : i32
    %mul3A_752 = arith.constant 16 : i32
    %mul3A_753 = arith.muli %add3A_751, %mul3A_752 : i32
    %add3A_754 = arith.addi %mul3A_753, %select_n3A : i32
    %dma_start3A_755 = arith.constant 0 : i32
    %dma_start3A_756 = tpu.memref_slice %arg7[%dma_start3A_755] : memref<50848xf32, #tpu.memory_space<vmem>> -> memref<49920xf32, #tpu.memory_space<vmem>>
    %dma_start3A_757 = arith.constant 0 : i32
    %dma_start3A_758 = tpu.memref_slice %arg3[%add3A_754, %dma_start3A_757] : memref<416x100000xf32, #tpu.memory_space<hbm>> -> memref<1x100000xf32, #tpu.memory_space<hbm>>
    %dma_start3A_759 = tpu.memref_squeeze %dma_start3A_758 : memref<1x100000xf32, #tpu.memory_space<hbm>> -> memref<100000xf32, #tpu.memory_space<hbm>>
    %dma_start3A_760 = arith.constant 49920 : i32
    %dma_start3A_761 = tpu.memref_slice %dma_start3A_759[%dma_start3A_760] : memref<100000xf32, #tpu.memory_space<hbm>> -> memref<49920xf32, #tpu.memory_space<hbm>>
    %dma_start3A_762 = arith.constant 0 : i32
    %dma_start3A_763 = tpu.memref_slice %arg7[%dma_start3A_762] : memref<50848xf32, #tpu.memory_space<vmem>> -> memref<49920xf32, #tpu.memory_space<vmem>>
    %dma_start3A_764 = arith.constant 0 : i32
    %dma_start3A_765 = tpu.memref_slice %arg3[%add3A_754, %dma_start3A_764] : memref<416x100000xf32, #tpu.memory_space<hbm>> -> memref<1x100000xf32, #tpu.memory_space<hbm>>
    %dma_start3A_766 = tpu.memref_squeeze %dma_start3A_765 : memref<1x100000xf32, #tpu.memory_space<hbm>> -> memref<100000xf32, #tpu.memory_space<hbm>>
    %dma_start3A_767 = arith.constant 49920 : i32
    %dma_start3A_768 = tpu.memref_slice %dma_start3A_766[%dma_start3A_767] : memref<100000xf32, #tpu.memory_space<hbm>> -> memref<49920xf32, #tpu.memory_space<hbm>>
    tpu.enqueue_dma source(%dma_start3A_768 : memref<49920xf32, #tpu.memory_space<hbm>>) target(%dma_start3A_763 : memref<49920xf32, #tpu.memory_space<vmem>>) target_semaphore(%arg13 : memref<!tpu.dma_semaphore, #tpu.memory_space<semaphore_mem>>)
    %mul3A_769 = arith.constant 13 : i32
    %mul3A_770 = arith.muli %select_n3A_30, %mul3A_769 : i32
    %add3A_771 = arith.constant 5 : i32
    %add3A_772 = arith.addi %mul3A_770, %add3A_771 : i32
    %mul3A_773 = arith.constant 16 : i32
    %mul3A_774 = arith.muli %add3A_772, %mul3A_773 : i32
    %add3A_775 = arith.addi %mul3A_774, %select_n3A : i32
    %mul3A_776 = arith.constant 1024 : i32
    %mul3A_777 = arith.muli %add3A_775, %mul3A_776 : i32
    %dma_start3A_778 = arith.constant 49824 : i32
    %dma_start3A_779 = tpu.memref_slice %arg7[%dma_start3A_778] : memref<50848xf32, #tpu.memory_space<vmem>> -> memref<1024xf32, #tpu.memory_space<vmem>>
    %dma_start3A_780 = tpu.memref_slice %arg4[%mul3A_777] : memref<425984xf32, #tpu.memory_space<hbm>> -> memref<1024xf32, #tpu.memory_space<hbm>>
    %dma_start3A_781 = arith.constant 49824 : i32
    %dma_start3A_782 = tpu.memref_slice %arg7[%dma_start3A_781] : memref<50848xf32, #tpu.memory_space<vmem>> -> memref<1024xf32, #tpu.memory_space<vmem>>
    %dma_start3A_783 = tpu.memref_slice %arg4[%mul3A_777] : memref<425984xf32, #tpu.memory_space<hbm>> -> memref<1024xf32, #tpu.memory_space<hbm>>
    tpu.enqueue_dma source(%dma_start3A_783 : memref<1024xf32, #tpu.memory_space<hbm>>) target(%dma_start3A_782 : memref<1024xf32, #tpu.memory_space<vmem>>) target_semaphore(%arg14 : memref<!tpu.dma_semaphore, #tpu.memory_space<semaphore_mem>>)
    %scan3A_784 = arith.constant 0 : i32
    %scan3A_785 = arith.constant 0 : i32
    %scan3A_786 = arith.constant 256 : i32
    %scan3A_787 = arith.addi %scan3A_785, %scan3A_786 : i32
    %scan3A_788 = arith.constant 1 : i32
    scf.for %scan3A_1777 = %scan3A_785 to %scan3A_787 step %scan3A_788  : i32 {
      %mul3A_1778 = arith.constant 16 : i32
      %mul3A_1779 = arith.muli %scan3A_1777, %mul3A_1778 : i32
      %get3A = arith.index_cast %mul3A_1779 : i32 to index
      %get3A_1780 = tpu.vector_load %arg9[%get3A] {strides = array<i32>} : memref<4096xi32, #tpu.memory_space<vmem>>, vector<16xi32>,
      %sub3A_1781 = arith.constant 0 : i32
      %sub3A_1782 = vector.broadcast %sub3A_1781 : i32 to vector<16xi32>
      %sub3A_1783 = arith.subi %get3A_1780, %sub3A_1782 : vector<16xi32>
      %ge3A = arith.constant 0 : i32
      %ge3A_1784 = vector.broadcast %ge3A : i32 to vector<16xi32>
      %ge3A_1785 = arith.cmpi sge, %sub3A_1783, %ge3A_1784 : vector<16xi32>
      %lt3A_1786 = arith.constant 49920 : i32
      %lt3A_1787 = vector.broadcast %lt3A_1786 : i32 to vector<16xi32>
      %lt3A_1788 = arith.cmpi slt, %sub3A_1783, %lt3A_1787 : vector<16xi32>
      %and3A_1789 = arith.andi %ge3A_1785, %lt3A_1788 : vector<16xi1>
      %jit3A_1790 = arith.constant 0 : i32
      %broadcast_in_dim3A = vector.broadcast %jit3A_1790 : i32 to vector<16xi32>
      %select_n3A_1791 = arith.select %and3A_1789, %sub3A_1783, %broadcast_in_dim3A : vector<16xi1>, vector<16xi32>
      %gather3A = tpu.vector_load_idx %arg6[%select_n3A_1791] : memref<49920xf32, #tpu.memory_space<vmem>>[vector<16xi32>], vector<16xf32>,
      %broadcast_in_dim3A_1792 = arith.constant 0.000000e+00 : f32
      %broadcast_in_dim3A_1793 = vector.broadcast %broadcast_in_dim3A_1792 : f32 to vector<16xf32>
      %select_n3A_1794 = arith.select %and3A_1789, %gather3A, %broadcast_in_dim3A_1793 : vector<16xi1>, vector<16xf32>
      %get3A_1795 = arith.index_cast %mul3A_1779 : i32 to index
      %get3A_1796 = tpu.vector_load %arg10[%get3A_1795] {strides = array<i32>} : memref<4096xf32, #tpu.memory_space<vmem>>, vector<16xf32>,
      %add3A_1797 = arith.addf %get3A_1796, %select_n3A_1794 : vector<16xf32>
      %swap3A = arith.index_cast %mul3A_1779 : i32 to index
      %swap3A_1798 = tpu.vector_load %arg10[%swap3A] {strides = array<i32>} : memref<4096xf32, #tpu.memory_space<vmem>>, vector<16xf32>,
      tpu.vector_store %arg10[%swap3A], %add3A_1797 {strides = array<i32>} : memref<4096xf32, #tpu.memory_space<vmem>>, vector<16xf32>,
      %get3A_1799 = arith.index_cast %mul3A_1779 : i32 to index
      %get3A_1800 = tpu.vector_load %arg11[%get3A_1799] {strides = array<i32>} : memref<4096xf32, #tpu.memory_space<vmem>>, vector<16xf32>,
      %mul3A_1801 = arith.mulf %select_n3A_1794, %select_n3A_1794 : vector<16xf32>
      %add3A_1802 = arith.addf %get3A_1800, %mul3A_1801 : vector<16xf32>
      %swap3A_1803 = arith.index_cast %mul3A_1779 : i32 to index
      %swap3A_1804 = tpu.vector_load %arg11[%swap3A_1803] {strides = array<i32>} : memref<4096xf32, #tpu.memory_space<vmem>>, vector<16xf32>,
      tpu.vector_store %arg11[%swap3A_1803], %add3A_1802 {strides = array<i32>} : memref<4096xf32, #tpu.memory_space<vmem>>, vector<16xf32>,
    }
    %scan3A_789 = arith.constant 256 : i32
    %mul3A_790 = arith.constant 13 : i32
    %mul3A_791 = arith.muli %select_n3A_30, %mul3A_790 : i32
    %add3A_792 = arith.constant 5 : i32
    %add3A_793 = arith.addi %mul3A_791, %add3A_792 : i32
    %mul3A_794 = arith.constant 16 : i32
    %mul3A_795 = arith.muli %add3A_793, %mul3A_794 : i32
    %add3A_796 = arith.addi %mul3A_795, %select_n3A : i32
    %dma_wait3A_797 = arith.constant 0 : i32
    %dma_wait3A_798 = tpu.memref_slice %arg7[%dma_wait3A_797] : memref<50848xf32, #tpu.memory_space<vmem>> -> memref<49920xf32, #tpu.memory_space<vmem>>
    %dma_wait3A_799 = arith.constant 0 : i32
    %dma_wait3A_800 = tpu.memref_slice %arg3[%add3A_796, %dma_wait3A_799] : memref<416x100000xf32, #tpu.memory_space<hbm>> -> memref<1x100000xf32, #tpu.memory_space<hbm>>
    %dma_wait3A_801 = tpu.memref_squeeze %dma_wait3A_800 : memref<1x100000xf32, #tpu.memory_space<hbm>> -> memref<100000xf32, #tpu.memory_space<hbm>>
    %dma_wait3A_802 = arith.constant 49920 : i32
    %dma_wait3A_803 = tpu.memref_slice %dma_wait3A_801[%dma_wait3A_802] : memref<100000xf32, #tpu.memory_space<hbm>> -> memref<49920xf32, #tpu.memory_space<hbm>>
    %dma_wait3A_804 = arith.constant 0 : i32
    %dma_wait3A_805 = tpu.memref_slice %arg7[%dma_wait3A_804] : memref<50848xf32, #tpu.memory_space<vmem>> -> memref<49920xf32, #tpu.memory_space<vmem>>
    %dma_wait3A_806 = arith.constant 0 : i32
    %dma_wait3A_807 = tpu.memref_slice %arg3[%add3A_796, %dma_wait3A_806] : memref<416x100000xf32, #tpu.memory_space<hbm>> -> memref<1x100000xf32, #tpu.memory_space<hbm>>
    %dma_wait3A_808 = tpu.memref_squeeze %dma_wait3A_807 : memref<1x100000xf32, #tpu.memory_space<hbm>> -> memref<100000xf32, #tpu.memory_space<hbm>>
    %dma_wait3A_809 = arith.constant 49920 : i32
    %dma_wait3A_810 = tpu.memref_slice %dma_wait3A_808[%dma_wait3A_809] : memref<100000xf32, #tpu.memory_space<hbm>> -> memref<49920xf32, #tpu.memory_space<hbm>>
    tpu.wait_dma2 semaphore(%arg13 : memref<!tpu.dma_semaphore, #tpu.memory_space<semaphore_mem>>) src(%dma_wait3A_810 : memref<49920xf32, #tpu.memory_space<hbm>>) dst(%dma_wait3A_805 : memref<49920xf32, #tpu.memory_space<vmem>>)
    %mul3A_811 = arith.constant 13 : i32
    %mul3A_812 = arith.muli %select_n3A_30, %mul3A_811 : i32
    %add3A_813 = arith.constant 5 : i32
    %add3A_814 = arith.addi %mul3A_812, %add3A_813 : i32
    %mul3A_815 = arith.constant 16 : i32
    %mul3A_816 = arith.muli %add3A_814, %mul3A_815 : i32
    %add3A_817 = arith.addi %mul3A_816, %select_n3A : i32
    %mul3A_818 = arith.constant 1024 : i32
    %mul3A_819 = arith.muli %add3A_817, %mul3A_818 : i32
    %dma_wait3A_820 = arith.constant 49824 : i32
    %dma_wait3A_821 = tpu.memref_slice %arg7[%dma_wait3A_820] : memref<50848xf32, #tpu.memory_space<vmem>> -> memref<1024xf32, #tpu.memory_space<vmem>>
    %dma_wait3A_822 = tpu.memref_slice %arg4[%mul3A_819] : memref<425984xf32, #tpu.memory_space<hbm>> -> memref<1024xf32, #tpu.memory_space<hbm>>
    %dma_wait3A_823 = arith.constant 49824 : i32
    %dma_wait3A_824 = tpu.memref_slice %arg7[%dma_wait3A_823] : memref<50848xf32, #tpu.memory_space<vmem>> -> memref<1024xf32, #tpu.memory_space<vmem>>
    %dma_wait3A_825 = tpu.memref_slice %arg4[%mul3A_819] : memref<425984xf32, #tpu.memory_space<hbm>> -> memref<1024xf32, #tpu.memory_space<hbm>>
    tpu.wait_dma2 semaphore(%arg14 : memref<!tpu.dma_semaphore, #tpu.memory_space<semaphore_mem>>) src(%dma_wait3A_825 : memref<1024xf32, #tpu.memory_space<hbm>>) dst(%dma_wait3A_824 : memref<1024xf32, #tpu.memory_space<vmem>>)
    %mul3A_826 = arith.constant 13 : i32
    %mul3A_827 = arith.muli %select_n3A_30, %mul3A_826 : i32
    %add3A_828 = arith.constant 6 : i32
    %add3A_829 = arith.addi %mul3A_827, %add3A_828 : i32
    %mul3A_830 = arith.constant 16 : i32
    %mul3A_831 = arith.muli %add3A_829, %mul3A_830 : i32
    %add3A_832 = arith.addi %mul3A_831, %select_n3A : i32
    %dma_start3A_833 = arith.constant 0 : i32
    %dma_start3A_834 = tpu.memref_slice %arg3[%add3A_832, %dma_start3A_833] : memref<416x100000xf32, #tpu.memory_space<hbm>> -> memref<1x100000xf32, #tpu.memory_space<hbm>>
    %dma_start3A_835 = tpu.memref_squeeze %dma_start3A_834 : memref<1x100000xf32, #tpu.memory_space<hbm>> -> memref<100000xf32, #tpu.memory_space<hbm>>
    %dma_start3A_836 = arith.constant 0 : i32
    %dma_start3A_837 = tpu.memref_slice %dma_start3A_835[%dma_start3A_836] : memref<100000xf32, #tpu.memory_space<hbm>> -> memref<49920xf32, #tpu.memory_space<hbm>>
    %dma_start3A_838 = arith.constant 0 : i32
    %dma_start3A_839 = tpu.memref_slice %arg3[%add3A_832, %dma_start3A_838] : memref<416x100000xf32, #tpu.memory_space<hbm>> -> memref<1x100000xf32, #tpu.memory_space<hbm>>
    %dma_start3A_840 = tpu.memref_squeeze %dma_start3A_839 : memref<1x100000xf32, #tpu.memory_space<hbm>> -> memref<100000xf32, #tpu.memory_space<hbm>>
    %dma_start3A_841 = arith.constant 0 : i32
    %dma_start3A_842 = tpu.memref_slice %dma_start3A_840[%dma_start3A_841] : memref<100000xf32, #tpu.memory_space<hbm>> -> memref<49920xf32, #tpu.memory_space<hbm>>
    tpu.enqueue_dma source(%dma_start3A_842 : memref<49920xf32, #tpu.memory_space<hbm>>) target(%arg6 : memref<49920xf32, #tpu.memory_space<vmem>>) target_semaphore(%arg12 : memref<!tpu.dma_semaphore, #tpu.memory_space<semaphore_mem>>)
    %mul3A_843 = arith.constant 13 : i32
    %mul3A_844 = arith.muli %select_n3A_30, %mul3A_843 : i32
    %add3A_845 = arith.constant 6 : i32
    %add3A_846 = arith.addi %mul3A_844, %add3A_845 : i32
    %mul3A_847 = arith.constant 4096 : i32
    %mul3A_848 = arith.muli %add3A_846, %mul3A_847 : i32
    %dma_start3A_849 = tpu.memref_slice %arg2[%mul3A_848] : memref<106496xi32, #tpu.memory_space<hbm>> -> memref<4096xi32, #tpu.memory_space<hbm>>
    %dma_start3A_850 = tpu.memref_slice %arg2[%mul3A_848] : memref<106496xi32, #tpu.memory_space<hbm>> -> memref<4096xi32, #tpu.memory_space<hbm>>
    tpu.enqueue_dma source(%dma_start3A_850 : memref<4096xi32, #tpu.memory_space<hbm>>) target(%arg8 : memref<4096xi32, #tpu.memory_space<vmem>>) target_semaphore(%arg15 : memref<!tpu.dma_semaphore, #tpu.memory_space<semaphore_mem>>)
    %scan3A_851 = arith.constant 0 : i32
    %scan3A_852 = arith.constant 0 : i32
    %scan3A_853 = arith.constant 256 : i32
    %scan3A_854 = arith.addi %scan3A_852, %scan3A_853 : i32
    %scan3A_855 = arith.constant 1 : i32
    scf.for %scan3A_1777 = %scan3A_852 to %scan3A_854 step %scan3A_855  : i32 {
      %mul3A_1778 = arith.constant 16 : i32
      %mul3A_1779 = arith.muli %scan3A_1777, %mul3A_1778 : i32
      %get3A = arith.index_cast %mul3A_1779 : i32 to index
      %get3A_1780 = tpu.vector_load %arg9[%get3A] {strides = array<i32>} : memref<4096xi32, #tpu.memory_space<vmem>>, vector<16xi32>,
      %sub3A_1781 = arith.constant 49920 : i32
      %sub3A_1782 = vector.broadcast %sub3A_1781 : i32 to vector<16xi32>
      %sub3A_1783 = arith.subi %get3A_1780, %sub3A_1782 : vector<16xi32>
      %ge3A = arith.constant 0 : i32
      %ge3A_1784 = vector.broadcast %ge3A : i32 to vector<16xi32>
      %ge3A_1785 = arith.cmpi sge, %sub3A_1783, %ge3A_1784 : vector<16xi32>
      %lt3A_1786 = arith.constant 50080 : i32
      %lt3A_1787 = vector.broadcast %lt3A_1786 : i32 to vector<16xi32>
      %lt3A_1788 = arith.cmpi slt, %sub3A_1783, %lt3A_1787 : vector<16xi32>
      %and3A_1789 = arith.andi %ge3A_1785, %lt3A_1788 : vector<16xi1>
      %jit3A_1790 = arith.constant 0 : i32
      %broadcast_in_dim3A = vector.broadcast %jit3A_1790 : i32 to vector<16xi32>
      %select_n3A_1791 = arith.select %and3A_1789, %sub3A_1783, %broadcast_in_dim3A : vector<16xi1>, vector<16xi32>
      %gather3A = tpu.vector_load_idx %arg7[%select_n3A_1791] : memref<50848xf32, #tpu.memory_space<vmem>>[vector<16xi32>], vector<16xf32>,
      %broadcast_in_dim3A_1792 = arith.constant 0.000000e+00 : f32
      %broadcast_in_dim3A_1793 = vector.broadcast %broadcast_in_dim3A_1792 : f32 to vector<16xf32>
      %select_n3A_1794 = arith.select %and3A_1789, %gather3A, %broadcast_in_dim3A_1793 : vector<16xi1>, vector<16xf32>
      %get3A_1795 = arith.index_cast %mul3A_1779 : i32 to index
      %get3A_1796 = tpu.vector_load %arg10[%get3A_1795] {strides = array<i32>} : memref<4096xf32, #tpu.memory_space<vmem>>, vector<16xf32>,
      %add3A_1797 = arith.addf %get3A_1796, %select_n3A_1794 : vector<16xf32>
      %swap3A = arith.index_cast %mul3A_1779 : i32 to index
      %swap3A_1798 = tpu.vector_load %arg10[%swap3A] {strides = array<i32>} : memref<4096xf32, #tpu.memory_space<vmem>>, vector<16xf32>,
      tpu.vector_store %arg10[%swap3A], %add3A_1797 {strides = array<i32>} : memref<4096xf32, #tpu.memory_space<vmem>>, vector<16xf32>,
      %get3A_1799 = arith.index_cast %mul3A_1779 : i32 to index
      %get3A_1800 = tpu.vector_load %arg11[%get3A_1799] {strides = array<i32>} : memref<4096xf32, #tpu.memory_space<vmem>>, vector<16xf32>,
      %mul3A_1801 = arith.mulf %select_n3A_1794, %select_n3A_1794 : vector<16xf32>
      %add3A_1802 = arith.addf %get3A_1800, %mul3A_1801 : vector<16xf32>
      %swap3A_1803 = arith.index_cast %mul3A_1779 : i32 to index
      %swap3A_1804 = tpu.vector_load %arg11[%swap3A_1803] {strides = array<i32>} : memref<4096xf32, #tpu.memory_space<vmem>>, vector<16xf32>,
      tpu.vector_store %arg11[%swap3A_1803], %add3A_1802 {strides = array<i32>} : memref<4096xf32, #tpu.memory_space<vmem>>, vector<16xf32>,
    }
    %scan3A_856 = arith.constant 256 : i32
    %mul3A_857 = arith.constant 13 : i32
    %mul3A_858 = arith.muli %select_n3A_30, %mul3A_857 : i32
    %add3A_859 = arith.constant 6 : i32
    %add3A_860 = arith.addi %mul3A_858, %add3A_859 : i32
    %mul3A_861 = arith.constant 4096 : i32
    %mul3A_862 = arith.muli %add3A_860, %mul3A_861 : i32
    %dma_wait3A_863 = tpu.memref_slice %arg2[%mul3A_862] : memref<106496xi32, #tpu.memory_space<hbm>> -> memref<4096xi32, #tpu.memory_space<hbm>>
    %dma_wait3A_864 = tpu.memref_slice %arg2[%mul3A_862] : memref<106496xi32, #tpu.memory_space<hbm>> -> memref<4096xi32, #tpu.memory_space<hbm>>
    tpu.wait_dma2 semaphore(%arg15 : memref<!tpu.dma_semaphore, #tpu.memory_space<semaphore_mem>>) src(%dma_wait3A_864 : memref<4096xi32, #tpu.memory_space<hbm>>) dst(%arg8 : memref<4096xi32, #tpu.memory_space<vmem>>)
    %mul3A_865 = arith.constant 13 : i32
    %mul3A_866 = arith.muli %select_n3A_30, %mul3A_865 : i32
    %add3A_867 = arith.constant 6 : i32
    %add3A_868 = arith.addi %mul3A_866, %add3A_867 : i32
    %mul3A_869 = arith.constant 16 : i32
    %mul3A_870 = arith.muli %add3A_868, %mul3A_869 : i32
    %add3A_871 = arith.addi %mul3A_870, %select_n3A : i32
    %dma_wait3A_872 = arith.constant 0 : i32
    %dma_wait3A_873 = tpu.memref_slice %arg3[%add3A_871, %dma_wait3A_872] : memref<416x100000xf32, #tpu.memory_space<hbm>> -> memref<1x100000xf32, #tpu.memory_space<hbm>>
    %dma_wait3A_874 = tpu.memref_squeeze %dma_wait3A_873 : memref<1x100000xf32, #tpu.memory_space<hbm>> -> memref<100000xf32, #tpu.memory_space<hbm>>
    %dma_wait3A_875 = arith.constant 0 : i32
    %dma_wait3A_876 = tpu.memref_slice %dma_wait3A_874[%dma_wait3A_875] : memref<100000xf32, #tpu.memory_space<hbm>> -> memref<49920xf32, #tpu.memory_space<hbm>>
    %dma_wait3A_877 = arith.constant 0 : i32
    %dma_wait3A_878 = tpu.memref_slice %arg3[%add3A_871, %dma_wait3A_877] : memref<416x100000xf32, #tpu.memory_space<hbm>> -> memref<1x100000xf32, #tpu.memory_space<hbm>>
    %dma_wait3A_879 = tpu.memref_squeeze %dma_wait3A_878 : memref<1x100000xf32, #tpu.memory_space<hbm>> -> memref<100000xf32, #tpu.memory_space<hbm>>
    %dma_wait3A_880 = arith.constant 0 : i32
    %dma_wait3A_881 = tpu.memref_slice %dma_wait3A_879[%dma_wait3A_880] : memref<100000xf32, #tpu.memory_space<hbm>> -> memref<49920xf32, #tpu.memory_space<hbm>>
    tpu.wait_dma2 semaphore(%arg12 : memref<!tpu.dma_semaphore, #tpu.memory_space<semaphore_mem>>) src(%dma_wait3A_881 : memref<49920xf32, #tpu.memory_space<hbm>>) dst(%arg6 : memref<49920xf32, #tpu.memory_space<vmem>>)
    %mul3A_882 = arith.constant 13 : i32
    %mul3A_883 = arith.muli %select_n3A_30, %mul3A_882 : i32
    %add3A_884 = arith.constant 6 : i32
    %add3A_885 = arith.addi %mul3A_883, %add3A_884 : i32
    %mul3A_886 = arith.constant 16 : i32
    %mul3A_887 = arith.muli %add3A_885, %mul3A_886 : i32
    %add3A_888 = arith.addi %mul3A_887, %select_n3A : i32
    %dma_start3A_889 = arith.constant 0 : i32
    %dma_start3A_890 = tpu.memref_slice %arg7[%dma_start3A_889] : memref<50848xf32, #tpu.memory_space<vmem>> -> memref<49920xf32, #tpu.memory_space<vmem>>
    %dma_start3A_891 = arith.constant 0 : i32
    %dma_start3A_892 = tpu.memref_slice %arg3[%add3A_888, %dma_start3A_891] : memref<416x100000xf32, #tpu.memory_space<hbm>> -> memref<1x100000xf32, #tpu.memory_space<hbm>>
    %dma_start3A_893 = tpu.memref_squeeze %dma_start3A_892 : memref<1x100000xf32, #tpu.memory_space<hbm>> -> memref<100000xf32, #tpu.memory_space<hbm>>
    %dma_start3A_894 = arith.constant 49920 : i32
    %dma_start3A_895 = tpu.memref_slice %dma_start3A_893[%dma_start3A_894] : memref<100000xf32, #tpu.memory_space<hbm>> -> memref<49920xf32, #tpu.memory_space<hbm>>
    %dma_start3A_896 = arith.constant 0 : i32
    %dma_start3A_897 = tpu.memref_slice %arg7[%dma_start3A_896] : memref<50848xf32, #tpu.memory_space<vmem>> -> memref<49920xf32, #tpu.memory_space<vmem>>
    %dma_start3A_898 = arith.constant 0 : i32
    %dma_start3A_899 = tpu.memref_slice %arg3[%add3A_888, %dma_start3A_898] : memref<416x100000xf32, #tpu.memory_space<hbm>> -> memref<1x100000xf32, #tpu.memory_space<hbm>>
    %dma_start3A_900 = tpu.memref_squeeze %dma_start3A_899 : memref<1x100000xf32, #tpu.memory_space<hbm>> -> memref<100000xf32, #tpu.memory_space<hbm>>
    %dma_start3A_901 = arith.constant 49920 : i32
    %dma_start3A_902 = tpu.memref_slice %dma_start3A_900[%dma_start3A_901] : memref<100000xf32, #tpu.memory_space<hbm>> -> memref<49920xf32, #tpu.memory_space<hbm>>
    tpu.enqueue_dma source(%dma_start3A_902 : memref<49920xf32, #tpu.memory_space<hbm>>) target(%dma_start3A_897 : memref<49920xf32, #tpu.memory_space<vmem>>) target_semaphore(%arg13 : memref<!tpu.dma_semaphore, #tpu.memory_space<semaphore_mem>>)
    %mul3A_903 = arith.constant 13 : i32
    %mul3A_904 = arith.muli %select_n3A_30, %mul3A_903 : i32
    %add3A_905 = arith.constant 6 : i32
    %add3A_906 = arith.addi %mul3A_904, %add3A_905 : i32
    %mul3A_907 = arith.constant 16 : i32
    %mul3A_908 = arith.muli %add3A_906, %mul3A_907 : i32
    %add3A_909 = arith.addi %mul3A_908, %select_n3A : i32
    %mul3A_910 = arith.constant 1024 : i32
    %mul3A_911 = arith.muli %add3A_909, %mul3A_910 : i32
    %dma_start3A_912 = arith.constant 49824 : i32
    %dma_start3A_913 = tpu.memref_slice %arg7[%dma_start3A_912] : memref<50848xf32, #tpu.memory_space<vmem>> -> memref<1024xf32, #tpu.memory_space<vmem>>
    %dma_start3A_914 = tpu.memref_slice %arg4[%mul3A_911] : memref<425984xf32, #tpu.memory_space<hbm>> -> memref<1024xf32, #tpu.memory_space<hbm>>
    %dma_start3A_915 = arith.constant 49824 : i32
    %dma_start3A_916 = tpu.memref_slice %arg7[%dma_start3A_915] : memref<50848xf32, #tpu.memory_space<vmem>> -> memref<1024xf32, #tpu.memory_space<vmem>>
    %dma_start3A_917 = tpu.memref_slice %arg4[%mul3A_911] : memref<425984xf32, #tpu.memory_space<hbm>> -> memref<1024xf32, #tpu.memory_space<hbm>>
    tpu.enqueue_dma source(%dma_start3A_917 : memref<1024xf32, #tpu.memory_space<hbm>>) target(%dma_start3A_916 : memref<1024xf32, #tpu.memory_space<vmem>>) target_semaphore(%arg14 : memref<!tpu.dma_semaphore, #tpu.memory_space<semaphore_mem>>)
    %scan3A_918 = arith.constant 0 : i32
    %scan3A_919 = arith.constant 0 : i32
    %scan3A_920 = arith.constant 256 : i32
    %scan3A_921 = arith.addi %scan3A_919, %scan3A_920 : i32
    %scan3A_922 = arith.constant 1 : i32
    scf.for %scan3A_1777 = %scan3A_919 to %scan3A_921 step %scan3A_922  : i32 {
      %mul3A_1778 = arith.constant 16 : i32
      %mul3A_1779 = arith.muli %scan3A_1777, %mul3A_1778 : i32
      %get3A = arith.index_cast %mul3A_1779 : i32 to index
      %get3A_1780 = tpu.vector_load %arg8[%get3A] {strides = array<i32>} : memref<4096xi32, #tpu.memory_space<vmem>>, vector<16xi32>,
      %sub3A_1781 = arith.constant 0 : i32
      %sub3A_1782 = vector.broadcast %sub3A_1781 : i32 to vector<16xi32>
      %sub3A_1783 = arith.subi %get3A_1780, %sub3A_1782 : vector<16xi32>
      %ge3A = arith.constant 0 : i32
      %ge3A_1784 = vector.broadcast %ge3A : i32 to vector<16xi32>
      %ge3A_1785 = arith.cmpi sge, %sub3A_1783, %ge3A_1784 : vector<16xi32>
      %lt3A_1786 = arith.constant 49920 : i32
      %lt3A_1787 = vector.broadcast %lt3A_1786 : i32 to vector<16xi32>
      %lt3A_1788 = arith.cmpi slt, %sub3A_1783, %lt3A_1787 : vector<16xi32>
      %and3A_1789 = arith.andi %ge3A_1785, %lt3A_1788 : vector<16xi1>
      %jit3A_1790 = arith.constant 0 : i32
      %broadcast_in_dim3A = vector.broadcast %jit3A_1790 : i32 to vector<16xi32>
      %select_n3A_1791 = arith.select %and3A_1789, %sub3A_1783, %broadcast_in_dim3A : vector<16xi1>, vector<16xi32>
      %gather3A = tpu.vector_load_idx %arg6[%select_n3A_1791] : memref<49920xf32, #tpu.memory_space<vmem>>[vector<16xi32>], vector<16xf32>,
      %broadcast_in_dim3A_1792 = arith.constant 0.000000e+00 : f32
      %broadcast_in_dim3A_1793 = vector.broadcast %broadcast_in_dim3A_1792 : f32 to vector<16xf32>
      %select_n3A_1794 = arith.select %and3A_1789, %gather3A, %broadcast_in_dim3A_1793 : vector<16xi1>, vector<16xf32>
      %get3A_1795 = arith.index_cast %mul3A_1779 : i32 to index
      %get3A_1796 = tpu.vector_load %arg10[%get3A_1795] {strides = array<i32>} : memref<4096xf32, #tpu.memory_space<vmem>>, vector<16xf32>,
      %add3A_1797 = arith.addf %get3A_1796, %select_n3A_1794 : vector<16xf32>
      %swap3A = arith.index_cast %mul3A_1779 : i32 to index
      %swap3A_1798 = tpu.vector_load %arg10[%swap3A] {strides = array<i32>} : memref<4096xf32, #tpu.memory_space<vmem>>, vector<16xf32>,
      tpu.vector_store %arg10[%swap3A], %add3A_1797 {strides = array<i32>} : memref<4096xf32, #tpu.memory_space<vmem>>, vector<16xf32>,
      %get3A_1799 = arith.index_cast %mul3A_1779 : i32 to index
      %get3A_1800 = tpu.vector_load %arg11[%get3A_1799] {strides = array<i32>} : memref<4096xf32, #tpu.memory_space<vmem>>, vector<16xf32>,
      %mul3A_1801 = arith.mulf %select_n3A_1794, %select_n3A_1794 : vector<16xf32>
      %add3A_1802 = arith.addf %get3A_1800, %mul3A_1801 : vector<16xf32>
      %swap3A_1803 = arith.index_cast %mul3A_1779 : i32 to index
      %swap3A_1804 = tpu.vector_load %arg11[%swap3A_1803] {strides = array<i32>} : memref<4096xf32, #tpu.memory_space<vmem>>, vector<16xf32>,
      tpu.vector_store %arg11[%swap3A_1803], %add3A_1802 {strides = array<i32>} : memref<4096xf32, #tpu.memory_space<vmem>>, vector<16xf32>,
    }
    %scan3A_923 = arith.constant 256 : i32
    %mul3A_924 = arith.constant 13 : i32
    %mul3A_925 = arith.muli %select_n3A_30, %mul3A_924 : i32
    %add3A_926 = arith.constant 6 : i32
    %add3A_927 = arith.addi %mul3A_925, %add3A_926 : i32
    %mul3A_928 = arith.constant 16 : i32
    %mul3A_929 = arith.muli %add3A_927, %mul3A_928 : i32
    %add3A_930 = arith.addi %mul3A_929, %select_n3A : i32
    %dma_wait3A_931 = arith.constant 0 : i32
    %dma_wait3A_932 = tpu.memref_slice %arg7[%dma_wait3A_931] : memref<50848xf32, #tpu.memory_space<vmem>> -> memref<49920xf32, #tpu.memory_space<vmem>>
    %dma_wait3A_933 = arith.constant 0 : i32
    %dma_wait3A_934 = tpu.memref_slice %arg3[%add3A_930, %dma_wait3A_933] : memref<416x100000xf32, #tpu.memory_space<hbm>> -> memref<1x100000xf32, #tpu.memory_space<hbm>>
    %dma_wait3A_935 = tpu.memref_squeeze %dma_wait3A_934 : memref<1x100000xf32, #tpu.memory_space<hbm>> -> memref<100000xf32, #tpu.memory_space<hbm>>
    %dma_wait3A_936 = arith.constant 49920 : i32
    %dma_wait3A_937 = tpu.memref_slice %dma_wait3A_935[%dma_wait3A_936] : memref<100000xf32, #tpu.memory_space<hbm>> -> memref<49920xf32, #tpu.memory_space<hbm>>
    %dma_wait3A_938 = arith.constant 0 : i32
    %dma_wait3A_939 = tpu.memref_slice %arg7[%dma_wait3A_938] : memref<50848xf32, #tpu.memory_space<vmem>> -> memref<49920xf32, #tpu.memory_space<vmem>>
    %dma_wait3A_940 = arith.constant 0 : i32
    %dma_wait3A_941 = tpu.memref_slice %arg3[%add3A_930, %dma_wait3A_940] : memref<416x100000xf32, #tpu.memory_space<hbm>> -> memref<1x100000xf32, #tpu.memory_space<hbm>>
    %dma_wait3A_942 = tpu.memref_squeeze %dma_wait3A_941 : memref<1x100000xf32, #tpu.memory_space<hbm>> -> memref<100000xf32, #tpu.memory_space<hbm>>
    %dma_wait3A_943 = arith.constant 49920 : i32
    %dma_wait3A_944 = tpu.memref_slice %dma_wait3A_942[%dma_wait3A_943] : memref<100000xf32, #tpu.memory_space<hbm>> -> memref<49920xf32, #tpu.memory_space<hbm>>
    tpu.wait_dma2 semaphore(%arg13 : memref<!tpu.dma_semaphore, #tpu.memory_space<semaphore_mem>>) src(%dma_wait3A_944 : memref<49920xf32, #tpu.memory_space<hbm>>) dst(%dma_wait3A_939 : memref<49920xf32, #tpu.memory_space<vmem>>)
    %mul3A_945 = arith.constant 13 : i32
    %mul3A_946 = arith.muli %select_n3A_30, %mul3A_945 : i32
    %add3A_947 = arith.constant 6 : i32
    %add3A_948 = arith.addi %mul3A_946, %add3A_947 : i32
    %mul3A_949 = arith.constant 16 : i32
    %mul3A_950 = arith.muli %add3A_948, %mul3A_949 : i32
    %add3A_951 = arith.addi %mul3A_950, %select_n3A : i32
    %mul3A_952 = arith.constant 1024 : i32
    %mul3A_953 = arith.muli %add3A_951, %mul3A_952 : i32
    %dma_wait3A_954 = arith.constant 49824 : i32
    %dma_wait3A_955 = tpu.memref_slice %arg7[%dma_wait3A_954] : memref<50848xf32, #tpu.memory_space<vmem>> -> memref<1024xf32, #tpu.memory_space<vmem>>
    %dma_wait3A_956 = tpu.memref_slice %arg4[%mul3A_953] : memref<425984xf32, #tpu.memory_space<hbm>> -> memref<1024xf32, #tpu.memory_space<hbm>>
    %dma_wait3A_957 = arith.constant 49824 : i32
    %dma_wait3A_958 = tpu.memref_slice %arg7[%dma_wait3A_957] : memref<50848xf32, #tpu.memory_space<vmem>> -> memref<1024xf32, #tpu.memory_space<vmem>>
    %dma_wait3A_959 = tpu.memref_slice %arg4[%mul3A_953] : memref<425984xf32, #tpu.memory_space<hbm>> -> memref<1024xf32, #tpu.memory_space<hbm>>
    tpu.wait_dma2 semaphore(%arg14 : memref<!tpu.dma_semaphore, #tpu.memory_space<semaphore_mem>>) src(%dma_wait3A_959 : memref<1024xf32, #tpu.memory_space<hbm>>) dst(%dma_wait3A_958 : memref<1024xf32, #tpu.memory_space<vmem>>)
    %mul3A_960 = arith.constant 13 : i32
    %mul3A_961 = arith.muli %select_n3A_30, %mul3A_960 : i32
    %add3A_962 = arith.constant 7 : i32
    %add3A_963 = arith.addi %mul3A_961, %add3A_962 : i32
    %mul3A_964 = arith.constant 16 : i32
    %mul3A_965 = arith.muli %add3A_963, %mul3A_964 : i32
    %add3A_966 = arith.addi %mul3A_965, %select_n3A : i32
    %dma_start3A_967 = arith.constant 0 : i32
    %dma_start3A_968 = tpu.memref_slice %arg3[%add3A_966, %dma_start3A_967] : memref<416x100000xf32, #tpu.memory_space<hbm>> -> memref<1x100000xf32, #tpu.memory_space<hbm>>
    %dma_start3A_969 = tpu.memref_squeeze %dma_start3A_968 : memref<1x100000xf32, #tpu.memory_space<hbm>> -> memref<100000xf32, #tpu.memory_space<hbm>>
    %dma_start3A_970 = arith.constant 0 : i32
    %dma_start3A_971 = tpu.memref_slice %dma_start3A_969[%dma_start3A_970] : memref<100000xf32, #tpu.memory_space<hbm>> -> memref<49920xf32, #tpu.memory_space<hbm>>
    %dma_start3A_972 = arith.constant 0 : i32
    %dma_start3A_973 = tpu.memref_slice %arg3[%add3A_966, %dma_start3A_972] : memref<416x100000xf32, #tpu.memory_space<hbm>> -> memref<1x100000xf32, #tpu.memory_space<hbm>>
    %dma_start3A_974 = tpu.memref_squeeze %dma_start3A_973 : memref<1x100000xf32, #tpu.memory_space<hbm>> -> memref<100000xf32, #tpu.memory_space<hbm>>
    %dma_start3A_975 = arith.constant 0 : i32
    %dma_start3A_976 = tpu.memref_slice %dma_start3A_974[%dma_start3A_975] : memref<100000xf32, #tpu.memory_space<hbm>> -> memref<49920xf32, #tpu.memory_space<hbm>>
    tpu.enqueue_dma source(%dma_start3A_976 : memref<49920xf32, #tpu.memory_space<hbm>>) target(%arg6 : memref<49920xf32, #tpu.memory_space<vmem>>) target_semaphore(%arg12 : memref<!tpu.dma_semaphore, #tpu.memory_space<semaphore_mem>>)
    %mul3A_977 = arith.constant 13 : i32
    %mul3A_978 = arith.muli %select_n3A_30, %mul3A_977 : i32
    %add3A_979 = arith.constant 7 : i32
    %add3A_980 = arith.addi %mul3A_978, %add3A_979 : i32
    %mul3A_981 = arith.constant 4096 : i32
    %mul3A_982 = arith.muli %add3A_980, %mul3A_981 : i32
    %dma_start3A_983 = tpu.memref_slice %arg2[%mul3A_982] : memref<106496xi32, #tpu.memory_space<hbm>> -> memref<4096xi32, #tpu.memory_space<hbm>>
    %dma_start3A_984 = tpu.memref_slice %arg2[%mul3A_982] : memref<106496xi32, #tpu.memory_space<hbm>> -> memref<4096xi32, #tpu.memory_space<hbm>>
    tpu.enqueue_dma source(%dma_start3A_984 : memref<4096xi32, #tpu.memory_space<hbm>>) target(%arg9 : memref<4096xi32, #tpu.memory_space<vmem>>) target_semaphore(%arg15 : memref<!tpu.dma_semaphore, #tpu.memory_space<semaphore_mem>>)
    %scan3A_985 = arith.constant 0 : i32
    %scan3A_986 = arith.constant 0 : i32
    %scan3A_987 = arith.constant 256 : i32
    %scan3A_988 = arith.addi %scan3A_986, %scan3A_987 : i32
    %scan3A_989 = arith.constant 1 : i32
    scf.for %scan3A_1777 = %scan3A_986 to %scan3A_988 step %scan3A_989  : i32 {
      %mul3A_1778 = arith.constant 16 : i32
      %mul3A_1779 = arith.muli %scan3A_1777, %mul3A_1778 : i32
      %get3A = arith.index_cast %mul3A_1779 : i32 to index
      %get3A_1780 = tpu.vector_load %arg8[%get3A] {strides = array<i32>} : memref<4096xi32, #tpu.memory_space<vmem>>, vector<16xi32>,
      %sub3A_1781 = arith.constant 49920 : i32
      %sub3A_1782 = vector.broadcast %sub3A_1781 : i32 to vector<16xi32>
      %sub3A_1783 = arith.subi %get3A_1780, %sub3A_1782 : vector<16xi32>
      %ge3A = arith.constant 0 : i32
      %ge3A_1784 = vector.broadcast %ge3A : i32 to vector<16xi32>
      %ge3A_1785 = arith.cmpi sge, %sub3A_1783, %ge3A_1784 : vector<16xi32>
      %lt3A_1786 = arith.constant 50080 : i32
      %lt3A_1787 = vector.broadcast %lt3A_1786 : i32 to vector<16xi32>
      %lt3A_1788 = arith.cmpi slt, %sub3A_1783, %lt3A_1787 : vector<16xi32>
      %and3A_1789 = arith.andi %ge3A_1785, %lt3A_1788 : vector<16xi1>
      %jit3A_1790 = arith.constant 0 : i32
      %broadcast_in_dim3A = vector.broadcast %jit3A_1790 : i32 to vector<16xi32>
      %select_n3A_1791 = arith.select %and3A_1789, %sub3A_1783, %broadcast_in_dim3A : vector<16xi1>, vector<16xi32>
      %gather3A = tpu.vector_load_idx %arg7[%select_n3A_1791] : memref<50848xf32, #tpu.memory_space<vmem>>[vector<16xi32>], vector<16xf32>,
      %broadcast_in_dim3A_1792 = arith.constant 0.000000e+00 : f32
      %broadcast_in_dim3A_1793 = vector.broadcast %broadcast_in_dim3A_1792 : f32 to vector<16xf32>
      %select_n3A_1794 = arith.select %and3A_1789, %gather3A, %broadcast_in_dim3A_1793 : vector<16xi1>, vector<16xf32>
      %get3A_1795 = arith.index_cast %mul3A_1779 : i32 to index
      %get3A_1796 = tpu.vector_load %arg10[%get3A_1795] {strides = array<i32>} : memref<4096xf32, #tpu.memory_space<vmem>>, vector<16xf32>,
      %add3A_1797 = arith.addf %get3A_1796, %select_n3A_1794 : vector<16xf32>
      %swap3A = arith.index_cast %mul3A_1779 : i32 to index
      %swap3A_1798 = tpu.vector_load %arg10[%swap3A] {strides = array<i32>} : memref<4096xf32, #tpu.memory_space<vmem>>, vector<16xf32>,
      tpu.vector_store %arg10[%swap3A], %add3A_1797 {strides = array<i32>} : memref<4096xf32, #tpu.memory_space<vmem>>, vector<16xf32>,
      %get3A_1799 = arith.index_cast %mul3A_1779 : i32 to index
      %get3A_1800 = tpu.vector_load %arg11[%get3A_1799] {strides = array<i32>} : memref<4096xf32, #tpu.memory_space<vmem>>, vector<16xf32>,
      %mul3A_1801 = arith.mulf %select_n3A_1794, %select_n3A_1794 : vector<16xf32>
      %add3A_1802 = arith.addf %get3A_1800, %mul3A_1801 : vector<16xf32>
      %swap3A_1803 = arith.index_cast %mul3A_1779 : i32 to index
      %swap3A_1804 = tpu.vector_load %arg11[%swap3A_1803] {strides = array<i32>} : memref<4096xf32, #tpu.memory_space<vmem>>, vector<16xf32>,
      tpu.vector_store %arg11[%swap3A_1803], %add3A_1802 {strides = array<i32>} : memref<4096xf32, #tpu.memory_space<vmem>>, vector<16xf32>,
    }
    %scan3A_990 = arith.constant 256 : i32
    %mul3A_991 = arith.constant 13 : i32
    %mul3A_992 = arith.muli %select_n3A_30, %mul3A_991 : i32
    %add3A_993 = arith.constant 7 : i32
    %add3A_994 = arith.addi %mul3A_992, %add3A_993 : i32
    %mul3A_995 = arith.constant 4096 : i32
    %mul3A_996 = arith.muli %add3A_994, %mul3A_995 : i32
    %dma_wait3A_997 = tpu.memref_slice %arg2[%mul3A_996] : memref<106496xi32, #tpu.memory_space<hbm>> -> memref<4096xi32, #tpu.memory_space<hbm>>
    %dma_wait3A_998 = tpu.memref_slice %arg2[%mul3A_996] : memref<106496xi32, #tpu.memory_space<hbm>> -> memref<4096xi32, #tpu.memory_space<hbm>>
    tpu.wait_dma2 semaphore(%arg15 : memref<!tpu.dma_semaphore, #tpu.memory_space<semaphore_mem>>) src(%dma_wait3A_998 : memref<4096xi32, #tpu.memory_space<hbm>>) dst(%arg9 : memref<4096xi32, #tpu.memory_space<vmem>>)
    %mul3A_999 = arith.constant 13 : i32
    %mul3A_1000 = arith.muli %select_n3A_30, %mul3A_999 : i32
    %add3A_1001 = arith.constant 7 : i32
    %add3A_1002 = arith.addi %mul3A_1000, %add3A_1001 : i32
    %mul3A_1003 = arith.constant 16 : i32
    %mul3A_1004 = arith.muli %add3A_1002, %mul3A_1003 : i32
    %add3A_1005 = arith.addi %mul3A_1004, %select_n3A : i32
    %dma_wait3A_1006 = arith.constant 0 : i32
    %dma_wait3A_1007 = tpu.memref_slice %arg3[%add3A_1005, %dma_wait3A_1006] : memref<416x100000xf32, #tpu.memory_space<hbm>> -> memref<1x100000xf32, #tpu.memory_space<hbm>>
    %dma_wait3A_1008 = tpu.memref_squeeze %dma_wait3A_1007 : memref<1x100000xf32, #tpu.memory_space<hbm>> -> memref<100000xf32, #tpu.memory_space<hbm>>
    %dma_wait3A_1009 = arith.constant 0 : i32
    %dma_wait3A_1010 = tpu.memref_slice %dma_wait3A_1008[%dma_wait3A_1009] : memref<100000xf32, #tpu.memory_space<hbm>> -> memref<49920xf32, #tpu.memory_space<hbm>>
    %dma_wait3A_1011 = arith.constant 0 : i32
    %dma_wait3A_1012 = tpu.memref_slice %arg3[%add3A_1005, %dma_wait3A_1011] : memref<416x100000xf32, #tpu.memory_space<hbm>> -> memref<1x100000xf32, #tpu.memory_space<hbm>>
    %dma_wait3A_1013 = tpu.memref_squeeze %dma_wait3A_1012 : memref<1x100000xf32, #tpu.memory_space<hbm>> -> memref<100000xf32, #tpu.memory_space<hbm>>
    %dma_wait3A_1014 = arith.constant 0 : i32
    %dma_wait3A_1015 = tpu.memref_slice %dma_wait3A_1013[%dma_wait3A_1014] : memref<100000xf32, #tpu.memory_space<hbm>> -> memref<49920xf32, #tpu.memory_space<hbm>>
    tpu.wait_dma2 semaphore(%arg12 : memref<!tpu.dma_semaphore, #tpu.memory_space<semaphore_mem>>) src(%dma_wait3A_1015 : memref<49920xf32, #tpu.memory_space<hbm>>) dst(%arg6 : memref<49920xf32, #tpu.memory_space<vmem>>)
    %mul3A_1016 = arith.constant 13 : i32
    %mul3A_1017 = arith.muli %select_n3A_30, %mul3A_1016 : i32
    %add3A_1018 = arith.constant 7 : i32
    %add3A_1019 = arith.addi %mul3A_1017, %add3A_1018 : i32
    %mul3A_1020 = arith.constant 16 : i32
    %mul3A_1021 = arith.muli %add3A_1019, %mul3A_1020 : i32
    %add3A_1022 = arith.addi %mul3A_1021, %select_n3A : i32
    %dma_start3A_1023 = arith.constant 0 : i32
    %dma_start3A_1024 = tpu.memref_slice %arg7[%dma_start3A_1023] : memref<50848xf32, #tpu.memory_space<vmem>> -> memref<49920xf32, #tpu.memory_space<vmem>>
    %dma_start3A_1025 = arith.constant 0 : i32
    %dma_start3A_1026 = tpu.memref_slice %arg3[%add3A_1022, %dma_start3A_1025] : memref<416x100000xf32, #tpu.memory_space<hbm>> -> memref<1x100000xf32, #tpu.memory_space<hbm>>
    %dma_start3A_1027 = tpu.memref_squeeze %dma_start3A_1026 : memref<1x100000xf32, #tpu.memory_space<hbm>> -> memref<100000xf32, #tpu.memory_space<hbm>>
    %dma_start3A_1028 = arith.constant 49920 : i32
    %dma_start3A_1029 = tpu.memref_slice %dma_start3A_1027[%dma_start3A_1028] : memref<100000xf32, #tpu.memory_space<hbm>> -> memref<49920xf32, #tpu.memory_space<hbm>>
    %dma_start3A_1030 = arith.constant 0 : i32
    %dma_start3A_1031 = tpu.memref_slice %arg7[%dma_start3A_1030] : memref<50848xf32, #tpu.memory_space<vmem>> -> memref<49920xf32, #tpu.memory_space<vmem>>
    %dma_start3A_1032 = arith.constant 0 : i32
    %dma_start3A_1033 = tpu.memref_slice %arg3[%add3A_1022, %dma_start3A_1032] : memref<416x100000xf32, #tpu.memory_space<hbm>> -> memref<1x100000xf32, #tpu.memory_space<hbm>>
    %dma_start3A_1034 = tpu.memref_squeeze %dma_start3A_1033 : memref<1x100000xf32, #tpu.memory_space<hbm>> -> memref<100000xf32, #tpu.memory_space<hbm>>
    %dma_start3A_1035 = arith.constant 49920 : i32
    %dma_start3A_1036 = tpu.memref_slice %dma_start3A_1034[%dma_start3A_1035] : memref<100000xf32, #tpu.memory_space<hbm>> -> memref<49920xf32, #tpu.memory_space<hbm>>
    tpu.enqueue_dma source(%dma_start3A_1036 : memref<49920xf32, #tpu.memory_space<hbm>>) target(%dma_start3A_1031 : memref<49920xf32, #tpu.memory_space<vmem>>) target_semaphore(%arg13 : memref<!tpu.dma_semaphore, #tpu.memory_space<semaphore_mem>>)
    %mul3A_1037 = arith.constant 13 : i32
    %mul3A_1038 = arith.muli %select_n3A_30, %mul3A_1037 : i32
    %add3A_1039 = arith.constant 7 : i32
    %add3A_1040 = arith.addi %mul3A_1038, %add3A_1039 : i32
    %mul3A_1041 = arith.constant 16 : i32
    %mul3A_1042 = arith.muli %add3A_1040, %mul3A_1041 : i32
    %add3A_1043 = arith.addi %mul3A_1042, %select_n3A : i32
    %mul3A_1044 = arith.constant 1024 : i32
    %mul3A_1045 = arith.muli %add3A_1043, %mul3A_1044 : i32
    %dma_start3A_1046 = arith.constant 49824 : i32
    %dma_start3A_1047 = tpu.memref_slice %arg7[%dma_start3A_1046] : memref<50848xf32, #tpu.memory_space<vmem>> -> memref<1024xf32, #tpu.memory_space<vmem>>
    %dma_start3A_1048 = tpu.memref_slice %arg4[%mul3A_1045] : memref<425984xf32, #tpu.memory_space<hbm>> -> memref<1024xf32, #tpu.memory_space<hbm>>
    %dma_start3A_1049 = arith.constant 49824 : i32
    %dma_start3A_1050 = tpu.memref_slice %arg7[%dma_start3A_1049] : memref<50848xf32, #tpu.memory_space<vmem>> -> memref<1024xf32, #tpu.memory_space<vmem>>
    %dma_start3A_1051 = tpu.memref_slice %arg4[%mul3A_1045] : memref<425984xf32, #tpu.memory_space<hbm>> -> memref<1024xf32, #tpu.memory_space<hbm>>
    tpu.enqueue_dma source(%dma_start3A_1051 : memref<1024xf32, #tpu.memory_space<hbm>>) target(%dma_start3A_1050 : memref<1024xf32, #tpu.memory_space<vmem>>) target_semaphore(%arg14 : memref<!tpu.dma_semaphore, #tpu.memory_space<semaphore_mem>>)
    %scan3A_1052 = arith.constant 0 : i32
    %scan3A_1053 = arith.constant 0 : i32
    %scan3A_1054 = arith.constant 256 : i32
    %scan3A_1055 = arith.addi %scan3A_1053, %scan3A_1054 : i32
    %scan3A_1056 = arith.constant 1 : i32
    scf.for %scan3A_1777 = %scan3A_1053 to %scan3A_1055 step %scan3A_1056  : i32 {
      %mul3A_1778 = arith.constant 16 : i32
      %mul3A_1779 = arith.muli %scan3A_1777, %mul3A_1778 : i32
      %get3A = arith.index_cast %mul3A_1779 : i32 to index
      %get3A_1780 = tpu.vector_load %arg9[%get3A] {strides = array<i32>} : memref<4096xi32, #tpu.memory_space<vmem>>, vector<16xi32>,
      %sub3A_1781 = arith.constant 0 : i32
      %sub3A_1782 = vector.broadcast %sub3A_1781 : i32 to vector<16xi32>
      %sub3A_1783 = arith.subi %get3A_1780, %sub3A_1782 : vector<16xi32>
      %ge3A = arith.constant 0 : i32
      %ge3A_1784 = vector.broadcast %ge3A : i32 to vector<16xi32>
      %ge3A_1785 = arith.cmpi sge, %sub3A_1783, %ge3A_1784 : vector<16xi32>
      %lt3A_1786 = arith.constant 49920 : i32
      %lt3A_1787 = vector.broadcast %lt3A_1786 : i32 to vector<16xi32>
      %lt3A_1788 = arith.cmpi slt, %sub3A_1783, %lt3A_1787 : vector<16xi32>
      %and3A_1789 = arith.andi %ge3A_1785, %lt3A_1788 : vector<16xi1>
      %jit3A_1790 = arith.constant 0 : i32
      %broadcast_in_dim3A = vector.broadcast %jit3A_1790 : i32 to vector<16xi32>
      %select_n3A_1791 = arith.select %and3A_1789, %sub3A_1783, %broadcast_in_dim3A : vector<16xi1>, vector<16xi32>
      %gather3A = tpu.vector_load_idx %arg6[%select_n3A_1791] : memref<49920xf32, #tpu.memory_space<vmem>>[vector<16xi32>], vector<16xf32>,
      %broadcast_in_dim3A_1792 = arith.constant 0.000000e+00 : f32
      %broadcast_in_dim3A_1793 = vector.broadcast %broadcast_in_dim3A_1792 : f32 to vector<16xf32>
      %select_n3A_1794 = arith.select %and3A_1789, %gather3A, %broadcast_in_dim3A_1793 : vector<16xi1>, vector<16xf32>
      %get3A_1795 = arith.index_cast %mul3A_1779 : i32 to index
      %get3A_1796 = tpu.vector_load %arg10[%get3A_1795] {strides = array<i32>} : memref<4096xf32, #tpu.memory_space<vmem>>, vector<16xf32>,
      %add3A_1797 = arith.addf %get3A_1796, %select_n3A_1794 : vector<16xf32>
      %swap3A = arith.index_cast %mul3A_1779 : i32 to index
      %swap3A_1798 = tpu.vector_load %arg10[%swap3A] {strides = array<i32>} : memref<4096xf32, #tpu.memory_space<vmem>>, vector<16xf32>,
      tpu.vector_store %arg10[%swap3A], %add3A_1797 {strides = array<i32>} : memref<4096xf32, #tpu.memory_space<vmem>>, vector<16xf32>,
      %get3A_1799 = arith.index_cast %mul3A_1779 : i32 to index
      %get3A_1800 = tpu.vector_load %arg11[%get3A_1799] {strides = array<i32>} : memref<4096xf32, #tpu.memory_space<vmem>>, vector<16xf32>,
      %mul3A_1801 = arith.mulf %select_n3A_1794, %select_n3A_1794 : vector<16xf32>
      %add3A_1802 = arith.addf %get3A_1800, %mul3A_1801 : vector<16xf32>
      %swap3A_1803 = arith.index_cast %mul3A_1779 : i32 to index
      %swap3A_1804 = tpu.vector_load %arg11[%swap3A_1803] {strides = array<i32>} : memref<4096xf32, #tpu.memory_space<vmem>>, vector<16xf32>,
      tpu.vector_store %arg11[%swap3A_1803], %add3A_1802 {strides = array<i32>} : memref<4096xf32, #tpu.memory_space<vmem>>, vector<16xf32>,
    }
    %scan3A_1057 = arith.constant 256 : i32
    %mul3A_1058 = arith.constant 13 : i32
    %mul3A_1059 = arith.muli %select_n3A_30, %mul3A_1058 : i32
    %add3A_1060 = arith.constant 7 : i32
    %add3A_1061 = arith.addi %mul3A_1059, %add3A_1060 : i32
    %mul3A_1062 = arith.constant 16 : i32
    %mul3A_1063 = arith.muli %add3A_1061, %mul3A_1062 : i32
    %add3A_1064 = arith.addi %mul3A_1063, %select_n3A : i32
    %dma_wait3A_1065 = arith.constant 0 : i32
    %dma_wait3A_1066 = tpu.memref_slice %arg7[%dma_wait3A_1065] : memref<50848xf32, #tpu.memory_space<vmem>> -> memref<49920xf32, #tpu.memory_space<vmem>>
    %dma_wait3A_1067 = arith.constant 0 : i32
    %dma_wait3A_1068 = tpu.memref_slice %arg3[%add3A_1064, %dma_wait3A_1067] : memref<416x100000xf32, #tpu.memory_space<hbm>> -> memref<1x100000xf32, #tpu.memory_space<hbm>>
    %dma_wait3A_1069 = tpu.memref_squeeze %dma_wait3A_1068 : memref<1x100000xf32, #tpu.memory_space<hbm>> -> memref<100000xf32, #tpu.memory_space<hbm>>
    %dma_wait3A_1070 = arith.constant 49920 : i32
    %dma_wait3A_1071 = tpu.memref_slice %dma_wait3A_1069[%dma_wait3A_1070] : memref<100000xf32, #tpu.memory_space<hbm>> -> memref<49920xf32, #tpu.memory_space<hbm>>
    %dma_wait3A_1072 = arith.constant 0 : i32
    %dma_wait3A_1073 = tpu.memref_slice %arg7[%dma_wait3A_1072] : memref<50848xf32, #tpu.memory_space<vmem>> -> memref<49920xf32, #tpu.memory_space<vmem>>
    %dma_wait3A_1074 = arith.constant 0 : i32
    %dma_wait3A_1075 = tpu.memref_slice %arg3[%add3A_1064, %dma_wait3A_1074] : memref<416x100000xf32, #tpu.memory_space<hbm>> -> memref<1x100000xf32, #tpu.memory_space<hbm>>
    %dma_wait3A_1076 = tpu.memref_squeeze %dma_wait3A_1075 : memref<1x100000xf32, #tpu.memory_space<hbm>> -> memref<100000xf32, #tpu.memory_space<hbm>>
    %dma_wait3A_1077 = arith.constant 49920 : i32
    %dma_wait3A_1078 = tpu.memref_slice %dma_wait3A_1076[%dma_wait3A_1077] : memref<100000xf32, #tpu.memory_space<hbm>> -> memref<49920xf32, #tpu.memory_space<hbm>>
    tpu.wait_dma2 semaphore(%arg13 : memref<!tpu.dma_semaphore, #tpu.memory_space<semaphore_mem>>) src(%dma_wait3A_1078 : memref<49920xf32, #tpu.memory_space<hbm>>) dst(%dma_wait3A_1073 : memref<49920xf32, #tpu.memory_space<vmem>>)
    %mul3A_1079 = arith.constant 13 : i32
    %mul3A_1080 = arith.muli %select_n3A_30, %mul3A_1079 : i32
    %add3A_1081 = arith.constant 7 : i32
    %add3A_1082 = arith.addi %mul3A_1080, %add3A_1081 : i32
    %mul3A_1083 = arith.constant 16 : i32
    %mul3A_1084 = arith.muli %add3A_1082, %mul3A_1083 : i32
    %add3A_1085 = arith.addi %mul3A_1084, %select_n3A : i32
    %mul3A_1086 = arith.constant 1024 : i32
    %mul3A_1087 = arith.muli %add3A_1085, %mul3A_1086 : i32
    %dma_wait3A_1088 = arith.constant 49824 : i32
    %dma_wait3A_1089 = tpu.memref_slice %arg7[%dma_wait3A_1088] : memref<50848xf32, #tpu.memory_space<vmem>> -> memref<1024xf32, #tpu.memory_space<vmem>>
    %dma_wait3A_1090 = tpu.memref_slice %arg4[%mul3A_1087] : memref<425984xf32, #tpu.memory_space<hbm>> -> memref<1024xf32, #tpu.memory_space<hbm>>
    %dma_wait3A_1091 = arith.constant 49824 : i32
    %dma_wait3A_1092 = tpu.memref_slice %arg7[%dma_wait3A_1091] : memref<50848xf32, #tpu.memory_space<vmem>> -> memref<1024xf32, #tpu.memory_space<vmem>>
    %dma_wait3A_1093 = tpu.memref_slice %arg4[%mul3A_1087] : memref<425984xf32, #tpu.memory_space<hbm>> -> memref<1024xf32, #tpu.memory_space<hbm>>
    tpu.wait_dma2 semaphore(%arg14 : memref<!tpu.dma_semaphore, #tpu.memory_space<semaphore_mem>>) src(%dma_wait3A_1093 : memref<1024xf32, #tpu.memory_space<hbm>>) dst(%dma_wait3A_1092 : memref<1024xf32, #tpu.memory_space<vmem>>)
    %mul3A_1094 = arith.constant 13 : i32
    %mul3A_1095 = arith.muli %select_n3A_30, %mul3A_1094 : i32
    %add3A_1096 = arith.constant 8 : i32
    %add3A_1097 = arith.addi %mul3A_1095, %add3A_1096 : i32
    %mul3A_1098 = arith.constant 16 : i32
    %mul3A_1099 = arith.muli %add3A_1097, %mul3A_1098 : i32
    %add3A_1100 = arith.addi %mul3A_1099, %select_n3A : i32
    %dma_start3A_1101 = arith.constant 0 : i32
    %dma_start3A_1102 = tpu.memref_slice %arg3[%add3A_1100, %dma_start3A_1101] : memref<416x100000xf32, #tpu.memory_space<hbm>> -> memref<1x100000xf32, #tpu.memory_space<hbm>>
    %dma_start3A_1103 = tpu.memref_squeeze %dma_start3A_1102 : memref<1x100000xf32, #tpu.memory_space<hbm>> -> memref<100000xf32, #tpu.memory_space<hbm>>
    %dma_start3A_1104 = arith.constant 0 : i32
    %dma_start3A_1105 = tpu.memref_slice %dma_start3A_1103[%dma_start3A_1104] : memref<100000xf32, #tpu.memory_space<hbm>> -> memref<49920xf32, #tpu.memory_space<hbm>>
    %dma_start3A_1106 = arith.constant 0 : i32
    %dma_start3A_1107 = tpu.memref_slice %arg3[%add3A_1100, %dma_start3A_1106] : memref<416x100000xf32, #tpu.memory_space<hbm>> -> memref<1x100000xf32, #tpu.memory_space<hbm>>
    %dma_start3A_1108 = tpu.memref_squeeze %dma_start3A_1107 : memref<1x100000xf32, #tpu.memory_space<hbm>> -> memref<100000xf32, #tpu.memory_space<hbm>>
    %dma_start3A_1109 = arith.constant 0 : i32
    %dma_start3A_1110 = tpu.memref_slice %dma_start3A_1108[%dma_start3A_1109] : memref<100000xf32, #tpu.memory_space<hbm>> -> memref<49920xf32, #tpu.memory_space<hbm>>
    tpu.enqueue_dma source(%dma_start3A_1110 : memref<49920xf32, #tpu.memory_space<hbm>>) target(%arg6 : memref<49920xf32, #tpu.memory_space<vmem>>) target_semaphore(%arg12 : memref<!tpu.dma_semaphore, #tpu.memory_space<semaphore_mem>>)
    %mul3A_1111 = arith.constant 13 : i32
    %mul3A_1112 = arith.muli %select_n3A_30, %mul3A_1111 : i32
    %add3A_1113 = arith.constant 8 : i32
    %add3A_1114 = arith.addi %mul3A_1112, %add3A_1113 : i32
    %mul3A_1115 = arith.constant 4096 : i32
    %mul3A_1116 = arith.muli %add3A_1114, %mul3A_1115 : i32
    %dma_start3A_1117 = tpu.memref_slice %arg2[%mul3A_1116] : memref<106496xi32, #tpu.memory_space<hbm>> -> memref<4096xi32, #tpu.memory_space<hbm>>
    %dma_start3A_1118 = tpu.memref_slice %arg2[%mul3A_1116] : memref<106496xi32, #tpu.memory_space<hbm>> -> memref<4096xi32, #tpu.memory_space<hbm>>
    tpu.enqueue_dma source(%dma_start3A_1118 : memref<4096xi32, #tpu.memory_space<hbm>>) target(%arg8 : memref<4096xi32, #tpu.memory_space<vmem>>) target_semaphore(%arg15 : memref<!tpu.dma_semaphore, #tpu.memory_space<semaphore_mem>>)
    %scan3A_1119 = arith.constant 0 : i32
    %scan3A_1120 = arith.constant 0 : i32
    %scan3A_1121 = arith.constant 256 : i32
    %scan3A_1122 = arith.addi %scan3A_1120, %scan3A_1121 : i32
    %scan3A_1123 = arith.constant 1 : i32
    scf.for %scan3A_1777 = %scan3A_1120 to %scan3A_1122 step %scan3A_1123  : i32 {
      %mul3A_1778 = arith.constant 16 : i32
      %mul3A_1779 = arith.muli %scan3A_1777, %mul3A_1778 : i32
      %get3A = arith.index_cast %mul3A_1779 : i32 to index
      %get3A_1780 = tpu.vector_load %arg9[%get3A] {strides = array<i32>} : memref<4096xi32, #tpu.memory_space<vmem>>, vector<16xi32>,
      %sub3A_1781 = arith.constant 49920 : i32
      %sub3A_1782 = vector.broadcast %sub3A_1781 : i32 to vector<16xi32>
      %sub3A_1783 = arith.subi %get3A_1780, %sub3A_1782 : vector<16xi32>
      %ge3A = arith.constant 0 : i32
      %ge3A_1784 = vector.broadcast %ge3A : i32 to vector<16xi32>
      %ge3A_1785 = arith.cmpi sge, %sub3A_1783, %ge3A_1784 : vector<16xi32>
      %lt3A_1786 = arith.constant 50080 : i32
      %lt3A_1787 = vector.broadcast %lt3A_1786 : i32 to vector<16xi32>
      %lt3A_1788 = arith.cmpi slt, %sub3A_1783, %lt3A_1787 : vector<16xi32>
      %and3A_1789 = arith.andi %ge3A_1785, %lt3A_1788 : vector<16xi1>
      %jit3A_1790 = arith.constant 0 : i32
      %broadcast_in_dim3A = vector.broadcast %jit3A_1790 : i32 to vector<16xi32>
      %select_n3A_1791 = arith.select %and3A_1789, %sub3A_1783, %broadcast_in_dim3A : vector<16xi1>, vector<16xi32>
      %gather3A = tpu.vector_load_idx %arg7[%select_n3A_1791] : memref<50848xf32, #tpu.memory_space<vmem>>[vector<16xi32>], vector<16xf32>,
      %broadcast_in_dim3A_1792 = arith.constant 0.000000e+00 : f32
      %broadcast_in_dim3A_1793 = vector.broadcast %broadcast_in_dim3A_1792 : f32 to vector<16xf32>
      %select_n3A_1794 = arith.select %and3A_1789, %gather3A, %broadcast_in_dim3A_1793 : vector<16xi1>, vector<16xf32>
      %get3A_1795 = arith.index_cast %mul3A_1779 : i32 to index
      %get3A_1796 = tpu.vector_load %arg10[%get3A_1795] {strides = array<i32>} : memref<4096xf32, #tpu.memory_space<vmem>>, vector<16xf32>,
      %add3A_1797 = arith.addf %get3A_1796, %select_n3A_1794 : vector<16xf32>
      %swap3A = arith.index_cast %mul3A_1779 : i32 to index
      %swap3A_1798 = tpu.vector_load %arg10[%swap3A] {strides = array<i32>} : memref<4096xf32, #tpu.memory_space<vmem>>, vector<16xf32>,
      tpu.vector_store %arg10[%swap3A], %add3A_1797 {strides = array<i32>} : memref<4096xf32, #tpu.memory_space<vmem>>, vector<16xf32>,
      %get3A_1799 = arith.index_cast %mul3A_1779 : i32 to index
      %get3A_1800 = tpu.vector_load %arg11[%get3A_1799] {strides = array<i32>} : memref<4096xf32, #tpu.memory_space<vmem>>, vector<16xf32>,
      %mul3A_1801 = arith.mulf %select_n3A_1794, %select_n3A_1794 : vector<16xf32>
      %add3A_1802 = arith.addf %get3A_1800, %mul3A_1801 : vector<16xf32>
      %swap3A_1803 = arith.index_cast %mul3A_1779 : i32 to index
      %swap3A_1804 = tpu.vector_load %arg11[%swap3A_1803] {strides = array<i32>} : memref<4096xf32, #tpu.memory_space<vmem>>, vector<16xf32>,
      tpu.vector_store %arg11[%swap3A_1803], %add3A_1802 {strides = array<i32>} : memref<4096xf32, #tpu.memory_space<vmem>>, vector<16xf32>,
    }
    %scan3A_1124 = arith.constant 256 : i32
    %mul3A_1125 = arith.constant 13 : i32
    %mul3A_1126 = arith.muli %select_n3A_30, %mul3A_1125 : i32
    %add3A_1127 = arith.constant 8 : i32
    %add3A_1128 = arith.addi %mul3A_1126, %add3A_1127 : i32
    %mul3A_1129 = arith.constant 4096 : i32
    %mul3A_1130 = arith.muli %add3A_1128, %mul3A_1129 : i32
    %dma_wait3A_1131 = tpu.memref_slice %arg2[%mul3A_1130] : memref<106496xi32, #tpu.memory_space<hbm>> -> memref<4096xi32, #tpu.memory_space<hbm>>
    %dma_wait3A_1132 = tpu.memref_slice %arg2[%mul3A_1130] : memref<106496xi32, #tpu.memory_space<hbm>> -> memref<4096xi32, #tpu.memory_space<hbm>>
    tpu.wait_dma2 semaphore(%arg15 : memref<!tpu.dma_semaphore, #tpu.memory_space<semaphore_mem>>) src(%dma_wait3A_1132 : memref<4096xi32, #tpu.memory_space<hbm>>) dst(%arg8 : memref<4096xi32, #tpu.memory_space<vmem>>)
    %mul3A_1133 = arith.constant 13 : i32
    %mul3A_1134 = arith.muli %select_n3A_30, %mul3A_1133 : i32
    %add3A_1135 = arith.constant 8 : i32
    %add3A_1136 = arith.addi %mul3A_1134, %add3A_1135 : i32
    %mul3A_1137 = arith.constant 16 : i32
    %mul3A_1138 = arith.muli %add3A_1136, %mul3A_1137 : i32
    %add3A_1139 = arith.addi %mul3A_1138, %select_n3A : i32
    %dma_wait3A_1140 = arith.constant 0 : i32
    %dma_wait3A_1141 = tpu.memref_slice %arg3[%add3A_1139, %dma_wait3A_1140] : memref<416x100000xf32, #tpu.memory_space<hbm>> -> memref<1x100000xf32, #tpu.memory_space<hbm>>
    %dma_wait3A_1142 = tpu.memref_squeeze %dma_wait3A_1141 : memref<1x100000xf32, #tpu.memory_space<hbm>> -> memref<100000xf32, #tpu.memory_space<hbm>>
    %dma_wait3A_1143 = arith.constant 0 : i32
    %dma_wait3A_1144 = tpu.memref_slice %dma_wait3A_1142[%dma_wait3A_1143] : memref<100000xf32, #tpu.memory_space<hbm>> -> memref<49920xf32, #tpu.memory_space<hbm>>
    %dma_wait3A_1145 = arith.constant 0 : i32
    %dma_wait3A_1146 = tpu.memref_slice %arg3[%add3A_1139, %dma_wait3A_1145] : memref<416x100000xf32, #tpu.memory_space<hbm>> -> memref<1x100000xf32, #tpu.memory_space<hbm>>
    %dma_wait3A_1147 = tpu.memref_squeeze %dma_wait3A_1146 : memref<1x100000xf32, #tpu.memory_space<hbm>> -> memref<100000xf32, #tpu.memory_space<hbm>>
    %dma_wait3A_1148 = arith.constant 0 : i32
    %dma_wait3A_1149 = tpu.memref_slice %dma_wait3A_1147[%dma_wait3A_1148] : memref<100000xf32, #tpu.memory_space<hbm>> -> memref<49920xf32, #tpu.memory_space<hbm>>
    tpu.wait_dma2 semaphore(%arg12 : memref<!tpu.dma_semaphore, #tpu.memory_space<semaphore_mem>>) src(%dma_wait3A_1149 : memref<49920xf32, #tpu.memory_space<hbm>>) dst(%arg6 : memref<49920xf32, #tpu.memory_space<vmem>>)
    %mul3A_1150 = arith.constant 13 : i32
    %mul3A_1151 = arith.muli %select_n3A_30, %mul3A_1150 : i32
    %add3A_1152 = arith.constant 8 : i32
    %add3A_1153 = arith.addi %mul3A_1151, %add3A_1152 : i32
    %mul3A_1154 = arith.constant 16 : i32
    %mul3A_1155 = arith.muli %add3A_1153, %mul3A_1154 : i32
    %add3A_1156 = arith.addi %mul3A_1155, %select_n3A : i32
    %dma_start3A_1157 = arith.constant 0 : i32
    %dma_start3A_1158 = tpu.memref_slice %arg7[%dma_start3A_1157] : memref<50848xf32, #tpu.memory_space<vmem>> -> memref<49920xf32, #tpu.memory_space<vmem>>
    %dma_start3A_1159 = arith.constant 0 : i32
    %dma_start3A_1160 = tpu.memref_slice %arg3[%add3A_1156, %dma_start3A_1159] : memref<416x100000xf32, #tpu.memory_space<hbm>> -> memref<1x100000xf32, #tpu.memory_space<hbm>>
    %dma_start3A_1161 = tpu.memref_squeeze %dma_start3A_1160 : memref<1x100000xf32, #tpu.memory_space<hbm>> -> memref<100000xf32, #tpu.memory_space<hbm>>
    %dma_start3A_1162 = arith.constant 49920 : i32
    %dma_start3A_1163 = tpu.memref_slice %dma_start3A_1161[%dma_start3A_1162] : memref<100000xf32, #tpu.memory_space<hbm>> -> memref<49920xf32, #tpu.memory_space<hbm>>
    %dma_start3A_1164 = arith.constant 0 : i32
    %dma_start3A_1165 = tpu.memref_slice %arg7[%dma_start3A_1164] : memref<50848xf32, #tpu.memory_space<vmem>> -> memref<49920xf32, #tpu.memory_space<vmem>>
    %dma_start3A_1166 = arith.constant 0 : i32
    %dma_start3A_1167 = tpu.memref_slice %arg3[%add3A_1156, %dma_start3A_1166] : memref<416x100000xf32, #tpu.memory_space<hbm>> -> memref<1x100000xf32, #tpu.memory_space<hbm>>
    %dma_start3A_1168 = tpu.memref_squeeze %dma_start3A_1167 : memref<1x100000xf32, #tpu.memory_space<hbm>> -> memref<100000xf32, #tpu.memory_space<hbm>>
    %dma_start3A_1169 = arith.constant 49920 : i32
    %dma_start3A_1170 = tpu.memref_slice %dma_start3A_1168[%dma_start3A_1169] : memref<100000xf32, #tpu.memory_space<hbm>> -> memref<49920xf32, #tpu.memory_space<hbm>>
    tpu.enqueue_dma source(%dma_start3A_1170 : memref<49920xf32, #tpu.memory_space<hbm>>) target(%dma_start3A_1165 : memref<49920xf32, #tpu.memory_space<vmem>>) target_semaphore(%arg13 : memref<!tpu.dma_semaphore, #tpu.memory_space<semaphore_mem>>)
    %mul3A_1171 = arith.constant 13 : i32
    %mul3A_1172 = arith.muli %select_n3A_30, %mul3A_1171 : i32
    %add3A_1173 = arith.constant 8 : i32
    %add3A_1174 = arith.addi %mul3A_1172, %add3A_1173 : i32
    %mul3A_1175 = arith.constant 16 : i32
    %mul3A_1176 = arith.muli %add3A_1174, %mul3A_1175 : i32
    %add3A_1177 = arith.addi %mul3A_1176, %select_n3A : i32
    %mul3A_1178 = arith.constant 1024 : i32
    %mul3A_1179 = arith.muli %add3A_1177, %mul3A_1178 : i32
    %dma_start3A_1180 = arith.constant 49824 : i32
    %dma_start3A_1181 = tpu.memref_slice %arg7[%dma_start3A_1180] : memref<50848xf32, #tpu.memory_space<vmem>> -> memref<1024xf32, #tpu.memory_space<vmem>>
    %dma_start3A_1182 = tpu.memref_slice %arg4[%mul3A_1179] : memref<425984xf32, #tpu.memory_space<hbm>> -> memref<1024xf32, #tpu.memory_space<hbm>>
    %dma_start3A_1183 = arith.constant 49824 : i32
    %dma_start3A_1184 = tpu.memref_slice %arg7[%dma_start3A_1183] : memref<50848xf32, #tpu.memory_space<vmem>> -> memref<1024xf32, #tpu.memory_space<vmem>>
    %dma_start3A_1185 = tpu.memref_slice %arg4[%mul3A_1179] : memref<425984xf32, #tpu.memory_space<hbm>> -> memref<1024xf32, #tpu.memory_space<hbm>>
    tpu.enqueue_dma source(%dma_start3A_1185 : memref<1024xf32, #tpu.memory_space<hbm>>) target(%dma_start3A_1184 : memref<1024xf32, #tpu.memory_space<vmem>>) target_semaphore(%arg14 : memref<!tpu.dma_semaphore, #tpu.memory_space<semaphore_mem>>)
    %scan3A_1186 = arith.constant 0 : i32
    %scan3A_1187 = arith.constant 0 : i32
    %scan3A_1188 = arith.constant 256 : i32
    %scan3A_1189 = arith.addi %scan3A_1187, %scan3A_1188 : i32
    %scan3A_1190 = arith.constant 1 : i32
    scf.for %scan3A_1777 = %scan3A_1187 to %scan3A_1189 step %scan3A_1190  : i32 {
      %mul3A_1778 = arith.constant 16 : i32
      %mul3A_1779 = arith.muli %scan3A_1777, %mul3A_1778 : i32
      %get3A = arith.index_cast %mul3A_1779 : i32 to index
      %get3A_1780 = tpu.vector_load %arg8[%get3A] {strides = array<i32>} : memref<4096xi32, #tpu.memory_space<vmem>>, vector<16xi32>,
      %sub3A_1781 = arith.constant 0 : i32
      %sub3A_1782 = vector.broadcast %sub3A_1781 : i32 to vector<16xi32>
      %sub3A_1783 = arith.subi %get3A_1780, %sub3A_1782 : vector<16xi32>
      %ge3A = arith.constant 0 : i32
      %ge3A_1784 = vector.broadcast %ge3A : i32 to vector<16xi32>
      %ge3A_1785 = arith.cmpi sge, %sub3A_1783, %ge3A_1784 : vector<16xi32>
      %lt3A_1786 = arith.constant 49920 : i32
      %lt3A_1787 = vector.broadcast %lt3A_1786 : i32 to vector<16xi32>
      %lt3A_1788 = arith.cmpi slt, %sub3A_1783, %lt3A_1787 : vector<16xi32>
      %and3A_1789 = arith.andi %ge3A_1785, %lt3A_1788 : vector<16xi1>
      %jit3A_1790 = arith.constant 0 : i32
      %broadcast_in_dim3A = vector.broadcast %jit3A_1790 : i32 to vector<16xi32>
      %select_n3A_1791 = arith.select %and3A_1789, %sub3A_1783, %broadcast_in_dim3A : vector<16xi1>, vector<16xi32>
      %gather3A = tpu.vector_load_idx %arg6[%select_n3A_1791] : memref<49920xf32, #tpu.memory_space<vmem>>[vector<16xi32>], vector<16xf32>,
      %broadcast_in_dim3A_1792 = arith.constant 0.000000e+00 : f32
      %broadcast_in_dim3A_1793 = vector.broadcast %broadcast_in_dim3A_1792 : f32 to vector<16xf32>
      %select_n3A_1794 = arith.select %and3A_1789, %gather3A, %broadcast_in_dim3A_1793 : vector<16xi1>, vector<16xf32>
      %get3A_1795 = arith.index_cast %mul3A_1779 : i32 to index
      %get3A_1796 = tpu.vector_load %arg10[%get3A_1795] {strides = array<i32>} : memref<4096xf32, #tpu.memory_space<vmem>>, vector<16xf32>,
      %add3A_1797 = arith.addf %get3A_1796, %select_n3A_1794 : vector<16xf32>
      %swap3A = arith.index_cast %mul3A_1779 : i32 to index
      %swap3A_1798 = tpu.vector_load %arg10[%swap3A] {strides = array<i32>} : memref<4096xf32, #tpu.memory_space<vmem>>, vector<16xf32>,
      tpu.vector_store %arg10[%swap3A], %add3A_1797 {strides = array<i32>} : memref<4096xf32, #tpu.memory_space<vmem>>, vector<16xf32>,
      %get3A_1799 = arith.index_cast %mul3A_1779 : i32 to index
      %get3A_1800 = tpu.vector_load %arg11[%get3A_1799] {strides = array<i32>} : memref<4096xf32, #tpu.memory_space<vmem>>, vector<16xf32>,
      %mul3A_1801 = arith.mulf %select_n3A_1794, %select_n3A_1794 : vector<16xf32>
      %add3A_1802 = arith.addf %get3A_1800, %mul3A_1801 : vector<16xf32>
      %swap3A_1803 = arith.index_cast %mul3A_1779 : i32 to index
      %swap3A_1804 = tpu.vector_load %arg11[%swap3A_1803] {strides = array<i32>} : memref<4096xf32, #tpu.memory_space<vmem>>, vector<16xf32>,
      tpu.vector_store %arg11[%swap3A_1803], %add3A_1802 {strides = array<i32>} : memref<4096xf32, #tpu.memory_space<vmem>>, vector<16xf32>,
    }
    %scan3A_1191 = arith.constant 256 : i32
    %mul3A_1192 = arith.constant 13 : i32
    %mul3A_1193 = arith.muli %select_n3A_30, %mul3A_1192 : i32
    %add3A_1194 = arith.constant 8 : i32
    %add3A_1195 = arith.addi %mul3A_1193, %add3A_1194 : i32
    %mul3A_1196 = arith.constant 16 : i32
    %mul3A_1197 = arith.muli %add3A_1195, %mul3A_1196 : i32
    %add3A_1198 = arith.addi %mul3A_1197, %select_n3A : i32
    %dma_wait3A_1199 = arith.constant 0 : i32
    %dma_wait3A_1200 = tpu.memref_slice %arg7[%dma_wait3A_1199] : memref<50848xf32, #tpu.memory_space<vmem>> -> memref<49920xf32, #tpu.memory_space<vmem>>
    %dma_wait3A_1201 = arith.constant 0 : i32
    %dma_wait3A_1202 = tpu.memref_slice %arg3[%add3A_1198, %dma_wait3A_1201] : memref<416x100000xf32, #tpu.memory_space<hbm>> -> memref<1x100000xf32, #tpu.memory_space<hbm>>
    %dma_wait3A_1203 = tpu.memref_squeeze %dma_wait3A_1202 : memref<1x100000xf32, #tpu.memory_space<hbm>> -> memref<100000xf32, #tpu.memory_space<hbm>>
    %dma_wait3A_1204 = arith.constant 49920 : i32
    %dma_wait3A_1205 = tpu.memref_slice %dma_wait3A_1203[%dma_wait3A_1204] : memref<100000xf32, #tpu.memory_space<hbm>> -> memref<49920xf32, #tpu.memory_space<hbm>>
    %dma_wait3A_1206 = arith.constant 0 : i32
    %dma_wait3A_1207 = tpu.memref_slice %arg7[%dma_wait3A_1206] : memref<50848xf32, #tpu.memory_space<vmem>> -> memref<49920xf32, #tpu.memory_space<vmem>>
    %dma_wait3A_1208 = arith.constant 0 : i32
    %dma_wait3A_1209 = tpu.memref_slice %arg3[%add3A_1198, %dma_wait3A_1208] : memref<416x100000xf32, #tpu.memory_space<hbm>> -> memref<1x100000xf32, #tpu.memory_space<hbm>>
    %dma_wait3A_1210 = tpu.memref_squeeze %dma_wait3A_1209 : memref<1x100000xf32, #tpu.memory_space<hbm>> -> memref<100000xf32, #tpu.memory_space<hbm>>
    %dma_wait3A_1211 = arith.constant 49920 : i32
    %dma_wait3A_1212 = tpu.memref_slice %dma_wait3A_1210[%dma_wait3A_1211] : memref<100000xf32, #tpu.memory_space<hbm>> -> memref<49920xf32, #tpu.memory_space<hbm>>
    tpu.wait_dma2 semaphore(%arg13 : memref<!tpu.dma_semaphore, #tpu.memory_space<semaphore_mem>>) src(%dma_wait3A_1212 : memref<49920xf32, #tpu.memory_space<hbm>>) dst(%dma_wait3A_1207 : memref<49920xf32, #tpu.memory_space<vmem>>)
    %mul3A_1213 = arith.constant 13 : i32
    %mul3A_1214 = arith.muli %select_n3A_30, %mul3A_1213 : i32
    %add3A_1215 = arith.constant 8 : i32
    %add3A_1216 = arith.addi %mul3A_1214, %add3A_1215 : i32
    %mul3A_1217 = arith.constant 16 : i32
    %mul3A_1218 = arith.muli %add3A_1216, %mul3A_1217 : i32
    %add3A_1219 = arith.addi %mul3A_1218, %select_n3A : i32
    %mul3A_1220 = arith.constant 1024 : i32
    %mul3A_1221 = arith.muli %add3A_1219, %mul3A_1220 : i32
    %dma_wait3A_1222 = arith.constant 49824 : i32
    %dma_wait3A_1223 = tpu.memref_slice %arg7[%dma_wait3A_1222] : memref<50848xf32, #tpu.memory_space<vmem>> -> memref<1024xf32, #tpu.memory_space<vmem>>
    %dma_wait3A_1224 = tpu.memref_slice %arg4[%mul3A_1221] : memref<425984xf32, #tpu.memory_space<hbm>> -> memref<1024xf32, #tpu.memory_space<hbm>>
    %dma_wait3A_1225 = arith.constant 49824 : i32
    %dma_wait3A_1226 = tpu.memref_slice %arg7[%dma_wait3A_1225] : memref<50848xf32, #tpu.memory_space<vmem>> -> memref<1024xf32, #tpu.memory_space<vmem>>
    %dma_wait3A_1227 = tpu.memref_slice %arg4[%mul3A_1221] : memref<425984xf32, #tpu.memory_space<hbm>> -> memref<1024xf32, #tpu.memory_space<hbm>>
    tpu.wait_dma2 semaphore(%arg14 : memref<!tpu.dma_semaphore, #tpu.memory_space<semaphore_mem>>) src(%dma_wait3A_1227 : memref<1024xf32, #tpu.memory_space<hbm>>) dst(%dma_wait3A_1226 : memref<1024xf32, #tpu.memory_space<vmem>>)
    %mul3A_1228 = arith.constant 13 : i32
    %mul3A_1229 = arith.muli %select_n3A_30, %mul3A_1228 : i32
    %add3A_1230 = arith.constant 9 : i32
    %add3A_1231 = arith.addi %mul3A_1229, %add3A_1230 : i32
    %mul3A_1232 = arith.constant 16 : i32
    %mul3A_1233 = arith.muli %add3A_1231, %mul3A_1232 : i32
    %add3A_1234 = arith.addi %mul3A_1233, %select_n3A : i32
    %dma_start3A_1235 = arith.constant 0 : i32
    %dma_start3A_1236 = tpu.memref_slice %arg3[%add3A_1234, %dma_start3A_1235] : memref<416x100000xf32, #tpu.memory_space<hbm>> -> memref<1x100000xf32, #tpu.memory_space<hbm>>
    %dma_start3A_1237 = tpu.memref_squeeze %dma_start3A_1236 : memref<1x100000xf32, #tpu.memory_space<hbm>> -> memref<100000xf32, #tpu.memory_space<hbm>>
    %dma_start3A_1238 = arith.constant 0 : i32
    %dma_start3A_1239 = tpu.memref_slice %dma_start3A_1237[%dma_start3A_1238] : memref<100000xf32, #tpu.memory_space<hbm>> -> memref<49920xf32, #tpu.memory_space<hbm>>
    %dma_start3A_1240 = arith.constant 0 : i32
    %dma_start3A_1241 = tpu.memref_slice %arg3[%add3A_1234, %dma_start3A_1240] : memref<416x100000xf32, #tpu.memory_space<hbm>> -> memref<1x100000xf32, #tpu.memory_space<hbm>>
    %dma_start3A_1242 = tpu.memref_squeeze %dma_start3A_1241 : memref<1x100000xf32, #tpu.memory_space<hbm>> -> memref<100000xf32, #tpu.memory_space<hbm>>
    %dma_start3A_1243 = arith.constant 0 : i32
    %dma_start3A_1244 = tpu.memref_slice %dma_start3A_1242[%dma_start3A_1243] : memref<100000xf32, #tpu.memory_space<hbm>> -> memref<49920xf32, #tpu.memory_space<hbm>>
    tpu.enqueue_dma source(%dma_start3A_1244 : memref<49920xf32, #tpu.memory_space<hbm>>) target(%arg6 : memref<49920xf32, #tpu.memory_space<vmem>>) target_semaphore(%arg12 : memref<!tpu.dma_semaphore, #tpu.memory_space<semaphore_mem>>)
    %mul3A_1245 = arith.constant 13 : i32
    %mul3A_1246 = arith.muli %select_n3A_30, %mul3A_1245 : i32
    %add3A_1247 = arith.constant 9 : i32
    %add3A_1248 = arith.addi %mul3A_1246, %add3A_1247 : i32
    %mul3A_1249 = arith.constant 4096 : i32
    %mul3A_1250 = arith.muli %add3A_1248, %mul3A_1249 : i32
    %dma_start3A_1251 = tpu.memref_slice %arg2[%mul3A_1250] : memref<106496xi32, #tpu.memory_space<hbm>> -> memref<4096xi32, #tpu.memory_space<hbm>>
    %dma_start3A_1252 = tpu.memref_slice %arg2[%mul3A_1250] : memref<106496xi32, #tpu.memory_space<hbm>> -> memref<4096xi32, #tpu.memory_space<hbm>>
    tpu.enqueue_dma source(%dma_start3A_1252 : memref<4096xi32, #tpu.memory_space<hbm>>) target(%arg9 : memref<4096xi32, #tpu.memory_space<vmem>>) target_semaphore(%arg15 : memref<!tpu.dma_semaphore, #tpu.memory_space<semaphore_mem>>)
    %scan3A_1253 = arith.constant 0 : i32
    %scan3A_1254 = arith.constant 0 : i32
    %scan3A_1255 = arith.constant 256 : i32
    %scan3A_1256 = arith.addi %scan3A_1254, %scan3A_1255 : i32
    %scan3A_1257 = arith.constant 1 : i32
    scf.for %scan3A_1777 = %scan3A_1254 to %scan3A_1256 step %scan3A_1257  : i32 {
      %mul3A_1778 = arith.constant 16 : i32
      %mul3A_1779 = arith.muli %scan3A_1777, %mul3A_1778 : i32
      %get3A = arith.index_cast %mul3A_1779 : i32 to index
      %get3A_1780 = tpu.vector_load %arg8[%get3A] {strides = array<i32>} : memref<4096xi32, #tpu.memory_space<vmem>>, vector<16xi32>,
      %sub3A_1781 = arith.constant 49920 : i32
      %sub3A_1782 = vector.broadcast %sub3A_1781 : i32 to vector<16xi32>
      %sub3A_1783 = arith.subi %get3A_1780, %sub3A_1782 : vector<16xi32>
      %ge3A = arith.constant 0 : i32
      %ge3A_1784 = vector.broadcast %ge3A : i32 to vector<16xi32>
      %ge3A_1785 = arith.cmpi sge, %sub3A_1783, %ge3A_1784 : vector<16xi32>
      %lt3A_1786 = arith.constant 50080 : i32
      %lt3A_1787 = vector.broadcast %lt3A_1786 : i32 to vector<16xi32>
      %lt3A_1788 = arith.cmpi slt, %sub3A_1783, %lt3A_1787 : vector<16xi32>
      %and3A_1789 = arith.andi %ge3A_1785, %lt3A_1788 : vector<16xi1>
      %jit3A_1790 = arith.constant 0 : i32
      %broadcast_in_dim3A = vector.broadcast %jit3A_1790 : i32 to vector<16xi32>
      %select_n3A_1791 = arith.select %and3A_1789, %sub3A_1783, %broadcast_in_dim3A : vector<16xi1>, vector<16xi32>
      %gather3A = tpu.vector_load_idx %arg7[%select_n3A_1791] : memref<50848xf32, #tpu.memory_space<vmem>>[vector<16xi32>], vector<16xf32>,
      %broadcast_in_dim3A_1792 = arith.constant 0.000000e+00 : f32
      %broadcast_in_dim3A_1793 = vector.broadcast %broadcast_in_dim3A_1792 : f32 to vector<16xf32>
      %select_n3A_1794 = arith.select %and3A_1789, %gather3A, %broadcast_in_dim3A_1793 : vector<16xi1>, vector<16xf32>
      %get3A_1795 = arith.index_cast %mul3A_1779 : i32 to index
      %get3A_1796 = tpu.vector_load %arg10[%get3A_1795] {strides = array<i32>} : memref<4096xf32, #tpu.memory_space<vmem>>, vector<16xf32>,
      %add3A_1797 = arith.addf %get3A_1796, %select_n3A_1794 : vector<16xf32>
      %swap3A = arith.index_cast %mul3A_1779 : i32 to index
      %swap3A_1798 = tpu.vector_load %arg10[%swap3A] {strides = array<i32>} : memref<4096xf32, #tpu.memory_space<vmem>>, vector<16xf32>,
      tpu.vector_store %arg10[%swap3A], %add3A_1797 {strides = array<i32>} : memref<4096xf32, #tpu.memory_space<vmem>>, vector<16xf32>,
      %get3A_1799 = arith.index_cast %mul3A_1779 : i32 to index
      %get3A_1800 = tpu.vector_load %arg11[%get3A_1799] {strides = array<i32>} : memref<4096xf32, #tpu.memory_space<vmem>>, vector<16xf32>,
      %mul3A_1801 = arith.mulf %select_n3A_1794, %select_n3A_1794 : vector<16xf32>
      %add3A_1802 = arith.addf %get3A_1800, %mul3A_1801 : vector<16xf32>
      %swap3A_1803 = arith.index_cast %mul3A_1779 : i32 to index
      %swap3A_1804 = tpu.vector_load %arg11[%swap3A_1803] {strides = array<i32>} : memref<4096xf32, #tpu.memory_space<vmem>>, vector<16xf32>,
      tpu.vector_store %arg11[%swap3A_1803], %add3A_1802 {strides = array<i32>} : memref<4096xf32, #tpu.memory_space<vmem>>, vector<16xf32>,
    }
    %scan3A_1258 = arith.constant 256 : i32
    %mul3A_1259 = arith.constant 13 : i32
    %mul3A_1260 = arith.muli %select_n3A_30, %mul3A_1259 : i32
    %add3A_1261 = arith.constant 9 : i32
    %add3A_1262 = arith.addi %mul3A_1260, %add3A_1261 : i32
    %mul3A_1263 = arith.constant 4096 : i32
    %mul3A_1264 = arith.muli %add3A_1262, %mul3A_1263 : i32
    %dma_wait3A_1265 = tpu.memref_slice %arg2[%mul3A_1264] : memref<106496xi32, #tpu.memory_space<hbm>> -> memref<4096xi32, #tpu.memory_space<hbm>>
    %dma_wait3A_1266 = tpu.memref_slice %arg2[%mul3A_1264] : memref<106496xi32, #tpu.memory_space<hbm>> -> memref<4096xi32, #tpu.memory_space<hbm>>
    tpu.wait_dma2 semaphore(%arg15 : memref<!tpu.dma_semaphore, #tpu.memory_space<semaphore_mem>>) src(%dma_wait3A_1266 : memref<4096xi32, #tpu.memory_space<hbm>>) dst(%arg9 : memref<4096xi32, #tpu.memory_space<vmem>>)
    %mul3A_1267 = arith.constant 13 : i32
    %mul3A_1268 = arith.muli %select_n3A_30, %mul3A_1267 : i32
    %add3A_1269 = arith.constant 9 : i32
    %add3A_1270 = arith.addi %mul3A_1268, %add3A_1269 : i32
    %mul3A_1271 = arith.constant 16 : i32
    %mul3A_1272 = arith.muli %add3A_1270, %mul3A_1271 : i32
    %add3A_1273 = arith.addi %mul3A_1272, %select_n3A : i32
    %dma_wait3A_1274 = arith.constant 0 : i32
    %dma_wait3A_1275 = tpu.memref_slice %arg3[%add3A_1273, %dma_wait3A_1274] : memref<416x100000xf32, #tpu.memory_space<hbm>> -> memref<1x100000xf32, #tpu.memory_space<hbm>>
    %dma_wait3A_1276 = tpu.memref_squeeze %dma_wait3A_1275 : memref<1x100000xf32, #tpu.memory_space<hbm>> -> memref<100000xf32, #tpu.memory_space<hbm>>
    %dma_wait3A_1277 = arith.constant 0 : i32
    %dma_wait3A_1278 = tpu.memref_slice %dma_wait3A_1276[%dma_wait3A_1277] : memref<100000xf32, #tpu.memory_space<hbm>> -> memref<49920xf32, #tpu.memory_space<hbm>>
    %dma_wait3A_1279 = arith.constant 0 : i32
    %dma_wait3A_1280 = tpu.memref_slice %arg3[%add3A_1273, %dma_wait3A_1279] : memref<416x100000xf32, #tpu.memory_space<hbm>> -> memref<1x100000xf32, #tpu.memory_space<hbm>>
    %dma_wait3A_1281 = tpu.memref_squeeze %dma_wait3A_1280 : memref<1x100000xf32, #tpu.memory_space<hbm>> -> memref<100000xf32, #tpu.memory_space<hbm>>
    %dma_wait3A_1282 = arith.constant 0 : i32
    %dma_wait3A_1283 = tpu.memref_slice %dma_wait3A_1281[%dma_wait3A_1282] : memref<100000xf32, #tpu.memory_space<hbm>> -> memref<49920xf32, #tpu.memory_space<hbm>>
    tpu.wait_dma2 semaphore(%arg12 : memref<!tpu.dma_semaphore, #tpu.memory_space<semaphore_mem>>) src(%dma_wait3A_1283 : memref<49920xf32, #tpu.memory_space<hbm>>) dst(%arg6 : memref<49920xf32, #tpu.memory_space<vmem>>)
    %mul3A_1284 = arith.constant 13 : i32
    %mul3A_1285 = arith.muli %select_n3A_30, %mul3A_1284 : i32
    %add3A_1286 = arith.constant 9 : i32
    %add3A_1287 = arith.addi %mul3A_1285, %add3A_1286 : i32
    %mul3A_1288 = arith.constant 16 : i32
    %mul3A_1289 = arith.muli %add3A_1287, %mul3A_1288 : i32
    %add3A_1290 = arith.addi %mul3A_1289, %select_n3A : i32
    %dma_start3A_1291 = arith.constant 0 : i32
    %dma_start3A_1292 = tpu.memref_slice %arg7[%dma_start3A_1291] : memref<50848xf32, #tpu.memory_space<vmem>> -> memref<49920xf32, #tpu.memory_space<vmem>>
    %dma_start3A_1293 = arith.constant 0 : i32
    %dma_start3A_1294 = tpu.memref_slice %arg3[%add3A_1290, %dma_start3A_1293] : memref<416x100000xf32, #tpu.memory_space<hbm>> -> memref<1x100000xf32, #tpu.memory_space<hbm>>
    %dma_start3A_1295 = tpu.memref_squeeze %dma_start3A_1294 : memref<1x100000xf32, #tpu.memory_space<hbm>> -> memref<100000xf32, #tpu.memory_space<hbm>>
    %dma_start3A_1296 = arith.constant 49920 : i32
    %dma_start3A_1297 = tpu.memref_slice %dma_start3A_1295[%dma_start3A_1296] : memref<100000xf32, #tpu.memory_space<hbm>> -> memref<49920xf32, #tpu.memory_space<hbm>>
    %dma_start3A_1298 = arith.constant 0 : i32
    %dma_start3A_1299 = tpu.memref_slice %arg7[%dma_start3A_1298] : memref<50848xf32, #tpu.memory_space<vmem>> -> memref<49920xf32, #tpu.memory_space<vmem>>
    %dma_start3A_1300 = arith.constant 0 : i32
    %dma_start3A_1301 = tpu.memref_slice %arg3[%add3A_1290, %dma_start3A_1300] : memref<416x100000xf32, #tpu.memory_space<hbm>> -> memref<1x100000xf32, #tpu.memory_space<hbm>>
    %dma_start3A_1302 = tpu.memref_squeeze %dma_start3A_1301 : memref<1x100000xf32, #tpu.memory_space<hbm>> -> memref<100000xf32, #tpu.memory_space<hbm>>
    %dma_start3A_1303 = arith.constant 49920 : i32
    %dma_start3A_1304 = tpu.memref_slice %dma_start3A_1302[%dma_start3A_1303] : memref<100000xf32, #tpu.memory_space<hbm>> -> memref<49920xf32, #tpu.memory_space<hbm>>
    tpu.enqueue_dma source(%dma_start3A_1304 : memref<49920xf32, #tpu.memory_space<hbm>>) target(%dma_start3A_1299 : memref<49920xf32, #tpu.memory_space<vmem>>) target_semaphore(%arg13 : memref<!tpu.dma_semaphore, #tpu.memory_space<semaphore_mem>>)
    %mul3A_1305 = arith.constant 13 : i32
    %mul3A_1306 = arith.muli %select_n3A_30, %mul3A_1305 : i32
    %add3A_1307 = arith.constant 9 : i32
    %add3A_1308 = arith.addi %mul3A_1306, %add3A_1307 : i32
    %mul3A_1309 = arith.constant 16 : i32
    %mul3A_1310 = arith.muli %add3A_1308, %mul3A_1309 : i32
    %add3A_1311 = arith.addi %mul3A_1310, %select_n3A : i32
    %mul3A_1312 = arith.constant 1024 : i32
    %mul3A_1313 = arith.muli %add3A_1311, %mul3A_1312 : i32
    %dma_start3A_1314 = arith.constant 49824 : i32
    %dma_start3A_1315 = tpu.memref_slice %arg7[%dma_start3A_1314] : memref<50848xf32, #tpu.memory_space<vmem>> -> memref<1024xf32, #tpu.memory_space<vmem>>
    %dma_start3A_1316 = tpu.memref_slice %arg4[%mul3A_1313] : memref<425984xf32, #tpu.memory_space<hbm>> -> memref<1024xf32, #tpu.memory_space<hbm>>
    %dma_start3A_1317 = arith.constant 49824 : i32
    %dma_start3A_1318 = tpu.memref_slice %arg7[%dma_start3A_1317] : memref<50848xf32, #tpu.memory_space<vmem>> -> memref<1024xf32, #tpu.memory_space<vmem>>
    %dma_start3A_1319 = tpu.memref_slice %arg4[%mul3A_1313] : memref<425984xf32, #tpu.memory_space<hbm>> -> memref<1024xf32, #tpu.memory_space<hbm>>
    tpu.enqueue_dma source(%dma_start3A_1319 : memref<1024xf32, #tpu.memory_space<hbm>>) target(%dma_start3A_1318 : memref<1024xf32, #tpu.memory_space<vmem>>) target_semaphore(%arg14 : memref<!tpu.dma_semaphore, #tpu.memory_space<semaphore_mem>>)
    %scan3A_1320 = arith.constant 0 : i32
    %scan3A_1321 = arith.constant 0 : i32
    %scan3A_1322 = arith.constant 256 : i32
    %scan3A_1323 = arith.addi %scan3A_1321, %scan3A_1322 : i32
    %scan3A_1324 = arith.constant 1 : i32
    scf.for %scan3A_1777 = %scan3A_1321 to %scan3A_1323 step %scan3A_1324  : i32 {
      %mul3A_1778 = arith.constant 16 : i32
      %mul3A_1779 = arith.muli %scan3A_1777, %mul3A_1778 : i32
      %get3A = arith.index_cast %mul3A_1779 : i32 to index
      %get3A_1780 = tpu.vector_load %arg9[%get3A] {strides = array<i32>} : memref<4096xi32, #tpu.memory_space<vmem>>, vector<16xi32>,
      %sub3A_1781 = arith.constant 0 : i32
      %sub3A_1782 = vector.broadcast %sub3A_1781 : i32 to vector<16xi32>
      %sub3A_1783 = arith.subi %get3A_1780, %sub3A_1782 : vector<16xi32>
      %ge3A = arith.constant 0 : i32
      %ge3A_1784 = vector.broadcast %ge3A : i32 to vector<16xi32>
      %ge3A_1785 = arith.cmpi sge, %sub3A_1783, %ge3A_1784 : vector<16xi32>
      %lt3A_1786 = arith.constant 49920 : i32
      %lt3A_1787 = vector.broadcast %lt3A_1786 : i32 to vector<16xi32>
      %lt3A_1788 = arith.cmpi slt, %sub3A_1783, %lt3A_1787 : vector<16xi32>
      %and3A_1789 = arith.andi %ge3A_1785, %lt3A_1788 : vector<16xi1>
      %jit3A_1790 = arith.constant 0 : i32
      %broadcast_in_dim3A = vector.broadcast %jit3A_1790 : i32 to vector<16xi32>
      %select_n3A_1791 = arith.select %and3A_1789, %sub3A_1783, %broadcast_in_dim3A : vector<16xi1>, vector<16xi32>
      %gather3A = tpu.vector_load_idx %arg6[%select_n3A_1791] : memref<49920xf32, #tpu.memory_space<vmem>>[vector<16xi32>], vector<16xf32>,
      %broadcast_in_dim3A_1792 = arith.constant 0.000000e+00 : f32
      %broadcast_in_dim3A_1793 = vector.broadcast %broadcast_in_dim3A_1792 : f32 to vector<16xf32>
      %select_n3A_1794 = arith.select %and3A_1789, %gather3A, %broadcast_in_dim3A_1793 : vector<16xi1>, vector<16xf32>
      %get3A_1795 = arith.index_cast %mul3A_1779 : i32 to index
      %get3A_1796 = tpu.vector_load %arg10[%get3A_1795] {strides = array<i32>} : memref<4096xf32, #tpu.memory_space<vmem>>, vector<16xf32>,
      %add3A_1797 = arith.addf %get3A_1796, %select_n3A_1794 : vector<16xf32>
      %swap3A = arith.index_cast %mul3A_1779 : i32 to index
      %swap3A_1798 = tpu.vector_load %arg10[%swap3A] {strides = array<i32>} : memref<4096xf32, #tpu.memory_space<vmem>>, vector<16xf32>,
      tpu.vector_store %arg10[%swap3A], %add3A_1797 {strides = array<i32>} : memref<4096xf32, #tpu.memory_space<vmem>>, vector<16xf32>,
      %get3A_1799 = arith.index_cast %mul3A_1779 : i32 to index
      %get3A_1800 = tpu.vector_load %arg11[%get3A_1799] {strides = array<i32>} : memref<4096xf32, #tpu.memory_space<vmem>>, vector<16xf32>,
      %mul3A_1801 = arith.mulf %select_n3A_1794, %select_n3A_1794 : vector<16xf32>
      %add3A_1802 = arith.addf %get3A_1800, %mul3A_1801 : vector<16xf32>
      %swap3A_1803 = arith.index_cast %mul3A_1779 : i32 to index
      %swap3A_1804 = tpu.vector_load %arg11[%swap3A_1803] {strides = array<i32>} : memref<4096xf32, #tpu.memory_space<vmem>>, vector<16xf32>,
      tpu.vector_store %arg11[%swap3A_1803], %add3A_1802 {strides = array<i32>} : memref<4096xf32, #tpu.memory_space<vmem>>, vector<16xf32>,
    }
    %scan3A_1325 = arith.constant 256 : i32
    %mul3A_1326 = arith.constant 13 : i32
    %mul3A_1327 = arith.muli %select_n3A_30, %mul3A_1326 : i32
    %add3A_1328 = arith.constant 9 : i32
    %add3A_1329 = arith.addi %mul3A_1327, %add3A_1328 : i32
    %mul3A_1330 = arith.constant 16 : i32
    %mul3A_1331 = arith.muli %add3A_1329, %mul3A_1330 : i32
    %add3A_1332 = arith.addi %mul3A_1331, %select_n3A : i32
    %dma_wait3A_1333 = arith.constant 0 : i32
    %dma_wait3A_1334 = tpu.memref_slice %arg7[%dma_wait3A_1333] : memref<50848xf32, #tpu.memory_space<vmem>> -> memref<49920xf32, #tpu.memory_space<vmem>>
    %dma_wait3A_1335 = arith.constant 0 : i32
    %dma_wait3A_1336 = tpu.memref_slice %arg3[%add3A_1332, %dma_wait3A_1335] : memref<416x100000xf32, #tpu.memory_space<hbm>> -> memref<1x100000xf32, #tpu.memory_space<hbm>>
    %dma_wait3A_1337 = tpu.memref_squeeze %dma_wait3A_1336 : memref<1x100000xf32, #tpu.memory_space<hbm>> -> memref<100000xf32, #tpu.memory_space<hbm>>
    %dma_wait3A_1338 = arith.constant 49920 : i32
    %dma_wait3A_1339 = tpu.memref_slice %dma_wait3A_1337[%dma_wait3A_1338] : memref<100000xf32, #tpu.memory_space<hbm>> -> memref<49920xf32, #tpu.memory_space<hbm>>
    %dma_wait3A_1340 = arith.constant 0 : i32
    %dma_wait3A_1341 = tpu.memref_slice %arg7[%dma_wait3A_1340] : memref<50848xf32, #tpu.memory_space<vmem>> -> memref<49920xf32, #tpu.memory_space<vmem>>
    %dma_wait3A_1342 = arith.constant 0 : i32
    %dma_wait3A_1343 = tpu.memref_slice %arg3[%add3A_1332, %dma_wait3A_1342] : memref<416x100000xf32, #tpu.memory_space<hbm>> -> memref<1x100000xf32, #tpu.memory_space<hbm>>
    %dma_wait3A_1344 = tpu.memref_squeeze %dma_wait3A_1343 : memref<1x100000xf32, #tpu.memory_space<hbm>> -> memref<100000xf32, #tpu.memory_space<hbm>>
    %dma_wait3A_1345 = arith.constant 49920 : i32
    %dma_wait3A_1346 = tpu.memref_slice %dma_wait3A_1344[%dma_wait3A_1345] : memref<100000xf32, #tpu.memory_space<hbm>> -> memref<49920xf32, #tpu.memory_space<hbm>>
    tpu.wait_dma2 semaphore(%arg13 : memref<!tpu.dma_semaphore, #tpu.memory_space<semaphore_mem>>) src(%dma_wait3A_1346 : memref<49920xf32, #tpu.memory_space<hbm>>) dst(%dma_wait3A_1341 : memref<49920xf32, #tpu.memory_space<vmem>>)
    %mul3A_1347 = arith.constant 13 : i32
    %mul3A_1348 = arith.muli %select_n3A_30, %mul3A_1347 : i32
    %add3A_1349 = arith.constant 9 : i32
    %add3A_1350 = arith.addi %mul3A_1348, %add3A_1349 : i32
    %mul3A_1351 = arith.constant 16 : i32
    %mul3A_1352 = arith.muli %add3A_1350, %mul3A_1351 : i32
    %add3A_1353 = arith.addi %mul3A_1352, %select_n3A : i32
    %mul3A_1354 = arith.constant 1024 : i32
    %mul3A_1355 = arith.muli %add3A_1353, %mul3A_1354 : i32
    %dma_wait3A_1356 = arith.constant 49824 : i32
    %dma_wait3A_1357 = tpu.memref_slice %arg7[%dma_wait3A_1356] : memref<50848xf32, #tpu.memory_space<vmem>> -> memref<1024xf32, #tpu.memory_space<vmem>>
    %dma_wait3A_1358 = tpu.memref_slice %arg4[%mul3A_1355] : memref<425984xf32, #tpu.memory_space<hbm>> -> memref<1024xf32, #tpu.memory_space<hbm>>
    %dma_wait3A_1359 = arith.constant 49824 : i32
    %dma_wait3A_1360 = tpu.memref_slice %arg7[%dma_wait3A_1359] : memref<50848xf32, #tpu.memory_space<vmem>> -> memref<1024xf32, #tpu.memory_space<vmem>>
    %dma_wait3A_1361 = tpu.memref_slice %arg4[%mul3A_1355] : memref<425984xf32, #tpu.memory_space<hbm>> -> memref<1024xf32, #tpu.memory_space<hbm>>
    tpu.wait_dma2 semaphore(%arg14 : memref<!tpu.dma_semaphore, #tpu.memory_space<semaphore_mem>>) src(%dma_wait3A_1361 : memref<1024xf32, #tpu.memory_space<hbm>>) dst(%dma_wait3A_1360 : memref<1024xf32, #tpu.memory_space<vmem>>)
    %mul3A_1362 = arith.constant 13 : i32
    %mul3A_1363 = arith.muli %select_n3A_30, %mul3A_1362 : i32
    %add3A_1364 = arith.constant 10 : i32
    %add3A_1365 = arith.addi %mul3A_1363, %add3A_1364 : i32
    %mul3A_1366 = arith.constant 16 : i32
    %mul3A_1367 = arith.muli %add3A_1365, %mul3A_1366 : i32
    %add3A_1368 = arith.addi %mul3A_1367, %select_n3A : i32
    %dma_start3A_1369 = arith.constant 0 : i32
    %dma_start3A_1370 = tpu.memref_slice %arg3[%add3A_1368, %dma_start3A_1369] : memref<416x100000xf32, #tpu.memory_space<hbm>> -> memref<1x100000xf32, #tpu.memory_space<hbm>>
    %dma_start3A_1371 = tpu.memref_squeeze %dma_start3A_1370 : memref<1x100000xf32, #tpu.memory_space<hbm>> -> memref<100000xf32, #tpu.memory_space<hbm>>
    %dma_start3A_1372 = arith.constant 0 : i32
    %dma_start3A_1373 = tpu.memref_slice %dma_start3A_1371[%dma_start3A_1372] : memref<100000xf32, #tpu.memory_space<hbm>> -> memref<49920xf32, #tpu.memory_space<hbm>>
    %dma_start3A_1374 = arith.constant 0 : i32
    %dma_start3A_1375 = tpu.memref_slice %arg3[%add3A_1368, %dma_start3A_1374] : memref<416x100000xf32, #tpu.memory_space<hbm>> -> memref<1x100000xf32, #tpu.memory_space<hbm>>
    %dma_start3A_1376 = tpu.memref_squeeze %dma_start3A_1375 : memref<1x100000xf32, #tpu.memory_space<hbm>> -> memref<100000xf32, #tpu.memory_space<hbm>>
    %dma_start3A_1377 = arith.constant 0 : i32
    %dma_start3A_1378 = tpu.memref_slice %dma_start3A_1376[%dma_start3A_1377] : memref<100000xf32, #tpu.memory_space<hbm>> -> memref<49920xf32, #tpu.memory_space<hbm>>
    tpu.enqueue_dma source(%dma_start3A_1378 : memref<49920xf32, #tpu.memory_space<hbm>>) target(%arg6 : memref<49920xf32, #tpu.memory_space<vmem>>) target_semaphore(%arg12 : memref<!tpu.dma_semaphore, #tpu.memory_space<semaphore_mem>>)
    %mul3A_1379 = arith.constant 13 : i32
    %mul3A_1380 = arith.muli %select_n3A_30, %mul3A_1379 : i32
    %add3A_1381 = arith.constant 10 : i32
    %add3A_1382 = arith.addi %mul3A_1380, %add3A_1381 : i32
    %mul3A_1383 = arith.constant 4096 : i32
    %mul3A_1384 = arith.muli %add3A_1382, %mul3A_1383 : i32
    %dma_start3A_1385 = tpu.memref_slice %arg2[%mul3A_1384] : memref<106496xi32, #tpu.memory_space<hbm>> -> memref<4096xi32, #tpu.memory_space<hbm>>
    %dma_start3A_1386 = tpu.memref_slice %arg2[%mul3A_1384] : memref<106496xi32, #tpu.memory_space<hbm>> -> memref<4096xi32, #tpu.memory_space<hbm>>
    tpu.enqueue_dma source(%dma_start3A_1386 : memref<4096xi32, #tpu.memory_space<hbm>>) target(%arg8 : memref<4096xi32, #tpu.memory_space<vmem>>) target_semaphore(%arg15 : memref<!tpu.dma_semaphore, #tpu.memory_space<semaphore_mem>>)
    %scan3A_1387 = arith.constant 0 : i32
    %scan3A_1388 = arith.constant 0 : i32
    %scan3A_1389 = arith.constant 256 : i32
    %scan3A_1390 = arith.addi %scan3A_1388, %scan3A_1389 : i32
    %scan3A_1391 = arith.constant 1 : i32
    scf.for %scan3A_1777 = %scan3A_1388 to %scan3A_1390 step %scan3A_1391  : i32 {
      %mul3A_1778 = arith.constant 16 : i32
      %mul3A_1779 = arith.muli %scan3A_1777, %mul3A_1778 : i32
      %get3A = arith.index_cast %mul3A_1779 : i32 to index
      %get3A_1780 = tpu.vector_load %arg9[%get3A] {strides = array<i32>} : memref<4096xi32, #tpu.memory_space<vmem>>, vector<16xi32>,
      %sub3A_1781 = arith.constant 49920 : i32
      %sub3A_1782 = vector.broadcast %sub3A_1781 : i32 to vector<16xi32>
      %sub3A_1783 = arith.subi %get3A_1780, %sub3A_1782 : vector<16xi32>
      %ge3A = arith.constant 0 : i32
      %ge3A_1784 = vector.broadcast %ge3A : i32 to vector<16xi32>
      %ge3A_1785 = arith.cmpi sge, %sub3A_1783, %ge3A_1784 : vector<16xi32>
      %lt3A_1786 = arith.constant 50080 : i32
      %lt3A_1787 = vector.broadcast %lt3A_1786 : i32 to vector<16xi32>
      %lt3A_1788 = arith.cmpi slt, %sub3A_1783, %lt3A_1787 : vector<16xi32>
      %and3A_1789 = arith.andi %ge3A_1785, %lt3A_1788 : vector<16xi1>
      %jit3A_1790 = arith.constant 0 : i32
      %broadcast_in_dim3A = vector.broadcast %jit3A_1790 : i32 to vector<16xi32>
      %select_n3A_1791 = arith.select %and3A_1789, %sub3A_1783, %broadcast_in_dim3A : vector<16xi1>, vector<16xi32>
      %gather3A = tpu.vector_load_idx %arg7[%select_n3A_1791] : memref<50848xf32, #tpu.memory_space<vmem>>[vector<16xi32>], vector<16xf32>,
      %broadcast_in_dim3A_1792 = arith.constant 0.000000e+00 : f32
      %broadcast_in_dim3A_1793 = vector.broadcast %broadcast_in_dim3A_1792 : f32 to vector<16xf32>
      %select_n3A_1794 = arith.select %and3A_1789, %gather3A, %broadcast_in_dim3A_1793 : vector<16xi1>, vector<16xf32>
      %get3A_1795 = arith.index_cast %mul3A_1779 : i32 to index
      %get3A_1796 = tpu.vector_load %arg10[%get3A_1795] {strides = array<i32>} : memref<4096xf32, #tpu.memory_space<vmem>>, vector<16xf32>,
      %add3A_1797 = arith.addf %get3A_1796, %select_n3A_1794 : vector<16xf32>
      %swap3A = arith.index_cast %mul3A_1779 : i32 to index
      %swap3A_1798 = tpu.vector_load %arg10[%swap3A] {strides = array<i32>} : memref<4096xf32, #tpu.memory_space<vmem>>, vector<16xf32>,
      tpu.vector_store %arg10[%swap3A], %add3A_1797 {strides = array<i32>} : memref<4096xf32, #tpu.memory_space<vmem>>, vector<16xf32>,
      %get3A_1799 = arith.index_cast %mul3A_1779 : i32 to index
      %get3A_1800 = tpu.vector_load %arg11[%get3A_1799] {strides = array<i32>} : memref<4096xf32, #tpu.memory_space<vmem>>, vector<16xf32>,
      %mul3A_1801 = arith.mulf %select_n3A_1794, %select_n3A_1794 : vector<16xf32>
      %add3A_1802 = arith.addf %get3A_1800, %mul3A_1801 : vector<16xf32>
      %swap3A_1803 = arith.index_cast %mul3A_1779 : i32 to index
      %swap3A_1804 = tpu.vector_load %arg11[%swap3A_1803] {strides = array<i32>} : memref<4096xf32, #tpu.memory_space<vmem>>, vector<16xf32>,
      tpu.vector_store %arg11[%swap3A_1803], %add3A_1802 {strides = array<i32>} : memref<4096xf32, #tpu.memory_space<vmem>>, vector<16xf32>,
    }
    %scan3A_1392 = arith.constant 256 : i32
    %mul3A_1393 = arith.constant 13 : i32
    %mul3A_1394 = arith.muli %select_n3A_30, %mul3A_1393 : i32
    %add3A_1395 = arith.constant 10 : i32
    %add3A_1396 = arith.addi %mul3A_1394, %add3A_1395 : i32
    %mul3A_1397 = arith.constant 4096 : i32
    %mul3A_1398 = arith.muli %add3A_1396, %mul3A_1397 : i32
    %dma_wait3A_1399 = tpu.memref_slice %arg2[%mul3A_1398] : memref<106496xi32, #tpu.memory_space<hbm>> -> memref<4096xi32, #tpu.memory_space<hbm>>
    %dma_wait3A_1400 = tpu.memref_slice %arg2[%mul3A_1398] : memref<106496xi32, #tpu.memory_space<hbm>> -> memref<4096xi32, #tpu.memory_space<hbm>>
    tpu.wait_dma2 semaphore(%arg15 : memref<!tpu.dma_semaphore, #tpu.memory_space<semaphore_mem>>) src(%dma_wait3A_1400 : memref<4096xi32, #tpu.memory_space<hbm>>) dst(%arg8 : memref<4096xi32, #tpu.memory_space<vmem>>)
    %mul3A_1401 = arith.constant 13 : i32
    %mul3A_1402 = arith.muli %select_n3A_30, %mul3A_1401 : i32
    %add3A_1403 = arith.constant 10 : i32
    %add3A_1404 = arith.addi %mul3A_1402, %add3A_1403 : i32
    %mul3A_1405 = arith.constant 16 : i32
    %mul3A_1406 = arith.muli %add3A_1404, %mul3A_1405 : i32
    %add3A_1407 = arith.addi %mul3A_1406, %select_n3A : i32
    %dma_wait3A_1408 = arith.constant 0 : i32
    %dma_wait3A_1409 = tpu.memref_slice %arg3[%add3A_1407, %dma_wait3A_1408] : memref<416x100000xf32, #tpu.memory_space<hbm>> -> memref<1x100000xf32, #tpu.memory_space<hbm>>
    %dma_wait3A_1410 = tpu.memref_squeeze %dma_wait3A_1409 : memref<1x100000xf32, #tpu.memory_space<hbm>> -> memref<100000xf32, #tpu.memory_space<hbm>>
    %dma_wait3A_1411 = arith.constant 0 : i32
    %dma_wait3A_1412 = tpu.memref_slice %dma_wait3A_1410[%dma_wait3A_1411] : memref<100000xf32, #tpu.memory_space<hbm>> -> memref<49920xf32, #tpu.memory_space<hbm>>
    %dma_wait3A_1413 = arith.constant 0 : i32
    %dma_wait3A_1414 = tpu.memref_slice %arg3[%add3A_1407, %dma_wait3A_1413] : memref<416x100000xf32, #tpu.memory_space<hbm>> -> memref<1x100000xf32, #tpu.memory_space<hbm>>
    %dma_wait3A_1415 = tpu.memref_squeeze %dma_wait3A_1414 : memref<1x100000xf32, #tpu.memory_space<hbm>> -> memref<100000xf32, #tpu.memory_space<hbm>>
    %dma_wait3A_1416 = arith.constant 0 : i32
    %dma_wait3A_1417 = tpu.memref_slice %dma_wait3A_1415[%dma_wait3A_1416] : memref<100000xf32, #tpu.memory_space<hbm>> -> memref<49920xf32, #tpu.memory_space<hbm>>
    tpu.wait_dma2 semaphore(%arg12 : memref<!tpu.dma_semaphore, #tpu.memory_space<semaphore_mem>>) src(%dma_wait3A_1417 : memref<49920xf32, #tpu.memory_space<hbm>>) dst(%arg6 : memref<49920xf32, #tpu.memory_space<vmem>>)
    %mul3A_1418 = arith.constant 13 : i32
    %mul3A_1419 = arith.muli %select_n3A_30, %mul3A_1418 : i32
    %add3A_1420 = arith.constant 10 : i32
    %add3A_1421 = arith.addi %mul3A_1419, %add3A_1420 : i32
    %mul3A_1422 = arith.constant 16 : i32
    %mul3A_1423 = arith.muli %add3A_1421, %mul3A_1422 : i32
    %add3A_1424 = arith.addi %mul3A_1423, %select_n3A : i32
    %dma_start3A_1425 = arith.constant 0 : i32
    %dma_start3A_1426 = tpu.memref_slice %arg7[%dma_start3A_1425] : memref<50848xf32, #tpu.memory_space<vmem>> -> memref<49920xf32, #tpu.memory_space<vmem>>
    %dma_start3A_1427 = arith.constant 0 : i32
    %dma_start3A_1428 = tpu.memref_slice %arg3[%add3A_1424, %dma_start3A_1427] : memref<416x100000xf32, #tpu.memory_space<hbm>> -> memref<1x100000xf32, #tpu.memory_space<hbm>>
    %dma_start3A_1429 = tpu.memref_squeeze %dma_start3A_1428 : memref<1x100000xf32, #tpu.memory_space<hbm>> -> memref<100000xf32, #tpu.memory_space<hbm>>
    %dma_start3A_1430 = arith.constant 49920 : i32
    %dma_start3A_1431 = tpu.memref_slice %dma_start3A_1429[%dma_start3A_1430] : memref<100000xf32, #tpu.memory_space<hbm>> -> memref<49920xf32, #tpu.memory_space<hbm>>
    %dma_start3A_1432 = arith.constant 0 : i32
    %dma_start3A_1433 = tpu.memref_slice %arg7[%dma_start3A_1432] : memref<50848xf32, #tpu.memory_space<vmem>> -> memref<49920xf32, #tpu.memory_space<vmem>>
    %dma_start3A_1434 = arith.constant 0 : i32
    %dma_start3A_1435 = tpu.memref_slice %arg3[%add3A_1424, %dma_start3A_1434] : memref<416x100000xf32, #tpu.memory_space<hbm>> -> memref<1x100000xf32, #tpu.memory_space<hbm>>
    %dma_start3A_1436 = tpu.memref_squeeze %dma_start3A_1435 : memref<1x100000xf32, #tpu.memory_space<hbm>> -> memref<100000xf32, #tpu.memory_space<hbm>>
    %dma_start3A_1437 = arith.constant 49920 : i32
    %dma_start3A_1438 = tpu.memref_slice %dma_start3A_1436[%dma_start3A_1437] : memref<100000xf32, #tpu.memory_space<hbm>> -> memref<49920xf32, #tpu.memory_space<hbm>>
    tpu.enqueue_dma source(%dma_start3A_1438 : memref<49920xf32, #tpu.memory_space<hbm>>) target(%dma_start3A_1433 : memref<49920xf32, #tpu.memory_space<vmem>>) target_semaphore(%arg13 : memref<!tpu.dma_semaphore, #tpu.memory_space<semaphore_mem>>)
    %mul3A_1439 = arith.constant 13 : i32
    %mul3A_1440 = arith.muli %select_n3A_30, %mul3A_1439 : i32
    %add3A_1441 = arith.constant 10 : i32
    %add3A_1442 = arith.addi %mul3A_1440, %add3A_1441 : i32
    %mul3A_1443 = arith.constant 16 : i32
    %mul3A_1444 = arith.muli %add3A_1442, %mul3A_1443 : i32
    %add3A_1445 = arith.addi %mul3A_1444, %select_n3A : i32
    %mul3A_1446 = arith.constant 1024 : i32
    %mul3A_1447 = arith.muli %add3A_1445, %mul3A_1446 : i32
    %dma_start3A_1448 = arith.constant 49824 : i32
    %dma_start3A_1449 = tpu.memref_slice %arg7[%dma_start3A_1448] : memref<50848xf32, #tpu.memory_space<vmem>> -> memref<1024xf32, #tpu.memory_space<vmem>>
    %dma_start3A_1450 = tpu.memref_slice %arg4[%mul3A_1447] : memref<425984xf32, #tpu.memory_space<hbm>> -> memref<1024xf32, #tpu.memory_space<hbm>>
    %dma_start3A_1451 = arith.constant 49824 : i32
    %dma_start3A_1452 = tpu.memref_slice %arg7[%dma_start3A_1451] : memref<50848xf32, #tpu.memory_space<vmem>> -> memref<1024xf32, #tpu.memory_space<vmem>>
    %dma_start3A_1453 = tpu.memref_slice %arg4[%mul3A_1447] : memref<425984xf32, #tpu.memory_space<hbm>> -> memref<1024xf32, #tpu.memory_space<hbm>>
    tpu.enqueue_dma source(%dma_start3A_1453 : memref<1024xf32, #tpu.memory_space<hbm>>) target(%dma_start3A_1452 : memref<1024xf32, #tpu.memory_space<vmem>>) target_semaphore(%arg14 : memref<!tpu.dma_semaphore, #tpu.memory_space<semaphore_mem>>)
    %scan3A_1454 = arith.constant 0 : i32
    %scan3A_1455 = arith.constant 0 : i32
    %scan3A_1456 = arith.constant 256 : i32
    %scan3A_1457 = arith.addi %scan3A_1455, %scan3A_1456 : i32
    %scan3A_1458 = arith.constant 1 : i32
    scf.for %scan3A_1777 = %scan3A_1455 to %scan3A_1457 step %scan3A_1458  : i32 {
      %mul3A_1778 = arith.constant 16 : i32
      %mul3A_1779 = arith.muli %scan3A_1777, %mul3A_1778 : i32
      %get3A = arith.index_cast %mul3A_1779 : i32 to index
      %get3A_1780 = tpu.vector_load %arg8[%get3A] {strides = array<i32>} : memref<4096xi32, #tpu.memory_space<vmem>>, vector<16xi32>,
      %sub3A_1781 = arith.constant 0 : i32
      %sub3A_1782 = vector.broadcast %sub3A_1781 : i32 to vector<16xi32>
      %sub3A_1783 = arith.subi %get3A_1780, %sub3A_1782 : vector<16xi32>
      %ge3A = arith.constant 0 : i32
      %ge3A_1784 = vector.broadcast %ge3A : i32 to vector<16xi32>
      %ge3A_1785 = arith.cmpi sge, %sub3A_1783, %ge3A_1784 : vector<16xi32>
      %lt3A_1786 = arith.constant 49920 : i32
      %lt3A_1787 = vector.broadcast %lt3A_1786 : i32 to vector<16xi32>
      %lt3A_1788 = arith.cmpi slt, %sub3A_1783, %lt3A_1787 : vector<16xi32>
      %and3A_1789 = arith.andi %ge3A_1785, %lt3A_1788 : vector<16xi1>
      %jit3A_1790 = arith.constant 0 : i32
      %broadcast_in_dim3A = vector.broadcast %jit3A_1790 : i32 to vector<16xi32>
      %select_n3A_1791 = arith.select %and3A_1789, %sub3A_1783, %broadcast_in_dim3A : vector<16xi1>, vector<16xi32>
      %gather3A = tpu.vector_load_idx %arg6[%select_n3A_1791] : memref<49920xf32, #tpu.memory_space<vmem>>[vector<16xi32>], vector<16xf32>,
      %broadcast_in_dim3A_1792 = arith.constant 0.000000e+00 : f32
      %broadcast_in_dim3A_1793 = vector.broadcast %broadcast_in_dim3A_1792 : f32 to vector<16xf32>
      %select_n3A_1794 = arith.select %and3A_1789, %gather3A, %broadcast_in_dim3A_1793 : vector<16xi1>, vector<16xf32>
      %get3A_1795 = arith.index_cast %mul3A_1779 : i32 to index
      %get3A_1796 = tpu.vector_load %arg10[%get3A_1795] {strides = array<i32>} : memref<4096xf32, #tpu.memory_space<vmem>>, vector<16xf32>,
      %add3A_1797 = arith.addf %get3A_1796, %select_n3A_1794 : vector<16xf32>
      %swap3A = arith.index_cast %mul3A_1779 : i32 to index
      %swap3A_1798 = tpu.vector_load %arg10[%swap3A] {strides = array<i32>} : memref<4096xf32, #tpu.memory_space<vmem>>, vector<16xf32>,
      tpu.vector_store %arg10[%swap3A], %add3A_1797 {strides = array<i32>} : memref<4096xf32, #tpu.memory_space<vmem>>, vector<16xf32>,
      %get3A_1799 = arith.index_cast %mul3A_1779 : i32 to index
      %get3A_1800 = tpu.vector_load %arg11[%get3A_1799] {strides = array<i32>} : memref<4096xf32, #tpu.memory_space<vmem>>, vector<16xf32>,
      %mul3A_1801 = arith.mulf %select_n3A_1794, %select_n3A_1794 : vector<16xf32>
      %add3A_1802 = arith.addf %get3A_1800, %mul3A_1801 : vector<16xf32>
      %swap3A_1803 = arith.index_cast %mul3A_1779 : i32 to index
      %swap3A_1804 = tpu.vector_load %arg11[%swap3A_1803] {strides = array<i32>} : memref<4096xf32, #tpu.memory_space<vmem>>, vector<16xf32>,
      tpu.vector_store %arg11[%swap3A_1803], %add3A_1802 {strides = array<i32>} : memref<4096xf32, #tpu.memory_space<vmem>>, vector<16xf32>,
    }
    %scan3A_1459 = arith.constant 256 : i32
    %mul3A_1460 = arith.constant 13 : i32
    %mul3A_1461 = arith.muli %select_n3A_30, %mul3A_1460 : i32
    %add3A_1462 = arith.constant 10 : i32
    %add3A_1463 = arith.addi %mul3A_1461, %add3A_1462 : i32
    %mul3A_1464 = arith.constant 16 : i32
    %mul3A_1465 = arith.muli %add3A_1463, %mul3A_1464 : i32
    %add3A_1466 = arith.addi %mul3A_1465, %select_n3A : i32
    %dma_wait3A_1467 = arith.constant 0 : i32
    %dma_wait3A_1468 = tpu.memref_slice %arg7[%dma_wait3A_1467] : memref<50848xf32, #tpu.memory_space<vmem>> -> memref<49920xf32, #tpu.memory_space<vmem>>
    %dma_wait3A_1469 = arith.constant 0 : i32
    %dma_wait3A_1470 = tpu.memref_slice %arg3[%add3A_1466, %dma_wait3A_1469] : memref<416x100000xf32, #tpu.memory_space<hbm>> -> memref<1x100000xf32, #tpu.memory_space<hbm>>
    %dma_wait3A_1471 = tpu.memref_squeeze %dma_wait3A_1470 : memref<1x100000xf32, #tpu.memory_space<hbm>> -> memref<100000xf32, #tpu.memory_space<hbm>>
    %dma_wait3A_1472 = arith.constant 49920 : i32
    %dma_wait3A_1473 = tpu.memref_slice %dma_wait3A_1471[%dma_wait3A_1472] : memref<100000xf32, #tpu.memory_space<hbm>> -> memref<49920xf32, #tpu.memory_space<hbm>>
    %dma_wait3A_1474 = arith.constant 0 : i32
    %dma_wait3A_1475 = tpu.memref_slice %arg7[%dma_wait3A_1474] : memref<50848xf32, #tpu.memory_space<vmem>> -> memref<49920xf32, #tpu.memory_space<vmem>>
    %dma_wait3A_1476 = arith.constant 0 : i32
    %dma_wait3A_1477 = tpu.memref_slice %arg3[%add3A_1466, %dma_wait3A_1476] : memref<416x100000xf32, #tpu.memory_space<hbm>> -> memref<1x100000xf32, #tpu.memory_space<hbm>>
    %dma_wait3A_1478 = tpu.memref_squeeze %dma_wait3A_1477 : memref<1x100000xf32, #tpu.memory_space<hbm>> -> memref<100000xf32, #tpu.memory_space<hbm>>
    %dma_wait3A_1479 = arith.constant 49920 : i32
    %dma_wait3A_1480 = tpu.memref_slice %dma_wait3A_1478[%dma_wait3A_1479] : memref<100000xf32, #tpu.memory_space<hbm>> -> memref<49920xf32, #tpu.memory_space<hbm>>
    tpu.wait_dma2 semaphore(%arg13 : memref<!tpu.dma_semaphore, #tpu.memory_space<semaphore_mem>>) src(%dma_wait3A_1480 : memref<49920xf32, #tpu.memory_space<hbm>>) dst(%dma_wait3A_1475 : memref<49920xf32, #tpu.memory_space<vmem>>)
    %mul3A_1481 = arith.constant 13 : i32
    %mul3A_1482 = arith.muli %select_n3A_30, %mul3A_1481 : i32
    %add3A_1483 = arith.constant 10 : i32
    %add3A_1484 = arith.addi %mul3A_1482, %add3A_1483 : i32
    %mul3A_1485 = arith.constant 16 : i32
    %mul3A_1486 = arith.muli %add3A_1484, %mul3A_1485 : i32
    %add3A_1487 = arith.addi %mul3A_1486, %select_n3A : i32
    %mul3A_1488 = arith.constant 1024 : i32
    %mul3A_1489 = arith.muli %add3A_1487, %mul3A_1488 : i32
    %dma_wait3A_1490 = arith.constant 49824 : i32
    %dma_wait3A_1491 = tpu.memref_slice %arg7[%dma_wait3A_1490] : memref<50848xf32, #tpu.memory_space<vmem>> -> memref<1024xf32, #tpu.memory_space<vmem>>
    %dma_wait3A_1492 = tpu.memref_slice %arg4[%mul3A_1489] : memref<425984xf32, #tpu.memory_space<hbm>> -> memref<1024xf32, #tpu.memory_space<hbm>>
    %dma_wait3A_1493 = arith.constant 49824 : i32
    %dma_wait3A_1494 = tpu.memref_slice %arg7[%dma_wait3A_1493] : memref<50848xf32, #tpu.memory_space<vmem>> -> memref<1024xf32, #tpu.memory_space<vmem>>
    %dma_wait3A_1495 = tpu.memref_slice %arg4[%mul3A_1489] : memref<425984xf32, #tpu.memory_space<hbm>> -> memref<1024xf32, #tpu.memory_space<hbm>>
    tpu.wait_dma2 semaphore(%arg14 : memref<!tpu.dma_semaphore, #tpu.memory_space<semaphore_mem>>) src(%dma_wait3A_1495 : memref<1024xf32, #tpu.memory_space<hbm>>) dst(%dma_wait3A_1494 : memref<1024xf32, #tpu.memory_space<vmem>>)
    %mul3A_1496 = arith.constant 13 : i32
    %mul3A_1497 = arith.muli %select_n3A_30, %mul3A_1496 : i32
    %add3A_1498 = arith.constant 11 : i32
    %add3A_1499 = arith.addi %mul3A_1497, %add3A_1498 : i32
    %mul3A_1500 = arith.constant 16 : i32
    %mul3A_1501 = arith.muli %add3A_1499, %mul3A_1500 : i32
    %add3A_1502 = arith.addi %mul3A_1501, %select_n3A : i32
    %dma_start3A_1503 = arith.constant 0 : i32
    %dma_start3A_1504 = tpu.memref_slice %arg3[%add3A_1502, %dma_start3A_1503] : memref<416x100000xf32, #tpu.memory_space<hbm>> -> memref<1x100000xf32, #tpu.memory_space<hbm>>
    %dma_start3A_1505 = tpu.memref_squeeze %dma_start3A_1504 : memref<1x100000xf32, #tpu.memory_space<hbm>> -> memref<100000xf32, #tpu.memory_space<hbm>>
    %dma_start3A_1506 = arith.constant 0 : i32
    %dma_start3A_1507 = tpu.memref_slice %dma_start3A_1505[%dma_start3A_1506] : memref<100000xf32, #tpu.memory_space<hbm>> -> memref<49920xf32, #tpu.memory_space<hbm>>
    %dma_start3A_1508 = arith.constant 0 : i32
    %dma_start3A_1509 = tpu.memref_slice %arg3[%add3A_1502, %dma_start3A_1508] : memref<416x100000xf32, #tpu.memory_space<hbm>> -> memref<1x100000xf32, #tpu.memory_space<hbm>>
    %dma_start3A_1510 = tpu.memref_squeeze %dma_start3A_1509 : memref<1x100000xf32, #tpu.memory_space<hbm>> -> memref<100000xf32, #tpu.memory_space<hbm>>
    %dma_start3A_1511 = arith.constant 0 : i32
    %dma_start3A_1512 = tpu.memref_slice %dma_start3A_1510[%dma_start3A_1511] : memref<100000xf32, #tpu.memory_space<hbm>> -> memref<49920xf32, #tpu.memory_space<hbm>>
    tpu.enqueue_dma source(%dma_start3A_1512 : memref<49920xf32, #tpu.memory_space<hbm>>) target(%arg6 : memref<49920xf32, #tpu.memory_space<vmem>>) target_semaphore(%arg12 : memref<!tpu.dma_semaphore, #tpu.memory_space<semaphore_mem>>)
    %mul3A_1513 = arith.constant 13 : i32
    %mul3A_1514 = arith.muli %select_n3A_30, %mul3A_1513 : i32
    %add3A_1515 = arith.constant 11 : i32
    %add3A_1516 = arith.addi %mul3A_1514, %add3A_1515 : i32
    %mul3A_1517 = arith.constant 4096 : i32
    %mul3A_1518 = arith.muli %add3A_1516, %mul3A_1517 : i32
    %dma_start3A_1519 = tpu.memref_slice %arg2[%mul3A_1518] : memref<106496xi32, #tpu.memory_space<hbm>> -> memref<4096xi32, #tpu.memory_space<hbm>>
    %dma_start3A_1520 = tpu.memref_slice %arg2[%mul3A_1518] : memref<106496xi32, #tpu.memory_space<hbm>> -> memref<4096xi32, #tpu.memory_space<hbm>>
    tpu.enqueue_dma source(%dma_start3A_1520 : memref<4096xi32, #tpu.memory_space<hbm>>) target(%arg9 : memref<4096xi32, #tpu.memory_space<vmem>>) target_semaphore(%arg15 : memref<!tpu.dma_semaphore, #tpu.memory_space<semaphore_mem>>)
    %scan3A_1521 = arith.constant 0 : i32
    %scan3A_1522 = arith.constant 0 : i32
    %scan3A_1523 = arith.constant 256 : i32
    %scan3A_1524 = arith.addi %scan3A_1522, %scan3A_1523 : i32
    %scan3A_1525 = arith.constant 1 : i32
    scf.for %scan3A_1777 = %scan3A_1522 to %scan3A_1524 step %scan3A_1525  : i32 {
      %mul3A_1778 = arith.constant 16 : i32
      %mul3A_1779 = arith.muli %scan3A_1777, %mul3A_1778 : i32
      %get3A = arith.index_cast %mul3A_1779 : i32 to index
      %get3A_1780 = tpu.vector_load %arg8[%get3A] {strides = array<i32>} : memref<4096xi32, #tpu.memory_space<vmem>>, vector<16xi32>,
      %sub3A_1781 = arith.constant 49920 : i32
      %sub3A_1782 = vector.broadcast %sub3A_1781 : i32 to vector<16xi32>
      %sub3A_1783 = arith.subi %get3A_1780, %sub3A_1782 : vector<16xi32>
      %ge3A = arith.constant 0 : i32
      %ge3A_1784 = vector.broadcast %ge3A : i32 to vector<16xi32>
      %ge3A_1785 = arith.cmpi sge, %sub3A_1783, %ge3A_1784 : vector<16xi32>
      %lt3A_1786 = arith.constant 50080 : i32
      %lt3A_1787 = vector.broadcast %lt3A_1786 : i32 to vector<16xi32>
      %lt3A_1788 = arith.cmpi slt, %sub3A_1783, %lt3A_1787 : vector<16xi32>
      %and3A_1789 = arith.andi %ge3A_1785, %lt3A_1788 : vector<16xi1>
      %jit3A_1790 = arith.constant 0 : i32
      %broadcast_in_dim3A = vector.broadcast %jit3A_1790 : i32 to vector<16xi32>
      %select_n3A_1791 = arith.select %and3A_1789, %sub3A_1783, %broadcast_in_dim3A : vector<16xi1>, vector<16xi32>
      %gather3A = tpu.vector_load_idx %arg7[%select_n3A_1791] : memref<50848xf32, #tpu.memory_space<vmem>>[vector<16xi32>], vector<16xf32>,
      %broadcast_in_dim3A_1792 = arith.constant 0.000000e+00 : f32
      %broadcast_in_dim3A_1793 = vector.broadcast %broadcast_in_dim3A_1792 : f32 to vector<16xf32>
      %select_n3A_1794 = arith.select %and3A_1789, %gather3A, %broadcast_in_dim3A_1793 : vector<16xi1>, vector<16xf32>
      %get3A_1795 = arith.index_cast %mul3A_1779 : i32 to index
      %get3A_1796 = tpu.vector_load %arg10[%get3A_1795] {strides = array<i32>} : memref<4096xf32, #tpu.memory_space<vmem>>, vector<16xf32>,
      %add3A_1797 = arith.addf %get3A_1796, %select_n3A_1794 : vector<16xf32>
      %swap3A = arith.index_cast %mul3A_1779 : i32 to index
      %swap3A_1798 = tpu.vector_load %arg10[%swap3A] {strides = array<i32>} : memref<4096xf32, #tpu.memory_space<vmem>>, vector<16xf32>,
      tpu.vector_store %arg10[%swap3A], %add3A_1797 {strides = array<i32>} : memref<4096xf32, #tpu.memory_space<vmem>>, vector<16xf32>,
      %get3A_1799 = arith.index_cast %mul3A_1779 : i32 to index
      %get3A_1800 = tpu.vector_load %arg11[%get3A_1799] {strides = array<i32>} : memref<4096xf32, #tpu.memory_space<vmem>>, vector<16xf32>,
      %mul3A_1801 = arith.mulf %select_n3A_1794, %select_n3A_1794 : vector<16xf32>
      %add3A_1802 = arith.addf %get3A_1800, %mul3A_1801 : vector<16xf32>
      %swap3A_1803 = arith.index_cast %mul3A_1779 : i32 to index
      %swap3A_1804 = tpu.vector_load %arg11[%swap3A_1803] {strides = array<i32>} : memref<4096xf32, #tpu.memory_space<vmem>>, vector<16xf32>,
      tpu.vector_store %arg11[%swap3A_1803], %add3A_1802 {strides = array<i32>} : memref<4096xf32, #tpu.memory_space<vmem>>, vector<16xf32>,
    }
    %scan3A_1526 = arith.constant 256 : i32
    %mul3A_1527 = arith.constant 13 : i32
    %mul3A_1528 = arith.muli %select_n3A_30, %mul3A_1527 : i32
    %add3A_1529 = arith.constant 11 : i32
    %add3A_1530 = arith.addi %mul3A_1528, %add3A_1529 : i32
    %mul3A_1531 = arith.constant 4096 : i32
    %mul3A_1532 = arith.muli %add3A_1530, %mul3A_1531 : i32
    %dma_wait3A_1533 = tpu.memref_slice %arg2[%mul3A_1532] : memref<106496xi32, #tpu.memory_space<hbm>> -> memref<4096xi32, #tpu.memory_space<hbm>>
    %dma_wait3A_1534 = tpu.memref_slice %arg2[%mul3A_1532] : memref<106496xi32, #tpu.memory_space<hbm>> -> memref<4096xi32, #tpu.memory_space<hbm>>
    tpu.wait_dma2 semaphore(%arg15 : memref<!tpu.dma_semaphore, #tpu.memory_space<semaphore_mem>>) src(%dma_wait3A_1534 : memref<4096xi32, #tpu.memory_space<hbm>>) dst(%arg9 : memref<4096xi32, #tpu.memory_space<vmem>>)
    %mul3A_1535 = arith.constant 13 : i32
    %mul3A_1536 = arith.muli %select_n3A_30, %mul3A_1535 : i32
    %add3A_1537 = arith.constant 11 : i32
    %add3A_1538 = arith.addi %mul3A_1536, %add3A_1537 : i32
    %mul3A_1539 = arith.constant 16 : i32
    %mul3A_1540 = arith.muli %add3A_1538, %mul3A_1539 : i32
    %add3A_1541 = arith.addi %mul3A_1540, %select_n3A : i32
    %dma_wait3A_1542 = arith.constant 0 : i32
    %dma_wait3A_1543 = tpu.memref_slice %arg3[%add3A_1541, %dma_wait3A_1542] : memref<416x100000xf32, #tpu.memory_space<hbm>> -> memref<1x100000xf32, #tpu.memory_space<hbm>>
    %dma_wait3A_1544 = tpu.memref_squeeze %dma_wait3A_1543 : memref<1x100000xf32, #tpu.memory_space<hbm>> -> memref<100000xf32, #tpu.memory_space<hbm>>
    %dma_wait3A_1545 = arith.constant 0 : i32
    %dma_wait3A_1546 = tpu.memref_slice %dma_wait3A_1544[%dma_wait3A_1545] : memref<100000xf32, #tpu.memory_space<hbm>> -> memref<49920xf32, #tpu.memory_space<hbm>>
    %dma_wait3A_1547 = arith.constant 0 : i32
    %dma_wait3A_1548 = tpu.memref_slice %arg3[%add3A_1541, %dma_wait3A_1547] : memref<416x100000xf32, #tpu.memory_space<hbm>> -> memref<1x100000xf32, #tpu.memory_space<hbm>>
    %dma_wait3A_1549 = tpu.memref_squeeze %dma_wait3A_1548 : memref<1x100000xf32, #tpu.memory_space<hbm>> -> memref<100000xf32, #tpu.memory_space<hbm>>
    %dma_wait3A_1550 = arith.constant 0 : i32
    %dma_wait3A_1551 = tpu.memref_slice %dma_wait3A_1549[%dma_wait3A_1550] : memref<100000xf32, #tpu.memory_space<hbm>> -> memref<49920xf32, #tpu.memory_space<hbm>>
    tpu.wait_dma2 semaphore(%arg12 : memref<!tpu.dma_semaphore, #tpu.memory_space<semaphore_mem>>) src(%dma_wait3A_1551 : memref<49920xf32, #tpu.memory_space<hbm>>) dst(%arg6 : memref<49920xf32, #tpu.memory_space<vmem>>)
    %mul3A_1552 = arith.constant 13 : i32
    %mul3A_1553 = arith.muli %select_n3A_30, %mul3A_1552 : i32
    %add3A_1554 = arith.constant 11 : i32
    %add3A_1555 = arith.addi %mul3A_1553, %add3A_1554 : i32
    %mul3A_1556 = arith.constant 16 : i32
    %mul3A_1557 = arith.muli %add3A_1555, %mul3A_1556 : i32
    %add3A_1558 = arith.addi %mul3A_1557, %select_n3A : i32
    %dma_start3A_1559 = arith.constant 0 : i32
    %dma_start3A_1560 = tpu.memref_slice %arg7[%dma_start3A_1559] : memref<50848xf32, #tpu.memory_space<vmem>> -> memref<49920xf32, #tpu.memory_space<vmem>>
    %dma_start3A_1561 = arith.constant 0 : i32
    %dma_start3A_1562 = tpu.memref_slice %arg3[%add3A_1558, %dma_start3A_1561] : memref<416x100000xf32, #tpu.memory_space<hbm>> -> memref<1x100000xf32, #tpu.memory_space<hbm>>
    %dma_start3A_1563 = tpu.memref_squeeze %dma_start3A_1562 : memref<1x100000xf32, #tpu.memory_space<hbm>> -> memref<100000xf32, #tpu.memory_space<hbm>>
    %dma_start3A_1564 = arith.constant 49920 : i32
    %dma_start3A_1565 = tpu.memref_slice %dma_start3A_1563[%dma_start3A_1564] : memref<100000xf32, #tpu.memory_space<hbm>> -> memref<49920xf32, #tpu.memory_space<hbm>>
    %dma_start3A_1566 = arith.constant 0 : i32
    %dma_start3A_1567 = tpu.memref_slice %arg7[%dma_start3A_1566] : memref<50848xf32, #tpu.memory_space<vmem>> -> memref<49920xf32, #tpu.memory_space<vmem>>
    %dma_start3A_1568 = arith.constant 0 : i32
    %dma_start3A_1569 = tpu.memref_slice %arg3[%add3A_1558, %dma_start3A_1568] : memref<416x100000xf32, #tpu.memory_space<hbm>> -> memref<1x100000xf32, #tpu.memory_space<hbm>>
    %dma_start3A_1570 = tpu.memref_squeeze %dma_start3A_1569 : memref<1x100000xf32, #tpu.memory_space<hbm>> -> memref<100000xf32, #tpu.memory_space<hbm>>
    %dma_start3A_1571 = arith.constant 49920 : i32
    %dma_start3A_1572 = tpu.memref_slice %dma_start3A_1570[%dma_start3A_1571] : memref<100000xf32, #tpu.memory_space<hbm>> -> memref<49920xf32, #tpu.memory_space<hbm>>
    tpu.enqueue_dma source(%dma_start3A_1572 : memref<49920xf32, #tpu.memory_space<hbm>>) target(%dma_start3A_1567 : memref<49920xf32, #tpu.memory_space<vmem>>) target_semaphore(%arg13 : memref<!tpu.dma_semaphore, #tpu.memory_space<semaphore_mem>>)
    %mul3A_1573 = arith.constant 13 : i32
    %mul3A_1574 = arith.muli %select_n3A_30, %mul3A_1573 : i32
    %add3A_1575 = arith.constant 11 : i32
    %add3A_1576 = arith.addi %mul3A_1574, %add3A_1575 : i32
    %mul3A_1577 = arith.constant 16 : i32
    %mul3A_1578 = arith.muli %add3A_1576, %mul3A_1577 : i32
    %add3A_1579 = arith.addi %mul3A_1578, %select_n3A : i32
    %mul3A_1580 = arith.constant 1024 : i32
    %mul3A_1581 = arith.muli %add3A_1579, %mul3A_1580 : i32
    %dma_start3A_1582 = arith.constant 49824 : i32
    %dma_start3A_1583 = tpu.memref_slice %arg7[%dma_start3A_1582] : memref<50848xf32, #tpu.memory_space<vmem>> -> memref<1024xf32, #tpu.memory_space<vmem>>
    %dma_start3A_1584 = tpu.memref_slice %arg4[%mul3A_1581] : memref<425984xf32, #tpu.memory_space<hbm>> -> memref<1024xf32, #tpu.memory_space<hbm>>
    %dma_start3A_1585 = arith.constant 49824 : i32
    %dma_start3A_1586 = tpu.memref_slice %arg7[%dma_start3A_1585] : memref<50848xf32, #tpu.memory_space<vmem>> -> memref<1024xf32, #tpu.memory_space<vmem>>
    %dma_start3A_1587 = tpu.memref_slice %arg4[%mul3A_1581] : memref<425984xf32, #tpu.memory_space<hbm>> -> memref<1024xf32, #tpu.memory_space<hbm>>
    tpu.enqueue_dma source(%dma_start3A_1587 : memref<1024xf32, #tpu.memory_space<hbm>>) target(%dma_start3A_1586 : memref<1024xf32, #tpu.memory_space<vmem>>) target_semaphore(%arg14 : memref<!tpu.dma_semaphore, #tpu.memory_space<semaphore_mem>>)
    %scan3A_1588 = arith.constant 0 : i32
    %scan3A_1589 = arith.constant 0 : i32
    %scan3A_1590 = arith.constant 256 : i32
    %scan3A_1591 = arith.addi %scan3A_1589, %scan3A_1590 : i32
    %scan3A_1592 = arith.constant 1 : i32
    scf.for %scan3A_1777 = %scan3A_1589 to %scan3A_1591 step %scan3A_1592  : i32 {
      %mul3A_1778 = arith.constant 16 : i32
      %mul3A_1779 = arith.muli %scan3A_1777, %mul3A_1778 : i32
      %get3A = arith.index_cast %mul3A_1779 : i32 to index
      %get3A_1780 = tpu.vector_load %arg9[%get3A] {strides = array<i32>} : memref<4096xi32, #tpu.memory_space<vmem>>, vector<16xi32>,
      %sub3A_1781 = arith.constant 0 : i32
      %sub3A_1782 = vector.broadcast %sub3A_1781 : i32 to vector<16xi32>
      %sub3A_1783 = arith.subi %get3A_1780, %sub3A_1782 : vector<16xi32>
      %ge3A = arith.constant 0 : i32
      %ge3A_1784 = vector.broadcast %ge3A : i32 to vector<16xi32>
      %ge3A_1785 = arith.cmpi sge, %sub3A_1783, %ge3A_1784 : vector<16xi32>
      %lt3A_1786 = arith.constant 49920 : i32
      %lt3A_1787 = vector.broadcast %lt3A_1786 : i32 to vector<16xi32>
      %lt3A_1788 = arith.cmpi slt, %sub3A_1783, %lt3A_1787 : vector<16xi32>
      %and3A_1789 = arith.andi %ge3A_1785, %lt3A_1788 : vector<16xi1>
      %jit3A_1790 = arith.constant 0 : i32
      %broadcast_in_dim3A = vector.broadcast %jit3A_1790 : i32 to vector<16xi32>
      %select_n3A_1791 = arith.select %and3A_1789, %sub3A_1783, %broadcast_in_dim3A : vector<16xi1>, vector<16xi32>
      %gather3A = tpu.vector_load_idx %arg6[%select_n3A_1791] : memref<49920xf32, #tpu.memory_space<vmem>>[vector<16xi32>], vector<16xf32>,
      %broadcast_in_dim3A_1792 = arith.constant 0.000000e+00 : f32
      %broadcast_in_dim3A_1793 = vector.broadcast %broadcast_in_dim3A_1792 : f32 to vector<16xf32>
      %select_n3A_1794 = arith.select %and3A_1789, %gather3A, %broadcast_in_dim3A_1793 : vector<16xi1>, vector<16xf32>
      %get3A_1795 = arith.index_cast %mul3A_1779 : i32 to index
      %get3A_1796 = tpu.vector_load %arg10[%get3A_1795] {strides = array<i32>} : memref<4096xf32, #tpu.memory_space<vmem>>, vector<16xf32>,
      %add3A_1797 = arith.addf %get3A_1796, %select_n3A_1794 : vector<16xf32>
      %swap3A = arith.index_cast %mul3A_1779 : i32 to index
      %swap3A_1798 = tpu.vector_load %arg10[%swap3A] {strides = array<i32>} : memref<4096xf32, #tpu.memory_space<vmem>>, vector<16xf32>,
      tpu.vector_store %arg10[%swap3A], %add3A_1797 {strides = array<i32>} : memref<4096xf32, #tpu.memory_space<vmem>>, vector<16xf32>,
      %get3A_1799 = arith.index_cast %mul3A_1779 : i32 to index
      %get3A_1800 = tpu.vector_load %arg11[%get3A_1799] {strides = array<i32>} : memref<4096xf32, #tpu.memory_space<vmem>>, vector<16xf32>,
      %mul3A_1801 = arith.mulf %select_n3A_1794, %select_n3A_1794 : vector<16xf32>
      %add3A_1802 = arith.addf %get3A_1800, %mul3A_1801 : vector<16xf32>
      %swap3A_1803 = arith.index_cast %mul3A_1779 : i32 to index
      %swap3A_1804 = tpu.vector_load %arg11[%swap3A_1803] {strides = array<i32>} : memref<4096xf32, #tpu.memory_space<vmem>>, vector<16xf32>,
      tpu.vector_store %arg11[%swap3A_1803], %add3A_1802 {strides = array<i32>} : memref<4096xf32, #tpu.memory_space<vmem>>, vector<16xf32>,
    }
    %scan3A_1593 = arith.constant 256 : i32
    %mul3A_1594 = arith.constant 13 : i32
    %mul3A_1595 = arith.muli %select_n3A_30, %mul3A_1594 : i32
    %add3A_1596 = arith.constant 11 : i32
    %add3A_1597 = arith.addi %mul3A_1595, %add3A_1596 : i32
    %mul3A_1598 = arith.constant 16 : i32
    %mul3A_1599 = arith.muli %add3A_1597, %mul3A_1598 : i32
    %add3A_1600 = arith.addi %mul3A_1599, %select_n3A : i32
    %dma_wait3A_1601 = arith.constant 0 : i32
    %dma_wait3A_1602 = tpu.memref_slice %arg7[%dma_wait3A_1601] : memref<50848xf32, #tpu.memory_space<vmem>> -> memref<49920xf32, #tpu.memory_space<vmem>>
    %dma_wait3A_1603 = arith.constant 0 : i32
    %dma_wait3A_1604 = tpu.memref_slice %arg3[%add3A_1600, %dma_wait3A_1603] : memref<416x100000xf32, #tpu.memory_space<hbm>> -> memref<1x100000xf32, #tpu.memory_space<hbm>>
    %dma_wait3A_1605 = tpu.memref_squeeze %dma_wait3A_1604 : memref<1x100000xf32, #tpu.memory_space<hbm>> -> memref<100000xf32, #tpu.memory_space<hbm>>
    %dma_wait3A_1606 = arith.constant 49920 : i32
    %dma_wait3A_1607 = tpu.memref_slice %dma_wait3A_1605[%dma_wait3A_1606] : memref<100000xf32, #tpu.memory_space<hbm>> -> memref<49920xf32, #tpu.memory_space<hbm>>
    %dma_wait3A_1608 = arith.constant 0 : i32
    %dma_wait3A_1609 = tpu.memref_slice %arg7[%dma_wait3A_1608] : memref<50848xf32, #tpu.memory_space<vmem>> -> memref<49920xf32, #tpu.memory_space<vmem>>
    %dma_wait3A_1610 = arith.constant 0 : i32
    %dma_wait3A_1611 = tpu.memref_slice %arg3[%add3A_1600, %dma_wait3A_1610] : memref<416x100000xf32, #tpu.memory_space<hbm>> -> memref<1x100000xf32, #tpu.memory_space<hbm>>
    %dma_wait3A_1612 = tpu.memref_squeeze %dma_wait3A_1611 : memref<1x100000xf32, #tpu.memory_space<hbm>> -> memref<100000xf32, #tpu.memory_space<hbm>>
    %dma_wait3A_1613 = arith.constant 49920 : i32
    %dma_wait3A_1614 = tpu.memref_slice %dma_wait3A_1612[%dma_wait3A_1613] : memref<100000xf32, #tpu.memory_space<hbm>> -> memref<49920xf32, #tpu.memory_space<hbm>>
    tpu.wait_dma2 semaphore(%arg13 : memref<!tpu.dma_semaphore, #tpu.memory_space<semaphore_mem>>) src(%dma_wait3A_1614 : memref<49920xf32, #tpu.memory_space<hbm>>) dst(%dma_wait3A_1609 : memref<49920xf32, #tpu.memory_space<vmem>>)
    %mul3A_1615 = arith.constant 13 : i32
    %mul3A_1616 = arith.muli %select_n3A_30, %mul3A_1615 : i32
    %add3A_1617 = arith.constant 11 : i32
    %add3A_1618 = arith.addi %mul3A_1616, %add3A_1617 : i32
    %mul3A_1619 = arith.constant 16 : i32
    %mul3A_1620 = arith.muli %add3A_1618, %mul3A_1619 : i32
    %add3A_1621 = arith.addi %mul3A_1620, %select_n3A : i32
    %mul3A_1622 = arith.constant 1024 : i32
    %mul3A_1623 = arith.muli %add3A_1621, %mul3A_1622 : i32
    %dma_wait3A_1624 = arith.constant 49824 : i32
    %dma_wait3A_1625 = tpu.memref_slice %arg7[%dma_wait3A_1624] : memref<50848xf32, #tpu.memory_space<vmem>> -> memref<1024xf32, #tpu.memory_space<vmem>>
    %dma_wait3A_1626 = tpu.memref_slice %arg4[%mul3A_1623] : memref<425984xf32, #tpu.memory_space<hbm>> -> memref<1024xf32, #tpu.memory_space<hbm>>
    %dma_wait3A_1627 = arith.constant 49824 : i32
    %dma_wait3A_1628 = tpu.memref_slice %arg7[%dma_wait3A_1627] : memref<50848xf32, #tpu.memory_space<vmem>> -> memref<1024xf32, #tpu.memory_space<vmem>>
    %dma_wait3A_1629 = tpu.memref_slice %arg4[%mul3A_1623] : memref<425984xf32, #tpu.memory_space<hbm>> -> memref<1024xf32, #tpu.memory_space<hbm>>
    tpu.wait_dma2 semaphore(%arg14 : memref<!tpu.dma_semaphore, #tpu.memory_space<semaphore_mem>>) src(%dma_wait3A_1629 : memref<1024xf32, #tpu.memory_space<hbm>>) dst(%dma_wait3A_1628 : memref<1024xf32, #tpu.memory_space<vmem>>)
    %mul3A_1630 = arith.constant 13 : i32
    %mul3A_1631 = arith.muli %select_n3A_30, %mul3A_1630 : i32
    %add3A_1632 = arith.constant 12 : i32
    %add3A_1633 = arith.addi %mul3A_1631, %add3A_1632 : i32
    %mul3A_1634 = arith.constant 16 : i32
    %mul3A_1635 = arith.muli %add3A_1633, %mul3A_1634 : i32
    %add3A_1636 = arith.addi %mul3A_1635, %select_n3A : i32
    %dma_start3A_1637 = arith.constant 0 : i32
    %dma_start3A_1638 = tpu.memref_slice %arg3[%add3A_1636, %dma_start3A_1637] : memref<416x100000xf32, #tpu.memory_space<hbm>> -> memref<1x100000xf32, #tpu.memory_space<hbm>>
    %dma_start3A_1639 = tpu.memref_squeeze %dma_start3A_1638 : memref<1x100000xf32, #tpu.memory_space<hbm>> -> memref<100000xf32, #tpu.memory_space<hbm>>
    %dma_start3A_1640 = arith.constant 0 : i32
    %dma_start3A_1641 = tpu.memref_slice %dma_start3A_1639[%dma_start3A_1640] : memref<100000xf32, #tpu.memory_space<hbm>> -> memref<49920xf32, #tpu.memory_space<hbm>>
    %dma_start3A_1642 = arith.constant 0 : i32
    %dma_start3A_1643 = tpu.memref_slice %arg3[%add3A_1636, %dma_start3A_1642] : memref<416x100000xf32, #tpu.memory_space<hbm>> -> memref<1x100000xf32, #tpu.memory_space<hbm>>
    %dma_start3A_1644 = tpu.memref_squeeze %dma_start3A_1643 : memref<1x100000xf32, #tpu.memory_space<hbm>> -> memref<100000xf32, #tpu.memory_space<hbm>>
    %dma_start3A_1645 = arith.constant 0 : i32
    %dma_start3A_1646 = tpu.memref_slice %dma_start3A_1644[%dma_start3A_1645] : memref<100000xf32, #tpu.memory_space<hbm>> -> memref<49920xf32, #tpu.memory_space<hbm>>
    tpu.enqueue_dma source(%dma_start3A_1646 : memref<49920xf32, #tpu.memory_space<hbm>>) target(%arg6 : memref<49920xf32, #tpu.memory_space<vmem>>) target_semaphore(%arg12 : memref<!tpu.dma_semaphore, #tpu.memory_space<semaphore_mem>>)
    %mul3A_1647 = arith.constant 13 : i32
    %mul3A_1648 = arith.muli %select_n3A_30, %mul3A_1647 : i32
    %add3A_1649 = arith.constant 12 : i32
    %add3A_1650 = arith.addi %mul3A_1648, %add3A_1649 : i32
    %mul3A_1651 = arith.constant 4096 : i32
    %mul3A_1652 = arith.muli %add3A_1650, %mul3A_1651 : i32
    %dma_start3A_1653 = tpu.memref_slice %arg2[%mul3A_1652] : memref<106496xi32, #tpu.memory_space<hbm>> -> memref<4096xi32, #tpu.memory_space<hbm>>
    %dma_start3A_1654 = tpu.memref_slice %arg2[%mul3A_1652] : memref<106496xi32, #tpu.memory_space<hbm>> -> memref<4096xi32, #tpu.memory_space<hbm>>
    tpu.enqueue_dma source(%dma_start3A_1654 : memref<4096xi32, #tpu.memory_space<hbm>>) target(%arg8 : memref<4096xi32, #tpu.memory_space<vmem>>) target_semaphore(%arg15 : memref<!tpu.dma_semaphore, #tpu.memory_space<semaphore_mem>>)
    %scan3A_1655 = arith.constant 0 : i32
    %scan3A_1656 = arith.constant 0 : i32
    %scan3A_1657 = arith.constant 256 : i32
    %scan3A_1658 = arith.addi %scan3A_1656, %scan3A_1657 : i32
    %scan3A_1659 = arith.constant 1 : i32
    scf.for %scan3A_1777 = %scan3A_1656 to %scan3A_1658 step %scan3A_1659  : i32 {
      %mul3A_1778 = arith.constant 16 : i32
      %mul3A_1779 = arith.muli %scan3A_1777, %mul3A_1778 : i32
      %get3A = arith.index_cast %mul3A_1779 : i32 to index
      %get3A_1780 = tpu.vector_load %arg9[%get3A] {strides = array<i32>} : memref<4096xi32, #tpu.memory_space<vmem>>, vector<16xi32>,
      %sub3A_1781 = arith.constant 49920 : i32
      %sub3A_1782 = vector.broadcast %sub3A_1781 : i32 to vector<16xi32>
      %sub3A_1783 = arith.subi %get3A_1780, %sub3A_1782 : vector<16xi32>
      %ge3A = arith.constant 0 : i32
      %ge3A_1784 = vector.broadcast %ge3A : i32 to vector<16xi32>
      %ge3A_1785 = arith.cmpi sge, %sub3A_1783, %ge3A_1784 : vector<16xi32>
      %lt3A_1786 = arith.constant 50080 : i32
      %lt3A_1787 = vector.broadcast %lt3A_1786 : i32 to vector<16xi32>
      %lt3A_1788 = arith.cmpi slt, %sub3A_1783, %lt3A_1787 : vector<16xi32>
      %and3A_1789 = arith.andi %ge3A_1785, %lt3A_1788 : vector<16xi1>
      %jit3A_1790 = arith.constant 0 : i32
      %broadcast_in_dim3A = vector.broadcast %jit3A_1790 : i32 to vector<16xi32>
      %select_n3A_1791 = arith.select %and3A_1789, %sub3A_1783, %broadcast_in_dim3A : vector<16xi1>, vector<16xi32>
      %gather3A = tpu.vector_load_idx %arg7[%select_n3A_1791] : memref<50848xf32, #tpu.memory_space<vmem>>[vector<16xi32>], vector<16xf32>,
      %broadcast_in_dim3A_1792 = arith.constant 0.000000e+00 : f32
      %broadcast_in_dim3A_1793 = vector.broadcast %broadcast_in_dim3A_1792 : f32 to vector<16xf32>
      %select_n3A_1794 = arith.select %and3A_1789, %gather3A, %broadcast_in_dim3A_1793 : vector<16xi1>, vector<16xf32>
      %get3A_1795 = arith.index_cast %mul3A_1779 : i32 to index
      %get3A_1796 = tpu.vector_load %arg10[%get3A_1795] {strides = array<i32>} : memref<4096xf32, #tpu.memory_space<vmem>>, vector<16xf32>,
      %add3A_1797 = arith.addf %get3A_1796, %select_n3A_1794 : vector<16xf32>
      %swap3A = arith.index_cast %mul3A_1779 : i32 to index
      %swap3A_1798 = tpu.vector_load %arg10[%swap3A] {strides = array<i32>} : memref<4096xf32, #tpu.memory_space<vmem>>, vector<16xf32>,
      tpu.vector_store %arg10[%swap3A], %add3A_1797 {strides = array<i32>} : memref<4096xf32, #tpu.memory_space<vmem>>, vector<16xf32>,
      %get3A_1799 = arith.index_cast %mul3A_1779 : i32 to index
      %get3A_1800 = tpu.vector_load %arg11[%get3A_1799] {strides = array<i32>} : memref<4096xf32, #tpu.memory_space<vmem>>, vector<16xf32>,
      %mul3A_1801 = arith.mulf %select_n3A_1794, %select_n3A_1794 : vector<16xf32>
      %add3A_1802 = arith.addf %get3A_1800, %mul3A_1801 : vector<16xf32>
      %swap3A_1803 = arith.index_cast %mul3A_1779 : i32 to index
      %swap3A_1804 = tpu.vector_load %arg11[%swap3A_1803] {strides = array<i32>} : memref<4096xf32, #tpu.memory_space<vmem>>, vector<16xf32>,
      tpu.vector_store %arg11[%swap3A_1803], %add3A_1802 {strides = array<i32>} : memref<4096xf32, #tpu.memory_space<vmem>>, vector<16xf32>,
    }
    %scan3A_1660 = arith.constant 256 : i32
    %mul3A_1661 = arith.constant 13 : i32
    %mul3A_1662 = arith.muli %select_n3A_30, %mul3A_1661 : i32
    %add3A_1663 = arith.constant 12 : i32
    %add3A_1664 = arith.addi %mul3A_1662, %add3A_1663 : i32
    %mul3A_1665 = arith.constant 4096 : i32
    %mul3A_1666 = arith.muli %add3A_1664, %mul3A_1665 : i32
    %dma_wait3A_1667 = tpu.memref_slice %arg2[%mul3A_1666] : memref<106496xi32, #tpu.memory_space<hbm>> -> memref<4096xi32, #tpu.memory_space<hbm>>
    %dma_wait3A_1668 = tpu.memref_slice %arg2[%mul3A_1666] : memref<106496xi32, #tpu.memory_space<hbm>> -> memref<4096xi32, #tpu.memory_space<hbm>>
    tpu.wait_dma2 semaphore(%arg15 : memref<!tpu.dma_semaphore, #tpu.memory_space<semaphore_mem>>) src(%dma_wait3A_1668 : memref<4096xi32, #tpu.memory_space<hbm>>) dst(%arg8 : memref<4096xi32, #tpu.memory_space<vmem>>)
    %mul3A_1669 = arith.constant 13 : i32
    %mul3A_1670 = arith.muli %select_n3A_30, %mul3A_1669 : i32
    %add3A_1671 = arith.constant 12 : i32
    %add3A_1672 = arith.addi %mul3A_1670, %add3A_1671 : i32
    %mul3A_1673 = arith.constant 16 : i32
    %mul3A_1674 = arith.muli %add3A_1672, %mul3A_1673 : i32
    %add3A_1675 = arith.addi %mul3A_1674, %select_n3A : i32
    %dma_wait3A_1676 = arith.constant 0 : i32
    %dma_wait3A_1677 = tpu.memref_slice %arg3[%add3A_1675, %dma_wait3A_1676] : memref<416x100000xf32, #tpu.memory_space<hbm>> -> memref<1x100000xf32, #tpu.memory_space<hbm>>
    %dma_wait3A_1678 = tpu.memref_squeeze %dma_wait3A_1677 : memref<1x100000xf32, #tpu.memory_space<hbm>> -> memref<100000xf32, #tpu.memory_space<hbm>>
    %dma_wait3A_1679 = arith.constant 0 : i32
    %dma_wait3A_1680 = tpu.memref_slice %dma_wait3A_1678[%dma_wait3A_1679] : memref<100000xf32, #tpu.memory_space<hbm>> -> memref<49920xf32, #tpu.memory_space<hbm>>
    %dma_wait3A_1681 = arith.constant 0 : i32
    %dma_wait3A_1682 = tpu.memref_slice %arg3[%add3A_1675, %dma_wait3A_1681] : memref<416x100000xf32, #tpu.memory_space<hbm>> -> memref<1x100000xf32, #tpu.memory_space<hbm>>
    %dma_wait3A_1683 = tpu.memref_squeeze %dma_wait3A_1682 : memref<1x100000xf32, #tpu.memory_space<hbm>> -> memref<100000xf32, #tpu.memory_space<hbm>>
    %dma_wait3A_1684 = arith.constant 0 : i32
    %dma_wait3A_1685 = tpu.memref_slice %dma_wait3A_1683[%dma_wait3A_1684] : memref<100000xf32, #tpu.memory_space<hbm>> -> memref<49920xf32, #tpu.memory_space<hbm>>
    tpu.wait_dma2 semaphore(%arg12 : memref<!tpu.dma_semaphore, #tpu.memory_space<semaphore_mem>>) src(%dma_wait3A_1685 : memref<49920xf32, #tpu.memory_space<hbm>>) dst(%arg6 : memref<49920xf32, #tpu.memory_space<vmem>>)
    %mul3A_1686 = arith.constant 13 : i32
    %mul3A_1687 = arith.muli %select_n3A_30, %mul3A_1686 : i32
    %add3A_1688 = arith.constant 12 : i32
    %add3A_1689 = arith.addi %mul3A_1687, %add3A_1688 : i32
    %mul3A_1690 = arith.constant 16 : i32
    %mul3A_1691 = arith.muli %add3A_1689, %mul3A_1690 : i32
    %add3A_1692 = arith.addi %mul3A_1691, %select_n3A : i32
    %dma_start3A_1693 = arith.constant 0 : i32
    %dma_start3A_1694 = tpu.memref_slice %arg7[%dma_start3A_1693] : memref<50848xf32, #tpu.memory_space<vmem>> -> memref<49920xf32, #tpu.memory_space<vmem>>
    %dma_start3A_1695 = arith.constant 0 : i32
    %dma_start3A_1696 = tpu.memref_slice %arg3[%add3A_1692, %dma_start3A_1695] : memref<416x100000xf32, #tpu.memory_space<hbm>> -> memref<1x100000xf32, #tpu.memory_space<hbm>>
    %dma_start3A_1697 = tpu.memref_squeeze %dma_start3A_1696 : memref<1x100000xf32, #tpu.memory_space<hbm>> -> memref<100000xf32, #tpu.memory_space<hbm>>
    %dma_start3A_1698 = arith.constant 49920 : i32
    %dma_start3A_1699 = tpu.memref_slice %dma_start3A_1697[%dma_start3A_1698] : memref<100000xf32, #tpu.memory_space<hbm>> -> memref<49920xf32, #tpu.memory_space<hbm>>
    %dma_start3A_1700 = arith.constant 0 : i32
    %dma_start3A_1701 = tpu.memref_slice %arg7[%dma_start3A_1700] : memref<50848xf32, #tpu.memory_space<vmem>> -> memref<49920xf32, #tpu.memory_space<vmem>>
    %dma_start3A_1702 = arith.constant 0 : i32
    %dma_start3A_1703 = tpu.memref_slice %arg3[%add3A_1692, %dma_start3A_1702] : memref<416x100000xf32, #tpu.memory_space<hbm>> -> memref<1x100000xf32, #tpu.memory_space<hbm>>
    %dma_start3A_1704 = tpu.memref_squeeze %dma_start3A_1703 : memref<1x100000xf32, #tpu.memory_space<hbm>> -> memref<100000xf32, #tpu.memory_space<hbm>>
    %dma_start3A_1705 = arith.constant 49920 : i32
    %dma_start3A_1706 = tpu.memref_slice %dma_start3A_1704[%dma_start3A_1705] : memref<100000xf32, #tpu.memory_space<hbm>> -> memref<49920xf32, #tpu.memory_space<hbm>>
    tpu.enqueue_dma source(%dma_start3A_1706 : memref<49920xf32, #tpu.memory_space<hbm>>) target(%dma_start3A_1701 : memref<49920xf32, #tpu.memory_space<vmem>>) target_semaphore(%arg13 : memref<!tpu.dma_semaphore, #tpu.memory_space<semaphore_mem>>)
    %mul3A_1707 = arith.constant 13 : i32
    %mul3A_1708 = arith.muli %select_n3A_30, %mul3A_1707 : i32
    %add3A_1709 = arith.constant 12 : i32
    %add3A_1710 = arith.addi %mul3A_1708, %add3A_1709 : i32
    %mul3A_1711 = arith.constant 16 : i32
    %mul3A_1712 = arith.muli %add3A_1710, %mul3A_1711 : i32
    %add3A_1713 = arith.addi %mul3A_1712, %select_n3A : i32
    %mul3A_1714 = arith.constant 1024 : i32
    %mul3A_1715 = arith.muli %add3A_1713, %mul3A_1714 : i32
    %dma_start3A_1716 = arith.constant 49824 : i32
    %dma_start3A_1717 = tpu.memref_slice %arg7[%dma_start3A_1716] : memref<50848xf32, #tpu.memory_space<vmem>> -> memref<1024xf32, #tpu.memory_space<vmem>>
    %dma_start3A_1718 = tpu.memref_slice %arg4[%mul3A_1715] : memref<425984xf32, #tpu.memory_space<hbm>> -> memref<1024xf32, #tpu.memory_space<hbm>>
    %dma_start3A_1719 = arith.constant 49824 : i32
    %dma_start3A_1720 = tpu.memref_slice %arg7[%dma_start3A_1719] : memref<50848xf32, #tpu.memory_space<vmem>> -> memref<1024xf32, #tpu.memory_space<vmem>>
    %dma_start3A_1721 = tpu.memref_slice %arg4[%mul3A_1715] : memref<425984xf32, #tpu.memory_space<hbm>> -> memref<1024xf32, #tpu.memory_space<hbm>>
    tpu.enqueue_dma source(%dma_start3A_1721 : memref<1024xf32, #tpu.memory_space<hbm>>) target(%dma_start3A_1720 : memref<1024xf32, #tpu.memory_space<vmem>>) target_semaphore(%arg14 : memref<!tpu.dma_semaphore, #tpu.memory_space<semaphore_mem>>)
    %scan3A_1722 = arith.constant 0 : i32
    %scan3A_1723 = arith.constant 0 : i32
    %scan3A_1724 = arith.constant 256 : i32
    %scan3A_1725 = arith.addi %scan3A_1723, %scan3A_1724 : i32
    %scan3A_1726 = arith.constant 1 : i32
    scf.for %scan3A_1777 = %scan3A_1723 to %scan3A_1725 step %scan3A_1726  : i32 {
      %mul3A_1778 = arith.constant 16 : i32
      %mul3A_1779 = arith.muli %scan3A_1777, %mul3A_1778 : i32
      %get3A = arith.index_cast %mul3A_1779 : i32 to index
      %get3A_1780 = tpu.vector_load %arg8[%get3A] {strides = array<i32>} : memref<4096xi32, #tpu.memory_space<vmem>>, vector<16xi32>,
      %sub3A_1781 = arith.constant 0 : i32
      %sub3A_1782 = vector.broadcast %sub3A_1781 : i32 to vector<16xi32>
      %sub3A_1783 = arith.subi %get3A_1780, %sub3A_1782 : vector<16xi32>
      %ge3A = arith.constant 0 : i32
      %ge3A_1784 = vector.broadcast %ge3A : i32 to vector<16xi32>
      %ge3A_1785 = arith.cmpi sge, %sub3A_1783, %ge3A_1784 : vector<16xi32>
      %lt3A_1786 = arith.constant 49920 : i32
      %lt3A_1787 = vector.broadcast %lt3A_1786 : i32 to vector<16xi32>
      %lt3A_1788 = arith.cmpi slt, %sub3A_1783, %lt3A_1787 : vector<16xi32>
      %and3A_1789 = arith.andi %ge3A_1785, %lt3A_1788 : vector<16xi1>
      %jit3A_1790 = arith.constant 0 : i32
      %broadcast_in_dim3A = vector.broadcast %jit3A_1790 : i32 to vector<16xi32>
      %select_n3A_1791 = arith.select %and3A_1789, %sub3A_1783, %broadcast_in_dim3A : vector<16xi1>, vector<16xi32>
      %gather3A = tpu.vector_load_idx %arg6[%select_n3A_1791] : memref<49920xf32, #tpu.memory_space<vmem>>[vector<16xi32>], vector<16xf32>,
      %broadcast_in_dim3A_1792 = arith.constant 0.000000e+00 : f32
      %broadcast_in_dim3A_1793 = vector.broadcast %broadcast_in_dim3A_1792 : f32 to vector<16xf32>
      %select_n3A_1794 = arith.select %and3A_1789, %gather3A, %broadcast_in_dim3A_1793 : vector<16xi1>, vector<16xf32>
      %get3A_1795 = arith.index_cast %mul3A_1779 : i32 to index
      %get3A_1796 = tpu.vector_load %arg10[%get3A_1795] {strides = array<i32>} : memref<4096xf32, #tpu.memory_space<vmem>>, vector<16xf32>,
      %add3A_1797 = arith.addf %get3A_1796, %select_n3A_1794 : vector<16xf32>
      %swap3A = arith.index_cast %mul3A_1779 : i32 to index
      %swap3A_1798 = tpu.vector_load %arg10[%swap3A] {strides = array<i32>} : memref<4096xf32, #tpu.memory_space<vmem>>, vector<16xf32>,
      tpu.vector_store %arg10[%swap3A], %add3A_1797 {strides = array<i32>} : memref<4096xf32, #tpu.memory_space<vmem>>, vector<16xf32>,
      %get3A_1799 = arith.index_cast %mul3A_1779 : i32 to index
      %get3A_1800 = tpu.vector_load %arg11[%get3A_1799] {strides = array<i32>} : memref<4096xf32, #tpu.memory_space<vmem>>, vector<16xf32>,
      %mul3A_1801 = arith.mulf %select_n3A_1794, %select_n3A_1794 : vector<16xf32>
      %add3A_1802 = arith.addf %get3A_1800, %mul3A_1801 : vector<16xf32>
      %swap3A_1803 = arith.index_cast %mul3A_1779 : i32 to index
      %swap3A_1804 = tpu.vector_load %arg11[%swap3A_1803] {strides = array<i32>} : memref<4096xf32, #tpu.memory_space<vmem>>, vector<16xf32>,
      tpu.vector_store %arg11[%swap3A_1803], %add3A_1802 {strides = array<i32>} : memref<4096xf32, #tpu.memory_space<vmem>>, vector<16xf32>,
    }
    %scan3A_1727 = arith.constant 256 : i32
    %mul3A_1728 = arith.constant 13 : i32
    %mul3A_1729 = arith.muli %select_n3A_30, %mul3A_1728 : i32
    %add3A_1730 = arith.constant 12 : i32
    %add3A_1731 = arith.addi %mul3A_1729, %add3A_1730 : i32
    %mul3A_1732 = arith.constant 16 : i32
    %mul3A_1733 = arith.muli %add3A_1731, %mul3A_1732 : i32
    %add3A_1734 = arith.addi %mul3A_1733, %select_n3A : i32
    %dma_wait3A_1735 = arith.constant 0 : i32
    %dma_wait3A_1736 = tpu.memref_slice %arg7[%dma_wait3A_1735] : memref<50848xf32, #tpu.memory_space<vmem>> -> memref<49920xf32, #tpu.memory_space<vmem>>
    %dma_wait3A_1737 = arith.constant 0 : i32
    %dma_wait3A_1738 = tpu.memref_slice %arg3[%add3A_1734, %dma_wait3A_1737] : memref<416x100000xf32, #tpu.memory_space<hbm>> -> memref<1x100000xf32, #tpu.memory_space<hbm>>
    %dma_wait3A_1739 = tpu.memref_squeeze %dma_wait3A_1738 : memref<1x100000xf32, #tpu.memory_space<hbm>> -> memref<100000xf32, #tpu.memory_space<hbm>>
    %dma_wait3A_1740 = arith.constant 49920 : i32
    %dma_wait3A_1741 = tpu.memref_slice %dma_wait3A_1739[%dma_wait3A_1740] : memref<100000xf32, #tpu.memory_space<hbm>> -> memref<49920xf32, #tpu.memory_space<hbm>>
    %dma_wait3A_1742 = arith.constant 0 : i32
    %dma_wait3A_1743 = tpu.memref_slice %arg7[%dma_wait3A_1742] : memref<50848xf32, #tpu.memory_space<vmem>> -> memref<49920xf32, #tpu.memory_space<vmem>>
    %dma_wait3A_1744 = arith.constant 0 : i32
    %dma_wait3A_1745 = tpu.memref_slice %arg3[%add3A_1734, %dma_wait3A_1744] : memref<416x100000xf32, #tpu.memory_space<hbm>> -> memref<1x100000xf32, #tpu.memory_space<hbm>>
    %dma_wait3A_1746 = tpu.memref_squeeze %dma_wait3A_1745 : memref<1x100000xf32, #tpu.memory_space<hbm>> -> memref<100000xf32, #tpu.memory_space<hbm>>
    %dma_wait3A_1747 = arith.constant 49920 : i32
    %dma_wait3A_1748 = tpu.memref_slice %dma_wait3A_1746[%dma_wait3A_1747] : memref<100000xf32, #tpu.memory_space<hbm>> -> memref<49920xf32, #tpu.memory_space<hbm>>
    tpu.wait_dma2 semaphore(%arg13 : memref<!tpu.dma_semaphore, #tpu.memory_space<semaphore_mem>>) src(%dma_wait3A_1748 : memref<49920xf32, #tpu.memory_space<hbm>>) dst(%dma_wait3A_1743 : memref<49920xf32, #tpu.memory_space<vmem>>)
    %mul3A_1749 = arith.constant 13 : i32
    %mul3A_1750 = arith.muli %select_n3A_30, %mul3A_1749 : i32
    %add3A_1751 = arith.constant 12 : i32
    %add3A_1752 = arith.addi %mul3A_1750, %add3A_1751 : i32
    %mul3A_1753 = arith.constant 16 : i32
    %mul3A_1754 = arith.muli %add3A_1752, %mul3A_1753 : i32
    %add3A_1755 = arith.addi %mul3A_1754, %select_n3A : i32
    %mul3A_1756 = arith.constant 1024 : i32
    %mul3A_1757 = arith.muli %add3A_1755, %mul3A_1756 : i32
    %dma_wait3A_1758 = arith.constant 49824 : i32
    %dma_wait3A_1759 = tpu.memref_slice %arg7[%dma_wait3A_1758] : memref<50848xf32, #tpu.memory_space<vmem>> -> memref<1024xf32, #tpu.memory_space<vmem>>
    %dma_wait3A_1760 = tpu.memref_slice %arg4[%mul3A_1757] : memref<425984xf32, #tpu.memory_space<hbm>> -> memref<1024xf32, #tpu.memory_space<hbm>>
    %dma_wait3A_1761 = arith.constant 49824 : i32
    %dma_wait3A_1762 = tpu.memref_slice %arg7[%dma_wait3A_1761] : memref<50848xf32, #tpu.memory_space<vmem>> -> memref<1024xf32, #tpu.memory_space<vmem>>
    %dma_wait3A_1763 = tpu.memref_slice %arg4[%mul3A_1757] : memref<425984xf32, #tpu.memory_space<hbm>> -> memref<1024xf32, #tpu.memory_space<hbm>>
    tpu.wait_dma2 semaphore(%arg14 : memref<!tpu.dma_semaphore, #tpu.memory_space<semaphore_mem>>) src(%dma_wait3A_1763 : memref<1024xf32, #tpu.memory_space<hbm>>) dst(%dma_wait3A_1762 : memref<1024xf32, #tpu.memory_space<vmem>>)
    %scan3A_1764 = arith.constant 0 : i32
    %scan3A_1765 = arith.constant 0 : i32
    %scan3A_1766 = arith.constant 256 : i32
    %scan3A_1767 = arith.addi %scan3A_1765, %scan3A_1766 : i32
    %scan3A_1768 = arith.constant 1 : i32
    scf.for %scan3A_1777 = %scan3A_1765 to %scan3A_1767 step %scan3A_1768  : i32 {
      %mul3A_1778 = arith.constant 16 : i32
      %mul3A_1779 = arith.muli %scan3A_1777, %mul3A_1778 : i32
      %get3A = arith.index_cast %mul3A_1779 : i32 to index
      %get3A_1780 = tpu.vector_load %arg8[%get3A] {strides = array<i32>} : memref<4096xi32, #tpu.memory_space<vmem>>, vector<16xi32>,
      %sub3A_1781 = arith.constant 49920 : i32
      %sub3A_1782 = vector.broadcast %sub3A_1781 : i32 to vector<16xi32>
      %sub3A_1783 = arith.subi %get3A_1780, %sub3A_1782 : vector<16xi32>
      %ge3A = arith.constant 0 : i32
      %ge3A_1784 = vector.broadcast %ge3A : i32 to vector<16xi32>
      %ge3A_1785 = arith.cmpi sge, %sub3A_1783, %ge3A_1784 : vector<16xi32>
      %lt3A_1786 = arith.constant 50080 : i32
      %lt3A_1787 = vector.broadcast %lt3A_1786 : i32 to vector<16xi32>
      %lt3A_1788 = arith.cmpi slt, %sub3A_1783, %lt3A_1787 : vector<16xi32>
      %and3A_1789 = arith.andi %ge3A_1785, %lt3A_1788 : vector<16xi1>
      %jit3A_1790 = arith.constant 0 : i32
      %broadcast_in_dim3A = vector.broadcast %jit3A_1790 : i32 to vector<16xi32>
      %select_n3A_1791 = arith.select %and3A_1789, %sub3A_1783, %broadcast_in_dim3A : vector<16xi1>, vector<16xi32>
      %gather3A = tpu.vector_load_idx %arg7[%select_n3A_1791] : memref<50848xf32, #tpu.memory_space<vmem>>[vector<16xi32>], vector<16xf32>,
      %broadcast_in_dim3A_1792 = arith.constant 0.000000e+00 : f32
      %broadcast_in_dim3A_1793 = vector.broadcast %broadcast_in_dim3A_1792 : f32 to vector<16xf32>
      %select_n3A_1794 = arith.select %and3A_1789, %gather3A, %broadcast_in_dim3A_1793 : vector<16xi1>, vector<16xf32>
      %get3A_1795 = arith.index_cast %mul3A_1779 : i32 to index
      %get3A_1796 = tpu.vector_load %arg10[%get3A_1795] {strides = array<i32>} : memref<4096xf32, #tpu.memory_space<vmem>>, vector<16xf32>,
      %add3A_1797 = arith.addf %get3A_1796, %select_n3A_1794 : vector<16xf32>
      %swap3A = arith.index_cast %mul3A_1779 : i32 to index
      %swap3A_1798 = tpu.vector_load %arg10[%swap3A] {strides = array<i32>} : memref<4096xf32, #tpu.memory_space<vmem>>, vector<16xf32>,
      tpu.vector_store %arg10[%swap3A], %add3A_1797 {strides = array<i32>} : memref<4096xf32, #tpu.memory_space<vmem>>, vector<16xf32>,
      %get3A_1799 = arith.index_cast %mul3A_1779 : i32 to index
      %get3A_1800 = tpu.vector_load %arg11[%get3A_1799] {strides = array<i32>} : memref<4096xf32, #tpu.memory_space<vmem>>, vector<16xf32>,
      %mul3A_1801 = arith.mulf %select_n3A_1794, %select_n3A_1794 : vector<16xf32>
      %add3A_1802 = arith.addf %get3A_1800, %mul3A_1801 : vector<16xf32>
      %swap3A_1803 = arith.index_cast %mul3A_1779 : i32 to index
      %swap3A_1804 = tpu.vector_load %arg11[%swap3A_1803] {strides = array<i32>} : memref<4096xf32, #tpu.memory_space<vmem>>, vector<16xf32>,
      tpu.vector_store %arg11[%swap3A_1803], %add3A_1802 {strides = array<i32>} : memref<4096xf32, #tpu.memory_space<vmem>>, vector<16xf32>,
    }
    %scan3A_1769 = arith.constant 256 : i32
    %mul3A_1770 = arith.constant 2 : i32
    %mul3A_1771 = arith.muli %select_n3A, %mul3A_1770 : i32
    %add3A_1772 = arith.addi %mul3A_1771, %select_n3A_30 : i32
    %mul3A_1773 = arith.constant 4096 : i32
    %mul3A_1774 = arith.muli %add3A_1772, %mul3A_1773 : i32
    "tpu.region"() ({
      %run_scoped3A = tpu.sem_alloc : memref<!tpu.dma_semaphore, #tpu.memory_space<semaphore_mem>>
      %dma_start3A_1777 = tpu.memref_slice %arg5[%mul3A_1774] : memref<262144xf32, #tpu.memory_space<hbm>> -> memref<4096xf32, #tpu.memory_space<hbm>>
      %dma_start3A_1778 = tpu.memref_slice %arg5[%mul3A_1774] : memref<262144xf32, #tpu.memory_space<hbm>> -> memref<4096xf32, #tpu.memory_space<hbm>>
      tpu.enqueue_dma source(%arg10 : memref<4096xf32, #tpu.memory_space<vmem>>) target(%dma_start3A_1778 : memref<4096xf32, #tpu.memory_space<hbm>>) target_semaphore(%run_scoped3A : memref<!tpu.dma_semaphore, #tpu.memory_space<semaphore_mem>>)
      %dma_wait3A_1779 = tpu.memref_slice %arg5[%mul3A_1774] : memref<262144xf32, #tpu.memory_space<hbm>> -> memref<4096xf32, #tpu.memory_space<hbm>>
      %dma_wait3A_1780 = tpu.memref_slice %arg5[%mul3A_1774] : memref<262144xf32, #tpu.memory_space<hbm>> -> memref<4096xf32, #tpu.memory_space<hbm>>
      tpu.wait_dma2 semaphore(%run_scoped3A : memref<!tpu.dma_semaphore, #tpu.memory_space<semaphore_mem>>) src(%arg10 : memref<4096xf32, #tpu.memory_space<vmem>>) dst(%dma_wait3A_1780 : memref<4096xf32, #tpu.memory_space<hbm>>)
      tpu.yield
    }) : () -> ()
    %add3A_1775 = arith.constant 131072 : i32
    %add3A_1776 = arith.addi %add3A_1775, %mul3A_1774 : i32
    "tpu.region"() ({
      %run_scoped3A = tpu.sem_alloc : memref<!tpu.dma_semaphore, #tpu.memory_space<semaphore_mem>>
      %dma_start3A_1777 = tpu.memref_slice %arg5[%add3A_1776] : memref<262144xf32, #tpu.memory_space<hbm>> -> memref<4096xf32, #tpu.memory_space<hbm>>
      %dma_start3A_1778 = tpu.memref_slice %arg5[%add3A_1776] : memref<262144xf32, #tpu.memory_space<hbm>> -> memref<4096xf32, #tpu.memory_space<hbm>>
      tpu.enqueue_dma source(%arg11 : memref<4096xf32, #tpu.memory_space<vmem>>) target(%dma_start3A_1778 : memref<4096xf32, #tpu.memory_space<hbm>>) target_semaphore(%run_scoped3A : memref<!tpu.dma_semaphore, #tpu.memory_space<semaphore_mem>>)
      %dma_wait3A_1779 = tpu.memref_slice %arg5[%add3A_1776] : memref<262144xf32, #tpu.memory_space<hbm>> -> memref<4096xf32, #tpu.memory_space<hbm>>
      %dma_wait3A_1780 = tpu.memref_slice %arg5[%add3A_1776] : memref<262144xf32, #tpu.memory_space<hbm>> -> memref<4096xf32, #tpu.memory_space<hbm>>
      tpu.wait_dma2 semaphore(%run_scoped3A : memref<!tpu.dma_semaphore, #tpu.memory_space<semaphore_mem>>) src(%arg11 : memref<4096xf32, #tpu.memory_space<vmem>>) dst(%dma_wait3A_1780 : memref<4096xf32, #tpu.memory_space<hbm>>)
      tpu.yield
    }) : () -> ()
    return
  }
}

module attributes {stable_mosaic.version = 14 : i64} {
  func.func @body(%arg0: memref<2x16x2x4096xf32, #tpu.memory_space<vmem>>, %arg1: memref<16x1xf32, #tpu.memory_space<vmem>>, %arg2: memref<1x1xf32, #tpu.memory_space<vmem>>, %arg3: memref<1x4096xf32, #tpu.memory_space<vmem>>) attributes {dimension_semantics = [], scalar_prefetch = 0 : i64, scratch_operands = 0 : i64, tpu.core_type = #tpu.core_type<tc>} {
    %get3A = arith.constant 0 : index
    %get3A_0 = arith.constant 0 : index
    %get3A_1 = arith.constant 0 : index
    %get3A_2 = arith.constant 0 : index
    %get3A_3 = vector.load %arg0[%get3A, %get3A_0, %get3A_1, %get3A_2] : memref<2x16x2x4096xf32, #tpu.memory_space<vmem>>, vector<2x16x2x4096xf32>
    %slice3A = vector.extract_strided_slice %get3A_3 {offsets = [0, 0, 0, 0], sizes = [1, 16, 1, 4096], strides = [1, 1, 1, 1]} : vector<2x16x2x4096xf32> to vector<1x16x1x4096xf32>
    %squeeze3A = vector.shape_cast %slice3A : vector<1x16x1x4096xf32> to vector<16x4096xf32>
    %slice3A_4 = vector.extract_strided_slice %get3A_3 {offsets = [0, 0, 1, 0], sizes = [1, 16, 1, 4096], strides = [1, 1, 1, 1]} : vector<2x16x2x4096xf32> to vector<1x16x1x4096xf32>
    %squeeze3A_5 = vector.shape_cast %slice3A_4 : vector<1x16x1x4096xf32> to vector<16x4096xf32>
    %add3A = arith.addf %squeeze3A, %squeeze3A_5 : vector<16x4096xf32>
    %slice3A_6 = vector.extract_strided_slice %get3A_3 {offsets = [1, 0, 0, 0], sizes = [1, 16, 1, 4096], strides = [1, 1, 1, 1]} : vector<2x16x2x4096xf32> to vector<1x16x1x4096xf32>
    %squeeze3A_7 = vector.shape_cast %slice3A_6 : vector<1x16x1x4096xf32> to vector<16x4096xf32>
    %slice3A_8 = vector.extract_strided_slice %get3A_3 {offsets = [1, 0, 1, 0], sizes = [1, 16, 1, 4096], strides = [1, 1, 1, 1]} : vector<2x16x2x4096xf32> to vector<1x16x1x4096xf32>
    %squeeze3A_9 = vector.shape_cast %slice3A_8 : vector<1x16x1x4096xf32> to vector<16x4096xf32>
    %add3A_10 = arith.addf %squeeze3A_7, %squeeze3A_9 : vector<16x4096xf32>
    %mul3A = arith.mulf %add3A, %add3A : vector<16x4096xf32>
    %sub3A = arith.subf %mul3A, %add3A_10 : vector<16x4096xf32>
    %mul3A_11 = arith.constant 5.000000e-01 : f32
    %mul3A_12 = vector.broadcast %mul3A_11 : f32 to vector<16x4096xf32>
    %mul3A_13 = arith.mulf %mul3A_12, %sub3A : vector<16x4096xf32>
    %get3A_14 = arith.constant 0 : index
    %get3A_15 = arith.constant 0 : index
    %get3A_16 = vector.load %arg1[%get3A_14, %get3A_15] : memref<16x1xf32, #tpu.memory_space<vmem>>, vector<16x1xf32>
    %mul3A_17 = vector.broadcast %get3A_16 : vector<16x1xf32> to vector<16x4096xf32>
    %mul3A_18 = arith.mulf %mul3A_13, %mul3A_17 : vector<16x4096xf32>
    %reduce_sum3A = arith.constant dense<0.000000e+00> : vector<4096xf32>
    %reduce_sum3A_19 = vector.multi_reduction <add>, %mul3A_18, %reduce_sum3A [0] : vector<16x4096xf32> to vector<4096xf32>
    %broadcast_in_dim3A = vector.shape_cast %reduce_sum3A_19 : vector<4096xf32> to vector<1x4096xf32>
    %get3A_20 = arith.constant 0 : index
    %get3A_21 = arith.constant 0 : index
    %get3A_22 = vector.load %arg2[%get3A_20, %get3A_21] : memref<1x1xf32, #tpu.memory_space<vmem>>, vector<1x1xf32>
    %add3A_23 = vector.broadcast %get3A_22 : vector<1x1xf32> to vector<1x4096xf32>
    %add3A_24 = arith.addf %broadcast_in_dim3A, %add3A_23 : vector<1x4096xf32>
    %logistic3A = arith.negf %add3A_24 : vector<1x4096xf32>
    %logistic3A_25 = math.exp %logistic3A : vector<1x4096xf32>
    %logistic3A_26 = arith.constant 1.000000e+00 : f32
    %logistic3A_27 = vector.broadcast %logistic3A_26 : f32 to vector<1x4096xf32>
    %logistic3A_28 = arith.addf %logistic3A_27, %logistic3A_25 : vector<1x4096xf32>
    %logistic3A_29 = arith.divf %logistic3A_27, %logistic3A_28 : vector<1x4096xf32>
    %swap3A = arith.constant 0 : index
    %swap3A_30 = arith.constant 0 : index
    %swap3A_31 = vector.load %arg3[%swap3A, %swap3A_30] : memref<1x4096xf32, #tpu.memory_space<vmem>>, vector<1x4096xf32>
    tpu.vector_store %arg3[%swap3A, %swap3A_30], %logistic3A_29 {strides = array<i32>} : memref<1x4096xf32, #tpu.memory_space<vmem>>, vector<1x4096xf32>,
    return
  }
}

</mosaic_0001>

<sc_bundles>
// kernel: kernel.4.cloned.1.call-start
scs
__scs_entry_jumppad:
0x0: {  	(pc) =	sbr.rel $0x88, $3  }
0x1: {  	(tag) =	ssettag $0x0;
	lr =	simm.s32 $0x1  }
0x2: {  	[smem:$0x3F9D] =	sst lr;
	_ =	strace $0xD0000000  }
0x3: {  	_ = 	snop  }
0x4: {  	_ = 	snop  }
0x5: {  	_ = 	snop  }
0x6: {  	_ = 	snop  }
0x7: {  	_ = 	snop  }
__scs_overlays_trampoline_lowered:
0x8: {  	[smem:$0x3FAC] =	sst s0  }
0x9: {  	[smem:$0x3FAD] =	sst s1  }
0xa: {  	[smem:$0x3FAE] =	sst s2  }
0xb: {  	[smem:$0x3FAF] =	sst s3  }
0xc: {  	[smem:$0x3FB0] =	sst s4  }
0xd: {  	[smem:$0x3FB1] =	sst s5  }
0xe: {  	[smem:$0x3FB2] =	sst s6  }
0xf: {  	[smem:$0x3FB3] =	sst s7  }
0x10: {  	[smem:$0x3FB4] =	sst s8  }
0x11: {  	[smem:$0x3FB5] =	sst s9;
	s0 =	simm.s32 @!p0 $0x0  }
0x12: {  	s1 =	sld [smem:$0x3F9B];
	s0 =	simm.s32 @p0 $0x1  }
0x13: {  	[smem:$0x3FB6] =	sst s0;
	s0 =	simm.s32 @!p1 $0x0  }
0x14: {  	s2 =	sld [smem:$0x3F9A];
	s0 =	simm.s32 @p1 $0x1  }
0x15: {  	[smem:$0x3FB7] =	sst s0;
	s0 =	simm.s32 @!p2 $0x0  }
0x16: {  	s3 =	sld [smem:$0x3FDB];
	s0 =	simm.s32 @p2 $0x1  }
0x17: {  	s4 =	simm.s32 $0x1BF5;
	[smem:$0x3FB9] =	sst s0  }
0x18: {  	s0 =	sld [smem:$0x3F9C];
	_ =	swait.ge [sflag:s4], $0x0  }
0x19: {  	s7 =	sld [smem:$0x3F9D]  }
0x1a: {  	s8 =	sadd.s32 $0xFFFFE003, lr  }
0x1b: {  	s9 =	sadd.s32 $0xFFFFFEF7, lr;
	s5 =	simm.s32 $0xFFFFFFFF;
	p2 =	slt.u32 s8, $0xFFFFF086  }
0x1c: {  	p1 =	slt.u32 s9, $0xF7A;
	s5 =	simm.s32 @!p2 $0x0  }
0x1d: {  	s5 =	simm.s32 @p1 $0x1;
	p0 =	seq.s32 s7, s2  }
0x1e: {  	s7 =	smul.u32 @!p0 $0xF7A, s2;
	p2 =	seq.s32 @!p0 s5, $0x0  }
0x1f: {  	s9 =	smul.u32 $0xF7A, s1;
	s8 =	simm.s32 @!p0 $0x1BF5;
	p2 =	por !p2, p0  }
0x20: {  	[sflag:s8] =	ssyncset.s32 @!p0 $0xFFFFF086;
	s6 =	sadd.s32 @!p0 s3, s7;
	s7 =	simm.s32 @!p0 $0x108  }
0x21: {  	s3 =	sadd.s32 s3, s9;
	s6 =	sadd.s32 @!p0 $0x88, s6;
	s7 =	simm.s32 @p2 $0x1082  }
0x22: {  	[simem:s7], [sflag:s8] =	dma.local @!p0 [hbm:s6], $0xF7A  }
0x23: {  	s9 =	sor.u32 $0xD0000000, s2;
	s6 =	simm.s32 $0x108;
	_ =	swait.ge @!p0 [sflag:s8], $0x0  }
0x24: {  	s3 =	sadd.s32 $0x88, s3;
	s6 =	simm.s32 @!p1 $0x1082;
	[sflag:s4] =	ssyncset.s32 $0xFFFFF086  }
0x25: {  	[simem:s6], [sflag:s4] =	dma.local [hbm:s3], $0xF7A  }
0x26: {  	[smem:$0x3F9D] =	sst s1;
	(tag) =	ssettag s2;
	_ =	strace s9  }
0x27: {  	s1 =	sld [smem:$0x3FAD]  }
0x28: {  	s2 =	sld [smem:$0x3FAE]  }
0x29: {  	s4 =	sld [smem:$0x3FB0]  }
0x2a: {  	p0 =	seq.s32 s5, $0x0;
	s5 =	sld [smem:$0x3FB1]  }
0x2b: {  	s6 =	sld [smem:$0x3FB2]  }
0x2c: {  	s7 =	sld [smem:$0x3FB3]  }
0x2d: {  	s3 =	simm.s32 $0x108;
	s8 =	sld [smem:$0x3FB4]  }
0x2e: {  	s3 =	simm.s32 @!p0 $0x1082;
	s9 =	sld [smem:$0x3FB5]  }
0x2f: {  	lr =	sadd.s32 s0, s3;
	s0 =	sld [smem:$0x3FAC]  }
0x30: {  	s3 =	sld [smem:$0x3FAF]  }
0x31: {  	[smem:$0x3FB8] =	sst s10  }
0x32: {  	s10 =	sld [smem:$0x3FB6];
	_ =	sdelay $0x3  }
0x33: {  	p0 =	seq.s32 s10, $0x1;
	s10 =	sld [smem:$0x3FB8];
	_ =	sdelay $0x3  }
0x34: {  	[smem:$0x3FB8] =	sst s10  }
0x35: {  	s10 =	sld [smem:$0x3FB7];
	_ =	sdelay $0x3  }
0x36: {  	p1 =	seq.s32 s10, $0x1;
	s10 =	sld [smem:$0x3FB8];
	_ =	sdelay $0x3  }
0x37: {  	[smem:$0x3FB8] =	sst s10  }
0x38: {  	s10 =	sld [smem:$0x3FB9]  }
0x39: {  	_ = 	snop;
	(pc) =	sbr.ind lr, $3  }
0x3a: {  	_ = 	snop  }
0x3b: {  	_ = 	snop  }
0x3c: {  	p2 =	seq.s32 s10, $0x1;
	s10 =	sld [smem:$0x3FB8]  }
0x3d: {  	_ =	shalt  }
0x3e: {  	_ =	shalt  }
0x3f: {  	_ =	shalt  }
0x40: {  	_ =	shalt  }
0x41: {  	_ =	shalt  }
0x42: {  	_ =	shalt  }
0x43: {  	_ =	shalt  }
0x44: {  	_ =	shalt  }
0x45: {  	_ =	shalt  }
0x46: {  	_ =	shalt  }
0x47: {  	_ =	shalt  }
0x48: {  	_ =	shalt  }
0x49: {  	_ =	shalt  }
0x4a: {  	_ =	shalt  }
0x4b: {  	_ =	shalt  }
0x4c: {  	_ =	shalt  }
0x4d: {  	_ =	shalt  }
0x4e: {  	_ =	shalt  }
0x4f: {  	_ =	shalt  }
0x50: {  	_ =	shalt  }
0x51: {  	_ =	shalt  }
0x52: {  	_ =	shalt  }
0x53: {  	_ =	shalt  }
0x54: {  	_ =	shalt  }
0x55: {  	_ =	shalt  }
0x56: {  	_ =	shalt  }
0x57: {  	_ =	shalt  }
0x58: {  	_ =	shalt  }
0x59: {  	_ =	shalt  }
0x5a: {  	_ =	shalt  }
0x5b: {  	_ =	shalt  }
0x5c: {  	_ =	shalt  }
0x5d: {  	_ =	shalt  }
0x5e: {  	_ =	shalt  }
0x5f: {  	_ =	shalt  }
0x60: {  	_ =	shalt  }
0x61: {  	_ =	shalt  }
0x62: {  	_ =	shalt  }
0x63: {  	_ =	shalt  }
0x64: {  	_ =	shalt  }
0x65: {  	_ =	shalt  }
0x66: {  	_ =	shalt  }
0x67: {  	_ =	shalt  }
0x68: {  	_ =	shalt  }
0x69: {  	_ =	shalt  }
0x6a: {  	_ =	shalt  }
0x6b: {  	_ =	shalt  }
0x6c: {  	_ =	shalt  }
0x6d: {  	_ =	shalt  }
0x6e: {  	_ =	shalt  }
0x6f: {  	_ =	shalt  }
0x70: {  	_ =	shalt  }
0x71: {  	_ =	shalt  }
0x72: {  	_ =	shalt  }
0x73: {  	_ =	shalt  }
0x74: {  	_ =	shalt  }
0x75: {  	_ =	shalt  }
0x76: {  	_ =	shalt  }
0x77: {  	_ =	shalt  }
0x78: {  	_ =	shalt  }
0x79: {  	_ =	shalt  }
0x7a: {  	_ =	shalt  }
0x7b: {  	_ =	shalt  }
0x7c: {  	_ =	shalt  }
0x7d: {  	_ =	shalt  }
0x7e: {  	_ =	shalt  }
0x7f: {  	_ =	shalt  }
0x80: {  	_ =	shalt  }
0x81: {  	_ =	shalt  }
0x82: {  	_ =	shalt  }
0x83: {  	_ =	shalt  }
0x84: {  	_ =	shalt  }
0x85: {  	_ =	shalt  }
0x86: {  	_ =	shalt  }
0x87: {  	_ =	shalt  }
.Lfunc_end0:
.L_simem_size_0:
called_computation_lowered:
.L_overlay_start_0:
0x88: {  	s2 =	sld [smem:$0x3FD9]  }
0x89: {  	s3 =	sld [smem:$0x3FFE];
	_ =	sdelay $0x1  }
0x8a: {  	s1 =	srdreg.scid  }
0x8b: {  	s0 =	sand.u32 $0x1, s1  }
0x8c: {  	s17 =	sshll.u32 s0, $0xA;
	s2 =	sadd.s32 s3, s2  }
0x8d: {  	s2 =	sadd.s32 s2, s17  }
0x8e: {  	[smem:$0x3FC4] =	sst s2  }
0x8f: {  	_ = 	snop  }
0x90: {  	s2 =	sld [smem:$0x3FC8];
	(tm) =	ssettm $0x1  }
0x91: {  	s18 =	sld [smem:$0x3FFB];
	_ =	sdelay $0x3  }
0x92: {  	_ =	strace s18  }
0x93: {  	s3 =	sld [smem:$0x3FFC];
	_ =	sdelay $0x3  }
0x94: {  	_ =	strace s3  }
0x95: {  	s3 =	sld [smem:$0x3FFD];
	_ =	sdelay $0x3  }
0x96: {  	_ =	strace s3  }
0x97: {  	_ =	strace $0x8FFFFFFF  }
0x98: {  	s19 =	sld [smem:$0x3FDB];
	_ =	sdelay $0x1  }
0x99: {  	s4 =	simm.s32 $_scs_section_size  }
0x9a: {  	s5 =	simm.s32 $_size__tile_overlayer_lowered;
	s6 =	simm.s32 $_tile_overlayer_lowered  }
0x9b: {  	s22 =	simm.s32 $0x1BFF;
	s21 =	sshll.u32 s6, $0x1;
	s3 =	sadd.s32 s4, s19  }
0x9c: {  	s7 =	simm.s32 $0x0;
	s20 =	sshll.u32 s5, $0x1;
	s5 =	sadd.s32 s21, s3  }
0x9d: {  	[timem:s7], [sflag:s22] =	dma.local [hbm:s5], s20  }
0x9e: {  	_ =	swait.ge [sflag:s22], s20  }
0x9f: {  	s4 =	ssub.s32 $0x0, s20;
	[sflag:s22] =	ssyncset.done $0x0  }
0xa0: {  	[sflag:s22] =	ssyncadd.s32 s4;
	_ =	sdelay $0x1  }
0xa1: {  	s23 =	simm.s32 $0x1B8B  }
0xa2: {  	_ =	swait.ge [sflag:s23], $0x1  }
0xa3: {  	[sflag:s23] =	ssyncset.done $0x0  }
0xa4: {  	s25 =	simm.s32 $0x1B8E;
	s24 =	sld [smem:$0x3FFE];
	[sflag:s23] =	ssyncadd.s32 $0xFFFFFFFF  }
0xa5: {  	s26 =	simm.s32 $execute0_lowered;
	[smem:$0x3FD2] =	sst s25  }
0xa6: {  	s5 =	sshll.u32 s26, $0x1;
	_ =	strace $0x80000046;
	[dreg:$0x1] =	wrdreg $0xFFFFFFFF  }
0xa7: {  	s28 =	simm.s32 $_size_execute0_lowered;
	s3 =	sadd.s32 s3, s5;
	[dreg:$0x0] =	wrdreg $0x0  }
0xa8: {  	s5 =	sshll.u32 s28, $0x1;
	[dreg:$0x2] =	wrdreg s3  }
0xa9: {  	[dreg:$0x3] =	wrdreg s5  }
0xaa: {  	[dreg:$0x4] =	wrdreg $0xC0  }
0xab: {  	_ =	task [dreg:s7], $0x5FFFF  }
0xac: {  	[dreg:$0x1] =	wrdreg $0xFFFFFFFF  }
0xad: {  	[dreg:$0x0] =	wrdreg $0x60  }
0xae: {  	[dreg:$0x2] =	wrdreg s24  }
0xaf: {  	[dreg:$0x3] =	wrdreg s2  }
0xb0: {  	[dreg:$0x4] =	wrdreg $0x9  }
0xb1: {  	_ =	task.clear_ibuf [dreg:s7], $0x5FFFF;
	_ =	strace $0x90000046  }
0xb2: {  	s29 =	simm.s32 $0x9;
	_ =	strace $0x80000048  }
0xb3: {  	_ =	swait.ge [sflag:s29], $0x1  }
0xb4: {  	[sflag:s29] =	ssyncadd.s32 $0xFFFFFFFF  }
0xb5: {  	_ =	strace $0x90000048  }
0xb6: {  	_ =	sfence  }
0xb7: {  	s30 =	sld [smem:$0x0];
	_ =	sdelay $0x2  }
0xb8: {  	s31 =	sshll.u32 s1, $0xD;
	s1 =	sshrl.u32 s1, $0x2  }
0xb9: {  	s3 =	sand.u32 $0x4000, s31;
	s1 =	sadd.s32 s1, s30  }
0xba: {  	s0 =	sor.u32 s3, s0;
	s1 =	sshll.u32 s1, $0x11  }
0xbb: {  	s0 =	sor.u32 s1, s0  }
0xbc: {  	s0 =	sadd.s32 $0x8F2B, s0  }
0xbd: {  	[sflag:s0] =	ssyncadd.remote.s32 $0x1  }
0xbe: {  	_ =	sfence.sel $0xFFFF  }
0xbf: {  	[dreg:$0x0] =	wrdreg $0xFFFFFFFF;
	(pc) =	sbr.abs _section_cstart, $3  }
0xc0: {  	[dreg:$0x1] =	wrdreg $0xFFFFFFFF  }
0xc1: {  	_ =	task.clear_ibuf [dreg:s7], $0x2FFFF;
	_ =	strace $0x9FFFFFFF  }
0xc2: {  	(tm) =	ssettm $0x7FFFFFFF  }
0xc3: {  	_ =	shalt  }
tec
execute0_lowered:
.L_overlay_start_1:
0x0: {  	(tag) =	ssettag $0x1  }
0x1: {  	s0 =	srdreg.scid  }
0x2: {  	s3 =	stileid.u32;
	s10 =	sand.u32 $0x1, s0  }
0x3: {  	s1 =	sor.u32 s10, s3;
	s2 =	smul.u32 $0xD0, s10  }
0x4: {  	p1 =	seq.s32 s10, $0x1;
	s24 =	ssub.s32 $0x2, s10;
	s4 =	smul.u32 $0xD, s10  }
0x5: {  	p0 =	seq.s32 s1, $0x0;
	s1 =	simm.s32 $0x1;
	s5 =	sshrl.u32 s24, $0x1  }
0x6: {  	p0 =	por !p0, !p1;
	s26 =	ssub.s32 s24, s5;
	s6 =	sadd.s32 $0x2, s4  }
0x7: {  	s29 =	sadd.s32 $0x3, s4;
	s24 =	sadd.s32 $0x5, s4;
	[smem:$0x7FD] =	sst s26  }
0x8: {  	p0 =	por !p0, !p0;
	[smem:$0x7F1] =	sst s6;
	s7 =	sshll.u32 s6, $0x4  }
0x9: {  	s11 =	sshll.u32 s29, $0x4;
	s26 =	sadd.s32 $0x4, s4;
	s1 =	simm.s32 @!p0 $0x0  }
0xa: {  	s17 =	sshll.u32 s24, $0x4;
	s14 =	ssub.s32 s3, s1;
	s3 =	sadd.s32 $0x1, s4  }
0xb: {  	s22 =	sadd.s32 s2, s14;
	s25 =	sshll.u32 s14, $0x7;
	[smem:$0x7F0] =	sst s3  }
0xc: {  	s5 =	sshll.u32 s3, $0x4;
	s9 =	sadd.s32 s7, s14;
	s12 =	sadd.s32 s11, s14  }
0xd: {  	s7 =	sshll.u32 s26, $0x4;
	s18 =	sadd.s32 s17, s14;
	[smem:$0x7EF] =	sst s22  }
0xe: {  	s23 =	sshrl.u32 s22, $0x3;
	s2 =	sand.u32 $0x380, s25;
	[smem:$0x7F3] =	sst s9  }
0xf: {  	s0 =	sadd.s32 s5, s14;
	s6 =	sshrl.u32 s9, $0x3;
	[smem:$0x7F4] =	sst s12  }
0x10: {  	s15 =	sshrl.u32 s12, $0x3;
	s16 =	sadd.s32 s7, s14;
	s1 =	smul.u32 $0xC3800, s23  }
0x11: {  	[smem:$0x7F6] =	sst s18;
	s9 =	sshrl.u32 s18, $0x3;
	s13 =	smul.u32 $0xC3800, s6  }
0x12: {  	s18 =	sadd.s32 $0x8, s4;
	[smem:$0x7F2] =	sst s0;
	s6 =	smul.u32 $0xC3800, s15  }
0x13: {  	s8 =	sshrl.u32 s0, $0x3;
	[smem:$0x7F5] =	sst s16;
	s21 =	smul.u32 $0xC3800, s9  }
0x14: {  	s23 =	sadd.s32 $0x6, s4;
	s12 =	sshll.u32 s18, $0x4;
	s5 =	smul.u32 $0xC3800, s8  }
0x15: {  	s8 =	sshrl.u32 s16, $0x3;
	s19 =	sshll.u32 s23, $0x4;
	s1 =	sor.u32 s2, s1  }
0x16: {  	s8 =	smul.u32 $0xC3800, s8;
	s20 =	sadd.s32 s19, s14;
	s25 =	sor.u32 s2, s13  }
0x17: {  	s6 =	sor.u32 s2, s6;
	s7 =	sor.u32 s2, s21;
	s19 =	sadd.s32 $0x9, s4  }
0x18: {  	s13 =	sadd.s32 s12, s14;
	s28 =	sshrl.u32 s1, $0x3;
	[smem:$0x7F7] =	sst s20  }
0x19: {  	s5 =	sor.u32 s2, s5;
	s22 =	sshrl.u32 s20, $0x3;
	s20 =	sadd.s32 $0x7, s4  }
0x1a: {  	[smem:$0x7F9] =	sst s13;
	s0 =	smul.u32 $0xC3800, s22;
	s3 =	sshll.u32 s20, $0x4  }
0x1b: {  	s17 =	sshrl.u32 s13, $0x3;
	s8 =	sor.u32 s2, s8;
	s11 =	sadd.s32 s3, s14  }
0x1c: {  	s5 =	sshrl.u32 s5, $0x3;
	s9 =	sor.u32 s2, s0;
	s15 =	sshrl.u32 s11, $0x3  }
0x1d: {  	[smem:$0x7F8] =	sst s11;
	s11 =	sshll.u32 s19, $0x4;
	s12 =	smul.u32 $0xC3800, s15  }
0x1e: {  	s16 =	sadd.s32 s11, s14;
	s11 =	smul.u32 $0xC3800, s17;
	s17 =	sadd.s32 $0xA, s4  }
0x1f: {  	s9 =	sshrl.u32 s9, $0x3;
	[smem:$0x7FA] =	sst s16;
	s21 =	sshrl.u32 s16, $0x3  }
0x20: {  	s15 =	sshll.u32 s17, $0x4;
	s16 =	sadd.s32 $0xB, s4;
	s13 =	smul.u32 $0xC3800, s21  }
0x21: {  	s22 =	sadd.s32 s15, s14;
	s15 =	sadd.s32 $0xC, s4;
	s1 =	sshll.u32 s16, $0x4  }
0x22: {  	s12 =	sor.u32 s2, s12;
	s11 =	sor.u32 s2, s11;
	[smem:$0x7FB] =	sst s22  }
0x23: {  	s30 =	sadd.s32 s1, s14;
	s3 =	sshrl.u32 s22, $0x3;
	s31 =	sshll.u32 s15, $0x4  }
0x24: {  	s12 =	sshrl.u32 s12, $0x3;
	s4 =	smul.u32 $0xC3800, s3;
	s21 =	sshrl.u32 s30, $0x3  }
0x25: {  	s31 =	sadd.s32 s31, s14;
	s13 =	sor.u32 s2, s13;
	s22 =	smul.u32 $0xC3800, s21  }
0x26: {  	s3 =	sshrl.u32 s31, $0x3;
	s21 =	sshrl.u32 s25, $0x3;
	s25 =	sshrl.u32 s6, $0x3  }
0x27: {  	s6 =	sshrl.u32 s8, $0x3;
	s8 =	sshrl.u32 s7, $0x3;
	s0 =	smul.u32 $0xC3800, s3  }
0x28: {  	s3 =	sor.u32 s2, s4;
	s4 =	rddreg [dreg:$0x1];
	s1 =	sor.u32 s2, s22  }
0x29: {  	s22 =	sadd.s32 s4, s28;
	s7 =	sadd.s32 s4, s9;
	s3 =	sshrl.u32 s3, $0x3  }
0x2a: {  	s0 =	sor.u32 s2, s0;
	s2 =	sadd.s32 s4, s5;
	s5 =	sadd.s32 s4, s6  }
0x2b: {  	s6 =	sadd.s32 s4, s8;
	s8 =	sadd.s32 s4, s12;
	s1 =	sshrl.u32 s1, $0x3  }
0x2c: {  	[dreg:$0x3] =	wrdreg s2;
	s2 =	sadd.s32 s4, s21;
	s21 =	sshrl.u32 s11, $0x3  }
0x2d: {  	s11 =	sadd.s32 s4, s3;
	s12 =	sadd.s32 s4, s1;
	s1 =	sld [smem:$0x7EF]  }
0x2e: {  	s3 =	smul.u32 $0x1A00, s10;
	s0 =	sshrl.u32 s0, $0x3;
	[dreg:$0x4] =	wrdreg s2  }
0x2f: {  	s2 =	sadd.s32 s4, s25;
	s9 =	sadd.s32 s4, s21;
	s21 =	rddreg [dreg:$0x0]  }
0x30: {  	s25 =	sshrl.u32 s13, $0x3;
	s13 =	sadd.s32 s4, s0;
	s28 =	sadd.s32 $0xD800, s21  }
0x31: {  	s25 =	sadd.s32 s4, s25;
	s4 =	sadd.s32 s28, s3;
	s3 =	sld [smem:$0x7F0]  }
0x32: {  	[dreg:$0x5] =	wrdreg s4  }
0x33: {  	s4 =	sld [smem:$0x7F1];
	_ =	sdelay $0x1  }
0x34: {  	s0 =	sshll.u32 s1, $0x7;
	s1 =	sshll.u32 s3, $0x9  }
0x35: {  	s3 =	sshll.u32 s4, $0x9;
	s1 =	sadd.s32 s28, s1  }
0x36: {  	[dreg:$0x6] =	wrdreg s1;
	s4 =	sadd.s32 s28, s3  }
0x37: {  	s3 =	sshll.u32 s29, $0x9;
	[dreg:$0x7] =	wrdreg s4  }
0x38: {  	s1 =	sadd.s32 s28, s3;
	s4 =	sshll.u32 s26, $0x9;
	s26 =	sshll.u32 s24, $0x9  }
0x39: {  	[dreg:$0x8] =	wrdreg s1;
	s1 =	sadd.s32 s28, s4;
	s4 =	sadd.s32 s28, s26  }
0x3a: {  	s26 =	sshll.u32 s18, $0x9;
	s18 =	sshll.u32 s16, $0x9;
	s16 =	sld [smem:$0x7F6]  }
0x3b: {  	[dreg:$0x9] =	wrdreg s1  }
0x3c: {  	s23 =	sshll.u32 s23, $0x9;
	[dreg:$0xa] =	wrdreg s4  }
0x3d: {  	s1 =	sadd.s32 s28, s23;
	s23 =	sld [smem:$0x7F3]  }
0x3e: {  	s3 =	sadd.s32 s28, s26;
	[dreg:$0xb] =	wrdreg s1  }
0x3f: {  	s4 =	sshll.u32 s19, $0x9;
	s19 =	sadd.s32 s28, s18;
	[dreg:$0xd] =	wrdreg s3  }
0x40: {  	s24 =	sshll.u32 s20, $0x9;
	[dreg:$0x10] =	wrdreg s19  }
0x41: {  	s1 =	sadd.s32 s28, s24;
	s24 =	sld [smem:$0x7F4]  }
0x42: {  	[dreg:$0xc] =	wrdreg s1;
	s1 =	sadd.s32 s28, s4  }
0x43: {  	s17 =	sshll.u32 s17, $0x9;
	[dreg:$0xe] =	wrdreg s1  }
0x44: {  	s1 =	sadd.s32 s28, s17;
	s17 =	sld [smem:$0x7F7]  }
0x45: {  	s20 =	sshll.u32 s15, $0x9;
	s3 =	sshll.u32 s23, $0x7;
	s23 =	sld [smem:$0x7FA]  }
0x46: {  	[dreg:$0xf] =	wrdreg s1;
	s1 =	sadd.s32 s28, s20  }
0x47: {  	s0 =	sand.u32 $0x1FFFFF80, s0;
	s15 =	smov.u32 s21;
	[dreg:$0x11] =	wrdreg s1  }
0x48: {  	s3 =	sand.u32 $0x1FFFFF80, s3;
	s1 =	sadd.s32 $0x800, s21;
	s21 =	sld [smem:$0x7F2]  }
0x49: {  	s4 =	sshll.u32 s24, $0x7;
	s20 =	sld [smem:$0x7F8];
	s0 =	sadd.s32 s1, s0  }
0x4a: {  	s26 =	sadd.s32 s1, s3;
	s3 =	sand.u32 $0x1FFFFF80, s4;
	s4 =	sld [smem:$0x7F5]  }
0x4b: {  	[dreg:$0x12] =	wrdreg s0;
	s0 =	sshll.u32 s21, $0x7  }
0x4c: {  	[dreg:$0x14] =	wrdreg s26;
	s0 =	sand.u32 $0x1FFFFF80, s0  }
0x4d: {  	s21 =	sld [smem:$0x7F9];
	s0 =	sadd.s32 s1, s0  }
0x4e: {  	[dreg:$0x13] =	wrdreg s0;
	s0 =	sadd.s32 s1, s3  }
0x4f: {  	s3 =	sshll.u32 s16, $0x7;
	s16 =	sshll.u32 s31, $0x7;
	[dreg:$0x15] =	wrdreg s0  }
0x50: {  	s0 =	sshll.u32 s4, $0x7;
	s3 =	sand.u32 $0x1FFFFF80, s3;
	s4 =	sshll.u32 s17, $0x7  }
0x51: {  	s0 =	sand.u32 $0x1FFFFF80, s0;
	s18 =	sadd.s32 s1, s3;
	s19 =	sand.u32 $0x1FFFFF80, s4  }
0x52: {  	s3 =	sshll.u32 s21, $0x7;
	s21 =	simm.s32 $0x0;
	[dreg:$0x17] =	wrdreg s18  }
0x53: {  	s4 =	sshll.u32 s23, $0x7;
	s0 =	sadd.s32 s1, s0;
	[smem:$0x7FF] =	sst s21  }
0x54: {  	s3 =	sand.u32 $0x1FFFFF80, s3;
	[dreg:$0x16] =	wrdreg s0;
	s0 =	sadd.s32 s1, s19  }
0x55: {  	s26 =	sand.u32 $0x1FFFFF80, s4;
	[dreg:$0x18] =	wrdreg s0;
	s0 =	sshll.u32 s20, $0x7  }
0x56: {  	s24 =	sadd.s32 s1, s3;
	s3 =	sld [smem:$0x7FB];
	s0 =	sand.u32 $0x1FFFFF80, s0  }
0x57: {  	s4 =	sshll.u32 s30, $0x7;
	[dreg:$0x1a] =	wrdreg s24;
	s0 =	sadd.s32 s1, s0  }
0x58: {  	s18 =	sand.u32 $0x1FFFFF80, s16;
	[dreg:$0x19] =	wrdreg s0;
	s0 =	sadd.s32 s1, s26  }
0x59: {  	s19 =	sshll.u32 s14, $0xD;
	[dreg:$0x1b] =	wrdreg s0;
	s0 =	sshll.u32 s3, $0x7  }
0x5a: {  	s20 =	sshll.u32 s10, $0xC;
	s24 =	sadd.s32 $0x10C00, s15;
	s0 =	sand.u32 $0x1FFFFF80, s0  }
0x5b: {  	s23 =	sor.u32 s20, s19;
	s3 =	sand.u32 $0x1FFFFF80, s4;
	s0 =	sadd.s32 s1, s0  }
0x5c: {  	s17 =	sadd.s32 s1, s3;
	[dreg:$0x1c] =	wrdreg s0;
	s0 =	sadd.s32 s1, s18  }
0x5d: {  	s3 =	sshrl.u32 s23, $0x3;
	[dreg:$0x1e] =	wrdreg s0;
	s0 =	sadd.s32 $0x20000, s23  }
0x5e: {  	[dreg:$0x1d] =	wrdreg s17;
	s3 =	sadd.s32 s24, s3;
	s0 =	sshrl.u32 s0, $0x3  }
0x5f: {  	[dreg:$0x1f] =	wrdreg s3;
	s0 =	sadd.s32 s24, s0  }
0x60: {  	s29 =	simm.s32 $0x400;
	s28 =	smov.u32 s22;
	[smem:$0x7FC] =	sst s0  }
0x61: {  	s31 =	simm.s32 $0x4;
	s30 =	simm.s32 $0x18A00;
	_ =	strace $0x80000047  }
0x62: {  	s16 =	simm.s32 $0x3;
	s14 =	simm.s32 $0x185A0;
	s26 =	sld [smem:$0x7FD]  }
0x63: {  	s15 =	simm.s32 $0x2;
	s19 =	simm.s32 $0x0;
	s17 =	simm.s32 $0x19A00  }
0x64: {  	s3 =	sadd.s32 $0xC300, s22;
	s1 =	simm.s32 $0x80;
	s18 =	simm.s32 $0x5  }
0x65: {  	s0 =	simm.s32 $0xC300;
	s10 =	smax.u32 s26, $0x1;
	s26 =	simm.s32 $0x1  }
.LBB2_1:
0x66: {  	[tilespmem:s21], [sflag:$0x1] =	stream.strided.gather [hbm4b:s28+s1], $0xC300, s29, s1, $0x38;
	[tilespmem:$0x1CA00] =	vst v63  }
0x67: {  	s4 =	rddreg [dreg:$0x5]  }
0x68: {  	[tilespmem:s30], [sflag:$0x4] =	stream.linear.gather [hbm4b:s4+s21], $0x1000, $0x38;
	[tilespmem:$0x1CA00] =	vst v63  }
0x69: {  	_ =	swait.ge [sflag:s31], $0x1000  }
0x6a: {  	[sflag:s31] =	ssyncset.done $0x0  }
0x6b: {  	[sflag:s31] =	ssyncadd.s32 $0xFFFFF000  }
0x6c: {  	_ =	swait.ge [sflag:s26], $0xC300  }
0x6d: {  	[sflag:s26] =	ssyncset.done $0x0  }
0x6e: {  	[sflag:s26] =	ssyncadd.s32 $0xFFFF3D00  }
0x6f: {  	[tilespmem:s0], [sflag:$0x2] =	stream.strided.gather [hbm4b:s3+s1], $0xC300, s29, s1, $0x38;
	[tilespmem:$0x1CA00] =	vst v63  }
0x70: {  	s22 =	simm.s32 $0x0;
	s24 =	rddreg [dreg:$0x12]  }
0x71: {  	[tilespmem:s14], [sflag:$0x3] =	stream.linear.gather [hbm4b:s24+s21], $0x400, $0x38;
	[tilespmem:$0x1CA00] =	vst v63  }
0x72: {  	v0 =	vld [tilespmem:s22+$0x18A00];
	_ =	sdelay $0x4  }
0x73: {  	vm0 =	vlt.u32 v0, $0xC300  }
0x74: {  	v0 =	vnsel vm0, $0x0, v0;
	_ =	sdelay $0x2  }
0x75: {  	s20 =	simm.s32 $0x10  }
0x76: {  	v1 =	vld [tilespmem:s20+$0x18A00]  }
0x77: {  	v0 =	vld.idx.msk [tilespmem:v0+s21+$0x0], $0xffff;
	_ =	sdelay $0x3  }
0x78: {  	vm1 =	vlt.u32 v1, $0xC300;
	vm0 =	vmmov vm0  }
0x79: {  	v2 =	vnsel vm0, $0x0, v0;
	v0 =	vnsel vm1, $0x0, v1;
	_ =	sdelay $0x1  }
0x7a: {  	v1 =	vmul.f32 v2, v2  }
0x7b: {  	s23 =	simm.s32 $0xC0;
	s24 =	simm.s32 $0x20;
	vm0 =	vmmov vm1;
	[tilespmem:s22+$0x1AA00] =	vst v2  }
.LBB2_2:
0x7c: {  	p0 =	sne.s32 s23, $0x3FC0;
	v2 =	vld [tilespmem:s24+$0x18A00];
	[tilespmem:s22+$0x1BA00] =	vst v1;
	s22 =	smov.u32 s20;
	s20 =	smov.u32 s24  }
0x7d: {  	v1 =	vld.idx.msk [tilespmem:v0+s21+$0x0], $0xffff;
	_ =	sdelay $0x3  }
.Ltmp0:
0x7e: {  	vm1 =	vlt.u32 v2, $0xC300;
	(pc) =	sbr.rel @p0 .LBB2_2-.Ltmp0, $4  }
0x7f: {  	v0 =	vnsel vm1, $0x0, v2  }
0x80: {  	v1 =	vnsel vm0, $0x0, v1;
	vm0 =	vmmov vm1  }
0x81: {  	[tilespmem:s22+$0x1AA00] =	vst v1;
	v1 =	vmul.f32 v1, v1  }
0x82: {  	s24 =	sshra.s32 s23, $0x2;
	s23 =	sadd.s32 $0x40, s23  }
0x83: {  	_ =	sdelay $0x1  }
0x84: {  	v2 =	vld [tilespmem:s24+$0x18A00]  }
0x85: {  	[tilespmem:s22+$0x1BA00] =	vst v1  }
0x86: {  	v0 =	vld.idx.msk [tilespmem:v0+s21+$0x0], $0xffff;
	_ =	sdelay $0x2  }
0x87: {  	vm1 =	vlt.u32 v2, $0xC300  }
0x88: {  	v1 =	vnsel vm1, $0x0, v2  }
0x89: {  	v0 =	vnsel vm0, $0x0, v0  }
0x8a: {  	v2 =	vmul.f32 v0, v0  }
0x8b: {  	[tilespmem:s20+$0x1AA00] =	vst v0  }
0x8c: {  	[tilespmem:s20+$0x1BA00] =	vst v2  }
0x8d: {  	v0 =	vld.idx.msk [tilespmem:v1+s21+$0x0], $0xffff;
	_ =	sdelay $0x3  }
0x8e: {  	vm0 =	vmmov vm1  }
0x8f: {  	v0 =	vnsel vm0, $0x0, v0  }
0x90: {  	v1 =	vmul.f32 v0, v0  }
0x91: {  	[tilespmem:s24+$0x1AA00] =	vst v0  }
0x92: {  	[tilespmem:s24+$0x1BA00] =	vst v1  }
0x93: {  	_ =	swait.ge [sflag:s15], $0xC300  }
0x94: {  	[sflag:s15] =	ssyncset.done $0x0  }
0x95: {  	[sflag:s15] =	ssyncadd.s32 $0xFFFF3D00  }
0x96: {  	_ =	swait.ge [sflag:s16], $0x400  }
0x97: {  	[sflag:s16] =	ssyncset.done $0x0  }
0x98: {  	s4 =	simm.s32 $0x0;
	s23 =	rddreg [dreg:$0x3];
	[sflag:s16] =	ssyncadd.s32 $0xFFFFFC00  }
0x99: {  	[tilespmem:s4], [sflag:$0x1] =	stream.strided.gather [hbm4b:s23+s1], $0xC300, s29, s1, $0x38;
	[tilespmem:$0x1CA00] =	vst v63  }
0x9a: {  	s22 =	simm.s32 $0x0;
	s24 =	rddreg [dreg:$0x6]  }
0x9b: {  	[tilespmem:s17], [sflag:$0x4] =	stream.linear.gather [hbm4b:s24+s4], $0x1000, $0x38;
	[tilespmem:$0x1CA00] =	vst v63  }
0x9c: {  	v0 =	vld [tilespmem:s22+$0x18A00];
	_ =	sdelay $0x4  }
0x9d: {  	v0 =	vadd.s32 $0xFFFF3D00, v0  }
0x9e: {  	vm0 =	vlt.u32 v0, $0xC3A0  }
0x9f: {  	v0 =	vnsel vm0, $0x0, v0;
	_ =	sdelay $0x2  }
0xa0: {  	s20 =	simm.s32 $0x10  }
0xa1: {  	s23 =	simm.s32 $0x80;
	v1 =	vld [tilespmem:s20+$0x18A00]  }
.LBB2_4:
0xa2: {  	p0 =	sne.s32 s23, $0x3FC0;
	v0 =	vld.idx.msk [tilespmem:v0+s0+$0x0], $0xffff;
	_ =	sdelay $0x1  }
0xa3: {  	v2 =	vld [tilespmem:s22+$0x1AA00];
	_ =	sdelay $0x1  }
0xa4: {  	v3 =	vld [tilespmem:s22+$0x1BA00]  }
0xa5: {  	v1 =	vadd.s32 $0xFFFF3D00, v1  }
0xa6: {  	v4 =	vnsel vm0, $0x0, v0;
	vm0 =	vlt.u32 v1, $0xC3A0  }
.Ltmp1:
0xa7: {  	v0 =	vnsel vm0, $0x0, v1;
	v1 =	vadd.f32 v4, v2;
	v2 =	vmul.f32 v4, v4;
	(pc) =	sbr.rel @p0 .LBB2_4-.Ltmp1, $4  }
0xa8: {  	_ = 	snop  }
0xa9: {  	[tilespmem:s22+$0x1AA00] =	vst v1;
	v2 =	vadd.f32 v2, v3  }
0xaa: {  	s4 =	sshra.s32 s23, $0x2  }
0xab: {  	s23 =	sadd.s32 $0x40, s23;
	v1 =	vld [tilespmem:s4+$0x18A00];
	[tilespmem:s22+$0x1BA00] =	vst v2;
	s22 =	smov.u32 s20;
	s20 =	smov.u32 s4  }
0xac: {  	_ =	sdelay $0x3  }
0xad: {  	v0 =	vld.idx.msk [tilespmem:v0+s0+$0x0], $0xffff;
	_ =	sdelay $0x1  }
0xae: {  	v2 =	vld [tilespmem:s22+$0x1AA00]  }
0xaf: {  	v3 =	vld [tilespmem:s22+$0x1BA00]  }
0xb0: {  	v1 =	vadd.s32 $0xFFFF3D00, v1  }
0xb1: {  	vm1 =	vlt.u32 v1, $0xC3A0;
	v0 =	vnsel vm0, $0x0, v0  }
0xb2: {  	v1 =	vnsel vm1, $0x0, v1;
	v4 =	vmul.f32 v0, v0  }
0xb3: {  	v0 =	vadd.f32 v0, v2  }
0xb4: {  	v2 =	vadd.f32 v4, v3  }
0xb5: {  	[tilespmem:s22+$0x1AA00] =	vst v0  }
0xb6: {  	[tilespmem:s22+$0x1BA00] =	vst v2  }
0xb7: {  	v0 =	vld.idx.msk [tilespmem:v1+s0+$0x0], $0xffff;
	_ =	sdelay $0x1  }
0xb8: {  	v1 =	vld [tilespmem:s20+$0x1AA00]  }
0xb9: {  	v2 =	vld [tilespmem:s20+$0x1BA00];
	_ =	sdelay $0x1  }
0xba: {  	v0 =	vnsel vm1, $0x0, v0  }
0xbb: {  	v3 =	vmul.f32 v0, v0  }
0xbc: {  	v0 =	vadd.f32 v0, v1  }
0xbd: {  	v1 =	vadd.f32 v3, v2  }
0xbe: {  	[tilespmem:s20+$0x1AA00] =	vst v0  }
0xbf: {  	[tilespmem:s20+$0x1BA00] =	vst v1  }
0xc0: {  	_ =	swait.ge [sflag:s31], $0x1000  }
0xc1: {  	[sflag:s31] =	ssyncset.done $0x0  }
0xc2: {  	[sflag:s31] =	ssyncadd.s32 $0xFFFFF000  }
0xc3: {  	_ =	swait.ge [sflag:s26], $0xC300  }
0xc4: {  	[sflag:s26] =	ssyncset.done $0x0;
	s4 =	rddreg [dreg:$0x3]  }
0xc5: {  	[sflag:s26] =	ssyncadd.s32 $0xFFFF3D00;
	s4 =	sadd.s32 $0xC300, s4  }
0xc6: {  	[tilespmem:s0], [sflag:$0x2] =	stream.strided.gather [hbm4b:s4+s1], $0xC300, s29, s1, $0x38;
	[tilespmem:$0x1CA00] =	vst v63  }
0xc7: {  	s23 =	simm.s32 $0x0;
	s22 =	simm.s32 $0x0;
	s24 =	rddreg [dreg:$0x13]  }
0xc8: {  	[tilespmem:s14], [sflag:$0x3] =	stream.linear.gather [hbm4b:s24+s23], $0x400, $0x38;
	[tilespmem:$0x1CA00] =	vst v63  }
0xc9: {  	v0 =	vld [tilespmem:s22+$0x19A00];
	_ =	sdelay $0x4  }
0xca: {  	vm0 =	vlt.u32 v0, $0xC300  }
0xcb: {  	v0 =	vnsel vm0, $0x0, v0;
	_ =	sdelay $0x4  }
0xcc: {  	s20 =	simm.s32 $0x10;
	s23 =	simm.s32 $0x80;
	v0 =	vld.idx.msk [tilespmem:v0+s21+$0x0], $0xffff  }
.LBB2_6:
0xcd: {  	p0 =	sne.s32 s23, $0x3FC0;
	v1 =	vld [tilespmem:s20+$0x19A00]  }
0xce: {  	v2 =	vld [tilespmem:s22+$0x1AA00];
	_ =	sdelay $0x1  }
0xcf: {  	v3 =	vld [tilespmem:s22+$0x1BA00];
	_ =	sdelay $0x1  }
0xd0: {  	v0 =	vnsel vm0, $0x0, v0;
	vm0 =	vlt.u32 v1, $0xC300  }
0xd1: {  	v1 =	vnsel vm0, $0x0, v1;
	v2 =	vadd.f32 v0, v2;
	v0 =	vmul.f32 v0, v0  }
.Ltmp2:
0xd2: {  	(pc) =	sbr.rel @p0 .LBB2_6-.Ltmp2, $3  }
0xd3: {  	[tilespmem:s22+$0x1AA00] =	vst v2;
	v0 =	vadd.f32 v3, v0;
	_ =	sdelay $0x1  }
0xd4: {  	[tilespmem:s22+$0x1BA00] =	vst v0;
	s22 =	smov.u32 s20  }
0xd5: {  	s20 =	sshra.s32 s23, $0x2;
	s23 =	sadd.s32 $0x40, s23;
	v0 =	vld.idx.msk [tilespmem:v1+s21+$0x0], $0xffff  }
0xd6: {  	v1 =	vld [tilespmem:s20+$0x19A00];
	_ =	sdelay $0x1  }
0xd7: {  	v2 =	vld [tilespmem:s22+$0x1AA00]  }
0xd8: {  	v3 =	vld [tilespmem:s22+$0x1BA00];
	_ =	sdelay $0x1  }
0xd9: {  	v0 =	vnsel vm0, $0x0, v0;
	vm1 =	vlt.u32 v1, $0xC300  }
0xda: {  	v4 =	vmul.f32 v0, v0;
	v1 =	vnsel vm1, $0x0, v1  }
0xdb: {  	v0 =	vadd.f32 v0, v2  }
0xdc: {  	v2 =	vadd.f32 v3, v4  }
0xdd: {  	[tilespmem:s22+$0x1AA00] =	vst v0  }
0xde: {  	[tilespmem:s22+$0x1BA00] =	vst v2  }
0xdf: {  	v0 =	vld.idx.msk [tilespmem:v1+s21+$0x0], $0xffff;
	_ =	sdelay $0x1  }
0xe0: {  	v1 =	vld [tilespmem:s20+$0x1AA00]  }
0xe1: {  	v2 =	vld [tilespmem:s20+$0x1BA00];
	_ =	sdelay $0x1  }
0xe2: {  	v0 =	vnsel vm1, $0x0, v0  }
0xe3: {  	v3 =	vmul.f32 v0, v0  }
0xe4: {  	v0 =	vadd.f32 v0, v1  }
0xe5: {  	v1 =	vadd.f32 v2, v3  }
0xe6: {  	[tilespmem:s20+$0x1AA00] =	vst v0  }
0xe7: {  	[tilespmem:s20+$0x1BA00] =	vst v1  }
0xe8: {  	_ =	swait.ge [sflag:s15], $0xC300  }
0xe9: {  	[sflag:s15] =	ssyncset.done $0x0  }
0xea: {  	[sflag:s15] =	ssyncadd.s32 $0xFFFF3D00  }
0xeb: {  	_ =	swait.ge [sflag:s16], $0x400  }
0xec: {  	[sflag:s16] =	ssyncset.done $0x0  }
0xed: {  	s4 =	simm.s32 $0x0;
	s23 =	rddreg [dreg:$0x4];
	[sflag:s16] =	ssyncadd.s32 $0xFFFFFC00  }
0xee: {  	[tilespmem:s4], [sflag:$0x1] =	stream.strided.gather [hbm4b:s23+s1], $0xC300, s29, s1, $0x38;
	[tilespmem:$0x1CA00] =	vst v63  }
0xef: {  	s22 =	simm.s32 $0x0;
	s24 =	rddreg [dreg:$0x7]  }
0xf0: {  	[tilespmem:s30], [sflag:$0x4] =	stream.linear.gather [hbm4b:s24+s4], $0x1000, $0x38;
	[tilespmem:$0x1CA00] =	vst v63  }
0xf1: {  	v0 =	vld [tilespmem:s22+$0x19A00];
	_ =	sdelay $0x4  }
0xf2: {  	v0 =	vadd.s32 $0xFFFF3D00, v0  }
0xf3: {  	vm0 =	vlt.u32 v0, $0xC3A0  }
0xf4: {  	v0 =	vnsel vm0, $0x0, v0;
	_ =	sdelay $0x2  }
0xf5: {  	s20 =	simm.s32 $0x10  }
0xf6: {  	s23 =	simm.s32 $0x80;
	v1 =	vld [tilespmem:s20+$0x19A00]  }
.LBB2_8:
0xf7: {  	p0 =	sne.s32 s23, $0x3FC0;
	v0 =	vld.idx.msk [tilespmem:v0+s0+$0x0], $0xffff;
	_ =	sdelay $0x1  }
0xf8: {  	v2 =	vld [tilespmem:s22+$0x1AA00];
	_ =	sdelay $0x1  }
0xf9: {  	v3 =	vld [tilespmem:s22+$0x1BA00]  }
0xfa: {  	v1 =	vadd.s32 $0xFFFF3D00, v1  }
0xfb: {  	v4 =	vnsel vm0, $0x0, v0;
	vm0 =	vlt.u32 v1, $0xC3A0  }
.Ltmp3:
0xfc: {  	v0 =	vnsel vm0, $0x0, v1;
	v1 =	vadd.f32 v4, v2;
	v2 =	vmul.f32 v4, v4;
	(pc) =	sbr.rel @p0 .LBB2_8-.Ltmp3, $4  }
0xfd: {  	_ = 	snop  }
0xfe: {  	[tilespmem:s22+$0x1AA00] =	vst v1;
	v2 =	vadd.f32 v2, v3  }
0xff: {  	s4 =	sshra.s32 s23, $0x2  }
0x100: {  	s23 =	sadd.s32 $0x40, s23;
	v1 =	vld [tilespmem:s4+$0x19A00];
	[tilespmem:s22+$0x1BA00] =	vst v2;
	s22 =	smov.u32 s20;
	s20 =	smov.u32 s4  }
0x101: {  	_ =	sdelay $0x3  }
0x102: {  	v0 =	vld.idx.msk [tilespmem:v0+s0+$0x0], $0xffff;
	_ =	sdelay $0x1  }
0x103: {  	v2 =	vld [tilespmem:s22+$0x1AA00]  }
0x104: {  	v3 =	vld [tilespmem:s22+$0x1BA00]  }
0x105: {  	v1 =	vadd.s32 $0xFFFF3D00, v1  }
0x106: {  	vm1 =	vlt.u32 v1, $0xC3A0;
	v0 =	vnsel vm0, $0x0, v0  }
0x107: {  	v1 =	vnsel vm1, $0x0, v1;
	v4 =	vmul.f32 v0, v0  }
0x108: {  	v0 =	vadd.f32 v0, v2  }
0x109: {  	v2 =	vadd.f32 v4, v3  }
0x10a: {  	[tilespmem:s22+$0x1AA00] =	vst v0  }
0x10b: {  	[tilespmem:s22+$0x1BA00] =	vst v2  }
0x10c: {  	v0 =	vld.idx.msk [tilespmem:v1+s0+$0x0], $0xffff;
	_ =	sdelay $0x1  }
0x10d: {  	v1 =	vld [tilespmem:s20+$0x1AA00]  }
0x10e: {  	v2 =	vld [tilespmem:s20+$0x1BA00];
	_ =	sdelay $0x1  }
0x10f: {  	v0 =	vnsel vm1, $0x0, v0  }
0x110: {  	v3 =	vmul.f32 v0, v0  }
0x111: {  	v0 =	vadd.f32 v0, v1  }
0x112: {  	v1 =	vadd.f32 v3, v2  }
0x113: {  	[tilespmem:s20+$0x1AA00] =	vst v0  }
0x114: {  	[tilespmem:s20+$0x1BA00] =	vst v1  }
0x115: {  	_ =	swait.ge [sflag:s31], $0x1000  }
0x116: {  	[sflag:s31] =	ssyncset.done $0x0  }
0x117: {  	[sflag:s31] =	ssyncadd.s32 $0xFFFFF000  }
0x118: {  	_ =	swait.ge [sflag:s26], $0xC300  }
0x119: {  	[sflag:s26] =	ssyncset.done $0x0;
	s4 =	rddreg [dreg:$0x4]  }
0x11a: {  	[sflag:s26] =	ssyncadd.s32 $0xFFFF3D00;
	s4 =	sadd.s32 $0xC300, s4  }
0x11b: {  	[tilespmem:s0], [sflag:$0x2] =	stream.strided.gather [hbm4b:s4+s1], $0xC300, s29, s1, $0x38;
	[tilespmem:$0x1CA00] =	vst v63  }
0x11c: {  	s23 =	simm.s32 $0x0;
	s22 =	simm.s32 $0x0;
	s24 =	rddreg [dreg:$0x14]  }
0x11d: {  	[tilespmem:s14], [sflag:$0x3] =	stream.linear.gather [hbm4b:s24+s23], $0x400, $0x38;
	[tilespmem:$0x1CA00] =	vst v63  }
0x11e: {  	v0 =	vld [tilespmem:s22+$0x18A00];
	_ =	sdelay $0x4  }
0x11f: {  	vm0 =	vlt.u32 v0, $0xC300  }
0x120: {  	v0 =	vnsel vm0, $0x0, v0;
	_ =	sdelay $0x4  }
0x121: {  	s20 =	simm.s32 $0x10;
	s23 =	simm.s32 $0x80;
	v0 =	vld.idx.msk [tilespmem:v0+s21+$0x0], $0xffff  }
.LBB2_10:
0x122: {  	p0 =	sne.s32 s23, $0x3FC0;
	v1 =	vld [tilespmem:s20+$0x18A00]  }
0x123: {  	v2 =	vld [tilespmem:s22+$0x1AA00];
	_ =	sdelay $0x1  }
0x124: {  	v3 =	vld [tilespmem:s22+$0x1BA00];
	_ =	sdelay $0x1  }
0x125: {  	v0 =	vnsel vm0, $0x0, v0;
	vm0 =	vlt.u32 v1, $0xC300  }
0x126: {  	v1 =	vnsel vm0, $0x0, v1;
	v2 =	vadd.f32 v0, v2;
	v0 =	vmul.f32 v0, v0  }
.Ltmp4:
0x127: {  	(pc) =	sbr.rel @p0 .LBB2_10-.Ltmp4, $3  }
0x128: {  	[tilespmem:s22+$0x1AA00] =	vst v2;
	v0 =	vadd.f32 v3, v0;
	_ =	sdelay $0x1  }
0x129: {  	[tilespmem:s22+$0x1BA00] =	vst v0;
	s22 =	smov.u32 s20  }
0x12a: {  	s20 =	sshra.s32 s23, $0x2;
	s23 =	sadd.s32 $0x40, s23;
	v0 =	vld.idx.msk [tilespmem:v1+s21+$0x0], $0xffff  }
0x12b: {  	v1 =	vld [tilespmem:s20+$0x18A00];
	_ =	sdelay $0x1  }
0x12c: {  	v2 =	vld [tilespmem:s22+$0x1AA00]  }
0x12d: {  	v3 =	vld [tilespmem:s22+$0x1BA00];
	_ =	sdelay $0x1  }
0x12e: {  	v0 =	vnsel vm0, $0x0, v0;
	vm1 =	vlt.u32 v1, $0xC300  }
0x12f: {  	v4 =	vmul.f32 v0, v0;
	v1 =	vnsel vm1, $0x0, v1  }
0x130: {  	v0 =	vadd.f32 v0, v2  }
0x131: {  	v2 =	vadd.f32 v3, v4  }
0x132: {  	[tilespmem:s22+$0x1AA00] =	vst v0  }
0x133: {  	[tilespmem:s22+$0x1BA00] =	vst v2  }
0x134: {  	v0 =	vld.idx.msk [tilespmem:v1+s21+$0x0], $0xffff;
	_ =	sdelay $0x1  }
0x135: {  	v1 =	vld [tilespmem:s20+$0x1AA00]  }
0x136: {  	v2 =	vld [tilespmem:s20+$0x1BA00];
	_ =	sdelay $0x1  }
0x137: {  	v0 =	vnsel vm1, $0x0, v0  }
0x138: {  	v3 =	vmul.f32 v0, v0  }
0x139: {  	v0 =	vadd.f32 v0, v1  }
0x13a: {  	v1 =	vadd.f32 v2, v3  }
0x13b: {  	[tilespmem:s20+$0x1AA00] =	vst v0  }
0x13c: {  	[tilespmem:s20+$0x1BA00] =	vst v1  }
0x13d: {  	_ =	swait.ge [sflag:s15], $0xC300  }
0x13e: {  	[sflag:s15] =	ssyncset.done $0x0  }
0x13f: {  	[sflag:s15] =	ssyncadd.s32 $0xFFFF3D00  }
0x140: {  	_ =	swait.ge [sflag:s16], $0x400  }
0x141: {  	[sflag:s16] =	ssyncset.done $0x0  }
0x142: {  	s4 =	simm.s32 $0x0;
	[sflag:s16] =	ssyncadd.s32 $0xFFFFFC00  }
0x143: {  	[tilespmem:s4], [sflag:$0x1] =	stream.strided.gather [hbm4b:s2+s1], $0xC300, s29, s1, $0x38;
	[tilespmem:$0x1CA00] =	vst v63  }
0x144: {  	s22 =	simm.s32 $0x0;
	s24 =	rddreg [dreg:$0x8]  }
0x145: {  	[tilespmem:s17], [sflag:$0x4] =	stream.linear.gather [hbm4b:s24+s4], $0x1000, $0x38;
	[tilespmem:$0x1CA00] =	vst v63  }
0x146: {  	v0 =	vld [tilespmem:s22+$0x18A00];
	_ =	sdelay $0x4  }
0x147: {  	v0 =	vadd.s32 $0xFFFF3D00, v0  }
0x148: {  	vm0 =	vlt.u32 v0, $0xC3A0  }
0x149: {  	v0 =	vnsel vm0, $0x0, v0;
	_ =	sdelay $0x2  }
0x14a: {  	s20 =	simm.s32 $0x10  }
0x14b: {  	s23 =	simm.s32 $0x80;
	v1 =	vld [tilespmem:s20+$0x18A00]  }
.LBB2_12:
0x14c: {  	p0 =	sne.s32 s23, $0x3FC0;
	v0 =	vld.idx.msk [tilespmem:v0+s0+$0x0], $0xffff;
	_ =	sdelay $0x1  }
0x14d: {  	v2 =	vld [tilespmem:s22+$0x1AA00];
	_ =	sdelay $0x1  }
0x14e: {  	v3 =	vld [tilespmem:s22+$0x1BA00]  }
0x14f: {  	v1 =	vadd.s32 $0xFFFF3D00, v1  }
0x150: {  	v4 =	vnsel vm0, $0x0, v0;
	vm0 =	vlt.u32 v1, $0xC3A0  }
.Ltmp5:
0x151: {  	v0 =	vnsel vm0, $0x0, v1;
	v1 =	vadd.f32 v4, v2;
	v2 =	vmul.f32 v4, v4;
	(pc) =	sbr.rel @p0 .LBB2_12-.Ltmp5, $4  }
0x152: {  	_ = 	snop  }
0x153: {  	[tilespmem:s22+$0x1AA00] =	vst v1;
	v2 =	vadd.f32 v2, v3  }
0x154: {  	s4 =	sshra.s32 s23, $0x2  }
0x155: {  	s23 =	sadd.s32 $0x40, s23;
	v1 =	vld [tilespmem:s4+$0x18A00];
	[tilespmem:s22+$0x1BA00] =	vst v2;
	s22 =	smov.u32 s20;
	s20 =	smov.u32 s4  }
0x156: {  	_ =	sdelay $0x3  }
0x157: {  	v0 =	vld.idx.msk [tilespmem:v0+s0+$0x0], $0xffff;
	_ =	sdelay $0x1  }
0x158: {  	v2 =	vld [tilespmem:s22+$0x1AA00]  }
0x159: {  	v3 =	vld [tilespmem:s22+$0x1BA00]  }
0x15a: {  	v1 =	vadd.s32 $0xFFFF3D00, v1  }
0x15b: {  	vm1 =	vlt.u32 v1, $0xC3A0;
	v0 =	vnsel vm0, $0x0, v0  }
0x15c: {  	v1 =	vnsel vm1, $0x0, v1;
	v4 =	vmul.f32 v0, v0  }
0x15d: {  	v0 =	vadd.f32 v0, v2  }
0x15e: {  	v2 =	vadd.f32 v4, v3  }
0x15f: {  	[tilespmem:s22+$0x1AA00] =	vst v0  }
0x160: {  	[tilespmem:s22+$0x1BA00] =	vst v2  }
0x161: {  	v0 =	vld.idx.msk [tilespmem:v1+s0+$0x0], $0xffff;
	_ =	sdelay $0x1  }
0x162: {  	v1 =	vld [tilespmem:s20+$0x1AA00]  }
0x163: {  	v2 =	vld [tilespmem:s20+$0x1BA00];
	_ =	sdelay $0x1  }
0x164: {  	v0 =	vnsel vm1, $0x0, v0  }
0x165: {  	v3 =	vmul.f32 v0, v0  }
0x166: {  	v0 =	vadd.f32 v0, v1  }
0x167: {  	v1 =	vadd.f32 v3, v2  }
0x168: {  	[tilespmem:s20+$0x1AA00] =	vst v0  }
0x169: {  	[tilespmem:s20+$0x1BA00] =	vst v1  }
0x16a: {  	_ =	swait.ge [sflag:s31], $0x1000  }
0x16b: {  	[sflag:s31] =	ssyncset.done $0x0  }
0x16c: {  	[sflag:s31] =	ssyncadd.s32 $0xFFFFF000  }
0x16d: {  	_ =	swait.ge [sflag:s26], $0xC300  }
0x16e: {  	[sflag:s26] =	ssyncset.done $0x0  }
0x16f: {  	s4 =	sadd.s32 $0xC300, s2;
	[sflag:s26] =	ssyncadd.s32 $0xFFFF3D00  }
0x170: {  	[tilespmem:s0], [sflag:$0x2] =	stream.strided.gather [hbm4b:s4+s1], $0xC300, s29, s1, $0x38;
	[tilespmem:$0x1CA00] =	vst v63  }
0x171: {  	s23 =	simm.s32 $0x0;
	s22 =	simm.s32 $0x0;
	s24 =	rddreg [dreg:$0x15]  }
0x172: {  	[tilespmem:s14], [sflag:$0x3] =	stream.linear.gather [hbm4b:s24+s23], $0x400, $0x38;
	[tilespmem:$0x1CA00] =	vst v63  }
0x173: {  	v0 =	vld [tilespmem:s22+$0x19A00];
	_ =	sdelay $0x4  }
0x174: {  	vm0 =	vlt.u32 v0, $0xC300  }
0x175: {  	v0 =	vnsel vm0, $0x0, v0;
	_ =	sdelay $0x4  }
0x176: {  	s20 =	simm.s32 $0x10;
	s23 =	simm.s32 $0x80;
	v0 =	vld.idx.msk [tilespmem:v0+s21+$0x0], $0xffff  }
.LBB2_14:
0x177: {  	p0 =	sne.s32 s23, $0x3FC0;
	v1 =	vld [tilespmem:s20+$0x19A00]  }
0x178: {  	v2 =	vld [tilespmem:s22+$0x1AA00];
	_ =	sdelay $0x1  }
0x179: {  	v3 =	vld [tilespmem:s22+$0x1BA00];
	_ =	sdelay $0x1  }
0x17a: {  	v0 =	vnsel vm0, $0x0, v0;
	vm0 =	vlt.u32 v1, $0xC300  }
0x17b: {  	v1 =	vnsel vm0, $0x0, v1;
	v2 =	vadd.f32 v0, v2;
	v0 =	vmul.f32 v0, v0  }
.Ltmp6:
0x17c: {  	(pc) =	sbr.rel @p0 .LBB2_14-.Ltmp6, $3  }
0x17d: {  	[tilespmem:s22+$0x1AA00] =	vst v2;
	v0 =	vadd.f32 v3, v0;
	_ =	sdelay $0x1  }
0x17e: {  	[tilespmem:s22+$0x1BA00] =	vst v0;
	s22 =	smov.u32 s20  }
0x17f: {  	s20 =	sshra.s32 s23, $0x2;
	s23 =	sadd.s32 $0x40, s23;
	v0 =	vld.idx.msk [tilespmem:v1+s21+$0x0], $0xffff  }
0x180: {  	v1 =	vld [tilespmem:s20+$0x19A00];
	_ =	sdelay $0x1  }
0x181: {  	v2 =	vld [tilespmem:s22+$0x1AA00]  }
0x182: {  	v3 =	vld [tilespmem:s22+$0x1BA00];
	_ =	sdelay $0x1  }
0x183: {  	v0 =	vnsel vm0, $0x0, v0;
	vm1 =	vlt.u32 v1, $0xC300  }
0x184: {  	v4 =	vmul.f32 v0, v0;
	v1 =	vnsel vm1, $0x0, v1  }
0x185: {  	v0 =	vadd.f32 v0, v2  }
0x186: {  	v2 =	vadd.f32 v3, v4  }
0x187: {  	[tilespmem:s22+$0x1AA00] =	vst v0  }
0x188: {  	[tilespmem:s22+$0x1BA00] =	vst v2  }
0x189: {  	v0 =	vld.idx.msk [tilespmem:v1+s21+$0x0], $0xffff;
	_ =	sdelay $0x1  }
0x18a: {  	v1 =	vld [tilespmem:s20+$0x1AA00]  }
0x18b: {  	v2 =	vld [tilespmem:s20+$0x1BA00];
	_ =	sdelay $0x1  }
0x18c: {  	v0 =	vnsel vm1, $0x0, v0  }
0x18d: {  	v3 =	vmul.f32 v0, v0  }
0x18e: {  	v0 =	vadd.f32 v0, v1  }
0x18f: {  	v1 =	vadd.f32 v2, v3  }
0x190: {  	[tilespmem:s20+$0x1AA00] =	vst v0  }
0x191: {  	[tilespmem:s20+$0x1BA00] =	vst v1  }
0x192: {  	_ =	swait.ge [sflag:s15], $0xC300  }
0x193: {  	[sflag:s15] =	ssyncset.done $0x0  }
0x194: {  	[sflag:s15] =	ssyncadd.s32 $0xFFFF3D00  }
0x195: {  	_ =	swait.ge [sflag:s16], $0x400  }
0x196: {  	[sflag:s16] =	ssyncset.done $0x0  }
0x197: {  	s4 =	simm.s32 $0x0;
	[sflag:s16] =	ssyncadd.s32 $0xFFFFFC00  }
0x198: {  	[tilespmem:s4], [sflag:$0x1] =	stream.strided.gather [hbm4b:s5+s1], $0xC300, s29, s1, $0x38;
	[tilespmem:$0x1CA00] =	vst v63  }
0x199: {  	s22 =	simm.s32 $0x0;
	s24 =	rddreg [dreg:$0x9]  }
0x19a: {  	[tilespmem:s30], [sflag:$0x4] =	stream.linear.gather [hbm4b:s24+s4], $0x1000, $0x38;
	[tilespmem:$0x1CA00] =	vst v63  }
0x19b: {  	v0 =	vld [tilespmem:s22+$0x19A00];
	_ =	sdelay $0x4  }
0x19c: {  	v0 =	vadd.s32 $0xFFFF3D00, v0  }
0x19d: {  	vm0 =	vlt.u32 v0, $0xC3A0  }
0x19e: {  	v0 =	vnsel vm0, $0x0, v0;
	_ =	sdelay $0x2  }
0x19f: {  	s20 =	simm.s32 $0x10  }
0x1a0: {  	s23 =	simm.s32 $0x80;
	v1 =	vld [tilespmem:s20+$0x19A00]  }
.LBB2_16:
0x1a1: {  	p0 =	sne.s32 s23, $0x3FC0;
	v0 =	vld.idx.msk [tilespmem:v0+s0+$0x0], $0xffff;
	_ =	sdelay $0x1  }
0x1a2: {  	v2 =	vld [tilespmem:s22+$0x1AA00];
	_ =	sdelay $0x1  }
0x1a3: {  	v3 =	vld [tilespmem:s22+$0x1BA00]  }
0x1a4: {  	v1 =	vadd.s32 $0xFFFF3D00, v1  }
0x1a5: {  	v4 =	vnsel vm0, $0x0, v0;
	vm0 =	vlt.u32 v1, $0xC3A0  }
.Ltmp7:
0x1a6: {  	v0 =	vnsel vm0, $0x0, v1;
	v1 =	vadd.f32 v4, v2;
	v2 =	vmul.f32 v4, v4;
	(pc) =	sbr.rel @p0 .LBB2_16-.Ltmp7, $4  }
0x1a7: {  	_ = 	snop  }
0x1a8: {  	[tilespmem:s22+$0x1AA00] =	vst v1;
	v2 =	vadd.f32 v2, v3  }
0x1a9: {  	s4 =	sshra.s32 s23, $0x2  }
0x1aa: {  	s23 =	sadd.s32 $0x40, s23;
	v1 =	vld [tilespmem:s4+$0x19A00];
	[tilespmem:s22+$0x1BA00] =	vst v2;
	s22 =	smov.u32 s20;
	s20 =	smov.u32 s4  }
0x1ab: {  	_ =	sdelay $0x3  }
0x1ac: {  	v0 =	vld.idx.msk [tilespmem:v0+s0+$0x0], $0xffff;
	_ =	sdelay $0x1  }
0x1ad: {  	v2 =	vld [tilespmem:s22+$0x1AA00]  }
0x1ae: {  	v3 =	vld [tilespmem:s22+$0x1BA00]  }
0x1af: {  	v1 =	vadd.s32 $0xFFFF3D00, v1  }
0x1b0: {  	vm1 =	vlt.u32 v1, $0xC3A0;
	v0 =	vnsel vm0, $0x0, v0  }
0x1b1: {  	v1 =	vnsel vm1, $0x0, v1;
	v4 =	vmul.f32 v0, v0  }
0x1b2: {  	v0 =	vadd.f32 v0, v2  }
0x1b3: {  	v2 =	vadd.f32 v4, v3  }
0x1b4: {  	[tilespmem:s22+$0x1AA00] =	vst v0  }
0x1b5: {  	[tilespmem:s22+$0x1BA00] =	vst v2  }
0x1b6: {  	v0 =	vld.idx.msk [tilespmem:v1+s0+$0x0], $0xffff;
	_ =	sdelay $0x1  }
0x1b7: {  	v1 =	vld [tilespmem:s20+$0x1AA00]  }
0x1b8: {  	v2 =	vld [tilespmem:s20+$0x1BA00];
	_ =	sdelay $0x1  }
0x1b9: {  	v0 =	vnsel vm1, $0x0, v0  }
0x1ba: {  	v3 =	vmul.f32 v0, v0  }
0x1bb: {  	v0 =	vadd.f32 v0, v1  }
0x1bc: {  	v1 =	vadd.f32 v3, v2  }
0x1bd: {  	[tilespmem:s20+$0x1AA00] =	vst v0  }
0x1be: {  	[tilespmem:s20+$0x1BA00] =	vst v1  }
0x1bf: {  	_ =	swait.ge [sflag:s31], $0x1000  }
0x1c0: {  	[sflag:s31] =	ssyncset.done $0x0  }
0x1c1: {  	[sflag:s31] =	ssyncadd.s32 $0xFFFFF000  }
0x1c2: {  	_ =	swait.ge [sflag:s26], $0xC300  }
0x1c3: {  	[sflag:s26] =	ssyncset.done $0x0  }
0x1c4: {  	s4 =	sadd.s32 $0xC300, s5;
	[sflag:s26] =	ssyncadd.s32 $0xFFFF3D00  }
0x1c5: {  	[tilespmem:s0], [sflag:$0x2] =	stream.strided.gather [hbm4b:s4+s1], $0xC300, s29, s1, $0x38;
	[tilespmem:$0x1CA00] =	vst v63  }
0x1c6: {  	s23 =	simm.s32 $0x0;
	s22 =	simm.s32 $0x0;
	s24 =	rddreg [dreg:$0x16]  }
0x1c7: {  	[tilespmem:s14], [sflag:$0x3] =	stream.linear.gather [hbm4b:s24+s23], $0x400, $0x38;
	[tilespmem:$0x1CA00] =	vst v63  }
0x1c8: {  	v0 =	vld [tilespmem:s22+$0x18A00];
	_ =	sdelay $0x4  }
0x1c9: {  	vm0 =	vlt.u32 v0, $0xC300  }
0x1ca: {  	v0 =	vnsel vm0, $0x0, v0;
	_ =	sdelay $0x4  }
0x1cb: {  	s20 =	simm.s32 $0x10;
	s23 =	simm.s32 $0x80;
	v0 =	vld.idx.msk [tilespmem:v0+s21+$0x0], $0xffff  }
.LBB2_18:
0x1cc: {  	p0 =	sne.s32 s23, $0x3FC0;
	v1 =	vld [tilespmem:s20+$0x18A00]  }
0x1cd: {  	v2 =	vld [tilespmem:s22+$0x1AA00];
	_ =	sdelay $0x1  }
0x1ce: {  	v3 =	vld [tilespmem:s22+$0x1BA00];
	_ =	sdelay $0x1  }
0x1cf: {  	v0 =	vnsel vm0, $0x0, v0;
	vm0 =	vlt.u32 v1, $0xC300  }
0x1d0: {  	v1 =	vnsel vm0, $0x0, v1;
	v2 =	vadd.f32 v0, v2;
	v0 =	vmul.f32 v0, v0  }
.Ltmp8:
0x1d1: {  	(pc) =	sbr.rel @p0 .LBB2_18-.Ltmp8, $3  }
0x1d2: {  	[tilespmem:s22+$0x1AA00] =	vst v2;
	v0 =	vadd.f32 v3, v0;
	_ =	sdelay $0x1  }
0x1d3: {  	[tilespmem:s22+$0x1BA00] =	vst v0;
	s22 =	smov.u32 s20  }
0x1d4: {  	s20 =	sshra.s32 s23, $0x2;
	s23 =	sadd.s32 $0x40, s23;
	v0 =	vld.idx.msk [tilespmem:v1+s21+$0x0], $0xffff  }
0x1d5: {  	v1 =	vld [tilespmem:s20+$0x18A00];
	_ =	sdelay $0x1  }
0x1d6: {  	v2 =	vld [tilespmem:s22+$0x1AA00]  }
0x1d7: {  	v3 =	vld [tilespmem:s22+$0x1BA00];
	_ =	sdelay $0x1  }
0x1d8: {  	v0 =	vnsel vm0, $0x0, v0;
	vm1 =	vlt.u32 v1, $0xC300  }
0x1d9: {  	v4 =	vmul.f32 v0, v0;
	v1 =	vnsel vm1, $0x0, v1  }
0x1da: {  	v0 =	vadd.f32 v0, v2  }
0x1db: {  	v2 =	vadd.f32 v3, v4  }
0x1dc: {  	[tilespmem:s22+$0x1AA00] =	vst v0  }
0x1dd: {  	[tilespmem:s22+$0x1BA00] =	vst v2  }
0x1de: {  	v0 =	vld.idx.msk [tilespmem:v1+s21+$0x0], $0xffff;
	_ =	sdelay $0x1  }
0x1df: {  	v1 =	vld [tilespmem:s20+$0x1AA00]  }
0x1e0: {  	v2 =	vld [tilespmem:s20+$0x1BA00];
	_ =	sdelay $0x1  }
0x1e1: {  	v0 =	vnsel vm1, $0x0, v0  }
0x1e2: {  	v3 =	vmul.f32 v0, v0  }
0x1e3: {  	v0 =	vadd.f32 v0, v1  }
0x1e4: {  	v1 =	vadd.f32 v2, v3  }
0x1e5: {  	[tilespmem:s20+$0x1AA00] =	vst v0  }
0x1e6: {  	[tilespmem:s20+$0x1BA00] =	vst v1  }
0x1e7: {  	_ =	swait.ge [sflag:s15], $0xC300  }
0x1e8: {  	[sflag:s15] =	ssyncset.done $0x0  }
0x1e9: {  	[sflag:s15] =	ssyncadd.s32 $0xFFFF3D00  }
0x1ea: {  	_ =	swait.ge [sflag:s16], $0x400  }
0x1eb: {  	[sflag:s16] =	ssyncset.done $0x0  }
0x1ec: {  	s4 =	simm.s32 $0x0;
	[sflag:s16] =	ssyncadd.s32 $0xFFFFFC00  }
0x1ed: {  	[tilespmem:s4], [sflag:$0x1] =	stream.strided.gather [hbm4b:s6+s1], $0xC300, s29, s1, $0x38;
	[tilespmem:$0x1CA00] =	vst v63  }
0x1ee: {  	s22 =	simm.s32 $0x0;
	s24 =	rddreg [dreg:$0xa]  }
0x1ef: {  	[tilespmem:s17], [sflag:$0x4] =	stream.linear.gather [hbm4b:s24+s4], $0x1000, $0x38;
	[tilespmem:$0x1CA00] =	vst v63  }
0x1f0: {  	v0 =	vld [tilespmem:s22+$0x18A00];
	_ =	sdelay $0x4  }
0x1f1: {  	v0 =	vadd.s32 $0xFFFF3D00, v0  }
0x1f2: {  	vm0 =	vlt.u32 v0, $0xC3A0  }
0x1f3: {  	v0 =	vnsel vm0, $0x0, v0;
	_ =	sdelay $0x2  }
0x1f4: {  	s20 =	simm.s32 $0x10  }
0x1f5: {  	s23 =	simm.s32 $0x80;
	v1 =	vld [tilespmem:s20+$0x18A00]  }
.LBB2_20:
0x1f6: {  	p0 =	sne.s32 s23, $0x3FC0;
	v0 =	vld.idx.msk [tilespmem:v0+s0+$0x0], $0xffff;
	_ =	sdelay $0x1  }
0x1f7: {  	v2 =	vld [tilespmem:s22+$0x1AA00];
	_ =	sdelay $0x1  }
0x1f8: {  	v3 =	vld [tilespmem:s22+$0x1BA00]  }
0x1f9: {  	v1 =	vadd.s32 $0xFFFF3D00, v1  }
0x1fa: {  	v4 =	vnsel vm0, $0x0, v0;
	vm0 =	vlt.u32 v1, $0xC3A0  }
.Ltmp9:
0x1fb: {  	v0 =	vnsel vm0, $0x0, v1;
	v1 =	vadd.f32 v4, v2;
	v2 =	vmul.f32 v4, v4;
	(pc) =	sbr.rel @p0 .LBB2_20-.Ltmp9, $4  }
0x1fc: {  	_ = 	snop  }
0x1fd: {  	[tilespmem:s22+$0x1AA00] =	vst v1;
	v2 =	vadd.f32 v2, v3  }
0x1fe: {  	s4 =	sshra.s32 s23, $0x2  }
0x1ff: {  	s23 =	sadd.s32 $0x40, s23;
	v1 =	vld [tilespmem:s4+$0x18A00];
	[tilespmem:s22+$0x1BA00] =	vst v2;
	s22 =	smov.u32 s20;
	s20 =	smov.u32 s4  }
0x200: {  	_ =	sdelay $0x3  }
0x201: {  	v0 =	vld.idx.msk [tilespmem:v0+s0+$0x0], $0xffff;
	_ =	sdelay $0x1  }
0x202: {  	v2 =	vld [tilespmem:s22+$0x1AA00]  }
0x203: {  	v3 =	vld [tilespmem:s22+$0x1BA00]  }
0x204: {  	v1 =	vadd.s32 $0xFFFF3D00, v1  }
0x205: {  	vm1 =	vlt.u32 v1, $0xC3A0;
	v0 =	vnsel vm0, $0x0, v0  }
0x206: {  	v1 =	vnsel vm1, $0x0, v1;
	v4 =	vmul.f32 v0, v0  }
0x207: {  	v0 =	vadd.f32 v0, v2  }
0x208: {  	v2 =	vadd.f32 v4, v3  }
0x209: {  	[tilespmem:s22+$0x1AA00] =	vst v0  }
0x20a: {  	[tilespmem:s22+$0x1BA00] =	vst v2  }
0x20b: {  	v0 =	vld.idx.msk [tilespmem:v1+s0+$0x0], $0xffff;
	_ =	sdelay $0x1  }
0x20c: {  	v1 =	vld [tilespmem:s20+$0x1AA00]  }
0x20d: {  	v2 =	vld [tilespmem:s20+$0x1BA00];
	_ =	sdelay $0x1  }
0x20e: {  	v0 =	vnsel vm1, $0x0, v0  }
0x20f: {  	v3 =	vmul.f32 v0, v0  }
0x210: {  	v0 =	vadd.f32 v0, v1  }
0x211: {  	v1 =	vadd.f32 v3, v2  }
0x212: {  	[tilespmem:s20+$0x1AA00] =	vst v0  }
0x213: {  	[tilespmem:s20+$0x1BA00] =	vst v1  }
0x214: {  	_ =	swait.ge [sflag:s31], $0x1000  }
0x215: {  	[sflag:s31] =	ssyncset.done $0x0  }
0x216: {  	[sflag:s31] =	ssyncadd.s32 $0xFFFFF000  }
0x217: {  	_ =	swait.ge [sflag:s26], $0xC300  }
0x218: {  	[sflag:s26] =	ssyncset.done $0x0  }
0x219: {  	s4 =	sadd.s32 $0xC300, s6;
	[sflag:s26] =	ssyncadd.s32 $0xFFFF3D00  }
0x21a: {  	[tilespmem:s0], [sflag:$0x2] =	stream.strided.gather [hbm4b:s4+s1], $0xC300, s29, s1, $0x38;
	[tilespmem:$0x1CA00] =	vst v63  }
0x21b: {  	s23 =	simm.s32 $0x0;
	s22 =	simm.s32 $0x0;
	s24 =	rddreg [dreg:$0x17]  }
0x21c: {  	[tilespmem:s14], [sflag:$0x3] =	stream.linear.gather [hbm4b:s24+s23], $0x400, $0x38;
	[tilespmem:$0x1CA00] =	vst v63  }
0x21d: {  	v0 =	vld [tilespmem:s22+$0x19A00];
	_ =	sdelay $0x4  }
0x21e: {  	vm0 =	vlt.u32 v0, $0xC300  }
0x21f: {  	v0 =	vnsel vm0, $0x0, v0;
	_ =	sdelay $0x4  }
0x220: {  	s20 =	simm.s32 $0x10;
	s23 =	simm.s32 $0x80;
	v0 =	vld.idx.msk [tilespmem:v0+s21+$0x0], $0xffff  }
.LBB2_22:
0x221: {  	p0 =	sne.s32 s23, $0x3FC0;
	v1 =	vld [tilespmem:s20+$0x19A00]  }
0x222: {  	v2 =	vld [tilespmem:s22+$0x1AA00];
	_ =	sdelay $0x1  }
0x223: {  	v3 =	vld [tilespmem:s22+$0x1BA00];
	_ =	sdelay $0x1  }
0x224: {  	v0 =	vnsel vm0, $0x0, v0;
	vm0 =	vlt.u32 v1, $0xC300  }
0x225: {  	v1 =	vnsel vm0, $0x0, v1;
	v2 =	vadd.f32 v0, v2;
	v0 =	vmul.f32 v0, v0  }
.Ltmp10:
0x226: {  	(pc) =	sbr.rel @p0 .LBB2_22-.Ltmp10, $3  }
0x227: {  	[tilespmem:s22+$0x1AA00] =	vst v2;
	v0 =	vadd.f32 v3, v0;
	_ =	sdelay $0x1  }
0x228: {  	[tilespmem:s22+$0x1BA00] =	vst v0;
	s22 =	smov.u32 s20  }
0x229: {  	s20 =	sshra.s32 s23, $0x2;
	s23 =	sadd.s32 $0x40, s23;
	v0 =	vld.idx.msk [tilespmem:v1+s21+$0x0], $0xffff  }
0x22a: {  	v1 =	vld [tilespmem:s20+$0x19A00];
	_ =	sdelay $0x1  }
0x22b: {  	v2 =	vld [tilespmem:s22+$0x1AA00]  }
0x22c: {  	v3 =	vld [tilespmem:s22+$0x1BA00];
	_ =	sdelay $0x1  }
0x22d: {  	v0 =	vnsel vm0, $0x0, v0;
	vm1 =	vlt.u32 v1, $0xC300  }
0x22e: {  	v4 =	vmul.f32 v0, v0;
	v1 =	vnsel vm1, $0x0, v1  }
0x22f: {  	v0 =	vadd.f32 v0, v2  }
0x230: {  	v2 =	vadd.f32 v3, v4  }
0x231: {  	[tilespmem:s22+$0x1AA00] =	vst v0  }
0x232: {  	[tilespmem:s22+$0x1BA00] =	vst v2  }
0x233: {  	v0 =	vld.idx.msk [tilespmem:v1+s21+$0x0], $0xffff;
	_ =	sdelay $0x1  }
0x234: {  	v1 =	vld [tilespmem:s20+$0x1AA00]  }
0x235: {  	v2 =	vld [tilespmem:s20+$0x1BA00];
	_ =	sdelay $0x1  }
0x236: {  	v0 =	vnsel vm1, $0x0, v0  }
0x237: {  	v3 =	vmul.f32 v0, v0  }
0x238: {  	v0 =	vadd.f32 v0, v1  }
0x239: {  	v1 =	vadd.f32 v2, v3  }
0x23a: {  	[tilespmem:s20+$0x1AA00] =	vst v0  }
0x23b: {  	[tilespmem:s20+$0x1BA00] =	vst v1  }
0x23c: {  	_ =	swait.ge [sflag:s15], $0xC300  }
0x23d: {  	[sflag:s15] =	ssyncset.done $0x0  }
0x23e: {  	[sflag:s15] =	ssyncadd.s32 $0xFFFF3D00  }
0x23f: {  	_ =	swait.ge [sflag:s16], $0x400  }
0x240: {  	[sflag:s16] =	ssyncset.done $0x0  }
0x241: {  	s4 =	simm.s32 $0x0;
	[sflag:s16] =	ssyncadd.s32 $0xFFFFFC00  }
0x242: {  	[tilespmem:s4], [sflag:$0x1] =	stream.strided.gather [hbm4b:s7+s1], $0xC300, s29, s1, $0x38;
	[tilespmem:$0x1CA00] =	vst v63  }
0x243: {  	s22 =	simm.s32 $0x0;
	s24 =	rddreg [dreg:$0xb]  }
0x244: {  	[tilespmem:s30], [sflag:$0x4] =	stream.linear.gather [hbm4b:s24+s4], $0x1000, $0x38;
	[tilespmem:$0x1CA00] =	vst v63  }
0x245: {  	v0 =	vld [tilespmem:s22+$0x19A00];
	_ =	sdelay $0x4  }
0x246: {  	v0 =	vadd.s32 $0xFFFF3D00, v0  }
0x247: {  	vm0 =	vlt.u32 v0, $0xC3A0  }
0x248: {  	v0 =	vnsel vm0, $0x0, v0;
	_ =	sdelay $0x2  }
0x249: {  	s20 =	simm.s32 $0x10  }
0x24a: {  	s23 =	simm.s32 $0x80;
	v1 =	vld [tilespmem:s20+$0x19A00]  }
.LBB2_24:
0x24b: {  	p0 =	sne.s32 s23, $0x3FC0;
	v0 =	vld.idx.msk [tilespmem:v0+s0+$0x0], $0xffff;
	_ =	sdelay $0x1  }
0x24c: {  	v2 =	vld [tilespmem:s22+$0x1AA00];
	_ =	sdelay $0x1  }
0x24d: {  	v3 =	vld [tilespmem:s22+$0x1BA00]  }
0x24e: {  	v1 =	vadd.s32 $0xFFFF3D00, v1  }
0x24f: {  	v4 =	vnsel vm0, $0x0, v0;
	vm0 =	vlt.u32 v1, $0xC3A0  }
.Ltmp11:
0x250: {  	v0 =	vnsel vm0, $0x0, v1;
	v1 =	vadd.f32 v4, v2;
	v2 =	vmul.f32 v4, v4;
	(pc) =	sbr.rel @p0 .LBB2_24-.Ltmp11, $4  }
0x251: {  	_ = 	snop  }
0x252: {  	[tilespmem:s22+$0x1AA00] =	vst v1;
	v2 =	vadd.f32 v2, v3  }
0x253: {  	s4 =	sshra.s32 s23, $0x2  }
0x254: {  	s23 =	sadd.s32 $0x40, s23;
	v1 =	vld [tilespmem:s4+$0x19A00];
	[tilespmem:s22+$0x1BA00] =	vst v2;
	s22 =	smov.u32 s20;
	s20 =	smov.u32 s4  }
0x255: {  	_ =	sdelay $0x3  }
0x256: {  	v0 =	vld.idx.msk [tilespmem:v0+s0+$0x0], $0xffff;
	_ =	sdelay $0x1  }
0x257: {  	v2 =	vld [tilespmem:s22+$0x1AA00]  }
0x258: {  	v3 =	vld [tilespmem:s22+$0x1BA00]  }
0x259: {  	v1 =	vadd.s32 $0xFFFF3D00, v1  }
0x25a: {  	vm1 =	vlt.u32 v1, $0xC3A0;
	v0 =	vnsel vm0, $0x0, v0  }
0x25b: {  	v1 =	vnsel vm1, $0x0, v1;
	v4 =	vmul.f32 v0, v0  }
0x25c: {  	v0 =	vadd.f32 v0, v2  }
0x25d: {  	v2 =	vadd.f32 v4, v3  }
0x25e: {  	[tilespmem:s22+$0x1AA00] =	vst v0  }
0x25f: {  	[tilespmem:s22+$0x1BA00] =	vst v2  }
0x260: {  	v0 =	vld.idx.msk [tilespmem:v1+s0+$0x0], $0xffff;
	_ =	sdelay $0x1  }
0x261: {  	v1 =	vld [tilespmem:s20+$0x1AA00]  }
0x262: {  	v2 =	vld [tilespmem:s20+$0x1BA00];
	_ =	sdelay $0x1  }
0x263: {  	v0 =	vnsel vm1, $0x0, v0  }
0x264: {  	v3 =	vmul.f32 v0, v0  }
0x265: {  	v0 =	vadd.f32 v0, v1  }
0x266: {  	v1 =	vadd.f32 v3, v2  }
0x267: {  	[tilespmem:s20+$0x1AA00] =	vst v0  }
0x268: {  	[tilespmem:s20+$0x1BA00] =	vst v1  }
0x269: {  	_ =	swait.ge [sflag:s31], $0x1000  }
0x26a: {  	[sflag:s31] =	ssyncset.done $0x0  }
0x26b: {  	[sflag:s31] =	ssyncadd.s32 $0xFFFFF000  }
0x26c: {  	_ =	swait.ge [sflag:s26], $0xC300  }
0x26d: {  	[sflag:s26] =	ssyncset.done $0x0  }
0x26e: {  	s4 =	sadd.s32 $0xC300, s7;
	[sflag:s26] =	ssyncadd.s32 $0xFFFF3D00  }
0x26f: {  	[tilespmem:s0], [sflag:$0x2] =	stream.strided.gather [hbm4b:s4+s1], $0xC300, s29, s1, $0x38;
	[tilespmem:$0x1CA00] =	vst v63  }
0x270: {  	s23 =	simm.s32 $0x0;
	s22 =	simm.s32 $0x0;
	s24 =	rddreg [dreg:$0x18]  }
0x271: {  	[tilespmem:s14], [sflag:$0x3] =	stream.linear.gather [hbm4b:s24+s23], $0x400, $0x38;
	[tilespmem:$0x1CA00] =	vst v63  }
0x272: {  	v0 =	vld [tilespmem:s22+$0x18A00];
	_ =	sdelay $0x4  }
0x273: {  	vm0 =	vlt.u32 v0, $0xC300  }
0x274: {  	v0 =	vnsel vm0, $0x0, v0;
	_ =	sdelay $0x4  }
0x275: {  	s20 =	simm.s32 $0x10;
	s23 =	simm.s32 $0x80;
	v0 =	vld.idx.msk [tilespmem:v0+s21+$0x0], $0xffff  }
.LBB2_26:
0x276: {  	p0 =	sne.s32 s23, $0x3FC0;
	v1 =	vld [tilespmem:s20+$0x18A00]  }
0x277: {  	v2 =	vld [tilespmem:s22+$0x1AA00];
	_ =	sdelay $0x1  }
0x278: {  	v3 =	vld [tilespmem:s22+$0x1BA00];
	_ =	sdelay $0x1  }
0x279: {  	v0 =	vnsel vm0, $0x0, v0;
	vm0 =	vlt.u32 v1, $0xC300  }
0x27a: {  	v1 =	vnsel vm0, $0x0, v1;
	v2 =	vadd.f32 v0, v2;
	v0 =	vmul.f32 v0, v0  }
.Ltmp12:
0x27b: {  	(pc) =	sbr.rel @p0 .LBB2_26-.Ltmp12, $3  }
0x27c: {  	[tilespmem:s22+$0x1AA00] =	vst v2;
	v0 =	vadd.f32 v3, v0;
	_ =	sdelay $0x1  }
0x27d: {  	[tilespmem:s22+$0x1BA00] =	vst v0;
	s22 =	smov.u32 s20  }
0x27e: {  	s20 =	sshra.s32 s23, $0x2;
	s23 =	sadd.s32 $0x40, s23;
	v0 =	vld.idx.msk [tilespmem:v1+s21+$0x0], $0xffff  }
0x27f: {  	v1 =	vld [tilespmem:s20+$0x18A00];
	_ =	sdelay $0x1  }
0x280: {  	v2 =	vld [tilespmem:s22+$0x1AA00]  }
0x281: {  	v3 =	vld [tilespmem:s22+$0x1BA00];
	_ =	sdelay $0x1  }
0x282: {  	v0 =	vnsel vm0, $0x0, v0;
	vm1 =	vlt.u32 v1, $0xC300  }
0x283: {  	v4 =	vmul.f32 v0, v0;
	v1 =	vnsel vm1, $0x0, v1  }
0x284: {  	v0 =	vadd.f32 v0, v2  }
0x285: {  	v2 =	vadd.f32 v3, v4  }
0x286: {  	[tilespmem:s22+$0x1AA00] =	vst v0  }
0x287: {  	[tilespmem:s22+$0x1BA00] =	vst v2  }
0x288: {  	v0 =	vld.idx.msk [tilespmem:v1+s21+$0x0], $0xffff;
	_ =	sdelay $0x1  }
0x289: {  	v1 =	vld [tilespmem:s20+$0x1AA00]  }
0x28a: {  	v2 =	vld [tilespmem:s20+$0x1BA00];
	_ =	sdelay $0x1  }
0x28b: {  	v0 =	vnsel vm1, $0x0, v0  }
0x28c: {  	v3 =	vmul.f32 v0, v0  }
0x28d: {  	v0 =	vadd.f32 v0, v1  }
0x28e: {  	v1 =	vadd.f32 v2, v3  }
0x28f: {  	[tilespmem:s20+$0x1AA00] =	vst v0  }
0x290: {  	[tilespmem:s20+$0x1BA00] =	vst v1  }
0x291: {  	_ =	swait.ge [sflag:s15], $0xC300  }
0x292: {  	[sflag:s15] =	ssyncset.done $0x0  }
0x293: {  	[sflag:s15] =	ssyncadd.s32 $0xFFFF3D00  }
0x294: {  	_ =	swait.ge [sflag:s16], $0x400  }
0x295: {  	[sflag:s16] =	ssyncset.done $0x0  }
0x296: {  	s4 =	simm.s32 $0x0;
	[sflag:s16] =	ssyncadd.s32 $0xFFFFFC00  }
0x297: {  	[tilespmem:s4], [sflag:$0x1] =	stream.strided.gather [hbm4b:s8+s1], $0xC300, s29, s1, $0x38;
	[tilespmem:$0x1CA00] =	vst v63  }
0x298: {  	s22 =	simm.s32 $0x0;
	s24 =	rddreg [dreg:$0xc]  }
0x299: {  	[tilespmem:s17], [sflag:$0x4] =	stream.linear.gather [hbm4b:s24+s4], $0x1000, $0x38;
	[tilespmem:$0x1CA00] =	vst v63  }
0x29a: {  	v0 =	vld [tilespmem:s22+$0x18A00];
	_ =	sdelay $0x4  }
0x29b: {  	v0 =	vadd.s32 $0xFFFF3D00, v0  }
0x29c: {  	vm0 =	vlt.u32 v0, $0xC3A0  }
0x29d: {  	v0 =	vnsel vm0, $0x0, v0;
	_ =	sdelay $0x2  }
0x29e: {  	s20 =	simm.s32 $0x10  }
0x29f: {  	s23 =	simm.s32 $0x80;
	v1 =	vld [tilespmem:s20+$0x18A00]  }
.LBB2_28:
0x2a0: {  	p0 =	sne.s32 s23, $0x3FC0;
	v0 =	vld.idx.msk [tilespmem:v0+s0+$0x0], $0xffff;
	_ =	sdelay $0x1  }
0x2a1: {  	v2 =	vld [tilespmem:s22+$0x1AA00];
	_ =	sdelay $0x1  }
0x2a2: {  	v3 =	vld [tilespmem:s22+$0x1BA00]  }
0x2a3: {  	v1 =	vadd.s32 $0xFFFF3D00, v1  }
0x2a4: {  	v4 =	vnsel vm0, $0x0, v0;
	vm0 =	vlt.u32 v1, $0xC3A0  }
.Ltmp13:
0x2a5: {  	v0 =	vnsel vm0, $0x0, v1;
	v1 =	vadd.f32 v4, v2;
	v2 =	vmul.f32 v4, v4;
	(pc) =	sbr.rel @p0 .LBB2_28-.Ltmp13, $4  }
0x2a6: {  	_ = 	snop  }
0x2a7: {  	[tilespmem:s22+$0x1AA00] =	vst v1;
	v2 =	vadd.f32 v2, v3  }
0x2a8: {  	s4 =	sshra.s32 s23, $0x2  }
0x2a9: {  	s23 =	sadd.s32 $0x40, s23;
	v1 =	vld [tilespmem:s4+$0x18A00];
	[tilespmem:s22+$0x1BA00] =	vst v2;
	s22 =	smov.u32 s20;
	s20 =	smov.u32 s4  }
0x2aa: {  	_ =	sdelay $0x3  }
0x2ab: {  	v0 =	vld.idx.msk [tilespmem:v0+s0+$0x0], $0xffff;
	_ =	sdelay $0x1  }
0x2ac: {  	v2 =	vld [tilespmem:s22+$0x1AA00]  }
0x2ad: {  	v3 =	vld [tilespmem:s22+$0x1BA00]  }
0x2ae: {  	v1 =	vadd.s32 $0xFFFF3D00, v1  }
0x2af: {  	vm1 =	vlt.u32 v1, $0xC3A0;
	v0 =	vnsel vm0, $0x0, v0  }
0x2b0: {  	v1 =	vnsel vm1, $0x0, v1;
	v4 =	vmul.f32 v0, v0  }
0x2b1: {  	v0 =	vadd.f32 v0, v2  }
0x2b2: {  	v2 =	vadd.f32 v4, v3  }
0x2b3: {  	[tilespmem:s22+$0x1AA00] =	vst v0  }
0x2b4: {  	[tilespmem:s22+$0x1BA00] =	vst v2  }
0x2b5: {  	v0 =	vld.idx.msk [tilespmem:v1+s0+$0x0], $0xffff;
	_ =	sdelay $0x1  }
0x2b6: {  	v1 =	vld [tilespmem:s20+$0x1AA00]  }
0x2b7: {  	v2 =	vld [tilespmem:s20+$0x1BA00];
	_ =	sdelay $0x1  }
0x2b8: {  	v0 =	vnsel vm1, $0x0, v0  }
0x2b9: {  	v3 =	vmul.f32 v0, v0  }
0x2ba: {  	v0 =	vadd.f32 v0, v1  }
0x2bb: {  	v1 =	vadd.f32 v3, v2  }
0x2bc: {  	[tilespmem:s20+$0x1AA00] =	vst v0  }
0x2bd: {  	[tilespmem:s20+$0x1BA00] =	vst v1  }
0x2be: {  	_ =	swait.ge [sflag:s31], $0x1000  }
0x2bf: {  	[sflag:s31] =	ssyncset.done $0x0  }
0x2c0: {  	[sflag:s31] =	ssyncadd.s32 $0xFFFFF000  }
0x2c1: {  	_ =	swait.ge [sflag:s26], $0xC300  }
0x2c2: {  	[sflag:s26] =	ssyncset.done $0x0  }
0x2c3: {  	s4 =	sadd.s32 $0xC300, s8;
	[sflag:s26] =	ssyncadd.s32 $0xFFFF3D00  }
0x2c4: {  	[tilespmem:s0], [sflag:$0x2] =	stream.strided.gather [hbm4b:s4+s1], $0xC300, s29, s1, $0x38;
	[tilespmem:$0x1CA00] =	vst v63  }
0x2c5: {  	s23 =	simm.s32 $0x0;
	s22 =	simm.s32 $0x0;
	s24 =	rddreg [dreg:$0x19]  }
0x2c6: {  	[tilespmem:s14], [sflag:$0x3] =	stream.linear.gather [hbm4b:s24+s23], $0x400, $0x38;
	[tilespmem:$0x1CA00] =	vst v63  }
0x2c7: {  	v0 =	vld [tilespmem:s22+$0x19A00];
	_ =	sdelay $0x4  }
0x2c8: {  	vm0 =	vlt.u32 v0, $0xC300  }
0x2c9: {  	v0 =	vnsel vm0, $0x0, v0;
	_ =	sdelay $0x4  }
0x2ca: {  	s20 =	simm.s32 $0x10;
	s23 =	simm.s32 $0x80;
	v0 =	vld.idx.msk [tilespmem:v0+s21+$0x0], $0xffff  }
.LBB2_30:
0x2cb: {  	p0 =	sne.s32 s23, $0x3FC0;
	v1 =	vld [tilespmem:s20+$0x19A00]  }
0x2cc: {  	v2 =	vld [tilespmem:s22+$0x1AA00];
	_ =	sdelay $0x1  }
0x2cd: {  	v3 =	vld [tilespmem:s22+$0x1BA00];
	_ =	sdelay $0x1  }
0x2ce: {  	v0 =	vnsel vm0, $0x0, v0;
	vm0 =	vlt.u32 v1, $0xC300  }
0x2cf: {  	v1 =	vnsel vm0, $0x0, v1;
	v2 =	vadd.f32 v0, v2;
	v0 =	vmul.f32 v0, v0  }
.Ltmp14:
0x2d0: {  	(pc) =	sbr.rel @p0 .LBB2_30-.Ltmp14, $3  }
0x2d1: {  	[tilespmem:s22+$0x1AA00] =	vst v2;
	v0 =	vadd.f32 v3, v0;
	_ =	sdelay $0x1  }
0x2d2: {  	[tilespmem:s22+$0x1BA00] =	vst v0;
	s22 =	smov.u32 s20  }
0x2d3: {  	s20 =	sshra.s32 s23, $0x2;
	s23 =	sadd.s32 $0x40, s23;
	v0 =	vld.idx.msk [tilespmem:v1+s21+$0x0], $0xffff  }
0x2d4: {  	v1 =	vld [tilespmem:s20+$0x19A00];
	_ =	sdelay $0x1  }
0x2d5: {  	v2 =	vld [tilespmem:s22+$0x1AA00]  }
0x2d6: {  	v3 =	vld [tilespmem:s22+$0x1BA00];
	_ =	sdelay $0x1  }
0x2d7: {  	v0 =	vnsel vm0, $0x0, v0;
	vm1 =	vlt.u32 v1, $0xC300  }
0x2d8: {  	v4 =	vmul.f32 v0, v0;
	v1 =	vnsel vm1, $0x0, v1  }
0x2d9: {  	v0 =	vadd.f32 v0, v2  }
0x2da: {  	v2 =	vadd.f32 v3, v4  }
0x2db: {  	[tilespmem:s22+$0x1AA00] =	vst v0  }
0x2dc: {  	[tilespmem:s22+$0x1BA00] =	vst v2  }
0x2dd: {  	v0 =	vld.idx.msk [tilespmem:v1+s21+$0x0], $0xffff;
	_ =	sdelay $0x1  }
0x2de: {  	v1 =	vld [tilespmem:s20+$0x1AA00]  }
0x2df: {  	v2 =	vld [tilespmem:s20+$0x1BA00];
	_ =	sdelay $0x1  }
0x2e0: {  	v0 =	vnsel vm1, $0x0, v0  }
0x2e1: {  	v3 =	vmul.f32 v0, v0  }
0x2e2: {  	v0 =	vadd.f32 v0, v1  }
0x2e3: {  	v1 =	vadd.f32 v2, v3  }
0x2e4: {  	[tilespmem:s20+$0x1AA00] =	vst v0  }
0x2e5: {  	[tilespmem:s20+$0x1BA00] =	vst v1  }
0x2e6: {  	_ =	swait.ge [sflag:s15], $0xC300  }
0x2e7: {  	[sflag:s15] =	ssyncset.done $0x0  }
0x2e8: {  	[sflag:s15] =	ssyncadd.s32 $0xFFFF3D00  }
0x2e9: {  	_ =	swait.ge [sflag:s16], $0x400  }
0x2ea: {  	[sflag:s16] =	ssyncset.done $0x0  }
0x2eb: {  	s4 =	simm.s32 $0x0;
	[sflag:s16] =	ssyncadd.s32 $0xFFFFFC00  }
0x2ec: {  	[tilespmem:s4], [sflag:$0x1] =	stream.strided.gather [hbm4b:s9+s1], $0xC300, s29, s1, $0x38;
	[tilespmem:$0x1CA00] =	vst v63  }
0x2ed: {  	s22 =	simm.s32 $0x0;
	s24 =	rddreg [dreg:$0xd]  }
0x2ee: {  	[tilespmem:s30], [sflag:$0x4] =	stream.linear.gather [hbm4b:s24+s4], $0x1000, $0x38;
	[tilespmem:$0x1CA00] =	vst v63  }
0x2ef: {  	v0 =	vld [tilespmem:s22+$0x19A00];
	_ =	sdelay $0x4  }
0x2f0: {  	v0 =	vadd.s32 $0xFFFF3D00, v0  }
0x2f1: {  	vm0 =	vlt.u32 v0, $0xC3A0  }
0x2f2: {  	v0 =	vnsel vm0, $0x0, v0;
	_ =	sdelay $0x2  }
0x2f3: {  	s20 =	simm.s32 $0x10  }
0x2f4: {  	s23 =	simm.s32 $0x80;
	v1 =	vld [tilespmem:s20+$0x19A00]  }
.LBB2_32:
0x2f5: {  	p0 =	sne.s32 s23, $0x3FC0;
	v0 =	vld.idx.msk [tilespmem:v0+s0+$0x0], $0xffff;
	_ =	sdelay $0x1  }
0x2f6: {  	v2 =	vld [tilespmem:s22+$0x1AA00];
	_ =	sdelay $0x1  }
0x2f7: {  	v3 =	vld [tilespmem:s22+$0x1BA00]  }
0x2f8: {  	v1 =	vadd.s32 $0xFFFF3D00, v1  }
0x2f9: {  	v4 =	vnsel vm0, $0x0, v0;
	vm0 =	vlt.u32 v1, $0xC3A0  }
.Ltmp15:
0x2fa: {  	v0 =	vnsel vm0, $0x0, v1;
	v1 =	vadd.f32 v4, v2;
	v2 =	vmul.f32 v4, v4;
	(pc) =	sbr.rel @p0 .LBB2_32-.Ltmp15, $4  }
0x2fb: {  	_ = 	snop  }
0x2fc: {  	[tilespmem:s22+$0x1AA00] =	vst v1;
	v2 =	vadd.f32 v2, v3  }
0x2fd: {  	s4 =	sshra.s32 s23, $0x2  }
0x2fe: {  	s23 =	sadd.s32 $0x40, s23;
	v1 =	vld [tilespmem:s4+$0x19A00];
	[tilespmem:s22+$0x1BA00] =	vst v2;
	s22 =	smov.u32 s20;
	s20 =	smov.u32 s4  }
0x2ff: {  	_ =	sdelay $0x3  }
0x300: {  	v0 =	vld.idx.msk [tilespmem:v0+s0+$0x0], $0xffff;
	_ =	sdelay $0x1  }
0x301: {  	v2 =	vld [tilespmem:s22+$0x1AA00]  }
0x302: {  	v3 =	vld [tilespmem:s22+$0x1BA00]  }
0x303: {  	v1 =	vadd.s32 $0xFFFF3D00, v1  }
0x304: {  	vm1 =	vlt.u32 v1, $0xC3A0;
	v0 =	vnsel vm0, $0x0, v0  }
0x305: {  	v1 =	vnsel vm1, $0x0, v1;
	v4 =	vmul.f32 v0, v0  }
0x306: {  	v0 =	vadd.f32 v0, v2  }
0x307: {  	v2 =	vadd.f32 v4, v3  }
0x308: {  	[tilespmem:s22+$0x1AA00] =	vst v0  }
0x309: {  	[tilespmem:s22+$0x1BA00] =	vst v2  }
0x30a: {  	v0 =	vld.idx.msk [tilespmem:v1+s0+$0x0], $0xffff;
	_ =	sdelay $0x1  }
0x30b: {  	v1 =	vld [tilespmem:s20+$0x1AA00]  }
0x30c: {  	v2 =	vld [tilespmem:s20+$0x1BA00];
	_ =	sdelay $0x1  }
0x30d: {  	v0 =	vnsel vm1, $0x0, v0  }
0x30e: {  	v3 =	vmul.f32 v0, v0  }
0x30f: {  	v0 =	vadd.f32 v0, v1  }
0x310: {  	v1 =	vadd.f32 v3, v2  }
0x311: {  	[tilespmem:s20+$0x1AA00] =	vst v0  }
0x312: {  	[tilespmem:s20+$0x1BA00] =	vst v1  }
0x313: {  	_ =	swait.ge [sflag:s31], $0x1000  }
0x314: {  	[sflag:s31] =	ssyncset.done $0x0  }
0x315: {  	[sflag:s31] =	ssyncadd.s32 $0xFFFFF000  }
0x316: {  	_ =	swait.ge [sflag:s26], $0xC300  }
0x317: {  	[sflag:s26] =	ssyncset.done $0x0  }
0x318: {  	s4 =	sadd.s32 $0xC300, s9;
	[sflag:s26] =	ssyncadd.s32 $0xFFFF3D00  }
0x319: {  	[tilespmem:s0], [sflag:$0x2] =	stream.strided.gather [hbm4b:s4+s1], $0xC300, s29, s1, $0x38;
	[tilespmem:$0x1CA00] =	vst v63  }
0x31a: {  	s23 =	simm.s32 $0x0;
	s22 =	simm.s32 $0x0;
	s24 =	rddreg [dreg:$0x1a]  }
0x31b: {  	[tilespmem:s14], [sflag:$0x3] =	stream.linear.gather [hbm4b:s24+s23], $0x400, $0x38;
	[tilespmem:$0x1CA00] =	vst v63  }
0x31c: {  	v0 =	vld [tilespmem:s22+$0x18A00];
	_ =	sdelay $0x4  }
0x31d: {  	vm0 =	vlt.u32 v0, $0xC300  }
0x31e: {  	v0 =	vnsel vm0, $0x0, v0;
	_ =	sdelay $0x4  }
0x31f: {  	s20 =	simm.s32 $0x10;
	s23 =	simm.s32 $0x80;
	v0 =	vld.idx.msk [tilespmem:v0+s21+$0x0], $0xffff  }
.LBB2_34:
0x320: {  	p0 =	sne.s32 s23, $0x3FC0;
	v1 =	vld [tilespmem:s20+$0x18A00]  }
0x321: {  	v2 =	vld [tilespmem:s22+$0x1AA00];
	_ =	sdelay $0x1  }
0x322: {  	v3 =	vld [tilespmem:s22+$0x1BA00];
	_ =	sdelay $0x1  }
0x323: {  	v0 =	vnsel vm0, $0x0, v0;
	vm0 =	vlt.u32 v1, $0xC300  }
0x324: {  	v1 =	vnsel vm0, $0x0, v1;
	v2 =	vadd.f32 v0, v2;
	v0 =	vmul.f32 v0, v0  }
.Ltmp16:
0x325: {  	(pc) =	sbr.rel @p0 .LBB2_34-.Ltmp16, $3  }
0x326: {  	[tilespmem:s22+$0x1AA00] =	vst v2;
	v0 =	vadd.f32 v3, v0;
	_ =	sdelay $0x1  }
0x327: {  	[tilespmem:s22+$0x1BA00] =	vst v0;
	s22 =	smov.u32 s20  }
0x328: {  	s20 =	sshra.s32 s23, $0x2;
	s23 =	sadd.s32 $0x40, s23;
	v0 =	vld.idx.msk [tilespmem:v1+s21+$0x0], $0xffff  }
0x329: {  	v1 =	vld [tilespmem:s20+$0x18A00];
	_ =	sdelay $0x1  }
0x32a: {  	v2 =	vld [tilespmem:s22+$0x1AA00]  }
0x32b: {  	v3 =	vld [tilespmem:s22+$0x1BA00];
	_ =	sdelay $0x1  }
0x32c: {  	v0 =	vnsel vm0, $0x0, v0;
	vm1 =	vlt.u32 v1, $0xC300  }
0x32d: {  	v4 =	vmul.f32 v0, v0;
	v1 =	vnsel vm1, $0x0, v1  }
0x32e: {  	v0 =	vadd.f32 v0, v2  }
0x32f: {  	v2 =	vadd.f32 v3, v4  }
0x330: {  	[tilespmem:s22+$0x1AA00] =	vst v0  }
0x331: {  	[tilespmem:s22+$0x1BA00] =	vst v2  }
0x332: {  	v0 =	vld.idx.msk [tilespmem:v1+s21+$0x0], $0xffff;
	_ =	sdelay $0x1  }
0x333: {  	v1 =	vld [tilespmem:s20+$0x1AA00]  }
0x334: {  	v2 =	vld [tilespmem:s20+$0x1BA00];
	_ =	sdelay $0x1  }
0x335: {  	v0 =	vnsel vm1, $0x0, v0  }
0x336: {  	v3 =	vmul.f32 v0, v0  }
0x337: {  	v0 =	vadd.f32 v0, v1  }
0x338: {  	v1 =	vadd.f32 v2, v3  }
0x339: {  	[tilespmem:s20+$0x1AA00] =	vst v0  }
0x33a: {  	[tilespmem:s20+$0x1BA00] =	vst v1  }
0x33b: {  	_ =	swait.ge [sflag:s15], $0xC300  }
0x33c: {  	[sflag:s15] =	ssyncset.done $0x0  }
0x33d: {  	[sflag:s15] =	ssyncadd.s32 $0xFFFF3D00  }
0x33e: {  	_ =	swait.ge [sflag:s16], $0x400  }
0x33f: {  	[sflag:s16] =	ssyncset.done $0x0  }
0x340: {  	s4 =	simm.s32 $0x0;
	[sflag:s16] =	ssyncadd.s32 $0xFFFFFC00  }
0x341: {  	[tilespmem:s4], [sflag:$0x1] =	stream.strided.gather [hbm4b:s25+s1], $0xC300, s29, s1, $0x38;
	[tilespmem:$0x1CA00] =	vst v63  }
0x342: {  	s22 =	simm.s32 $0x0;
	s24 =	rddreg [dreg:$0xe]  }
0x343: {  	[tilespmem:s17], [sflag:$0x4] =	stream.linear.gather [hbm4b:s24+s4], $0x1000, $0x38;
	[tilespmem:$0x1CA00] =	vst v63  }
0x344: {  	v0 =	vld [tilespmem:s22+$0x18A00];
	_ =	sdelay $0x4  }
0x345: {  	v0 =	vadd.s32 $0xFFFF3D00, v0  }
0x346: {  	vm0 =	vlt.u32 v0, $0xC3A0  }
0x347: {  	v0 =	vnsel vm0, $0x0, v0;
	_ =	sdelay $0x2  }
0x348: {  	s20 =	simm.s32 $0x10  }
0x349: {  	s23 =	simm.s32 $0x80;
	v1 =	vld [tilespmem:s20+$0x18A00]  }
.LBB2_36:
0x34a: {  	p0 =	sne.s32 s23, $0x3FC0;
	v0 =	vld.idx.msk [tilespmem:v0+s0+$0x0], $0xffff;
	_ =	sdelay $0x1  }
0x34b: {  	v2 =	vld [tilespmem:s22+$0x1AA00];
	_ =	sdelay $0x1  }
0x34c: {  	v3 =	vld [tilespmem:s22+$0x1BA00]  }
0x34d: {  	v1 =	vadd.s32 $0xFFFF3D00, v1  }
0x34e: {  	v4 =	vnsel vm0, $0x0, v0;
	vm0 =	vlt.u32 v1, $0xC3A0  }
.Ltmp17:
0x34f: {  	v0 =	vnsel vm0, $0x0, v1;
	v1 =	vadd.f32 v4, v2;
	v2 =	vmul.f32 v4, v4;
	(pc) =	sbr.rel @p0 .LBB2_36-.Ltmp17, $4  }
0x350: {  	_ = 	snop  }
0x351: {  	[tilespmem:s22+$0x1AA00] =	vst v1;
	v2 =	vadd.f32 v2, v3  }
0x352: {  	s4 =	sshra.s32 s23, $0x2  }
0x353: {  	s23 =	sadd.s32 $0x40, s23;
	v1 =	vld [tilespmem:s4+$0x18A00];
	[tilespmem:s22+$0x1BA00] =	vst v2;
	s22 =	smov.u32 s20;
	s20 =	smov.u32 s4  }
0x354: {  	_ =	sdelay $0x3  }
0x355: {  	v0 =	vld.idx.msk [tilespmem:v0+s0+$0x0], $0xffff;
	_ =	sdelay $0x1  }
0x356: {  	v2 =	vld [tilespmem:s22+$0x1AA00]  }
0x357: {  	v3 =	vld [tilespmem:s22+$0x1BA00]  }
0x358: {  	v1 =	vadd.s32 $0xFFFF3D00, v1  }
0x359: {  	vm1 =	vlt.u32 v1, $0xC3A0;
	v0 =	vnsel vm0, $0x0, v0  }
0x35a: {  	v1 =	vnsel vm1, $0x0, v1;
	v4 =	vmul.f32 v0, v0  }
0x35b: {  	v0 =	vadd.f32 v0, v2  }
0x35c: {  	v2 =	vadd.f32 v4, v3  }
0x35d: {  	[tilespmem:s22+$0x1AA00] =	vst v0  }
0x35e: {  	[tilespmem:s22+$0x1BA00] =	vst v2  }
0x35f: {  	v0 =	vld.idx.msk [tilespmem:v1+s0+$0x0], $0xffff;
	_ =	sdelay $0x1  }
0x360: {  	v1 =	vld [tilespmem:s20+$0x1AA00]  }
0x361: {  	v2 =	vld [tilespmem:s20+$0x1BA00];
	_ =	sdelay $0x1  }
0x362: {  	v0 =	vnsel vm1, $0x0, v0  }
0x363: {  	v3 =	vmul.f32 v0, v0  }
0x364: {  	v0 =	vadd.f32 v0, v1  }
0x365: {  	v1 =	vadd.f32 v3, v2  }
0x366: {  	[tilespmem:s20+$0x1AA00] =	vst v0  }
0x367: {  	[tilespmem:s20+$0x1BA00] =	vst v1  }
0x368: {  	_ =	swait.ge [sflag:s31], $0x1000  }
0x369: {  	[sflag:s31] =	ssyncset.done $0x0  }
0x36a: {  	[sflag:s31] =	ssyncadd.s32 $0xFFFFF000  }
0x36b: {  	_ =	swait.ge [sflag:s26], $0xC300  }
0x36c: {  	[sflag:s26] =	ssyncset.done $0x0  }
0x36d: {  	s4 =	sadd.s32 $0xC300, s25;
	[sflag:s26] =	ssyncadd.s32 $0xFFFF3D00  }
0x36e: {  	[tilespmem:s0], [sflag:$0x2] =	stream.strided.gather [hbm4b:s4+s1], $0xC300, s29, s1, $0x38;
	[tilespmem:$0x1CA00] =	vst v63  }
0x36f: {  	s23 =	simm.s32 $0x0;
	s22 =	simm.s32 $0x0;
	s24 =	rddreg [dreg:$0x1b]  }
0x370: {  	[tilespmem:s14], [sflag:$0x3] =	stream.linear.gather [hbm4b:s24+s23], $0x400, $0x38;
	[tilespmem:$0x1CA00] =	vst v63  }
0x371: {  	v0 =	vld [tilespmem:s22+$0x19A00];
	_ =	sdelay $0x4  }
0x372: {  	vm0 =	vlt.u32 v0, $0xC300  }
0x373: {  	v0 =	vnsel vm0, $0x0, v0;
	_ =	sdelay $0x4  }
0x374: {  	s20 =	simm.s32 $0x10;
	s23 =	simm.s32 $0x80;
	v0 =	vld.idx.msk [tilespmem:v0+s21+$0x0], $0xffff  }
.LBB2_38:
0x375: {  	p0 =	sne.s32 s23, $0x3FC0;
	v1 =	vld [tilespmem:s20+$0x19A00]  }
0x376: {  	v2 =	vld [tilespmem:s22+$0x1AA00];
	_ =	sdelay $0x1  }
0x377: {  	v3 =	vld [tilespmem:s22+$0x1BA00];
	_ =	sdelay $0x1  }
0x378: {  	v0 =	vnsel vm0, $0x0, v0;
	vm0 =	vlt.u32 v1, $0xC300  }
0x379: {  	v1 =	vnsel vm0, $0x0, v1;
	v2 =	vadd.f32 v0, v2;
	v0 =	vmul.f32 v0, v0  }
.Ltmp18:
0x37a: {  	(pc) =	sbr.rel @p0 .LBB2_38-.Ltmp18, $3  }
0x37b: {  	[tilespmem:s22+$0x1AA00] =	vst v2;
	v0 =	vadd.f32 v3, v0;
	_ =	sdelay $0x1  }
0x37c: {  	[tilespmem:s22+$0x1BA00] =	vst v0;
	s22 =	smov.u32 s20  }
0x37d: {  	s20 =	sshra.s32 s23, $0x2;
	s23 =	sadd.s32 $0x40, s23;
	v0 =	vld.idx.msk [tilespmem:v1+s21+$0x0], $0xffff  }
0x37e: {  	v1 =	vld [tilespmem:s20+$0x19A00];
	_ =	sdelay $0x1  }
0x37f: {  	v2 =	vld [tilespmem:s22+$0x1AA00]  }
0x380: {  	v3 =	vld [tilespmem:s22+$0x1BA00];
	_ =	sdelay $0x1  }
0x381: {  	v0 =	vnsel vm0, $0x0, v0;
	vm1 =	vlt.u32 v1, $0xC300  }
0x382: {  	v4 =	vmul.f32 v0, v0;
	v1 =	vnsel vm1, $0x0, v1  }
0x383: {  	v0 =	vadd.f32 v0, v2  }
0x384: {  	v2 =	vadd.f32 v3, v4  }
0x385: {  	[tilespmem:s22+$0x1AA00] =	vst v0  }
0x386: {  	[tilespmem:s22+$0x1BA00] =	vst v2  }
0x387: {  	v0 =	vld.idx.msk [tilespmem:v1+s21+$0x0], $0xffff;
	_ =	sdelay $0x1  }
0x388: {  	v1 =	vld [tilespmem:s20+$0x1AA00]  }
0x389: {  	v2 =	vld [tilespmem:s20+$0x1BA00];
	_ =	sdelay $0x1  }
0x38a: {  	v0 =	vnsel vm1, $0x0, v0  }
0x38b: {  	v3 =	vmul.f32 v0, v0  }
0x38c: {  	v0 =	vadd.f32 v0, v1  }
0x38d: {  	v1 =	vadd.f32 v2, v3  }
0x38e: {  	[tilespmem:s20+$0x1AA00] =	vst v0  }
0x38f: {  	[tilespmem:s20+$0x1BA00] =	vst v1  }
0x390: {  	_ =	swait.ge [sflag:s15], $0xC300  }
0x391: {  	[sflag:s15] =	ssyncset.done $0x0  }
0x392: {  	[sflag:s15] =	ssyncadd.s32 $0xFFFF3D00  }
0x393: {  	_ =	swait.ge [sflag:s16], $0x400  }
0x394: {  	[sflag:s16] =	ssyncset.done $0x0  }
0x395: {  	s4 =	simm.s32 $0x0;
	[sflag:s16] =	ssyncadd.s32 $0xFFFFFC00  }
0x396: {  	[tilespmem:s4], [sflag:$0x1] =	stream.strided.gather [hbm4b:s11+s1], $0xC300, s29, s1, $0x38;
	[tilespmem:$0x1CA00] =	vst v63  }
0x397: {  	s22 =	simm.s32 $0x0;
	s24 =	rddreg [dreg:$0xf]  }
0x398: {  	[tilespmem:s30], [sflag:$0x4] =	stream.linear.gather [hbm4b:s24+s4], $0x1000, $0x38;
	[tilespmem:$0x1CA00] =	vst v63  }
0x399: {  	v0 =	vld [tilespmem:s22+$0x19A00];
	_ =	sdelay $0x4  }
0x39a: {  	v0 =	vadd.s32 $0xFFFF3D00, v0  }
0x39b: {  	vm0 =	vlt.u32 v0, $0xC3A0  }
0x39c: {  	v0 =	vnsel vm0, $0x0, v0;
	_ =	sdelay $0x2  }
0x39d: {  	s20 =	simm.s32 $0x10  }
0x39e: {  	s23 =	simm.s32 $0x80;
	v1 =	vld [tilespmem:s20+$0x19A00]  }
.LBB2_40:
0x39f: {  	p0 =	sne.s32 s23, $0x3FC0;
	v0 =	vld.idx.msk [tilespmem:v0+s0+$0x0], $0xffff;
	_ =	sdelay $0x1  }
0x3a0: {  	v2 =	vld [tilespmem:s22+$0x1AA00];
	_ =	sdelay $0x1  }
0x3a1: {  	v3 =	vld [tilespmem:s22+$0x1BA00]  }
0x3a2: {  	v1 =	vadd.s32 $0xFFFF3D00, v1  }
0x3a3: {  	v4 =	vnsel vm0, $0x0, v0;
	vm0 =	vlt.u32 v1, $0xC3A0  }
.Ltmp19:
0x3a4: {  	v0 =	vnsel vm0, $0x0, v1;
	v1 =	vadd.f32 v4, v2;
	v2 =	vmul.f32 v4, v4;
	(pc) =	sbr.rel @p0 .LBB2_40-.Ltmp19, $4  }
0x3a5: {  	_ = 	snop  }
0x3a6: {  	[tilespmem:s22+$0x1AA00] =	vst v1;
	v2 =	vadd.f32 v2, v3  }
0x3a7: {  	s4 =	sshra.s32 s23, $0x2  }
0x3a8: {  	s23 =	sadd.s32 $0x40, s23;
	v1 =	vld [tilespmem:s4+$0x19A00];
	[tilespmem:s22+$0x1BA00] =	vst v2;
	s22 =	smov.u32 s20;
	s20 =	smov.u32 s4  }
0x3a9: {  	_ =	sdelay $0x3  }
0x3aa: {  	v0 =	vld.idx.msk [tilespmem:v0+s0+$0x0], $0xffff;
	_ =	sdelay $0x1  }
0x3ab: {  	v2 =	vld [tilespmem:s22+$0x1AA00]  }
0x3ac: {  	v3 =	vld [tilespmem:s22+$0x1BA00]  }
0x3ad: {  	v1 =	vadd.s32 $0xFFFF3D00, v1  }
0x3ae: {  	vm1 =	vlt.u32 v1, $0xC3A0;
	v0 =	vnsel vm0, $0x0, v0  }
0x3af: {  	v1 =	vnsel vm1, $0x0, v1;
	v4 =	vmul.f32 v0, v0  }
0x3b0: {  	v0 =	vadd.f32 v0, v2  }
0x3b1: {  	v2 =	vadd.f32 v4, v3  }
0x3b2: {  	[tilespmem:s22+$0x1AA00] =	vst v0  }
0x3b3: {  	[tilespmem:s22+$0x1BA00] =	vst v2  }
0x3b4: {  	v0 =	vld.idx.msk [tilespmem:v1+s0+$0x0], $0xffff;
	_ =	sdelay $0x1  }
0x3b5: {  	v1 =	vld [tilespmem:s20+$0x1AA00]  }
0x3b6: {  	v2 =	vld [tilespmem:s20+$0x1BA00];
	_ =	sdelay $0x1  }
0x3b7: {  	v0 =	vnsel vm1, $0x0, v0  }
0x3b8: {  	v3 =	vmul.f32 v0, v0  }
0x3b9: {  	v0 =	vadd.f32 v0, v1  }
0x3ba: {  	v1 =	vadd.f32 v3, v2  }
0x3bb: {  	[tilespmem:s20+$0x1AA00] =	vst v0  }
0x3bc: {  	[tilespmem:s20+$0x1BA00] =	vst v1  }
0x3bd: {  	_ =	swait.ge [sflag:s31], $0x1000  }
0x3be: {  	[sflag:s31] =	ssyncset.done $0x0  }
0x3bf: {  	[sflag:s31] =	ssyncadd.s32 $0xFFFFF000  }
0x3c0: {  	_ =	swait.ge [sflag:s26], $0xC300  }
0x3c1: {  	[sflag:s26] =	ssyncset.done $0x0  }
0x3c2: {  	s4 =	sadd.s32 $0xC300, s11;
	[sflag:s26] =	ssyncadd.s32 $0xFFFF3D00  }
0x3c3: {  	[tilespmem:s0], [sflag:$0x2] =	stream.strided.gather [hbm4b:s4+s1], $0xC300, s29, s1, $0x38;
	[tilespmem:$0x1CA00] =	vst v63  }
0x3c4: {  	s23 =	simm.s32 $0x0;
	s22 =	simm.s32 $0x0;
	s24 =	rddreg [dreg:$0x1c]  }
0x3c5: {  	[tilespmem:s14], [sflag:$0x3] =	stream.linear.gather [hbm4b:s24+s23], $0x400, $0x38;
	[tilespmem:$0x1CA00] =	vst v63  }
0x3c6: {  	v0 =	vld [tilespmem:s22+$0x18A00];
	_ =	sdelay $0x4  }
0x3c7: {  	vm0 =	vlt.u32 v0, $0xC300  }
0x3c8: {  	v0 =	vnsel vm0, $0x0, v0;
	_ =	sdelay $0x4  }
0x3c9: {  	s20 =	simm.s32 $0x10;
	s23 =	simm.s32 $0x80;
	v0 =	vld.idx.msk [tilespmem:v0+s21+$0x0], $0xffff  }
.LBB2_42:
0x3ca: {  	p0 =	sne.s32 s23, $0x3FC0;
	v1 =	vld [tilespmem:s20+$0x18A00]  }
0x3cb: {  	v2 =	vld [tilespmem:s22+$0x1AA00];
	_ =	sdelay $0x1  }
0x3cc: {  	v3 =	vld [tilespmem:s22+$0x1BA00];
	_ =	sdelay $0x1  }
0x3cd: {  	v0 =	vnsel vm0, $0x0, v0;
	vm0 =	vlt.u32 v1, $0xC300  }
0x3ce: {  	v1 =	vnsel vm0, $0x0, v1;
	v2 =	vadd.f32 v0, v2;
	v0 =	vmul.f32 v0, v0  }
.Ltmp20:
0x3cf: {  	(pc) =	sbr.rel @p0 .LBB2_42-.Ltmp20, $3  }
0x3d0: {  	[tilespmem:s22+$0x1AA00] =	vst v2;
	v0 =	vadd.f32 v3, v0;
	_ =	sdelay $0x1  }
0x3d1: {  	[tilespmem:s22+$0x1BA00] =	vst v0;
	s22 =	smov.u32 s20  }
0x3d2: {  	s20 =	sshra.s32 s23, $0x2;
	s23 =	sadd.s32 $0x40, s23;
	v0 =	vld.idx.msk [tilespmem:v1+s21+$0x0], $0xffff  }
0x3d3: {  	v1 =	vld [tilespmem:s20+$0x18A00];
	_ =	sdelay $0x1  }
0x3d4: {  	v2 =	vld [tilespmem:s22+$0x1AA00]  }
0x3d5: {  	v3 =	vld [tilespmem:s22+$0x1BA00];
	_ =	sdelay $0x1  }
0x3d6: {  	v0 =	vnsel vm0, $0x0, v0;
	vm1 =	vlt.u32 v1, $0xC300  }
0x3d7: {  	v4 =	vmul.f32 v0, v0;
	v1 =	vnsel vm1, $0x0, v1  }
0x3d8: {  	v0 =	vadd.f32 v0, v2  }
0x3d9: {  	v2 =	vadd.f32 v3, v4  }
0x3da: {  	[tilespmem:s22+$0x1AA00] =	vst v0  }
0x3db: {  	[tilespmem:s22+$0x1BA00] =	vst v2  }
0x3dc: {  	v0 =	vld.idx.msk [tilespmem:v1+s21+$0x0], $0xffff;
	_ =	sdelay $0x1  }
0x3dd: {  	v1 =	vld [tilespmem:s20+$0x1AA00]  }
0x3de: {  	v2 =	vld [tilespmem:s20+$0x1BA00];
	_ =	sdelay $0x1  }
0x3df: {  	v0 =	vnsel vm1, $0x0, v0  }
0x3e0: {  	v3 =	vmul.f32 v0, v0  }
0x3e1: {  	v0 =	vadd.f32 v0, v1  }
0x3e2: {  	v1 =	vadd.f32 v2, v3  }
0x3e3: {  	[tilespmem:s20+$0x1AA00] =	vst v0  }
0x3e4: {  	[tilespmem:s20+$0x1BA00] =	vst v1  }
0x3e5: {  	_ =	swait.ge [sflag:s15], $0xC300  }
0x3e6: {  	[sflag:s15] =	ssyncset.done $0x0  }
0x3e7: {  	[sflag:s15] =	ssyncadd.s32 $0xFFFF3D00  }
0x3e8: {  	_ =	swait.ge [sflag:s16], $0x400  }
0x3e9: {  	[sflag:s16] =	ssyncset.done $0x0  }
0x3ea: {  	s4 =	simm.s32 $0x0;
	[sflag:s16] =	ssyncadd.s32 $0xFFFFFC00  }
0x3eb: {  	[tilespmem:s4], [sflag:$0x1] =	stream.strided.gather [hbm4b:s12+s1], $0xC300, s29, s1, $0x38;
	[tilespmem:$0x1CA00] =	vst v63  }
0x3ec: {  	s22 =	simm.s32 $0x0;
	s24 =	rddreg [dreg:$0x10]  }
0x3ed: {  	[tilespmem:s17], [sflag:$0x4] =	stream.linear.gather [hbm4b:s24+s4], $0x1000, $0x38;
	[tilespmem:$0x1CA00] =	vst v63  }
0x3ee: {  	v0 =	vld [tilespmem:s22+$0x18A00];
	_ =	sdelay $0x4  }
0x3ef: {  	v0 =	vadd.s32 $0xFFFF3D00, v0  }
0x3f0: {  	vm0 =	vlt.u32 v0, $0xC3A0  }
0x3f1: {  	v0 =	vnsel vm0, $0x0, v0;
	_ =	sdelay $0x2  }
0x3f2: {  	s20 =	simm.s32 $0x10  }
0x3f3: {  	s23 =	simm.s32 $0x80;
	v1 =	vld [tilespmem:s20+$0x18A00]  }
.LBB2_44:
0x3f4: {  	p0 =	sne.s32 s23, $0x3FC0;
	v0 =	vld.idx.msk [tilespmem:v0+s0+$0x0], $0xffff;
	_ =	sdelay $0x1  }
0x3f5: {  	v2 =	vld [tilespmem:s22+$0x1AA00];
	_ =	sdelay $0x1  }
0x3f6: {  	v3 =	vld [tilespmem:s22+$0x1BA00]  }
0x3f7: {  	v1 =	vadd.s32 $0xFFFF3D00, v1  }
0x3f8: {  	v4 =	vnsel vm0, $0x0, v0;
	vm0 =	vlt.u32 v1, $0xC3A0  }
.Ltmp21:
0x3f9: {  	v0 =	vnsel vm0, $0x0, v1;
	v1 =	vadd.f32 v4, v2;
	v2 =	vmul.f32 v4, v4;
	(pc) =	sbr.rel @p0 .LBB2_44-.Ltmp21, $4  }
0x3fa: {  	_ = 	snop  }
0x3fb: {  	[tilespmem:s22+$0x1AA00] =	vst v1;
	v2 =	vadd.f32 v2, v3  }
0x3fc: {  	s4 =	sshra.s32 s23, $0x2  }
0x3fd: {  	s23 =	sadd.s32 $0x40, s23;
	v1 =	vld [tilespmem:s4+$0x18A00];
	[tilespmem:s22+$0x1BA00] =	vst v2;
	s22 =	smov.u32 s20;
	s20 =	smov.u32 s4  }
0x3fe: {  	_ =	sdelay $0x3  }
0x3ff: {  	v0 =	vld.idx.msk [tilespmem:v0+s0+$0x0], $0xffff;
	_ =	sdelay $0x1  }
0x400: {  	v2 =	vld [tilespmem:s22+$0x1AA00]  }
0x401: {  	v3 =	vld [tilespmem:s22+$0x1BA00]  }
0x402: {  	v1 =	vadd.s32 $0xFFFF3D00, v1  }
0x403: {  	vm1 =	vlt.u32 v1, $0xC3A0;
	v0 =	vnsel vm0, $0x0, v0  }
0x404: {  	v1 =	vnsel vm1, $0x0, v1;
	v4 =	vmul.f32 v0, v0  }
0x405: {  	v0 =	vadd.f32 v0, v2  }
0x406: {  	v2 =	vadd.f32 v4, v3  }
0x407: {  	[tilespmem:s22+$0x1AA00] =	vst v0  }
0x408: {  	[tilespmem:s22+$0x1BA00] =	vst v2  }
0x409: {  	v0 =	vld.idx.msk [tilespmem:v1+s0+$0x0], $0xffff;
	_ =	sdelay $0x1  }
0x40a: {  	v1 =	vld [tilespmem:s20+$0x1AA00]  }
0x40b: {  	v2 =	vld [tilespmem:s20+$0x1BA00];
	_ =	sdelay $0x1  }
0x40c: {  	v0 =	vnsel vm1, $0x0, v0  }
0x40d: {  	v3 =	vmul.f32 v0, v0  }
0x40e: {  	v0 =	vadd.f32 v0, v1  }
0x40f: {  	v1 =	vadd.f32 v3, v2  }
0x410: {  	[tilespmem:s20+$0x1AA00] =	vst v0  }
0x411: {  	[tilespmem:s20+$0x1BA00] =	vst v1  }
0x412: {  	_ =	swait.ge [sflag:s31], $0x1000  }
0x413: {  	[sflag:s31] =	ssyncset.done $0x0  }
0x414: {  	[sflag:s31] =	ssyncadd.s32 $0xFFFFF000  }
0x415: {  	_ =	swait.ge [sflag:s26], $0xC300  }
0x416: {  	[sflag:s26] =	ssyncset.done $0x0  }
0x417: {  	s4 =	sadd.s32 $0xC300, s12;
	[sflag:s26] =	ssyncadd.s32 $0xFFFF3D00  }
0x418: {  	[tilespmem:s0], [sflag:$0x2] =	stream.strided.gather [hbm4b:s4+s1], $0xC300, s29, s1, $0x38;
	[tilespmem:$0x1CA00] =	vst v63  }
0x419: {  	s23 =	simm.s32 $0x0;
	s22 =	simm.s32 $0x0;
	s24 =	rddreg [dreg:$0x1d]  }
0x41a: {  	[tilespmem:s14], [sflag:$0x3] =	stream.linear.gather [hbm4b:s24+s23], $0x400, $0x38;
	[tilespmem:$0x1CA00] =	vst v63  }
0x41b: {  	v0 =	vld [tilespmem:s22+$0x19A00];
	_ =	sdelay $0x4  }
0x41c: {  	vm0 =	vlt.u32 v0, $0xC300  }
0x41d: {  	v0 =	vnsel vm0, $0x0, v0;
	_ =	sdelay $0x4  }
0x41e: {  	s20 =	simm.s32 $0x10;
	s23 =	simm.s32 $0x80;
	v0 =	vld.idx.msk [tilespmem:v0+s21+$0x0], $0xffff  }
.LBB2_46:
0x41f: {  	p0 =	sne.s32 s23, $0x3FC0;
	v1 =	vld [tilespmem:s20+$0x19A00]  }
0x420: {  	v2 =	vld [tilespmem:s22+$0x1AA00];
	_ =	sdelay $0x1  }
0x421: {  	v3 =	vld [tilespmem:s22+$0x1BA00];
	_ =	sdelay $0x1  }
0x422: {  	v0 =	vnsel vm0, $0x0, v0;
	vm0 =	vlt.u32 v1, $0xC300  }
0x423: {  	v1 =	vnsel vm0, $0x0, v1;
	v2 =	vadd.f32 v0, v2;
	v0 =	vmul.f32 v0, v0  }
.Ltmp22:
0x424: {  	(pc) =	sbr.rel @p0 .LBB2_46-.Ltmp22, $3  }
0x425: {  	[tilespmem:s22+$0x1AA00] =	vst v2;
	v0 =	vadd.f32 v3, v0;
	_ =	sdelay $0x1  }
0x426: {  	[tilespmem:s22+$0x1BA00] =	vst v0;
	s22 =	smov.u32 s20  }
0x427: {  	s20 =	sshra.s32 s23, $0x2;
	s23 =	sadd.s32 $0x40, s23;
	v0 =	vld.idx.msk [tilespmem:v1+s21+$0x0], $0xffff  }
0x428: {  	v1 =	vld [tilespmem:s20+$0x19A00];
	_ =	sdelay $0x1  }
0x429: {  	v2 =	vld [tilespmem:s22+$0x1AA00]  }
0x42a: {  	v3 =	vld [tilespmem:s22+$0x1BA00];
	_ =	sdelay $0x1  }
0x42b: {  	v0 =	vnsel vm0, $0x0, v0;
	vm1 =	vlt.u32 v1, $0xC300  }
0x42c: {  	v4 =	vmul.f32 v0, v0;
	v1 =	vnsel vm1, $0x0, v1  }
0x42d: {  	v0 =	vadd.f32 v0, v2  }
0x42e: {  	v2 =	vadd.f32 v3, v4  }
0x42f: {  	[tilespmem:s22+$0x1AA00] =	vst v0  }
0x430: {  	[tilespmem:s22+$0x1BA00] =	vst v2  }
0x431: {  	v0 =	vld.idx.msk [tilespmem:v1+s21+$0x0], $0xffff;
	_ =	sdelay $0x1  }
0x432: {  	v1 =	vld [tilespmem:s20+$0x1AA00]  }
0x433: {  	v2 =	vld [tilespmem:s20+$0x1BA00];
	_ =	sdelay $0x1  }
0x434: {  	v0 =	vnsel vm1, $0x0, v0  }
0x435: {  	v3 =	vmul.f32 v0, v0  }
0x436: {  	v0 =	vadd.f32 v0, v1  }
0x437: {  	v1 =	vadd.f32 v2, v3  }
0x438: {  	[tilespmem:s20+$0x1AA00] =	vst v0  }
0x439: {  	[tilespmem:s20+$0x1BA00] =	vst v1  }
0x43a: {  	_ =	swait.ge [sflag:s15], $0xC300  }
0x43b: {  	[sflag:s15] =	ssyncset.done $0x0  }
0x43c: {  	[sflag:s15] =	ssyncadd.s32 $0xFFFF3D00  }
0x43d: {  	_ =	swait.ge [sflag:s16], $0x400  }
0x43e: {  	[sflag:s16] =	ssyncset.done $0x0  }
0x43f: {  	s4 =	simm.s32 $0x0;
	[sflag:s16] =	ssyncadd.s32 $0xFFFFFC00  }
0x440: {  	[tilespmem:s4], [sflag:$0x1] =	stream.strided.gather [hbm4b:s13+s1], $0xC300, s29, s1, $0x38;
	[tilespmem:$0x1CA00] =	vst v63  }
0x441: {  	s22 =	simm.s32 $0x0;
	s24 =	rddreg [dreg:$0x11]  }
0x442: {  	[tilespmem:s30], [sflag:$0x4] =	stream.linear.gather [hbm4b:s24+s4], $0x1000, $0x38;
	[tilespmem:$0x1CA00] =	vst v63  }
0x443: {  	v0 =	vld [tilespmem:s22+$0x19A00];
	_ =	sdelay $0x4  }
0x444: {  	v0 =	vadd.s32 $0xFFFF3D00, v0  }
0x445: {  	vm0 =	vlt.u32 v0, $0xC3A0  }
0x446: {  	v0 =	vnsel vm0, $0x0, v0;
	_ =	sdelay $0x2  }
0x447: {  	s20 =	simm.s32 $0x10  }
0x448: {  	s23 =	simm.s32 $0x80;
	v1 =	vld [tilespmem:s20+$0x19A00]  }
.LBB2_48:
0x449: {  	p0 =	sne.s32 s23, $0x3FC0;
	v0 =	vld.idx.msk [tilespmem:v0+s0+$0x0], $0xffff;
	_ =	sdelay $0x1  }
0x44a: {  	v2 =	vld [tilespmem:s22+$0x1AA00];
	_ =	sdelay $0x1  }
0x44b: {  	v3 =	vld [tilespmem:s22+$0x1BA00]  }
0x44c: {  	v1 =	vadd.s32 $0xFFFF3D00, v1  }
0x44d: {  	v4 =	vnsel vm0, $0x0, v0;
	vm0 =	vlt.u32 v1, $0xC3A0  }
.Ltmp23:
0x44e: {  	v0 =	vnsel vm0, $0x0, v1;
	v1 =	vadd.f32 v4, v2;
	v2 =	vmul.f32 v4, v4;
	(pc) =	sbr.rel @p0 .LBB2_48-.Ltmp23, $4  }
0x44f: {  	_ = 	snop  }
0x450: {  	[tilespmem:s22+$0x1AA00] =	vst v1;
	v2 =	vadd.f32 v2, v3  }
0x451: {  	s4 =	sshra.s32 s23, $0x2  }
0x452: {  	s23 =	sadd.s32 $0x40, s23;
	v1 =	vld [tilespmem:s4+$0x19A00];
	[tilespmem:s22+$0x1BA00] =	vst v2;
	s22 =	smov.u32 s20;
	s20 =	smov.u32 s4  }
0x453: {  	_ =	sdelay $0x3  }
0x454: {  	v0 =	vld.idx.msk [tilespmem:v0+s0+$0x0], $0xffff;
	_ =	sdelay $0x1  }
0x455: {  	v2 =	vld [tilespmem:s22+$0x1AA00]  }
0x456: {  	v3 =	vld [tilespmem:s22+$0x1BA00]  }
0x457: {  	v1 =	vadd.s32 $0xFFFF3D00, v1  }
0x458: {  	vm1 =	vlt.u32 v1, $0xC3A0;
	v0 =	vnsel vm0, $0x0, v0  }
0x459: {  	v1 =	vnsel vm1, $0x0, v1;
	v4 =	vmul.f32 v0, v0  }
0x45a: {  	v0 =	vadd.f32 v0, v2  }
0x45b: {  	v2 =	vadd.f32 v4, v3  }
0x45c: {  	[tilespmem:s22+$0x1AA00] =	vst v0  }
0x45d: {  	[tilespmem:s22+$0x1BA00] =	vst v2  }
0x45e: {  	v0 =	vld.idx.msk [tilespmem:v1+s0+$0x0], $0xffff;
	_ =	sdelay $0x1  }
0x45f: {  	v1 =	vld [tilespmem:s20+$0x1AA00]  }
0x460: {  	v2 =	vld [tilespmem:s20+$0x1BA00];
	_ =	sdelay $0x1  }
0x461: {  	v0 =	vnsel vm1, $0x0, v0  }
0x462: {  	v3 =	vmul.f32 v0, v0  }
0x463: {  	v0 =	vadd.f32 v0, v1  }
0x464: {  	v1 =	vadd.f32 v3, v2  }
0x465: {  	[tilespmem:s20+$0x1AA00] =	vst v0  }
0x466: {  	[tilespmem:s20+$0x1BA00] =	vst v1  }
0x467: {  	_ =	swait.ge [sflag:s31], $0x1000  }
0x468: {  	[sflag:s31] =	ssyncset.done $0x0  }
0x469: {  	[sflag:s31] =	ssyncadd.s32 $0xFFFFF000  }
0x46a: {  	_ =	swait.ge [sflag:s26], $0xC300  }
0x46b: {  	[sflag:s26] =	ssyncset.done $0x0  }
0x46c: {  	s4 =	sadd.s32 $0xC300, s13;
	[sflag:s26] =	ssyncadd.s32 $0xFFFF3D00  }
0x46d: {  	[tilespmem:s0], [sflag:$0x2] =	stream.strided.gather [hbm4b:s4+s1], $0xC300, s29, s1, $0x38;
	[tilespmem:$0x1CA00] =	vst v63  }
0x46e: {  	s23 =	simm.s32 $0x0;
	s22 =	simm.s32 $0x0;
	s24 =	rddreg [dreg:$0x1e]  }
0x46f: {  	[tilespmem:s14], [sflag:$0x3] =	stream.linear.gather [hbm4b:s24+s23], $0x400, $0x38;
	[tilespmem:$0x1CA00] =	vst v63  }
0x470: {  	v0 =	vld [tilespmem:s22+$0x18A00];
	_ =	sdelay $0x4  }
0x471: {  	vm0 =	vlt.u32 v0, $0xC300  }
0x472: {  	v0 =	vnsel vm0, $0x0, v0;
	_ =	sdelay $0x4  }
0x473: {  	s20 =	simm.s32 $0x10;
	s23 =	simm.s32 $0x80;
	v0 =	vld.idx.msk [tilespmem:v0+s21+$0x0], $0xffff  }
.LBB2_50:
0x474: {  	p0 =	sne.s32 s23, $0x3FC0;
	v1 =	vld [tilespmem:s20+$0x18A00]  }
0x475: {  	v2 =	vld [tilespmem:s22+$0x1AA00];
	_ =	sdelay $0x1  }
0x476: {  	v3 =	vld [tilespmem:s22+$0x1BA00];
	_ =	sdelay $0x1  }
0x477: {  	v0 =	vnsel vm0, $0x0, v0;
	vm0 =	vlt.u32 v1, $0xC300  }
0x478: {  	v1 =	vnsel vm0, $0x0, v1;
	v2 =	vadd.f32 v0, v2;
	v0 =	vmul.f32 v0, v0  }
.Ltmp24:
0x479: {  	(pc) =	sbr.rel @p0 .LBB2_50-.Ltmp24, $3  }
0x47a: {  	[tilespmem:s22+$0x1AA00] =	vst v2;
	v0 =	vadd.f32 v3, v0;
	_ =	sdelay $0x1  }
0x47b: {  	[tilespmem:s22+$0x1BA00] =	vst v0;
	s22 =	smov.u32 s20  }
0x47c: {  	s20 =	sshra.s32 s23, $0x2;
	s23 =	sadd.s32 $0x40, s23;
	v0 =	vld.idx.msk [tilespmem:v1+s21+$0x0], $0xffff  }
0x47d: {  	v1 =	vld [tilespmem:s20+$0x18A00];
	_ =	sdelay $0x1  }
0x47e: {  	v2 =	vld [tilespmem:s22+$0x1AA00]  }
0x47f: {  	v3 =	vld [tilespmem:s22+$0x1BA00];
	_ =	sdelay $0x1  }
0x480: {  	v0 =	vnsel vm0, $0x0, v0;
	vm1 =	vlt.u32 v1, $0xC300  }
0x481: {  	v4 =	vmul.f32 v0, v0;
	v1 =	vnsel vm1, $0x0, v1  }
0x482: {  	v0 =	vadd.f32 v0, v2  }
0x483: {  	v2 =	vadd.f32 v3, v4  }
0x484: {  	[tilespmem:s22+$0x1AA00] =	vst v0  }
0x485: {  	[tilespmem:s22+$0x1BA00] =	vst v2  }
0x486: {  	v0 =	vld.idx.msk [tilespmem:v1+s21+$0x0], $0xffff;
	_ =	sdelay $0x1  }
0x487: {  	v1 =	vld [tilespmem:s20+$0x1AA00]  }
0x488: {  	v2 =	vld [tilespmem:s20+$0x1BA00];
	_ =	sdelay $0x1  }
0x489: {  	v0 =	vnsel vm1, $0x0, v0  }
0x48a: {  	v3 =	vmul.f32 v0, v0  }
0x48b: {  	v0 =	vadd.f32 v0, v1  }
0x48c: {  	v1 =	vadd.f32 v2, v3  }
0x48d: {  	[tilespmem:s20+$0x1AA00] =	vst v0  }
0x48e: {  	[tilespmem:s20+$0x1BA00] =	vst v1  }
0x48f: {  	_ =	swait.ge [sflag:s15], $0xC300  }
0x490: {  	[sflag:s15] =	ssyncset.done $0x0  }
0x491: {  	[sflag:s15] =	ssyncadd.s32 $0xFFFF3D00  }
0x492: {  	_ =	swait.ge [sflag:s16], $0x400  }
0x493: {  	[sflag:s16] =	ssyncset.done $0x0  }
0x494: {  	s22 =	simm.s32 $0x0;
	[sflag:s16] =	ssyncadd.s32 $0xFFFFFC00  }
0x495: {  	v0 =	vld [tilespmem:s22+$0x18A00];
	_ =	sdelay $0x4  }
0x496: {  	v0 =	vadd.s32 $0xFFFF3D00, v0  }
0x497: {  	vm0 =	vlt.u32 v0, $0xC3A0  }
0x498: {  	v0 =	vnsel vm0, $0x0, v0;
	_ =	sdelay $0x2  }
0x499: {  	s20 =	simm.s32 $0x10  }
0x49a: {  	s23 =	simm.s32 $0x80;
	v1 =	vld [tilespmem:s20+$0x18A00]  }
.LBB2_52:
0x49b: {  	p0 =	sne.s32 s23, $0x3FC0;
	v0 =	vld.idx.msk [tilespmem:v0+s0+$0x0], $0xffff;
	_ =	sdelay $0x1  }
0x49c: {  	v2 =	vld [tilespmem:s22+$0x1AA00];
	_ =	sdelay $0x1  }
0x49d: {  	v3 =	vld [tilespmem:s22+$0x1BA00]  }
0x49e: {  	v1 =	vadd.s32 $0xFFFF3D00, v1  }
0x49f: {  	v4 =	vnsel vm0, $0x0, v0;
	vm0 =	vlt.u32 v1, $0xC3A0  }
.Ltmp25:
0x4a0: {  	v0 =	vnsel vm0, $0x0, v1;
	v1 =	vadd.f32 v4, v2;
	v2 =	vmul.f32 v4, v4;
	(pc) =	sbr.rel @p0 .LBB2_52-.Ltmp25, $4  }
0x4a1: {  	_ = 	snop  }
0x4a2: {  	[tilespmem:s22+$0x1AA00] =	vst v1;
	v2 =	vadd.f32 v2, v3  }
0x4a3: {  	s4 =	sshra.s32 s23, $0x2  }
0x4a4: {  	s23 =	sadd.s32 $0x40, s23;
	v1 =	vld [tilespmem:s4+$0x18A00];
	[tilespmem:s22+$0x1BA00] =	vst v2;
	s22 =	smov.u32 s20;
	s20 =	smov.u32 s4  }
0x4a5: {  	_ =	sdelay $0x3  }
0x4a6: {  	v0 =	vld.idx.msk [tilespmem:v0+s0+$0x0], $0xffff;
	_ =	sdelay $0x1  }
0x4a7: {  	v2 =	vld [tilespmem:s22+$0x1AA00]  }
0x4a8: {  	v3 =	vld [tilespmem:s22+$0x1BA00]  }
0x4a9: {  	v1 =	vadd.s32 $0xFFFF3D00, v1  }
0x4aa: {  	vm1 =	vlt.u32 v1, $0xC3A0;
	v0 =	vnsel vm0, $0x0, v0  }
0x4ab: {  	v1 =	vnsel vm1, $0x0, v1;
	v4 =	vmul.f32 v0, v0  }
0x4ac: {  	v0 =	vadd.f32 v0, v2  }
0x4ad: {  	v60 =	vadd.f32 v4, v3  }
0x4ae: {  	[tilespmem:s22+$0x1AA00] =	vst v0  }
0x4af: {  	[tilespmem:s22+$0x1BA00] =	vst v60  }
0x4b0: {  	v0 =	vld.idx.msk [tilespmem:v1+s0+$0x0], $0xffff;
	_ =	sdelay $0x1  }
0x4b1: {  	v61 =	vld [tilespmem:s20+$0x1AA00]  }
0x4b2: {  	v2 =	vld [tilespmem:s20+$0x1BA00];
	_ =	sdelay $0x1  }
0x4b3: {  	v0 =	vnsel vm1, $0x0, v0  }
0x4b4: {  	v62 =	vmul.f32 v0, v0  }
0x4b5: {  	v0 =	vadd.f32 v0, v61  }
0x4b6: {  	v63 =	vadd.f32 v62, v2  }
0x4b7: {  	[tilespmem:s20+$0x1AA00] =	vst v0  }
0x4b8: {  	s4 =	rddreg [dreg:$0x1f];
	s22 =	simm.s32 $0x1AA00;
	[tilespmem:s20+$0x1BA00] =	vst v63  }
0x4b9: {  	[hbm4b:s4+s21] =	stream.linear.scatter [tilespmem:s22], [sflag:$0x5], $0x1000, $0x38;
	[tilespmem:$0x1CA00] =	vst v63  }
0x4ba: {  	_ =	swait.ge [sflag:s18], $0x1000  }
0x4bb: {  	s19 =	sadd.s32 $0x1, s19;
	s23 =	sld [smem:$0x7FC]  }
0x4bc: {  	p0 =	sne.s32 s19, s10;
	[sflag:s18] =	ssyncset.done $0x0  }
.Ltmp26:
0x4bd: {  	s24 =	simm.s32 $0x1BA00;
	[sflag:s18] =	ssyncadd.s32 $0xFFFFF000;
	(pc) =	sbr.rel @p0 .LBB2_1-.Ltmp26, $4  }
0x4be: {  	[hbm4b:s23+s21] =	stream.linear.scatter [tilespmem:s24], [sflag:$0x5], $0x1000, $0x38;
	[tilespmem:$0x1CA00] =	vst v63  }
0x4bf: {  	_ =	swait.ge [sflag:s18], $0x1000  }
0x4c0: {  	[sflag:s18] =	ssyncset.done $0x0  }
0x4c1: {  	[sflag:s18] =	ssyncadd.s32 $0xFFFFF000  }
0x4c2: {  	_ =	sfence.sel $0x180000  }
0x4c3: {  	[bflag:$0x0] =	sbarrier.arrive $0xFFFF  }
0x4c4: {  	_ =	strace $0x90000047  }
0x4c5: {  	s0 =	stileid.u32;
	[bflag:$0x2] =	sbarrier.arrive $0xFFFF  }
0x4c6: {  	p0 =	sne.s32 s0, $0x0;
	s0 =	rddreg [dreg:$0x2]  }
0x4c7: {  	s0 =	sadd.s32 @!p0 $0x100000, s0  }
0x4c8: {  	[sflag:s0] =	ssyncadd.tile.s32 @!p0 $0x1;
	_ =	shalt  }
.Lfunc_end2:
_tile_overlayer_lowered:
.L_overlay_start_2:
0x4c9: {  	(tag) =	ssettag $0x2  }
0x4ca: {  	s0 =	rddreg [dreg:$0x0];
	s2 =	stileid.u32  }
0x4cb: {  	s1 =	rddreg [dreg:$0x1];
	p0 =	sne.s32 s2, $0x0  }
0x4cc: {  	s3 =	rddreg [dreg:$0x2];
	[bflag:$0x3] =	sbarrier.arrive $0xFFFF;
	s2 =	simm.s32 @!p0 $0x1C05  }
0x4cd: {  	[timem:s3], [sflag:s2] =	dma.local @!p0 [hbm:s0], s1  }
0x4ce: {  	s0 =	simm.s32 @!p0 $0x5  }
0x4cf: {  	_ =	swait.ge @!p0 [sflag:s0], s1  }
0x4d0: {  	s1 =	ssub.s32 @!p0 $0x0, s1;
	[sflag:s0] =	ssyncset.done @!p0 $0x0  }
0x4d1: {  	[sflag:s0] =	ssyncadd.s32 @!p0 s1  }
0x4d2: {  	[bflag:$0x3] =	sbarrier.arrive $0xFFFF  }
0x4d3: {  	_ =	shalt  }

</sc_bundles>
